<compile_context>
chip_gen: v7x
topology: tpu7x:2x2x1
jax: 0.10.2.dev20260603
libtpu: 0.0.44.dev20260713+nightly
codegen_flags: <defaults>
</compile_context>

<pallas_src>
import functools

import jax
import jax.numpy as jnp
from jax import lax
from jax.experimental import pallas as pl
from jax.experimental.pallas import tpu as pltpu
from jax.experimental.pallas import tpu_sc as plsc

N_NODES = 10000
N_EDGES = 320000
D = 128

NSPLIT = 2
SPLIT_E = N_EDGES // NSPLIT

NC = 2
NS = 16
TILES = NC * NS
EPT = SPLIT_E // TILES
CH = 80
NPAD = 10112
RPT = NPAD // NS
NBUF = 4

BE = 8000
NBE_H = SPLIT_E // BE
CBS = 1000
WN = 64
BN = 2000


def _msg_body(x_ref, w_ref, b_ref, dv_ref, ds_ref, o_ref, cnt_out, cnt_ref):
    pid = pl.program_id(0)

    @pl.when(pid == 0)
    def _init():
        cnt_ref[...] = jnp.zeros((NPAD, D), jnp.float32)

    acc = lax.dot_general(
        x_ref[...], w_ref[...], (((1,), (1,)), ((), ())),
        preferred_element_type=jnp.float32)
    o_ref[...] = jnp.maximum(acc + b_ref[...], 0.0)

    for j in range(BE // CBS):
        d0 = ds_ref[0, 0, j * CBS]
        dl = ds_ref[0, 0, j * CBS + CBS - 1]
        base = (d0 // 8) * 8
        span_ok = dl - base < WN

        @pl.when(span_ok)
        def _windowed(j=j, base=base):
            dv = dv_ref[0, 0, pl.ds(j * CBS, CBS)]
            ids = lax.broadcasted_iota(jnp.int32, (WN, CBS), 0) + base
            oh = (ids == dv[None, :]).astype(jnp.float32)
            colcnt = jnp.sum(oh, axis=1, keepdims=True)
            cnt_ref[pl.ds(base, WN), :] += colcnt

        @pl.when(jnp.logical_not(span_ok))
        def _fallback(j=j):
            def fb(e, carry):
                de = ds_ref[0, 0, e]
                cnt_ref[pl.ds(de, 1), :] += 1.0
                return carry
            lax.fori_loop(j * CBS, (j + 1) * CBS, fb, 0)

    @pl.when(pid == NBE_H - 1)
    def _finish():
        cnt_out[...] = cnt_ref[...]


def _compute_msg(src_emb, W, b2, dst_r, h):
    off = h * NBE_H
    return pl.pallas_call(
        _msg_body,
        grid=(NBE_H,),
        in_specs=[
            pl.BlockSpec((BE, D), lambda i: (i + off, 0)),
            pl.BlockSpec((D, D), lambda i: (0, 0)),
            pl.BlockSpec((1, D), lambda i: (0, 0)),
            pl.BlockSpec((1, 1, BE), lambda i: (i + off, 0, 0)),
            pl.BlockSpec((1, 1, BE), lambda i: (i + off, 0, 0),
                         memory_space=pltpu.SMEM),
        ],
        out_specs=[
            pl.BlockSpec((BE, D), lambda i: (i, 0)),
            pl.BlockSpec((NPAD, D), lambda i: (0, 0)),
        ],
        out_shape=[
            jax.ShapeDtypeStruct((SPLIT_E, D), jnp.float32),
            jax.ShapeDtypeStruct((NPAD, D), jnp.float32),
        ],
        scratch_shapes=[pltpu.VMEM((NPAD, D), jnp.float32)],
    )(src_emb, W, b2, dst_r, dst_r)


def _make_scatter_body(dst_off):
    n80 = EPT // CH
    rem = EPT % CH

    def _scatter_body(msg_hbm, dst_hbm, zacc_hbm, acc_out,
                      idx0, idx1, idx2, idx3, idxt,
                      buf0, buf1, buf2, buf3, acc_sh,
                      gs0, gs1, gs2, gs3, is0, is1, is2, is3,
                      ss0, ss1, ss2, ss3):
        c = lax.axis_index("c")
        s = lax.axis_index("s")
        tid = c * NS + s
        r0 = pl.multiple_of(s * RPT, 8)
        pltpu.sync_copy(zacc_hbm.at[pl.ds(r0, RPT)], acc_sh.at[pl.ds(r0, RPT)])
        plsc.subcore_barrier()

        base = tid * EPT
        idx = (idx0, idx1, idx2, idx3)
        buf = (buf0, buf1, buf2, buf3)
        gs = (gs0, gs1, gs2, gs3)
        isem = (is0, is1, is2, is3)
        ss = (ss0, ss1, ss2, ss3)

        def start_gather(i, b):
            e0 = pl.multiple_of(base + i * CH, 8)
            ed = pl.multiple_of(dst_off + base + i * CH, 8)
            pltpu.async_copy(msg_hbm.at[pl.ds(e0, CH)], buf[b], gs[b])
            pltpu.async_copy(dst_hbm.at[pl.ds(ed, CH)], idx[b].at[0], isem[b])

        def wait_gather(b):
            pltpu.make_async_copy(msg_hbm.at[pl.ds(0, CH)], buf[b],
                                  gs[b]).wait()
            pltpu.make_async_copy(dst_hbm.at[pl.ds(0, CH)], idx[b].at[0],
                                  isem[b]).wait()

        def start_scatter(b):
            pltpu.async_copy(buf[b], acc_sh.at[idx[b].at[0]], ss[b], add=True)

        def wait_scatter(b):
            pltpu.make_async_copy(msg_hbm.at[pl.ds(0, CH)], buf[b],
                                  ss[b]).wait()

        start_gather(0, 0)
        for i in range(min(3, n80)):
            if i + 1 < n80:
                start_gather(i + 1, (i + 1) % NBUF)
            wait_gather(i % NBUF)
            start_scatter(i % NBUF)

        def visit(i, b):
            wait_scatter((b + 1) % NBUF)
            start_gather(i + 1, (b + 1) % NBUF)
            wait_gather(b)
            start_scatter(b)

        def body(p, carry):
            i0 = 3 + 4 * p
            visit(i0, 3)
            visit(i0 + 1, 0)
            visit(i0 + 2, 1)
            visit(i0 + 3, 2)
            return carry

        ngrp = max(0, n80 - 5) // NBUF
        lax.fori_loop(0, ngrp, body, 0)
        for i in range(3 + 4 * ngrp, n80):
            b = i % NBUF
            wait_scatter((b + 1) % NBUF)
            if i + 1 < n80:
                start_gather(i + 1, (b + 1) % NBUF)
            wait_gather(b)
            start_scatter(b)
        for i in range(max(0, n80 - 3), n80):
            wait_scatter(i % NBUF)

        if rem:
            e0 = pl.multiple_of(base + n80 * CH, 8)
            ed = pl.multiple_of(dst_off + base + n80 * CH, 8)
            pltpu.sync_copy(dst_hbm.at[pl.ds(ed, rem)], idxt.at[0])
            pltpu.sync_copy(msg_hbm.at[pl.ds(e0, rem)],
                            buf0.at[pl.ds(0, rem)])
            pltpu.sync_copy(buf0.at[pl.ds(0, rem)], acc_sh.at[idxt.at[0]],
                            add=True)

        plsc.subcore_barrier()
        pltpu.sync_copy(acc_sh.at[pl.ds(r0, RPT)],
                        acc_out.at[c, pl.ds(r0, RPT)])

    return _scatter_body


@functools.cache
def _get_scatter(h):
    rem = EPT % CH
    return pl.kernel(
        _make_scatter_body(h * SPLIT_E),
        out_type=jax.ShapeDtypeStruct((NC, NPAD, D), jnp.float32),
        mesh=plsc.VectorSubcoreMesh(core_axis_name="c", subcore_axis_name="s"),
        scratch_types=(
            tuple(pltpu.VMEM((1, CH), jnp.int32) for _ in range(NBUF))
            + (pltpu.VMEM((1, max(rem, 8)), jnp.int32),)
            + tuple(pltpu.VMEM((CH, D), jnp.float32) for _ in range(NBUF))
            + (pltpu.VMEM_SHARED((NPAD, D), jnp.float32),)
            + tuple(pltpu.SemaphoreType.DMA for _ in range(3 * NBUF))
        ),
    )


def _combine_body(a0_ref, a1_ref, c0_ref, c1_ref, o_ref):
    a = a0_ref[0] + a0_ref[1] + a1_ref[0] + a1_ref[1]
    cnt = c0_ref[...] + c1_ref[...]
    o_ref[...] = a / jnp.maximum(cnt, 1.0)


def _combine(acc_a, acc_b, cnt_a, cnt_b):
    return pl.pallas_call(
        _combine_body,
        grid=(N_NODES // BN,),
        in_specs=[
            pl.BlockSpec((NC, BN, D), lambda i: (0, i, 0)),
            pl.BlockSpec((NC, BN, D), lambda i: (0, i, 0)),
            pl.BlockSpec((BN, D), lambda i: (i, 0)),
            pl.BlockSpec((BN, D), lambda i: (i, 0)),
        ],
        out_specs=pl.BlockSpec((BN, D), lambda i: (i, 0)),
        out_shape=jax.ShapeDtypeStruct((N_NODES, D), jnp.float32),
    )(acc_a, acc_b, cnt_a, cnt_b)


def kernel(src_emb, src_emb_in, dst, W, b):
    del src_emb_in
    dst_i = dst.astype(jnp.int32)
    b2 = b.reshape(1, D)
    dst_r = dst_i.reshape(N_EDGES // BE, 1, BE)
    zacc = jnp.zeros((NPAD, D), jnp.float32)

    msg_a, cnt_a = _compute_msg(src_emb, W, b2, dst_r, 0)
    acc_a = _get_scatter(0)(msg_a, dst_i, zacc)
    msg_b, cnt_b = _compute_msg(src_emb, W, b2, dst_r, 1)
    acc_b = _get_scatter(1)(msg_b, dst_i, zacc)
    return _combine(acc_a, acc_b, cnt_a, cnt_b)

# --- scband reference (transcript-rebuilt; emitter-appended) ---
"""Pipeline reference for scband-a-mean-op-6631429505490 (READ-ONLY COPY).

The authoritative reference and input builder live on the scoring server;
editing this copy changes nothing except your own understanding.
"""

import jax, jax.numpy as jnp
import numpy as np

N_NODES = 10000
N_EDGES = 320000
D = 128

def setup_inputs(seed: int = 0) -> dict:
    key = jax.random.key(seed)
    k1, k2, k3, k4, k5 = jax.random.split(key, 5)
    src_emb = jax.random.normal(k1, (N_EDGES, D), dtype=jnp.float32)
    src_emb_in = jax.random.normal(k2, (N_EDGES, D), dtype=jnp.float32)
    dst = jnp.sort(jax.random.randint(k3, (N_EDGES,), 0, N_NODES, dtype=jnp.int64))
    # Linear(feature_dim, feature_dim) parameters
    bound = 1.0 / np.sqrt(D)
    W = jax.random.uniform(k4, (D, D), minval=-bound, maxval=bound, dtype=jnp.float32)
    b = jax.random.uniform(k5, (D,), minval=-bound, maxval=bound, dtype=jnp.float32)
    return {"src_emb": src_emb, "src_emb_in": src_emb_in, "dst": dst, "W": W, "b": b}

def reference(src_emb, src_emb_in, dst, W, b):
    # src_emb = F.relu(self.linear(src_emb))  -- per-edge message
    msg = jax.nn.relu(src_emb @ W.T + b)
    # block.update_all(copy_edge('msg_e','m'), reduce_mean): mean over incoming edges per dst node
    s = jax.ops.segment_sum(msg, dst, num_segments=N_NODES)
    cnt = jax.ops.segment_sum(jnp.ones((dst.shape[0],), dtype=msg.dtype), dst, num_segments=N_NODES)
    h_node = s / jnp.maximum(cnt, 1.0)[:, None]
    return h_node

if __name__ == "__main__":
    import jax
    _d = setup_inputs()
    print(jax.jit(kernel)(*tuple(_d.values())))

</pallas_src>

<mosaic_0001>
#map = affine_map<(d0, d1) -> (0, 0)>
#map1 = affine_map<(d0, d1) -> (0)>
#map2 = affine_map<(d0, d1) -> (0, 0, 0)>
module attributes {stable_mosaic.version = 14 : i64} {
  func.func @_scatter_body(%arg0: i32, %arg1: i32, %arg2: memref<160000x128xf32, #tpu.memory_space<hbm>>, %arg3: memref<320000xi32, #tpu.memory_space<hbm>>, %arg4: memref<10112x128xf32, #tpu.memory_space<hbm>>, %arg5: memref<2x10112x128xf32, #tpu.memory_space<hbm>>, %arg6: memref<1x80xi32, #tpu.memory_space<vmem>>, %arg7: memref<1x80xi32, #tpu.memory_space<vmem>>, %arg8: memref<1x80xi32, #tpu.memory_space<vmem>>, %arg9: memref<1x80xi32, #tpu.memory_space<vmem>>, %arg10: memref<1x40xi32, #tpu.memory_space<vmem>>, %arg11: memref<80x128xf32, #tpu.memory_space<vmem>>, %arg12: memref<80x128xf32, #tpu.memory_space<vmem>>, %arg13: memref<80x128xf32, #tpu.memory_space<vmem>>, %arg14: memref<80x128xf32, #tpu.memory_space<vmem>>, %arg15: memref<10112x128xf32, #tpu.memory_space<vmem_shared>>, %arg16: memref<!tpu.dma_semaphore, #tpu.memory_space<semaphore_mem>>, %arg17: memref<!tpu.dma_semaphore, #tpu.memory_space<semaphore_mem>>, %arg18: memref<!tpu.dma_semaphore, #tpu.memory_space<semaphore_mem>>, %arg19: memref<!tpu.dma_semaphore, #tpu.memory_space<semaphore_mem>>, %arg20: memref<!tpu.dma_semaphore, #tpu.memory_space<semaphore_mem>>, %arg21: memref<!tpu.dma_semaphore, #tpu.memory_space<semaphore_mem>>, %arg22: memref<!tpu.dma_semaphore, #tpu.memory_space<semaphore_mem>>, %arg23: memref<!tpu.dma_semaphore, #tpu.memory_space<semaphore_mem>>, %arg24: memref<!tpu.dma_semaphore, #tpu.memory_space<semaphore_mem>>, %arg25: memref<!tpu.dma_semaphore, #tpu.memory_space<semaphore_mem>>, %arg26: memref<!tpu.dma_semaphore, #tpu.memory_space<semaphore_mem>>, %arg27: memref<!tpu.dma_semaphore, #tpu.memory_space<semaphore_mem>>) attributes {dimension_semantics = [#tpu.dimension_semantics<core_parallel>, #tpu.dimension_semantics<subcore_parallel>], iteration_bounds = array<i64: 2, 16>, scalar_prefetch = 0 : i64, scratch_operands = 22 : i64, tpu.core_type = #tpu.core_type<sc_vector_subcore>, window_params = [{transform_indices = #map}, {transform_indices = #map1}, {transform_indices = #map}, {transform_indices = #map2}]} {
    %mul3A = arith.constant 16 : i32
    %mul3A_0 = arith.muli %arg0, %mul3A : i32
    %add3A = arith.addi %mul3A_0, %arg1 : i32
    %mul3A_1 = arith.constant 632 : i32
    %mul3A_2 = arith.muli %arg1, %mul3A_1 : i32
    %multiple_of3A = tpu.assume_multiple %mul3A_2, 8 : i32
    "tpu.region"() ({
      %run_scoped3A_324 = tpu.sem_alloc : memref<!tpu.dma_semaphore, #tpu.memory_space<semaphore_mem>>
      %dma_start3A_325 = arith.constant 0 : i32
      %dma_start3A_326 = tpu.memref_slice %arg15[%multiple_of3A, %dma_start3A_325] : memref<10112x128xf32, #tpu.memory_space<vmem_shared>> -> memref<632x128xf32, #tpu.memory_space<vmem_shared>>
      %dma_start3A_327 = arith.constant 0 : i32
      %dma_start3A_328 = tpu.memref_slice %arg4[%multiple_of3A, %dma_start3A_327] : memref<10112x128xf32, #tpu.memory_space<hbm>> -> memref<632x128xf32, #tpu.memory_space<hbm>>
      tpu.enqueue_dma source(%dma_start3A_328 : memref<632x128xf32, #tpu.memory_space<hbm>>) target(%dma_start3A_326 : memref<632x128xf32, #tpu.memory_space<vmem_shared>>) target_semaphore(%run_scoped3A_324 : memref<!tpu.dma_semaphore, #tpu.memory_space<semaphore_mem>>)
      %dma_wait3A_329 = arith.constant 0 : i32
      %dma_wait3A_330 = tpu.memref_slice %arg15[%multiple_of3A, %dma_wait3A_329] : memref<10112x128xf32, #tpu.memory_space<vmem_shared>> -> memref<632x128xf32, #tpu.memory_space<vmem_shared>>
      %dma_wait3A_331 = arith.constant 0 : i32
      %dma_wait3A_332 = tpu.memref_slice %arg4[%multiple_of3A, %dma_wait3A_331] : memref<10112x128xf32, #tpu.memory_space<hbm>> -> memref<632x128xf32, #tpu.memory_space<hbm>>
      tpu.wait_dma2 semaphore(%run_scoped3A_324 : memref<!tpu.dma_semaphore, #tpu.memory_space<semaphore_mem>>) src(%dma_wait3A_332 : memref<632x128xf32, #tpu.memory_space<hbm>>) dst(%dma_wait3A_330 : memref<632x128xf32, #tpu.memory_space<vmem_shared>>)
      tpu.yield
    }) : () -> ()
    %barrier3A = arith.constant 0 : index
    tpu.barrier barrier_id(%barrier3A)
    %mul3A_3 = arith.constant 5000 : i32
    %mul3A_4 = arith.muli %add3A, %mul3A_3 : i32
    %add3A_5 = arith.constant 0 : i32
    %add3A_6 = arith.addi %mul3A_4, %add3A_5 : i32
    %multiple_of3A_7 = tpu.assume_multiple %add3A_6, 8 : i32
    %add3A_8 = arith.constant 160000 : i32
    %add3A_9 = arith.addi %add3A_8, %mul3A_4 : i32
    %add3A_10 = arith.constant 0 : i32
    %add3A_11 = arith.addi %add3A_9, %add3A_10 : i32
    %multiple_of3A_12 = tpu.assume_multiple %add3A_11, 8 : i32
    %dma_start3A = arith.constant 0 : i32
    %dma_start3A_13 = tpu.memref_slice %arg2[%multiple_of3A_7, %dma_start3A] : memref<160000x128xf32, #tpu.memory_space<hbm>> -> memref<80x128xf32, #tpu.memory_space<hbm>>
    %dma_start3A_14 = arith.constant 0 : i32
    %dma_start3A_15 = tpu.memref_slice %arg2[%multiple_of3A_7, %dma_start3A_14] : memref<160000x128xf32, #tpu.memory_space<hbm>> -> memref<80x128xf32, #tpu.memory_space<hbm>>
    tpu.enqueue_dma source(%dma_start3A_15 : memref<80x128xf32, #tpu.memory_space<hbm>>) target(%arg11 : memref<80x128xf32, #tpu.memory_space<vmem>>) target_semaphore(%arg16 : memref<!tpu.dma_semaphore, #tpu.memory_space<semaphore_mem>>)
    %dma_start3A_16 = arith.constant 0 : i32
    %dma_start3A_17 = arith.constant 0 : i32
    %dma_start3A_18 = tpu.memref_slice %arg6[%dma_start3A_16, %dma_start3A_17] : memref<1x80xi32, #tpu.memory_space<vmem>> -> memref<1x80xi32, #tpu.memory_space<vmem>>
    %dma_start3A_19 = tpu.memref_squeeze %dma_start3A_18 : memref<1x80xi32, #tpu.memory_space<vmem>> -> memref<80xi32, #tpu.memory_space<vmem>>
    %dma_start3A_20 = tpu.memref_slice %arg3[%multiple_of3A_12] : memref<320000xi32, #tpu.memory_space<hbm>> -> memref<80xi32, #tpu.memory_space<hbm>>
    %dma_start3A_21 = arith.constant 0 : i32
    %dma_start3A_22 = tpu.memref_slice %arg6[%dma_start3A_16, %dma_start3A_21] : memref<1x80xi32, #tpu.memory_space<vmem>> -> memref<1x80xi32, #tpu.memory_space<vmem>>
    %dma_start3A_23 = tpu.memref_squeeze %dma_start3A_22 : memref<1x80xi32, #tpu.memory_space<vmem>> -> memref<80xi32, #tpu.memory_space<vmem>>
    %dma_start3A_24 = tpu.memref_slice %arg3[%multiple_of3A_12] : memref<320000xi32, #tpu.memory_space<hbm>> -> memref<80xi32, #tpu.memory_space<hbm>>
    tpu.enqueue_dma source(%dma_start3A_24 : memref<80xi32, #tpu.memory_space<hbm>>) target(%dma_start3A_23 : memref<80xi32, #tpu.memory_space<vmem>>) target_semaphore(%arg20 : memref<!tpu.dma_semaphore, #tpu.memory_space<semaphore_mem>>)
    %add3A_25 = arith.constant 80 : i32
    %add3A_26 = arith.addi %mul3A_4, %add3A_25 : i32
    %multiple_of3A_27 = tpu.assume_multiple %add3A_26, 8 : i32
    %add3A_28 = arith.constant 160000 : i32
    %add3A_29 = arith.addi %add3A_28, %mul3A_4 : i32
    %add3A_30 = arith.constant 80 : i32
    %add3A_31 = arith.addi %add3A_29, %add3A_30 : i32
    %multiple_of3A_32 = tpu.assume_multiple %add3A_31, 8 : i32
    %dma_start3A_33 = arith.constant 0 : i32
    %dma_start3A_34 = tpu.memref_slice %arg2[%multiple_of3A_27, %dma_start3A_33] : memref<160000x128xf32, #tpu.memory_space<hbm>> -> memref<80x128xf32, #tpu.memory_space<hbm>>
    %dma_start3A_35 = arith.constant 0 : i32
    %dma_start3A_36 = tpu.memref_slice %arg2[%multiple_of3A_27, %dma_start3A_35] : memref<160000x128xf32, #tpu.memory_space<hbm>> -> memref<80x128xf32, #tpu.memory_space<hbm>>
    tpu.enqueue_dma source(%dma_start3A_36 : memref<80x128xf32, #tpu.memory_space<hbm>>) target(%arg12 : memref<80x128xf32, #tpu.memory_space<vmem>>) target_semaphore(%arg17 : memref<!tpu.dma_semaphore, #tpu.memory_space<semaphore_mem>>)
    %dma_start3A_37 = arith.constant 0 : i32
    %dma_start3A_38 = arith.constant 0 : i32
    %dma_start3A_39 = tpu.memref_slice %arg7[%dma_start3A_37, %dma_start3A_38] : memref<1x80xi32, #tpu.memory_space<vmem>> -> memref<1x80xi32, #tpu.memory_space<vmem>>
    %dma_start3A_40 = tpu.memref_squeeze %dma_start3A_39 : memref<1x80xi32, #tpu.memory_space<vmem>> -> memref<80xi32, #tpu.memory_space<vmem>>
    %dma_start3A_41 = tpu.memref_slice %arg3[%multiple_of3A_32] : memref<320000xi32, #tpu.memory_space<hbm>> -> memref<80xi32, #tpu.memory_space<hbm>>
    %dma_start3A_42 = arith.constant 0 : i32
    %dma_start3A_43 = tpu.memref_slice %arg7[%dma_start3A_37, %dma_start3A_42] : memref<1x80xi32, #tpu.memory_space<vmem>> -> memref<1x80xi32, #tpu.memory_space<vmem>>
    %dma_start3A_44 = tpu.memref_squeeze %dma_start3A_43 : memref<1x80xi32, #tpu.memory_space<vmem>> -> memref<80xi32, #tpu.memory_space<vmem>>
    %dma_start3A_45 = tpu.memref_slice %arg3[%multiple_of3A_32] : memref<320000xi32, #tpu.memory_space<hbm>> -> memref<80xi32, #tpu.memory_space<hbm>>
    tpu.enqueue_dma source(%dma_start3A_45 : memref<80xi32, #tpu.memory_space<hbm>>) target(%dma_start3A_44 : memref<80xi32, #tpu.memory_space<vmem>>) target_semaphore(%arg21 : memref<!tpu.dma_semaphore, #tpu.memory_space<semaphore_mem>>)
    %dma_wait3A = arith.constant 0 : i32
    %dma_wait3A_46 = arith.constant 0 : i32
    %dma_wait3A_47 = tpu.memref_slice %arg2[%dma_wait3A, %dma_wait3A_46] : memref<160000x128xf32, #tpu.memory_space<hbm>> -> memref<80x128xf32, #tpu.memory_space<hbm>>
    %dma_wait3A_48 = arith.constant 0 : i32
    %dma_wait3A_49 = arith.constant 0 : i32
    %dma_wait3A_50 = tpu.memref_slice %arg2[%dma_wait3A_48, %dma_wait3A_49] : memref<160000x128xf32, #tpu.memory_space<hbm>> -> memref<80x128xf32, #tpu.memory_space<hbm>>
    tpu.wait_dma2 semaphore(%arg16 : memref<!tpu.dma_semaphore, #tpu.memory_space<semaphore_mem>>) src(%dma_wait3A_50 : memref<80x128xf32, #tpu.memory_space<hbm>>) dst(%arg11 : memref<80x128xf32, #tpu.memory_space<vmem>>)
    %dma_wait3A_51 = arith.constant 0 : i32
    %dma_wait3A_52 = arith.constant 0 : i32
    %dma_wait3A_53 = tpu.memref_slice %arg6[%dma_wait3A_51, %dma_wait3A_52] : memref<1x80xi32, #tpu.memory_space<vmem>> -> memref<1x80xi32, #tpu.memory_space<vmem>>
    %dma_wait3A_54 = tpu.memref_squeeze %dma_wait3A_53 : memref<1x80xi32, #tpu.memory_space<vmem>> -> memref<80xi32, #tpu.memory_space<vmem>>
    %dma_wait3A_55 = arith.constant 0 : i32
    %dma_wait3A_56 = tpu.memref_slice %arg3[%dma_wait3A_55] : memref<320000xi32, #tpu.memory_space<hbm>> -> memref<80xi32, #tpu.memory_space<hbm>>
    %dma_wait3A_57 = arith.constant 0 : i32
    %dma_wait3A_58 = tpu.memref_slice %arg6[%dma_wait3A_51, %dma_wait3A_57] : memref<1x80xi32, #tpu.memory_space<vmem>> -> memref<1x80xi32, #tpu.memory_space<vmem>>
    %dma_wait3A_59 = tpu.memref_squeeze %dma_wait3A_58 : memref<1x80xi32, #tpu.memory_space<vmem>> -> memref<80xi32, #tpu.memory_space<vmem>>
    %dma_wait3A_60 = arith.constant 0 : i32
    %dma_wait3A_61 = tpu.memref_slice %arg3[%dma_wait3A_60] : memref<320000xi32, #tpu.memory_space<hbm>> -> memref<80xi32, #tpu.memory_space<hbm>>
    tpu.wait_dma2 semaphore(%arg20 : memref<!tpu.dma_semaphore, #tpu.memory_space<semaphore_mem>>) src(%dma_wait3A_61 : memref<80xi32, #tpu.memory_space<hbm>>) dst(%dma_wait3A_59 : memref<80xi32, #tpu.memory_space<vmem>>)
    %dma_start3A_62 = arith.constant 0 : i32
    %dma_start3A_63 = arith.constant 0 : i32
    %dma_start3A_64 = tpu.memref_slice %arg6[%dma_start3A_62, %dma_start3A_63] : memref<1x80xi32, #tpu.memory_space<vmem>> -> memref<1x80xi32, #tpu.memory_space<vmem>>
    %dma_start3A_65 = tpu.memref_squeeze %dma_start3A_64 : memref<1x80xi32, #tpu.memory_space<vmem>> -> memref<80xi32, #tpu.memory_space<vmem>>
    %dma_start3A_66 = arith.constant 0 : i32
    %dma_start3A_67 = arith.constant 0 : i32
    %dma_start3A_68 = tpu.memref_slice %arg15[%dma_start3A_66, %dma_start3A_67] : memref<10112x128xf32, #tpu.memory_space<vmem_shared>> -> memref<10112x128xf32, #tpu.memory_space<vmem_shared>>
    tpu.enqueue_indirect_dma source(%arg11 : memref<80x128xf32, #tpu.memory_space<vmem>>) target(%dma_start3A_68 : memref<10112x128xf32, #tpu.memory_space<vmem_shared>>) offsets(%dma_start3A_65 : memref<80xi32, #tpu.memory_space<vmem>>) semaphore(%arg24 : memref<!tpu.dma_semaphore, #tpu.memory_space<semaphore_mem>>) {add = true}
    %add3A_69 = arith.constant 160 : i32
    %add3A_70 = arith.addi %mul3A_4, %add3A_69 : i32
    %multiple_of3A_71 = tpu.assume_multiple %add3A_70, 8 : i32
    %add3A_72 = arith.constant 160000 : i32
    %add3A_73 = arith.addi %add3A_72, %mul3A_4 : i32
    %add3A_74 = arith.constant 160 : i32
    %add3A_75 = arith.addi %add3A_73, %add3A_74 : i32
    %multiple_of3A_76 = tpu.assume_multiple %add3A_75, 8 : i32
    %dma_start3A_77 = arith.constant 0 : i32
    %dma_start3A_78 = tpu.memref_slice %arg2[%multiple_of3A_71, %dma_start3A_77] : memref<160000x128xf32, #tpu.memory_space<hbm>> -> memref<80x128xf32, #tpu.memory_space<hbm>>
    %dma_start3A_79 = arith.constant 0 : i32
    %dma_start3A_80 = tpu.memref_slice %arg2[%multiple_of3A_71, %dma_start3A_79] : memref<160000x128xf32, #tpu.memory_space<hbm>> -> memref<80x128xf32, #tpu.memory_space<hbm>>
    tpu.enqueue_dma source(%dma_start3A_80 : memref<80x128xf32, #tpu.memory_space<hbm>>) target(%arg13 : memref<80x128xf32, #tpu.memory_space<vmem>>) target_semaphore(%arg18 : memref<!tpu.dma_semaphore, #tpu.memory_space<semaphore_mem>>)
    %dma_start3A_81 = arith.constant 0 : i32
    %dma_start3A_82 = arith.constant 0 : i32
    %dma_start3A_83 = tpu.memref_slice %arg8[%dma_start3A_81, %dma_start3A_82] : memref<1x80xi32, #tpu.memory_space<vmem>> -> memref<1x80xi32, #tpu.memory_space<vmem>>
    %dma_start3A_84 = tpu.memref_squeeze %dma_start3A_83 : memref<1x80xi32, #tpu.memory_space<vmem>> -> memref<80xi32, #tpu.memory_space<vmem>>
    %dma_start3A_85 = tpu.memref_slice %arg3[%multiple_of3A_76] : memref<320000xi32, #tpu.memory_space<hbm>> -> memref<80xi32, #tpu.memory_space<hbm>>
    %dma_start3A_86 = arith.constant 0 : i32
    %dma_start3A_87 = tpu.memref_slice %arg8[%dma_start3A_81, %dma_start3A_86] : memref<1x80xi32, #tpu.memory_space<vmem>> -> memref<1x80xi32, #tpu.memory_space<vmem>>
    %dma_start3A_88 = tpu.memref_squeeze %dma_start3A_87 : memref<1x80xi32, #tpu.memory_space<vmem>> -> memref<80xi32, #tpu.memory_space<vmem>>
    %dma_start3A_89 = tpu.memref_slice %arg3[%multiple_of3A_76] : memref<320000xi32, #tpu.memory_space<hbm>> -> memref<80xi32, #tpu.memory_space<hbm>>
    tpu.enqueue_dma source(%dma_start3A_89 : memref<80xi32, #tpu.memory_space<hbm>>) target(%dma_start3A_88 : memref<80xi32, #tpu.memory_space<vmem>>) target_semaphore(%arg22 : memref<!tpu.dma_semaphore, #tpu.memory_space<semaphore_mem>>)
    %dma_wait3A_90 = arith.constant 0 : i32
    %dma_wait3A_91 = arith.constant 0 : i32
    %dma_wait3A_92 = tpu.memref_slice %arg2[%dma_wait3A_90, %dma_wait3A_91] : memref<160000x128xf32, #tpu.memory_space<hbm>> -> memref<80x128xf32, #tpu.memory_space<hbm>>
    %dma_wait3A_93 = arith.constant 0 : i32
    %dma_wait3A_94 = arith.constant 0 : i32
    %dma_wait3A_95 = tpu.memref_slice %arg2[%dma_wait3A_93, %dma_wait3A_94] : memref<160000x128xf32, #tpu.memory_space<hbm>> -> memref<80x128xf32, #tpu.memory_space<hbm>>
    tpu.wait_dma2 semaphore(%arg17 : memref<!tpu.dma_semaphore, #tpu.memory_space<semaphore_mem>>) src(%dma_wait3A_95 : memref<80x128xf32, #tpu.memory_space<hbm>>) dst(%arg12 : memref<80x128xf32, #tpu.memory_space<vmem>>)
    %dma_wait3A_96 = arith.constant 0 : i32
    %dma_wait3A_97 = arith.constant 0 : i32
    %dma_wait3A_98 = tpu.memref_slice %arg7[%dma_wait3A_96, %dma_wait3A_97] : memref<1x80xi32, #tpu.memory_space<vmem>> -> memref<1x80xi32, #tpu.memory_space<vmem>>
    %dma_wait3A_99 = tpu.memref_squeeze %dma_wait3A_98 : memref<1x80xi32, #tpu.memory_space<vmem>> -> memref<80xi32, #tpu.memory_space<vmem>>
    %dma_wait3A_100 = arith.constant 0 : i32
    %dma_wait3A_101 = tpu.memref_slice %arg3[%dma_wait3A_100] : memref<320000xi32, #tpu.memory_space<hbm>> -> memref<80xi32, #tpu.memory_space<hbm>>
    %dma_wait3A_102 = arith.constant 0 : i32
    %dma_wait3A_103 = tpu.memref_slice %arg7[%dma_wait3A_96, %dma_wait3A_102] : memref<1x80xi32, #tpu.memory_space<vmem>> -> memref<1x80xi32, #tpu.memory_space<vmem>>
    %dma_wait3A_104 = tpu.memref_squeeze %dma_wait3A_103 : memref<1x80xi32, #tpu.memory_space<vmem>> -> memref<80xi32, #tpu.memory_space<vmem>>
    %dma_wait3A_105 = arith.constant 0 : i32
    %dma_wait3A_106 = tpu.memref_slice %arg3[%dma_wait3A_105] : memref<320000xi32, #tpu.memory_space<hbm>> -> memref<80xi32, #tpu.memory_space<hbm>>
    tpu.wait_dma2 semaphore(%arg21 : memref<!tpu.dma_semaphore, #tpu.memory_space<semaphore_mem>>) src(%dma_wait3A_106 : memref<80xi32, #tpu.memory_space<hbm>>) dst(%dma_wait3A_104 : memref<80xi32, #tpu.memory_space<vmem>>)
    %dma_start3A_107 = arith.constant 0 : i32
    %dma_start3A_108 = arith.constant 0 : i32
    %dma_start3A_109 = tpu.memref_slice %arg7[%dma_start3A_107, %dma_start3A_108] : memref<1x80xi32, #tpu.memory_space<vmem>> -> memref<1x80xi32, #tpu.memory_space<vmem>>
    %dma_start3A_110 = tpu.memref_squeeze %dma_start3A_109 : memref<1x80xi32, #tpu.memory_space<vmem>> -> memref<80xi32, #tpu.memory_space<vmem>>
    %dma_start3A_111 = arith.constant 0 : i32
    %dma_start3A_112 = arith.constant 0 : i32
    %dma_start3A_113 = tpu.memref_slice %arg15[%dma_start3A_111, %dma_start3A_112] : memref<10112x128xf32, #tpu.memory_space<vmem_shared>> -> memref<10112x128xf32, #tpu.memory_space<vmem_shared>>
    tpu.enqueue_indirect_dma source(%arg12 : memref<80x128xf32, #tpu.memory_space<vmem>>) target(%dma_start3A_113 : memref<10112x128xf32, #tpu.memory_space<vmem_shared>>) offsets(%dma_start3A_110 : memref<80xi32, #tpu.memory_space<vmem>>) semaphore(%arg25 : memref<!tpu.dma_semaphore, #tpu.memory_space<semaphore_mem>>) {add = true}
    %add3A_114 = arith.constant 240 : i32
    %add3A_115 = arith.addi %mul3A_4, %add3A_114 : i32
    %multiple_of3A_116 = tpu.assume_multiple %add3A_115, 8 : i32
    %add3A_117 = arith.constant 160000 : i32
    %add3A_118 = arith.addi %add3A_117, %mul3A_4 : i32
    %add3A_119 = arith.constant 240 : i32
    %add3A_120 = arith.addi %add3A_118, %add3A_119 : i32
    %multiple_of3A_121 = tpu.assume_multiple %add3A_120, 8 : i32
    %dma_start3A_122 = arith.constant 0 : i32
    %dma_start3A_123 = tpu.memref_slice %arg2[%multiple_of3A_116, %dma_start3A_122] : memref<160000x128xf32, #tpu.memory_space<hbm>> -> memref<80x128xf32, #tpu.memory_space<hbm>>
    %dma_start3A_124 = arith.constant 0 : i32
    %dma_start3A_125 = tpu.memref_slice %arg2[%multiple_of3A_116, %dma_start3A_124] : memref<160000x128xf32, #tpu.memory_space<hbm>> -> memref<80x128xf32, #tpu.memory_space<hbm>>
    tpu.enqueue_dma source(%dma_start3A_125 : memref<80x128xf32, #tpu.memory_space<hbm>>) target(%arg14 : memref<80x128xf32, #tpu.memory_space<vmem>>) target_semaphore(%arg19 : memref<!tpu.dma_semaphore, #tpu.memory_space<semaphore_mem>>)
    %dma_start3A_126 = arith.constant 0 : i32
    %dma_start3A_127 = arith.constant 0 : i32
    %dma_start3A_128 = tpu.memref_slice %arg9[%dma_start3A_126, %dma_start3A_127] : memref<1x80xi32, #tpu.memory_space<vmem>> -> memref<1x80xi32, #tpu.memory_space<vmem>>
    %dma_start3A_129 = tpu.memref_squeeze %dma_start3A_128 : memref<1x80xi32, #tpu.memory_space<vmem>> -> memref<80xi32, #tpu.memory_space<vmem>>
    %dma_start3A_130 = tpu.memref_slice %arg3[%multiple_of3A_121] : memref<320000xi32, #tpu.memory_space<hbm>> -> memref<80xi32, #tpu.memory_space<hbm>>
    %dma_start3A_131 = arith.constant 0 : i32
    %dma_start3A_132 = tpu.memref_slice %arg9[%dma_start3A_126, %dma_start3A_131] : memref<1x80xi32, #tpu.memory_space<vmem>> -> memref<1x80xi32, #tpu.memory_space<vmem>>
    %dma_start3A_133 = tpu.memref_squeeze %dma_start3A_132 : memref<1x80xi32, #tpu.memory_space<vmem>> -> memref<80xi32, #tpu.memory_space<vmem>>
    %dma_start3A_134 = tpu.memref_slice %arg3[%multiple_of3A_121] : memref<320000xi32, #tpu.memory_space<hbm>> -> memref<80xi32, #tpu.memory_space<hbm>>
    tpu.enqueue_dma source(%dma_start3A_134 : memref<80xi32, #tpu.memory_space<hbm>>) target(%dma_start3A_133 : memref<80xi32, #tpu.memory_space<vmem>>) target_semaphore(%arg23 : memref<!tpu.dma_semaphore, #tpu.memory_space<semaphore_mem>>)
    %dma_wait3A_135 = arith.constant 0 : i32
    %dma_wait3A_136 = arith.constant 0 : i32
    %dma_wait3A_137 = tpu.memref_slice %arg2[%dma_wait3A_135, %dma_wait3A_136] : memref<160000x128xf32, #tpu.memory_space<hbm>> -> memref<80x128xf32, #tpu.memory_space<hbm>>
    %dma_wait3A_138 = arith.constant 0 : i32
    %dma_wait3A_139 = arith.constant 0 : i32
    %dma_wait3A_140 = tpu.memref_slice %arg2[%dma_wait3A_138, %dma_wait3A_139] : memref<160000x128xf32, #tpu.memory_space<hbm>> -> memref<80x128xf32, #tpu.memory_space<hbm>>
    tpu.wait_dma2 semaphore(%arg18 : memref<!tpu.dma_semaphore, #tpu.memory_space<semaphore_mem>>) src(%dma_wait3A_140 : memref<80x128xf32, #tpu.memory_space<hbm>>) dst(%arg13 : memref<80x128xf32, #tpu.memory_space<vmem>>)
    %dma_wait3A_141 = arith.constant 0 : i32
    %dma_wait3A_142 = arith.constant 0 : i32
    %dma_wait3A_143 = tpu.memref_slice %arg8[%dma_wait3A_141, %dma_wait3A_142] : memref<1x80xi32, #tpu.memory_space<vmem>> -> memref<1x80xi32, #tpu.memory_space<vmem>>
    %dma_wait3A_144 = tpu.memref_squeeze %dma_wait3A_143 : memref<1x80xi32, #tpu.memory_space<vmem>> -> memref<80xi32, #tpu.memory_space<vmem>>
    %dma_wait3A_145 = arith.constant 0 : i32
    %dma_wait3A_146 = tpu.memref_slice %arg3[%dma_wait3A_145] : memref<320000xi32, #tpu.memory_space<hbm>> -> memref<80xi32, #tpu.memory_space<hbm>>
    %dma_wait3A_147 = arith.constant 0 : i32
    %dma_wait3A_148 = tpu.memref_slice %arg8[%dma_wait3A_141, %dma_wait3A_147] : memref<1x80xi32, #tpu.memory_space<vmem>> -> memref<1x80xi32, #tpu.memory_space<vmem>>
    %dma_wait3A_149 = tpu.memref_squeeze %dma_wait3A_148 : memref<1x80xi32, #tpu.memory_space<vmem>> -> memref<80xi32, #tpu.memory_space<vmem>>
    %dma_wait3A_150 = arith.constant 0 : i32
    %dma_wait3A_151 = tpu.memref_slice %arg3[%dma_wait3A_150] : memref<320000xi32, #tpu.memory_space<hbm>> -> memref<80xi32, #tpu.memory_space<hbm>>
    tpu.wait_dma2 semaphore(%arg22 : memref<!tpu.dma_semaphore, #tpu.memory_space<semaphore_mem>>) src(%dma_wait3A_151 : memref<80xi32, #tpu.memory_space<hbm>>) dst(%dma_wait3A_149 : memref<80xi32, #tpu.memory_space<vmem>>)
    %dma_start3A_152 = arith.constant 0 : i32
    %dma_start3A_153 = arith.constant 0 : i32
    %dma_start3A_154 = tpu.memref_slice %arg8[%dma_start3A_152, %dma_start3A_153] : memref<1x80xi32, #tpu.memory_space<vmem>> -> memref<1x80xi32, #tpu.memory_space<vmem>>
    %dma_start3A_155 = tpu.memref_squeeze %dma_start3A_154 : memref<1x80xi32, #tpu.memory_space<vmem>> -> memref<80xi32, #tpu.memory_space<vmem>>
    %dma_start3A_156 = arith.constant 0 : i32
    %dma_start3A_157 = arith.constant 0 : i32
    %dma_start3A_158 = tpu.memref_slice %arg15[%dma_start3A_156, %dma_start3A_157] : memref<10112x128xf32, #tpu.memory_space<vmem_shared>> -> memref<10112x128xf32, #tpu.memory_space<vmem_shared>>
    tpu.enqueue_indirect_dma source(%arg13 : memref<80x128xf32, #tpu.memory_space<vmem>>) target(%dma_start3A_158 : memref<10112x128xf32, #tpu.memory_space<vmem_shared>>) offsets(%dma_start3A_155 : memref<80xi32, #tpu.memory_space<vmem>>) semaphore(%arg26 : memref<!tpu.dma_semaphore, #tpu.memory_space<semaphore_mem>>) {add = true}
    %scan3A = arith.constant 0 : i32
    %scan3A_159 = arith.constant 0 : i32
    %scan3A_160 = arith.constant 14 : i32
    %scan3A_161 = arith.addi %scan3A_159, %scan3A_160 : i32
    %scan3A_162 = arith.constant 1 : i32
    scf.for %scan3A_324 = %scan3A_159 to %scan3A_161 step %scan3A_162  : i32 {
      %mul3A_325 = arith.constant 4 : i32
      %mul3A_326 = arith.muli %mul3A_325, %scan3A_324 : i32
      %add3A_327 = arith.constant 3 : i32
      %add3A_328 = arith.addi %add3A_327, %mul3A_326 : i32
      %dma_wait3A_329 = arith.constant 0 : i32
      %dma_wait3A_330 = arith.constant 0 : i32
      %dma_wait3A_331 = tpu.memref_slice %arg2[%dma_wait3A_329, %dma_wait3A_330] : memref<160000x128xf32, #tpu.memory_space<hbm>> -> memref<80x128xf32, #tpu.memory_space<hbm>>
      %dma_wait3A_332 = arith.constant 0 : i32
      %dma_wait3A_333 = arith.constant 0 : i32
      %dma_wait3A_334 = tpu.memref_slice %arg2[%dma_wait3A_332, %dma_wait3A_333] : memref<160000x128xf32, #tpu.memory_space<hbm>> -> memref<80x128xf32, #tpu.memory_space<hbm>>
      tpu.wait_dma2 semaphore(%arg24 : memref<!tpu.dma_semaphore, #tpu.memory_space<semaphore_mem>>) src(%dma_wait3A_334 : memref<80x128xf32, #tpu.memory_space<hbm>>) dst(%arg11 : memref<80x128xf32, #tpu.memory_space<vmem>>)
      %add3A_335 = arith.constant 1 : i32
      %add3A_336 = arith.addi %add3A_328, %add3A_335 : i32
      %mul3A_337 = arith.constant 80 : i32
      %mul3A_338 = arith.muli %add3A_336, %mul3A_337 : i32
      %add3A_339 = arith.addi %mul3A_4, %mul3A_338 : i32
      %multiple_of3A_340 = tpu.assume_multiple %add3A_339, 8 : i32
      %add3A_341 = arith.constant 160000 : i32
      %add3A_342 = arith.addi %add3A_341, %mul3A_4 : i32
      %mul3A_343 = arith.constant 80 : i32
      %mul3A_344 = arith.muli %add3A_336, %mul3A_343 : i32
      %add3A_345 = arith.addi %add3A_342, %mul3A_344 : i32
      %multiple_of3A_346 = tpu.assume_multiple %add3A_345, 8 : i32
      %dma_start3A_347 = arith.constant 0 : i32
      %dma_start3A_348 = tpu.memref_slice %arg2[%multiple_of3A_340, %dma_start3A_347] : memref<160000x128xf32, #tpu.memory_space<hbm>> -> memref<80x128xf32, #tpu.memory_space<hbm>>
      %dma_start3A_349 = arith.constant 0 : i32
      %dma_start3A_350 = tpu.memref_slice %arg2[%multiple_of3A_340, %dma_start3A_349] : memref<160000x128xf32, #tpu.memory_space<hbm>> -> memref<80x128xf32, #tpu.memory_space<hbm>>
      tpu.enqueue_dma source(%dma_start3A_350 : memref<80x128xf32, #tpu.memory_space<hbm>>) target(%arg11 : memref<80x128xf32, #tpu.memory_space<vmem>>) target_semaphore(%arg16 : memref<!tpu.dma_semaphore, #tpu.memory_space<semaphore_mem>>)
      %dma_start3A_351 = arith.constant 0 : i32
      %dma_start3A_352 = arith.constant 0 : i32
      %dma_start3A_353 = tpu.memref_slice %arg6[%dma_start3A_351, %dma_start3A_352] : memref<1x80xi32, #tpu.memory_space<vmem>> -> memref<1x80xi32, #tpu.memory_space<vmem>>
      %dma_start3A_354 = tpu.memref_squeeze %dma_start3A_353 : memref<1x80xi32, #tpu.memory_space<vmem>> -> memref<80xi32, #tpu.memory_space<vmem>>
      %dma_start3A_355 = tpu.memref_slice %arg3[%multiple_of3A_346] : memref<320000xi32, #tpu.memory_space<hbm>> -> memref<80xi32, #tpu.memory_space<hbm>>
      %dma_start3A_356 = arith.constant 0 : i32
      %dma_start3A_357 = tpu.memref_slice %arg6[%dma_start3A_351, %dma_start3A_356] : memref<1x80xi32, #tpu.memory_space<vmem>> -> memref<1x80xi32, #tpu.memory_space<vmem>>
      %dma_start3A_358 = tpu.memref_squeeze %dma_start3A_357 : memref<1x80xi32, #tpu.memory_space<vmem>> -> memref<80xi32, #tpu.memory_space<vmem>>
      %dma_start3A_359 = tpu.memref_slice %arg3[%multiple_of3A_346] : memref<320000xi32, #tpu.memory_space<hbm>> -> memref<80xi32, #tpu.memory_space<hbm>>
      tpu.enqueue_dma source(%dma_start3A_359 : memref<80xi32, #tpu.memory_space<hbm>>) target(%dma_start3A_358 : memref<80xi32, #tpu.memory_space<vmem>>) target_semaphore(%arg20 : memref<!tpu.dma_semaphore, #tpu.memory_space<semaphore_mem>>)
      %dma_wait3A_360 = arith.constant 0 : i32
      %dma_wait3A_361 = arith.constant 0 : i32
      %dma_wait3A_362 = tpu.memref_slice %arg2[%dma_wait3A_360, %dma_wait3A_361] : memref<160000x128xf32, #tpu.memory_space<hbm>> -> memref<80x128xf32, #tpu.memory_space<hbm>>
      %dma_wait3A_363 = arith.constant 0 : i32
      %dma_wait3A_364 = arith.constant 0 : i32
      %dma_wait3A_365 = tpu.memref_slice %arg2[%dma_wait3A_363, %dma_wait3A_364] : memref<160000x128xf32, #tpu.memory_space<hbm>> -> memref<80x128xf32, #tpu.memory_space<hbm>>
      tpu.wait_dma2 semaphore(%arg19 : memref<!tpu.dma_semaphore, #tpu.memory_space<semaphore_mem>>) src(%dma_wait3A_365 : memref<80x128xf32, #tpu.memory_space<hbm>>) dst(%arg14 : memref<80x128xf32, #tpu.memory_space<vmem>>)
      %dma_wait3A_366 = arith.constant 0 : i32
      %dma_wait3A_367 = arith.constant 0 : i32
      %dma_wait3A_368 = tpu.memref_slice %arg9[%dma_wait3A_366, %dma_wait3A_367] : memref<1x80xi32, #tpu.memory_space<vmem>> -> memref<1x80xi32, #tpu.memory_space<vmem>>
      %dma_wait3A_369 = tpu.memref_squeeze %dma_wait3A_368 : memref<1x80xi32, #tpu.memory_space<vmem>> -> memref<80xi32, #tpu.memory_space<vmem>>
      %dma_wait3A_370 = arith.constant 0 : i32
      %dma_wait3A_371 = tpu.memref_slice %arg3[%dma_wait3A_370] : memref<320000xi32, #tpu.memory_space<hbm>> -> memref<80xi32, #tpu.memory_space<hbm>>
      %dma_wait3A_372 = arith.constant 0 : i32
      %dma_wait3A_373 = tpu.memref_slice %arg9[%dma_wait3A_366, %dma_wait3A_372] : memref<1x80xi32, #tpu.memory_space<vmem>> -> memref<1x80xi32, #tpu.memory_space<vmem>>
      %dma_wait3A_374 = tpu.memref_squeeze %dma_wait3A_373 : memref<1x80xi32, #tpu.memory_space<vmem>> -> memref<80xi32, #tpu.memory_space<vmem>>
      %dma_wait3A_375 = arith.constant 0 : i32
      %dma_wait3A_376 = tpu.memref_slice %arg3[%dma_wait3A_375] : memref<320000xi32, #tpu.memory_space<hbm>> -> memref<80xi32, #tpu.memory_space<hbm>>
      tpu.wait_dma2 semaphore(%arg23 : memref<!tpu.dma_semaphore, #tpu.memory_space<semaphore_mem>>) src(%dma_wait3A_376 : memref<80xi32, #tpu.memory_space<hbm>>) dst(%dma_wait3A_374 : memref<80xi32, #tpu.memory_space<vmem>>)
      %dma_start3A_377 = arith.constant 0 : i32
      %dma_start3A_378 = arith.constant 0 : i32
      %dma_start3A_379 = tpu.memref_slice %arg9[%dma_start3A_377, %dma_start3A_378] : memref<1x80xi32, #tpu.memory_space<vmem>> -> memref<1x80xi32, #tpu.memory_space<vmem>>
      %dma_start3A_380 = tpu.memref_squeeze %dma_start3A_379 : memref<1x80xi32, #tpu.memory_space<vmem>> -> memref<80xi32, #tpu.memory_space<vmem>>
      %dma_start3A_381 = arith.constant 0 : i32
      %dma_start3A_382 = arith.constant 0 : i32
      %dma_start3A_383 = tpu.memref_slice %arg15[%dma_start3A_381, %dma_start3A_382] : memref<10112x128xf32, #tpu.memory_space<vmem_shared>> -> memref<10112x128xf32, #tpu.memory_space<vmem_shared>>
      tpu.enqueue_indirect_dma source(%arg14 : memref<80x128xf32, #tpu.memory_space<vmem>>) target(%dma_start3A_383 : memref<10112x128xf32, #tpu.memory_space<vmem_shared>>) offsets(%dma_start3A_380 : memref<80xi32, #tpu.memory_space<vmem>>) semaphore(%arg27 : memref<!tpu.dma_semaphore, #tpu.memory_space<semaphore_mem>>) {add = true}
      %add3A_384 = arith.constant 1 : i32
      %add3A_385 = arith.addi %add3A_328, %add3A_384 : i32
      %dma_wait3A_386 = arith.constant 0 : i32
      %dma_wait3A_387 = arith.constant 0 : i32
      %dma_wait3A_388 = tpu.memref_slice %arg2[%dma_wait3A_386, %dma_wait3A_387] : memref<160000x128xf32, #tpu.memory_space<hbm>> -> memref<80x128xf32, #tpu.memory_space<hbm>>
      %dma_wait3A_389 = arith.constant 0 : i32
      %dma_wait3A_390 = arith.constant 0 : i32
      %dma_wait3A_391 = tpu.memref_slice %arg2[%dma_wait3A_389, %dma_wait3A_390] : memref<160000x128xf32, #tpu.memory_space<hbm>> -> memref<80x128xf32, #tpu.memory_space<hbm>>
      tpu.wait_dma2 semaphore(%arg25 : memref<!tpu.dma_semaphore, #tpu.memory_space<semaphore_mem>>) src(%dma_wait3A_391 : memref<80x128xf32, #tpu.memory_space<hbm>>) dst(%arg12 : memref<80x128xf32, #tpu.memory_space<vmem>>)
      %add3A_392 = arith.constant 1 : i32
      %add3A_393 = arith.addi %add3A_385, %add3A_392 : i32
      %mul3A_394 = arith.constant 80 : i32
      %mul3A_395 = arith.muli %add3A_393, %mul3A_394 : i32
      %add3A_396 = arith.addi %mul3A_4, %mul3A_395 : i32
      %multiple_of3A_397 = tpu.assume_multiple %add3A_396, 8 : i32
      %add3A_398 = arith.constant 160000 : i32
      %add3A_399 = arith.addi %add3A_398, %mul3A_4 : i32
      %mul3A_400 = arith.constant 80 : i32
      %mul3A_401 = arith.muli %add3A_393, %mul3A_400 : i32
      %add3A_402 = arith.addi %add3A_399, %mul3A_401 : i32
      %multiple_of3A_403 = tpu.assume_multiple %add3A_402, 8 : i32
      %dma_start3A_404 = arith.constant 0 : i32
      %dma_start3A_405 = tpu.memref_slice %arg2[%multiple_of3A_397, %dma_start3A_404] : memref<160000x128xf32, #tpu.memory_space<hbm>> -> memref<80x128xf32, #tpu.memory_space<hbm>>
      %dma_start3A_406 = arith.constant 0 : i32
      %dma_start3A_407 = tpu.memref_slice %arg2[%multiple_of3A_397, %dma_start3A_406] : memref<160000x128xf32, #tpu.memory_space<hbm>> -> memref<80x128xf32, #tpu.memory_space<hbm>>
      tpu.enqueue_dma source(%dma_start3A_407 : memref<80x128xf32, #tpu.memory_space<hbm>>) target(%arg12 : memref<80x128xf32, #tpu.memory_space<vmem>>) target_semaphore(%arg17 : memref<!tpu.dma_semaphore, #tpu.memory_space<semaphore_mem>>)
      %dma_start3A_408 = arith.constant 0 : i32
      %dma_start3A_409 = arith.constant 0 : i32
      %dma_start3A_410 = tpu.memref_slice %arg7[%dma_start3A_408, %dma_start3A_409] : memref<1x80xi32, #tpu.memory_space<vmem>> -> memref<1x80xi32, #tpu.memory_space<vmem>>
      %dma_start3A_411 = tpu.memref_squeeze %dma_start3A_410 : memref<1x80xi32, #tpu.memory_space<vmem>> -> memref<80xi32, #tpu.memory_space<vmem>>
      %dma_start3A_412 = tpu.memref_slice %arg3[%multiple_of3A_403] : memref<320000xi32, #tpu.memory_space<hbm>> -> memref<80xi32, #tpu.memory_space<hbm>>
      %dma_start3A_413 = arith.constant 0 : i32
      %dma_start3A_414 = tpu.memref_slice %arg7[%dma_start3A_408, %dma_start3A_413] : memref<1x80xi32, #tpu.memory_space<vmem>> -> memref<1x80xi32, #tpu.memory_space<vmem>>
      %dma_start3A_415 = tpu.memref_squeeze %dma_start3A_414 : memref<1x80xi32, #tpu.memory_space<vmem>> -> memref<80xi32, #tpu.memory_space<vmem>>
      %dma_start3A_416 = tpu.memref_slice %arg3[%multiple_of3A_403] : memref<320000xi32, #tpu.memory_space<hbm>> -> memref<80xi32, #tpu.memory_space<hbm>>
      tpu.enqueue_dma source(%dma_start3A_416 : memref<80xi32, #tpu.memory_space<hbm>>) target(%dma_start3A_415 : memref<80xi32, #tpu.memory_space<vmem>>) target_semaphore(%arg21 : memref<!tpu.dma_semaphore, #tpu.memory_space<semaphore_mem>>)
      %dma_wait3A_417 = arith.constant 0 : i32
      %dma_wait3A_418 = arith.constant 0 : i32
      %dma_wait3A_419 = tpu.memref_slice %arg2[%dma_wait3A_417, %dma_wait3A_418] : memref<160000x128xf32, #tpu.memory_space<hbm>> -> memref<80x128xf32, #tpu.memory_space<hbm>>
      %dma_wait3A_420 = arith.constant 0 : i32
      %dma_wait3A_421 = arith.constant 0 : i32
      %dma_wait3A_422 = tpu.memref_slice %arg2[%dma_wait3A_420, %dma_wait3A_421] : memref<160000x128xf32, #tpu.memory_space<hbm>> -> memref<80x128xf32, #tpu.memory_space<hbm>>
      tpu.wait_dma2 semaphore(%arg16 : memref<!tpu.dma_semaphore, #tpu.memory_space<semaphore_mem>>) src(%dma_wait3A_422 : memref<80x128xf32, #tpu.memory_space<hbm>>) dst(%arg11 : memref<80x128xf32, #tpu.memory_space<vmem>>)
      %dma_wait3A_423 = arith.constant 0 : i32
      %dma_wait3A_424 = arith.constant 0 : i32
      %dma_wait3A_425 = tpu.memref_slice %arg6[%dma_wait3A_423, %dma_wait3A_424] : memref<1x80xi32, #tpu.memory_space<vmem>> -> memref<1x80xi32, #tpu.memory_space<vmem>>
      %dma_wait3A_426 = tpu.memref_squeeze %dma_wait3A_425 : memref<1x80xi32, #tpu.memory_space<vmem>> -> memref<80xi32, #tpu.memory_space<vmem>>
      %dma_wait3A_427 = arith.constant 0 : i32
      %dma_wait3A_428 = tpu.memref_slice %arg3[%dma_wait3A_427] : memref<320000xi32, #tpu.memory_space<hbm>> -> memref<80xi32, #tpu.memory_space<hbm>>
      %dma_wait3A_429 = arith.constant 0 : i32
      %dma_wait3A_430 = tpu.memref_slice %arg6[%dma_wait3A_423, %dma_wait3A_429] : memref<1x80xi32, #tpu.memory_space<vmem>> -> memref<1x80xi32, #tpu.memory_space<vmem>>
      %dma_wait3A_431 = tpu.memref_squeeze %dma_wait3A_430 : memref<1x80xi32, #tpu.memory_space<vmem>> -> memref<80xi32, #tpu.memory_space<vmem>>
      %dma_wait3A_432 = arith.constant 0 : i32
      %dma_wait3A_433 = tpu.memref_slice %arg3[%dma_wait3A_432] : memref<320000xi32, #tpu.memory_space<hbm>> -> memref<80xi32, #tpu.memory_space<hbm>>
      tpu.wait_dma2 semaphore(%arg20 : memref<!tpu.dma_semaphore, #tpu.memory_space<semaphore_mem>>) src(%dma_wait3A_433 : memref<80xi32, #tpu.memory_space<hbm>>) dst(%dma_wait3A_431 : memref<80xi32, #tpu.memory_space<vmem>>)
      %dma_start3A_434 = arith.constant 0 : i32
      %dma_start3A_435 = arith.constant 0 : i32
      %dma_start3A_436 = tpu.memref_slice %arg6[%dma_start3A_434, %dma_start3A_435] : memref<1x80xi32, #tpu.memory_space<vmem>> -> memref<1x80xi32, #tpu.memory_space<vmem>>
      %dma_start3A_437 = tpu.memref_squeeze %dma_start3A_436 : memref<1x80xi32, #tpu.memory_space<vmem>> -> memref<80xi32, #tpu.memory_space<vmem>>
      %dma_start3A_438 = arith.constant 0 : i32
      %dma_start3A_439 = arith.constant 0 : i32
      %dma_start3A_440 = tpu.memref_slice %arg15[%dma_start3A_438, %dma_start3A_439] : memref<10112x128xf32, #tpu.memory_space<vmem_shared>> -> memref<10112x128xf32, #tpu.memory_space<vmem_shared>>
      tpu.enqueue_indirect_dma source(%arg11 : memref<80x128xf32, #tpu.memory_space<vmem>>) target(%dma_start3A_440 : memref<10112x128xf32, #tpu.memory_space<vmem_shared>>) offsets(%dma_start3A_437 : memref<80xi32, #tpu.memory_space<vmem>>) semaphore(%arg24 : memref<!tpu.dma_semaphore, #tpu.memory_space<semaphore_mem>>) {add = true}
      %add3A_441 = arith.constant 2 : i32
      %add3A_442 = arith.addi %add3A_328, %add3A_441 : i32
      %dma_wait3A_443 = arith.constant 0 : i32
      %dma_wait3A_444 = arith.constant 0 : i32
      %dma_wait3A_445 = tpu.memref_slice %arg2[%dma_wait3A_443, %dma_wait3A_444] : memref<160000x128xf32, #tpu.memory_space<hbm>> -> memref<80x128xf32, #tpu.memory_space<hbm>>
      %dma_wait3A_446 = arith.constant 0 : i32
      %dma_wait3A_447 = arith.constant 0 : i32
      %dma_wait3A_448 = tpu.memref_slice %arg2[%dma_wait3A_446, %dma_wait3A_447] : memref<160000x128xf32, #tpu.memory_space<hbm>> -> memref<80x128xf32, #tpu.memory_space<hbm>>
      tpu.wait_dma2 semaphore(%arg26 : memref<!tpu.dma_semaphore, #tpu.memory_space<semaphore_mem>>) src(%dma_wait3A_448 : memref<80x128xf32, #tpu.memory_space<hbm>>) dst(%arg13 : memref<80x128xf32, #tpu.memory_space<vmem>>)
      %add3A_449 = arith.constant 1 : i32
      %add3A_450 = arith.addi %add3A_442, %add3A_449 : i32
      %mul3A_451 = arith.constant 80 : i32
      %mul3A_452 = arith.muli %add3A_450, %mul3A_451 : i32
      %add3A_453 = arith.addi %mul3A_4, %mul3A_452 : i32
      %multiple_of3A_454 = tpu.assume_multiple %add3A_453, 8 : i32
      %add3A_455 = arith.constant 160000 : i32
      %add3A_456 = arith.addi %add3A_455, %mul3A_4 : i32
      %mul3A_457 = arith.constant 80 : i32
      %mul3A_458 = arith.muli %add3A_450, %mul3A_457 : i32
      %add3A_459 = arith.addi %add3A_456, %mul3A_458 : i32
      %multiple_of3A_460 = tpu.assume_multiple %add3A_459, 8 : i32
      %dma_start3A_461 = arith.constant 0 : i32
      %dma_start3A_462 = tpu.memref_slice %arg2[%multiple_of3A_454, %dma_start3A_461] : memref<160000x128xf32, #tpu.memory_space<hbm>> -> memref<80x128xf32, #tpu.memory_space<hbm>>
      %dma_start3A_463 = arith.constant 0 : i32
      %dma_start3A_464 = tpu.memref_slice %arg2[%multiple_of3A_454, %dma_start3A_463] : memref<160000x128xf32, #tpu.memory_space<hbm>> -> memref<80x128xf32, #tpu.memory_space<hbm>>
      tpu.enqueue_dma source(%dma_start3A_464 : memref<80x128xf32, #tpu.memory_space<hbm>>) target(%arg13 : memref<80x128xf32, #tpu.memory_space<vmem>>) target_semaphore(%arg18 : memref<!tpu.dma_semaphore, #tpu.memory_space<semaphore_mem>>)
      %dma_start3A_465 = arith.constant 0 : i32
      %dma_start3A_466 = arith.constant 0 : i32
      %dma_start3A_467 = tpu.memref_slice %arg8[%dma_start3A_465, %dma_start3A_466] : memref<1x80xi32, #tpu.memory_space<vmem>> -> memref<1x80xi32, #tpu.memory_space<vmem>>
      %dma_start3A_468 = tpu.memref_squeeze %dma_start3A_467 : memref<1x80xi32, #tpu.memory_space<vmem>> -> memref<80xi32, #tpu.memory_space<vmem>>
      %dma_start3A_469 = tpu.memref_slice %arg3[%multiple_of3A_460] : memref<320000xi32, #tpu.memory_space<hbm>> -> memref<80xi32, #tpu.memory_space<hbm>>
      %dma_start3A_470 = arith.constant 0 : i32
      %dma_start3A_471 = tpu.memref_slice %arg8[%dma_start3A_465, %dma_start3A_470] : memref<1x80xi32, #tpu.memory_space<vmem>> -> memref<1x80xi32, #tpu.memory_space<vmem>>
      %dma_start3A_472 = tpu.memref_squeeze %dma_start3A_471 : memref<1x80xi32, #tpu.memory_space<vmem>> -> memref<80xi32, #tpu.memory_space<vmem>>
      %dma_start3A_473 = tpu.memref_slice %arg3[%multiple_of3A_460] : memref<320000xi32, #tpu.memory_space<hbm>> -> memref<80xi32, #tpu.memory_space<hbm>>
      tpu.enqueue_dma source(%dma_start3A_473 : memref<80xi32, #tpu.memory_space<hbm>>) target(%dma_start3A_472 : memref<80xi32, #tpu.memory_space<vmem>>) target_semaphore(%arg22 : memref<!tpu.dma_semaphore, #tpu.memory_space<semaphore_mem>>)
      %dma_wait3A_474 = arith.constant 0 : i32
      %dma_wait3A_475 = arith.constant 0 : i32
      %dma_wait3A_476 = tpu.memref_slice %arg2[%dma_wait3A_474, %dma_wait3A_475] : memref<160000x128xf32, #tpu.memory_space<hbm>> -> memref<80x128xf32, #tpu.memory_space<hbm>>
      %dma_wait3A_477 = arith.constant 0 : i32
      %dma_wait3A_478 = arith.constant 0 : i32
      %dma_wait3A_479 = tpu.memref_slice %arg2[%dma_wait3A_477, %dma_wait3A_478] : memref<160000x128xf32, #tpu.memory_space<hbm>> -> memref<80x128xf32, #tpu.memory_space<hbm>>
      tpu.wait_dma2 semaphore(%arg17 : memref<!tpu.dma_semaphore, #tpu.memory_space<semaphore_mem>>) src(%dma_wait3A_479 : memref<80x128xf32, #tpu.memory_space<hbm>>) dst(%arg12 : memref<80x128xf32, #tpu.memory_space<vmem>>)
      %dma_wait3A_480 = arith.constant 0 : i32
      %dma_wait3A_481 = arith.constant 0 : i32
      %dma_wait3A_482 = tpu.memref_slice %arg7[%dma_wait3A_480, %dma_wait3A_481] : memref<1x80xi32, #tpu.memory_space<vmem>> -> memref<1x80xi32, #tpu.memory_space<vmem>>
      %dma_wait3A_483 = tpu.memref_squeeze %dma_wait3A_482 : memref<1x80xi32, #tpu.memory_space<vmem>> -> memref<80xi32, #tpu.memory_space<vmem>>
      %dma_wait3A_484 = arith.constant 0 : i32
      %dma_wait3A_485 = tpu.memref_slice %arg3[%dma_wait3A_484] : memref<320000xi32, #tpu.memory_space<hbm>> -> memref<80xi32, #tpu.memory_space<hbm>>
      %dma_wait3A_486 = arith.constant 0 : i32
      %dma_wait3A_487 = tpu.memref_slice %arg7[%dma_wait3A_480, %dma_wait3A_486] : memref<1x80xi32, #tpu.memory_space<vmem>> -> memref<1x80xi32, #tpu.memory_space<vmem>>
      %dma_wait3A_488 = tpu.memref_squeeze %dma_wait3A_487 : memref<1x80xi32, #tpu.memory_space<vmem>> -> memref<80xi32, #tpu.memory_space<vmem>>
      %dma_wait3A_489 = arith.constant 0 : i32
      %dma_wait3A_490 = tpu.memref_slice %arg3[%dma_wait3A_489] : memref<320000xi32, #tpu.memory_space<hbm>> -> memref<80xi32, #tpu.memory_space<hbm>>
      tpu.wait_dma2 semaphore(%arg21 : memref<!tpu.dma_semaphore, #tpu.memory_space<semaphore_mem>>) src(%dma_wait3A_490 : memref<80xi32, #tpu.memory_space<hbm>>) dst(%dma_wait3A_488 : memref<80xi32, #tpu.memory_space<vmem>>)
      %dma_start3A_491 = arith.constant 0 : i32
      %dma_start3A_492 = arith.constant 0 : i32
      %dma_start3A_493 = tpu.memref_slice %arg7[%dma_start3A_491, %dma_start3A_492] : memref<1x80xi32, #tpu.memory_space<vmem>> -> memref<1x80xi32, #tpu.memory_space<vmem>>
      %dma_start3A_494 = tpu.memref_squeeze %dma_start3A_493 : memref<1x80xi32, #tpu.memory_space<vmem>> -> memref<80xi32, #tpu.memory_space<vmem>>
      %dma_start3A_495 = arith.constant 0 : i32
      %dma_start3A_496 = arith.constant 0 : i32
      %dma_start3A_497 = tpu.memref_slice %arg15[%dma_start3A_495, %dma_start3A_496] : memref<10112x128xf32, #tpu.memory_space<vmem_shared>> -> memref<10112x128xf32, #tpu.memory_space<vmem_shared>>
      tpu.enqueue_indirect_dma source(%arg12 : memref<80x128xf32, #tpu.memory_space<vmem>>) target(%dma_start3A_497 : memref<10112x128xf32, #tpu.memory_space<vmem_shared>>) offsets(%dma_start3A_494 : memref<80xi32, #tpu.memory_space<vmem>>) semaphore(%arg25 : memref<!tpu.dma_semaphore, #tpu.memory_space<semaphore_mem>>) {add = true}
      %add3A_498 = arith.constant 3 : i32
      %add3A_499 = arith.addi %add3A_328, %add3A_498 : i32
      %dma_wait3A_500 = arith.constant 0 : i32
      %dma_wait3A_501 = arith.constant 0 : i32
      %dma_wait3A_502 = tpu.memref_slice %arg2[%dma_wait3A_500, %dma_wait3A_501] : memref<160000x128xf32, #tpu.memory_space<hbm>> -> memref<80x128xf32, #tpu.memory_space<hbm>>
      %dma_wait3A_503 = arith.constant 0 : i32
      %dma_wait3A_504 = arith.constant 0 : i32
      %dma_wait3A_505 = tpu.memref_slice %arg2[%dma_wait3A_503, %dma_wait3A_504] : memref<160000x128xf32, #tpu.memory_space<hbm>> -> memref<80x128xf32, #tpu.memory_space<hbm>>
      tpu.wait_dma2 semaphore(%arg27 : memref<!tpu.dma_semaphore, #tpu.memory_space<semaphore_mem>>) src(%dma_wait3A_505 : memref<80x128xf32, #tpu.memory_space<hbm>>) dst(%arg14 : memref<80x128xf32, #tpu.memory_space<vmem>>)
      %add3A_506 = arith.constant 1 : i32
      %add3A_507 = arith.addi %add3A_499, %add3A_506 : i32
      %mul3A_508 = arith.constant 80 : i32
      %mul3A_509 = arith.muli %add3A_507, %mul3A_508 : i32
      %add3A_510 = arith.addi %mul3A_4, %mul3A_509 : i32
      %multiple_of3A_511 = tpu.assume_multiple %add3A_510, 8 : i32
      %add3A_512 = arith.constant 160000 : i32
      %add3A_513 = arith.addi %add3A_512, %mul3A_4 : i32
      %mul3A_514 = arith.constant 80 : i32
      %mul3A_515 = arith.muli %add3A_507, %mul3A_514 : i32
      %add3A_516 = arith.addi %add3A_513, %mul3A_515 : i32
      %multiple_of3A_517 = tpu.assume_multiple %add3A_516, 8 : i32
      %dma_start3A_518 = arith.constant 0 : i32
      %dma_start3A_519 = tpu.memref_slice %arg2[%multiple_of3A_511, %dma_start3A_518] : memref<160000x128xf32, #tpu.memory_space<hbm>> -> memref<80x128xf32, #tpu.memory_space<hbm>>
      %dma_start3A_520 = arith.constant 0 : i32
      %dma_start3A_521 = tpu.memref_slice %arg2[%multiple_of3A_511, %dma_start3A_520] : memref<160000x128xf32, #tpu.memory_space<hbm>> -> memref<80x128xf32, #tpu.memory_space<hbm>>
      tpu.enqueue_dma source(%dma_start3A_521 : memref<80x128xf32, #tpu.memory_space<hbm>>) target(%arg14 : memref<80x128xf32, #tpu.memory_space<vmem>>) target_semaphore(%arg19 : memref<!tpu.dma_semaphore, #tpu.memory_space<semaphore_mem>>)
      %dma_start3A_522 = arith.constant 0 : i32
      %dma_start3A_523 = arith.constant 0 : i32
      %dma_start3A_524 = tpu.memref_slice %arg9[%dma_start3A_522, %dma_start3A_523] : memref<1x80xi32, #tpu.memory_space<vmem>> -> memref<1x80xi32, #tpu.memory_space<vmem>>
      %dma_start3A_525 = tpu.memref_squeeze %dma_start3A_524 : memref<1x80xi32, #tpu.memory_space<vmem>> -> memref<80xi32, #tpu.memory_space<vmem>>
      %dma_start3A_526 = tpu.memref_slice %arg3[%multiple_of3A_517] : memref<320000xi32, #tpu.memory_space<hbm>> -> memref<80xi32, #tpu.memory_space<hbm>>
      %dma_start3A_527 = arith.constant 0 : i32
      %dma_start3A_528 = tpu.memref_slice %arg9[%dma_start3A_522, %dma_start3A_527] : memref<1x80xi32, #tpu.memory_space<vmem>> -> memref<1x80xi32, #tpu.memory_space<vmem>>
      %dma_start3A_529 = tpu.memref_squeeze %dma_start3A_528 : memref<1x80xi32, #tpu.memory_space<vmem>> -> memref<80xi32, #tpu.memory_space<vmem>>
      %dma_start3A_530 = tpu.memref_slice %arg3[%multiple_of3A_517] : memref<320000xi32, #tpu.memory_space<hbm>> -> memref<80xi32, #tpu.memory_space<hbm>>
      tpu.enqueue_dma source(%dma_start3A_530 : memref<80xi32, #tpu.memory_space<hbm>>) target(%dma_start3A_529 : memref<80xi32, #tpu.memory_space<vmem>>) target_semaphore(%arg23 : memref<!tpu.dma_semaphore, #tpu.memory_space<semaphore_mem>>)
      %dma_wait3A_531 = arith.constant 0 : i32
      %dma_wait3A_532 = arith.constant 0 : i32
      %dma_wait3A_533 = tpu.memref_slice %arg2[%dma_wait3A_531, %dma_wait3A_532] : memref<160000x128xf32, #tpu.memory_space<hbm>> -> memref<80x128xf32, #tpu.memory_space<hbm>>
      %dma_wait3A_534 = arith.constant 0 : i32
      %dma_wait3A_535 = arith.constant 0 : i32
      %dma_wait3A_536 = tpu.memref_slice %arg2[%dma_wait3A_534, %dma_wait3A_535] : memref<160000x128xf32, #tpu.memory_space<hbm>> -> memref<80x128xf32, #tpu.memory_space<hbm>>
      tpu.wait_dma2 semaphore(%arg18 : memref<!tpu.dma_semaphore, #tpu.memory_space<semaphore_mem>>) src(%dma_wait3A_536 : memref<80x128xf32, #tpu.memory_space<hbm>>) dst(%arg13 : memref<80x128xf32, #tpu.memory_space<vmem>>)
      %dma_wait3A_537 = arith.constant 0 : i32
      %dma_wait3A_538 = arith.constant 0 : i32
      %dma_wait3A_539 = tpu.memref_slice %arg8[%dma_wait3A_537, %dma_wait3A_538] : memref<1x80xi32, #tpu.memory_space<vmem>> -> memref<1x80xi32, #tpu.memory_space<vmem>>
      %dma_wait3A_540 = tpu.memref_squeeze %dma_wait3A_539 : memref<1x80xi32, #tpu.memory_space<vmem>> -> memref<80xi32, #tpu.memory_space<vmem>>
      %dma_wait3A_541 = arith.constant 0 : i32
      %dma_wait3A_542 = tpu.memref_slice %arg3[%dma_wait3A_541] : memref<320000xi32, #tpu.memory_space<hbm>> -> memref<80xi32, #tpu.memory_space<hbm>>
      %dma_wait3A_543 = arith.constant 0 : i32
      %dma_wait3A_544 = tpu.memref_slice %arg8[%dma_wait3A_537, %dma_wait3A_543] : memref<1x80xi32, #tpu.memory_space<vmem>> -> memref<1x80xi32, #tpu.memory_space<vmem>>
      %dma_wait3A_545 = tpu.memref_squeeze %dma_wait3A_544 : memref<1x80xi32, #tpu.memory_space<vmem>> -> memref<80xi32, #tpu.memory_space<vmem>>
      %dma_wait3A_546 = arith.constant 0 : i32
      %dma_wait3A_547 = tpu.memref_slice %arg3[%dma_wait3A_546] : memref<320000xi32, #tpu.memory_space<hbm>> -> memref<80xi32, #tpu.memory_space<hbm>>
      tpu.wait_dma2 semaphore(%arg22 : memref<!tpu.dma_semaphore, #tpu.memory_space<semaphore_mem>>) src(%dma_wait3A_547 : memref<80xi32, #tpu.memory_space<hbm>>) dst(%dma_wait3A_545 : memref<80xi32, #tpu.memory_space<vmem>>)
      %dma_start3A_548 = arith.constant 0 : i32
      %dma_start3A_549 = arith.constant 0 : i32
      %dma_start3A_550 = tpu.memref_slice %arg8[%dma_start3A_548, %dma_start3A_549] : memref<1x80xi32, #tpu.memory_space<vmem>> -> memref<1x80xi32, #tpu.memory_space<vmem>>
      %dma_start3A_551 = tpu.memref_squeeze %dma_start3A_550 : memref<1x80xi32, #tpu.memory_space<vmem>> -> memref<80xi32, #tpu.memory_space<vmem>>
      %dma_start3A_552 = arith.constant 0 : i32
      %dma_start3A_553 = arith.constant 0 : i32
      %dma_start3A_554 = tpu.memref_slice %arg15[%dma_start3A_552, %dma_start3A_553] : memref<10112x128xf32, #tpu.memory_space<vmem_shared>> -> memref<10112x128xf32, #tpu.memory_space<vmem_shared>>
      tpu.enqueue_indirect_dma source(%arg13 : memref<80x128xf32, #tpu.memory_space<vmem>>) target(%dma_start3A_554 : memref<10112x128xf32, #tpu.memory_space<vmem_shared>>) offsets(%dma_start3A_551 : memref<80xi32, #tpu.memory_space<vmem>>) semaphore(%arg26 : memref<!tpu.dma_semaphore, #tpu.memory_space<semaphore_mem>>) {add = true}
    }
    %scan3A_163 = arith.constant 14 : i32
    %dma_wait3A_164 = arith.constant 0 : i32
    %dma_wait3A_165 = arith.constant 0 : i32
    %dma_wait3A_166 = tpu.memref_slice %arg2[%dma_wait3A_164, %dma_wait3A_165] : memref<160000x128xf32, #tpu.memory_space<hbm>> -> memref<80x128xf32, #tpu.memory_space<hbm>>
    %dma_wait3A_167 = arith.constant 0 : i32
    %dma_wait3A_168 = arith.constant 0 : i32
    %dma_wait3A_169 = tpu.memref_slice %arg2[%dma_wait3A_167, %dma_wait3A_168] : memref<160000x128xf32, #tpu.memory_space<hbm>> -> memref<80x128xf32, #tpu.memory_space<hbm>>
    tpu.wait_dma2 semaphore(%arg24 : memref<!tpu.dma_semaphore, #tpu.memory_space<semaphore_mem>>) src(%dma_wait3A_169 : memref<80x128xf32, #tpu.memory_space<hbm>>) dst(%arg11 : memref<80x128xf32, #tpu.memory_space<vmem>>)
    %add3A_170 = arith.constant 4800 : i32
    %add3A_171 = arith.addi %mul3A_4, %add3A_170 : i32
    %multiple_of3A_172 = tpu.assume_multiple %add3A_171, 8 : i32
    %add3A_173 = arith.constant 160000 : i32
    %add3A_174 = arith.addi %add3A_173, %mul3A_4 : i32
    %add3A_175 = arith.constant 4800 : i32
    %add3A_176 = arith.addi %add3A_174, %add3A_175 : i32
    %multiple_of3A_177 = tpu.assume_multiple %add3A_176, 8 : i32
    %dma_start3A_178 = arith.constant 0 : i32
    %dma_start3A_179 = tpu.memref_slice %arg2[%multiple_of3A_172, %dma_start3A_178] : memref<160000x128xf32, #tpu.memory_space<hbm>> -> memref<80x128xf32, #tpu.memory_space<hbm>>
    %dma_start3A_180 = arith.constant 0 : i32
    %dma_start3A_181 = tpu.memref_slice %arg2[%multiple_of3A_172, %dma_start3A_180] : memref<160000x128xf32, #tpu.memory_space<hbm>> -> memref<80x128xf32, #tpu.memory_space<hbm>>
    tpu.enqueue_dma source(%dma_start3A_181 : memref<80x128xf32, #tpu.memory_space<hbm>>) target(%arg11 : memref<80x128xf32, #tpu.memory_space<vmem>>) target_semaphore(%arg16 : memref<!tpu.dma_semaphore, #tpu.memory_space<semaphore_mem>>)
    %dma_start3A_182 = arith.constant 0 : i32
    %dma_start3A_183 = arith.constant 0 : i32
    %dma_start3A_184 = tpu.memref_slice %arg6[%dma_start3A_182, %dma_start3A_183] : memref<1x80xi32, #tpu.memory_space<vmem>> -> memref<1x80xi32, #tpu.memory_space<vmem>>
    %dma_start3A_185 = tpu.memref_squeeze %dma_start3A_184 : memref<1x80xi32, #tpu.memory_space<vmem>> -> memref<80xi32, #tpu.memory_space<vmem>>
    %dma_start3A_186 = tpu.memref_slice %arg3[%multiple_of3A_177] : memref<320000xi32, #tpu.memory_space<hbm>> -> memref<80xi32, #tpu.memory_space<hbm>>
    %dma_start3A_187 = arith.constant 0 : i32
    %dma_start3A_188 = tpu.memref_slice %arg6[%dma_start3A_182, %dma_start3A_187] : memref<1x80xi32, #tpu.memory_space<vmem>> -> memref<1x80xi32, #tpu.memory_space<vmem>>
    %dma_start3A_189 = tpu.memref_squeeze %dma_start3A_188 : memref<1x80xi32, #tpu.memory_space<vmem>> -> memref<80xi32, #tpu.memory_space<vmem>>
    %dma_start3A_190 = tpu.memref_slice %arg3[%multiple_of3A_177] : memref<320000xi32, #tpu.memory_space<hbm>> -> memref<80xi32, #tpu.memory_space<hbm>>
    tpu.enqueue_dma source(%dma_start3A_190 : memref<80xi32, #tpu.memory_space<hbm>>) target(%dma_start3A_189 : memref<80xi32, #tpu.memory_space<vmem>>) target_semaphore(%arg20 : memref<!tpu.dma_semaphore, #tpu.memory_space<semaphore_mem>>)
    %dma_wait3A_191 = arith.constant 0 : i32
    %dma_wait3A_192 = arith.constant 0 : i32
    %dma_wait3A_193 = tpu.memref_slice %arg2[%dma_wait3A_191, %dma_wait3A_192] : memref<160000x128xf32, #tpu.memory_space<hbm>> -> memref<80x128xf32, #tpu.memory_space<hbm>>
    %dma_wait3A_194 = arith.constant 0 : i32
    %dma_wait3A_195 = arith.constant 0 : i32
    %dma_wait3A_196 = tpu.memref_slice %arg2[%dma_wait3A_194, %dma_wait3A_195] : memref<160000x128xf32, #tpu.memory_space<hbm>> -> memref<80x128xf32, #tpu.memory_space<hbm>>
    tpu.wait_dma2 semaphore(%arg19 : memref<!tpu.dma_semaphore, #tpu.memory_space<semaphore_mem>>) src(%dma_wait3A_196 : memref<80x128xf32, #tpu.memory_space<hbm>>) dst(%arg14 : memref<80x128xf32, #tpu.memory_space<vmem>>)
    %dma_wait3A_197 = arith.constant 0 : i32
    %dma_wait3A_198 = arith.constant 0 : i32
    %dma_wait3A_199 = tpu.memref_slice %arg9[%dma_wait3A_197, %dma_wait3A_198] : memref<1x80xi32, #tpu.memory_space<vmem>> -> memref<1x80xi32, #tpu.memory_space<vmem>>
    %dma_wait3A_200 = tpu.memref_squeeze %dma_wait3A_199 : memref<1x80xi32, #tpu.memory_space<vmem>> -> memref<80xi32, #tpu.memory_space<vmem>>
    %dma_wait3A_201 = arith.constant 0 : i32
    %dma_wait3A_202 = tpu.memref_slice %arg3[%dma_wait3A_201] : memref<320000xi32, #tpu.memory_space<hbm>> -> memref<80xi32, #tpu.memory_space<hbm>>
    %dma_wait3A_203 = arith.constant 0 : i32
    %dma_wait3A_204 = tpu.memref_slice %arg9[%dma_wait3A_197, %dma_wait3A_203] : memref<1x80xi32, #tpu.memory_space<vmem>> -> memref<1x80xi32, #tpu.memory_space<vmem>>
    %dma_wait3A_205 = tpu.memref_squeeze %dma_wait3A_204 : memref<1x80xi32, #tpu.memory_space<vmem>> -> memref<80xi32, #tpu.memory_space<vmem>>
    %dma_wait3A_206 = arith.constant 0 : i32
    %dma_wait3A_207 = tpu.memref_slice %arg3[%dma_wait3A_206] : memref<320000xi32, #tpu.memory_space<hbm>> -> memref<80xi32, #tpu.memory_space<hbm>>
    tpu.wait_dma2 semaphore(%arg23 : memref<!tpu.dma_semaphore, #tpu.memory_space<semaphore_mem>>) src(%dma_wait3A_207 : memref<80xi32, #tpu.memory_space<hbm>>) dst(%dma_wait3A_205 : memref<80xi32, #tpu.memory_space<vmem>>)
    %dma_start3A_208 = arith.constant 0 : i32
    %dma_start3A_209 = arith.constant 0 : i32
    %dma_start3A_210 = tpu.memref_slice %arg9[%dma_start3A_208, %dma_start3A_209] : memref<1x80xi32, #tpu.memory_space<vmem>> -> memref<1x80xi32, #tpu.memory_space<vmem>>
    %dma_start3A_211 = tpu.memref_squeeze %dma_start3A_210 : memref<1x80xi32, #tpu.memory_space<vmem>> -> memref<80xi32, #tpu.memory_space<vmem>>
    %dma_start3A_212 = arith.constant 0 : i32
    %dma_start3A_213 = arith.constant 0 : i32
    %dma_start3A_214 = tpu.memref_slice %arg15[%dma_start3A_212, %dma_start3A_213] : memref<10112x128xf32, #tpu.memory_space<vmem_shared>> -> memref<10112x128xf32, #tpu.memory_space<vmem_shared>>
    tpu.enqueue_indirect_dma source(%arg14 : memref<80x128xf32, #tpu.memory_space<vmem>>) target(%dma_start3A_214 : memref<10112x128xf32, #tpu.memory_space<vmem_shared>>) offsets(%dma_start3A_211 : memref<80xi32, #tpu.memory_space<vmem>>) semaphore(%arg27 : memref<!tpu.dma_semaphore, #tpu.memory_space<semaphore_mem>>) {add = true}
    %dma_wait3A_215 = arith.constant 0 : i32
    %dma_wait3A_216 = arith.constant 0 : i32
    %dma_wait3A_217 = tpu.memref_slice %arg2[%dma_wait3A_215, %dma_wait3A_216] : memref<160000x128xf32, #tpu.memory_space<hbm>> -> memref<80x128xf32, #tpu.memory_space<hbm>>
    %dma_wait3A_218 = arith.constant 0 : i32
    %dma_wait3A_219 = arith.constant 0 : i32
    %dma_wait3A_220 = tpu.memref_slice %arg2[%dma_wait3A_218, %dma_wait3A_219] : memref<160000x128xf32, #tpu.memory_space<hbm>> -> memref<80x128xf32, #tpu.memory_space<hbm>>
    tpu.wait_dma2 semaphore(%arg25 : memref<!tpu.dma_semaphore, #tpu.memory_space<semaphore_mem>>) src(%dma_wait3A_220 : memref<80x128xf32, #tpu.memory_space<hbm>>) dst(%arg12 : memref<80x128xf32, #tpu.memory_space<vmem>>)
    %add3A_221 = arith.constant 4880 : i32
    %add3A_222 = arith.addi %mul3A_4, %add3A_221 : i32
    %multiple_of3A_223 = tpu.assume_multiple %add3A_222, 8 : i32
    %add3A_224 = arith.constant 160000 : i32
    %add3A_225 = arith.addi %add3A_224, %mul3A_4 : i32
    %add3A_226 = arith.constant 4880 : i32
    %add3A_227 = arith.addi %add3A_225, %add3A_226 : i32
    %multiple_of3A_228 = tpu.assume_multiple %add3A_227, 8 : i32
    %dma_start3A_229 = arith.constant 0 : i32
    %dma_start3A_230 = tpu.memref_slice %arg2[%multiple_of3A_223, %dma_start3A_229] : memref<160000x128xf32, #tpu.memory_space<hbm>> -> memref<80x128xf32, #tpu.memory_space<hbm>>
    %dma_start3A_231 = arith.constant 0 : i32
    %dma_start3A_232 = tpu.memref_slice %arg2[%multiple_of3A_223, %dma_start3A_231] : memref<160000x128xf32, #tpu.memory_space<hbm>> -> memref<80x128xf32, #tpu.memory_space<hbm>>
    tpu.enqueue_dma source(%dma_start3A_232 : memref<80x128xf32, #tpu.memory_space<hbm>>) target(%arg12 : memref<80x128xf32, #tpu.memory_space<vmem>>) target_semaphore(%arg17 : memref<!tpu.dma_semaphore, #tpu.memory_space<semaphore_mem>>)
    %dma_start3A_233 = arith.constant 0 : i32
    %dma_start3A_234 = arith.constant 0 : i32
    %dma_start3A_235 = tpu.memref_slice %arg7[%dma_start3A_233, %dma_start3A_234] : memref<1x80xi32, #tpu.memory_space<vmem>> -> memref<1x80xi32, #tpu.memory_space<vmem>>
    %dma_start3A_236 = tpu.memref_squeeze %dma_start3A_235 : memref<1x80xi32, #tpu.memory_space<vmem>> -> memref<80xi32, #tpu.memory_space<vmem>>
    %dma_start3A_237 = tpu.memref_slice %arg3[%multiple_of3A_228] : memref<320000xi32, #tpu.memory_space<hbm>> -> memref<80xi32, #tpu.memory_space<hbm>>
    %dma_start3A_238 = arith.constant 0 : i32
    %dma_start3A_239 = tpu.memref_slice %arg7[%dma_start3A_233, %dma_start3A_238] : memref<1x80xi32, #tpu.memory_space<vmem>> -> memref<1x80xi32, #tpu.memory_space<vmem>>
    %dma_start3A_240 = tpu.memref_squeeze %dma_start3A_239 : memref<1x80xi32, #tpu.memory_space<vmem>> -> memref<80xi32, #tpu.memory_space<vmem>>
    %dma_start3A_241 = tpu.memref_slice %arg3[%multiple_of3A_228] : memref<320000xi32, #tpu.memory_space<hbm>> -> memref<80xi32, #tpu.memory_space<hbm>>
    tpu.enqueue_dma source(%dma_start3A_241 : memref<80xi32, #tpu.memory_space<hbm>>) target(%dma_start3A_240 : memref<80xi32, #tpu.memory_space<vmem>>) target_semaphore(%arg21 : memref<!tpu.dma_semaphore, #tpu.memory_space<semaphore_mem>>)
    %dma_wait3A_242 = arith.constant 0 : i32
    %dma_wait3A_243 = arith.constant 0 : i32
    %dma_wait3A_244 = tpu.memref_slice %arg2[%dma_wait3A_242, %dma_wait3A_243] : memref<160000x128xf32, #tpu.memory_space<hbm>> -> memref<80x128xf32, #tpu.memory_space<hbm>>
    %dma_wait3A_245 = arith.constant 0 : i32
    %dma_wait3A_246 = arith.constant 0 : i32
    %dma_wait3A_247 = tpu.memref_slice %arg2[%dma_wait3A_245, %dma_wait3A_246] : memref<160000x128xf32, #tpu.memory_space<hbm>> -> memref<80x128xf32, #tpu.memory_space<hbm>>
    tpu.wait_dma2 semaphore(%arg16 : memref<!tpu.dma_semaphore, #tpu.memory_space<semaphore_mem>>) src(%dma_wait3A_247 : memref<80x128xf32, #tpu.memory_space<hbm>>) dst(%arg11 : memref<80x128xf32, #tpu.memory_space<vmem>>)
    %dma_wait3A_248 = arith.constant 0 : i32
    %dma_wait3A_249 = arith.constant 0 : i32
    %dma_wait3A_250 = tpu.memref_slice %arg6[%dma_wait3A_248, %dma_wait3A_249] : memref<1x80xi32, #tpu.memory_space<vmem>> -> memref<1x80xi32, #tpu.memory_space<vmem>>
    %dma_wait3A_251 = tpu.memref_squeeze %dma_wait3A_250 : memref<1x80xi32, #tpu.memory_space<vmem>> -> memref<80xi32, #tpu.memory_space<vmem>>
    %dma_wait3A_252 = arith.constant 0 : i32
    %dma_wait3A_253 = tpu.memref_slice %arg3[%dma_wait3A_252] : memref<320000xi32, #tpu.memory_space<hbm>> -> memref<80xi32, #tpu.memory_space<hbm>>
    %dma_wait3A_254 = arith.constant 0 : i32
    %dma_wait3A_255 = tpu.memref_slice %arg6[%dma_wait3A_248, %dma_wait3A_254] : memref<1x80xi32, #tpu.memory_space<vmem>> -> memref<1x80xi32, #tpu.memory_space<vmem>>
    %dma_wait3A_256 = tpu.memref_squeeze %dma_wait3A_255 : memref<1x80xi32, #tpu.memory_space<vmem>> -> memref<80xi32, #tpu.memory_space<vmem>>
    %dma_wait3A_257 = arith.constant 0 : i32
    %dma_wait3A_258 = tpu.memref_slice %arg3[%dma_wait3A_257] : memref<320000xi32, #tpu.memory_space<hbm>> -> memref<80xi32, #tpu.memory_space<hbm>>
    tpu.wait_dma2 semaphore(%arg20 : memref<!tpu.dma_semaphore, #tpu.memory_space<semaphore_mem>>) src(%dma_wait3A_258 : memref<80xi32, #tpu.memory_space<hbm>>) dst(%dma_wait3A_256 : memref<80xi32, #tpu.memory_space<vmem>>)
    %dma_start3A_259 = arith.constant 0 : i32
    %dma_start3A_260 = arith.constant 0 : i32
    %dma_start3A_261 = tpu.memref_slice %arg6[%dma_start3A_259, %dma_start3A_260] : memref<1x80xi32, #tpu.memory_space<vmem>> -> memref<1x80xi32, #tpu.memory_space<vmem>>
    %dma_start3A_262 = tpu.memref_squeeze %dma_start3A_261 : memref<1x80xi32, #tpu.memory_space<vmem>> -> memref<80xi32, #tpu.memory_space<vmem>>
    %dma_start3A_263 = arith.constant 0 : i32
    %dma_start3A_264 = arith.constant 0 : i32
    %dma_start3A_265 = tpu.memref_slice %arg15[%dma_start3A_263, %dma_start3A_264] : memref<10112x128xf32, #tpu.memory_space<vmem_shared>> -> memref<10112x128xf32, #tpu.memory_space<vmem_shared>>
    tpu.enqueue_indirect_dma source(%arg11 : memref<80x128xf32, #tpu.memory_space<vmem>>) target(%dma_start3A_265 : memref<10112x128xf32, #tpu.memory_space<vmem_shared>>) offsets(%dma_start3A_262 : memref<80xi32, #tpu.memory_space<vmem>>) semaphore(%arg24 : memref<!tpu.dma_semaphore, #tpu.memory_space<semaphore_mem>>) {add = true}
    %dma_wait3A_266 = arith.constant 0 : i32
    %dma_wait3A_267 = arith.constant 0 : i32
    %dma_wait3A_268 = tpu.memref_slice %arg2[%dma_wait3A_266, %dma_wait3A_267] : memref<160000x128xf32, #tpu.memory_space<hbm>> -> memref<80x128xf32, #tpu.memory_space<hbm>>
    %dma_wait3A_269 = arith.constant 0 : i32
    %dma_wait3A_270 = arith.constant 0 : i32
    %dma_wait3A_271 = tpu.memref_slice %arg2[%dma_wait3A_269, %dma_wait3A_270] : memref<160000x128xf32, #tpu.memory_space<hbm>> -> memref<80x128xf32, #tpu.memory_space<hbm>>
    tpu.wait_dma2 semaphore(%arg26 : memref<!tpu.dma_semaphore, #tpu.memory_space<semaphore_mem>>) src(%dma_wait3A_271 : memref<80x128xf32, #tpu.memory_space<hbm>>) dst(%arg13 : memref<80x128xf32, #tpu.memory_space<vmem>>)
    %dma_wait3A_272 = arith.constant 0 : i32
    %dma_wait3A_273 = arith.constant 0 : i32
    %dma_wait3A_274 = tpu.memref_slice %arg2[%dma_wait3A_272, %dma_wait3A_273] : memref<160000x128xf32, #tpu.memory_space<hbm>> -> memref<80x128xf32, #tpu.memory_space<hbm>>
    %dma_wait3A_275 = arith.constant 0 : i32
    %dma_wait3A_276 = arith.constant 0 : i32
    %dma_wait3A_277 = tpu.memref_slice %arg2[%dma_wait3A_275, %dma_wait3A_276] : memref<160000x128xf32, #tpu.memory_space<hbm>> -> memref<80x128xf32, #tpu.memory_space<hbm>>
    tpu.wait_dma2 semaphore(%arg17 : memref<!tpu.dma_semaphore, #tpu.memory_space<semaphore_mem>>) src(%dma_wait3A_277 : memref<80x128xf32, #tpu.memory_space<hbm>>) dst(%arg12 : memref<80x128xf32, #tpu.memory_space<vmem>>)
    %dma_wait3A_278 = arith.constant 0 : i32
    %dma_wait3A_279 = arith.constant 0 : i32
    %dma_wait3A_280 = tpu.memref_slice %arg7[%dma_wait3A_278, %dma_wait3A_279] : memref<1x80xi32, #tpu.memory_space<vmem>> -> memref<1x80xi32, #tpu.memory_space<vmem>>
    %dma_wait3A_281 = tpu.memref_squeeze %dma_wait3A_280 : memref<1x80xi32, #tpu.memory_space<vmem>> -> memref<80xi32, #tpu.memory_space<vmem>>
    %dma_wait3A_282 = arith.constant 0 : i32
    %dma_wait3A_283 = tpu.memref_slice %arg3[%dma_wait3A_282] : memref<320000xi32, #tpu.memory_space<hbm>> -> memref<80xi32, #tpu.memory_space<hbm>>
    %dma_wait3A_284 = arith.constant 0 : i32
    %dma_wait3A_285 = tpu.memref_slice %arg7[%dma_wait3A_278, %dma_wait3A_284] : memref<1x80xi32, #tpu.memory_space<vmem>> -> memref<1x80xi32, #tpu.memory_space<vmem>>
    %dma_wait3A_286 = tpu.memref_squeeze %dma_wait3A_285 : memref<1x80xi32, #tpu.memory_space<vmem>> -> memref<80xi32, #tpu.memory_space<vmem>>
    %dma_wait3A_287 = arith.constant 0 : i32
    %dma_wait3A_288 = tpu.memref_slice %arg3[%dma_wait3A_287] : memref<320000xi32, #tpu.memory_space<hbm>> -> memref<80xi32, #tpu.memory_space<hbm>>
    tpu.wait_dma2 semaphore(%arg21 : memref<!tpu.dma_semaphore, #tpu.memory_space<semaphore_mem>>) src(%dma_wait3A_288 : memref<80xi32, #tpu.memory_space<hbm>>) dst(%dma_wait3A_286 : memref<80xi32, #tpu.memory_space<vmem>>)
    %dma_start3A_289 = arith.constant 0 : i32
    %dma_start3A_290 = arith.constant 0 : i32
    %dma_start3A_291 = tpu.memref_slice %arg7[%dma_start3A_289, %dma_start3A_290] : memref<1x80xi32, #tpu.memory_space<vmem>> -> memref<1x80xi32, #tpu.memory_space<vmem>>
    %dma_start3A_292 = tpu.memref_squeeze %dma_start3A_291 : memref<1x80xi32, #tpu.memory_space<vmem>> -> memref<80xi32, #tpu.memory_space<vmem>>
    %dma_start3A_293 = arith.constant 0 : i32
    %dma_start3A_294 = arith.constant 0 : i32
    %dma_start3A_295 = tpu.memref_slice %arg15[%dma_start3A_293, %dma_start3A_294] : memref<10112x128xf32, #tpu.memory_space<vmem_shared>> -> memref<10112x128xf32, #tpu.memory_space<vmem_shared>>
    tpu.enqueue_indirect_dma source(%arg12 : memref<80x128xf32, #tpu.memory_space<vmem>>) target(%dma_start3A_295 : memref<10112x128xf32, #tpu.memory_space<vmem_shared>>) offsets(%dma_start3A_292 : memref<80xi32, #tpu.memory_space<vmem>>) semaphore(%arg25 : memref<!tpu.dma_semaphore, #tpu.memory_space<semaphore_mem>>) {add = true}
    %dma_wait3A_296 = arith.constant 0 : i32
    %dma_wait3A_297 = arith.constant 0 : i32
    %dma_wait3A_298 = tpu.memref_slice %arg2[%dma_wait3A_296, %dma_wait3A_297] : memref<160000x128xf32, #tpu.memory_space<hbm>> -> memref<80x128xf32, #tpu.memory_space<hbm>>
    %dma_wait3A_299 = arith.constant 0 : i32
    %dma_wait3A_300 = arith.constant 0 : i32
    %dma_wait3A_301 = tpu.memref_slice %arg2[%dma_wait3A_299, %dma_wait3A_300] : memref<160000x128xf32, #tpu.memory_space<hbm>> -> memref<80x128xf32, #tpu.memory_space<hbm>>
    tpu.wait_dma2 semaphore(%arg27 : memref<!tpu.dma_semaphore, #tpu.memory_space<semaphore_mem>>) src(%dma_wait3A_301 : memref<80x128xf32, #tpu.memory_space<hbm>>) dst(%arg14 : memref<80x128xf32, #tpu.memory_space<vmem>>)
    %dma_wait3A_302 = arith.constant 0 : i32
    %dma_wait3A_303 = arith.constant 0 : i32
    %dma_wait3A_304 = tpu.memref_slice %arg2[%dma_wait3A_302, %dma_wait3A_303] : memref<160000x128xf32, #tpu.memory_space<hbm>> -> memref<80x128xf32, #tpu.memory_space<hbm>>
    %dma_wait3A_305 = arith.constant 0 : i32
    %dma_wait3A_306 = arith.constant 0 : i32
    %dma_wait3A_307 = tpu.memref_slice %arg2[%dma_wait3A_305, %dma_wait3A_306] : memref<160000x128xf32, #tpu.memory_space<hbm>> -> memref<80x128xf32, #tpu.memory_space<hbm>>
    tpu.wait_dma2 semaphore(%arg24 : memref<!tpu.dma_semaphore, #tpu.memory_space<semaphore_mem>>) src(%dma_wait3A_307 : memref<80x128xf32, #tpu.memory_space<hbm>>) dst(%arg11 : memref<80x128xf32, #tpu.memory_space<vmem>>)
    %dma_wait3A_308 = arith.constant 0 : i32
    %dma_wait3A_309 = arith.constant 0 : i32
    %dma_wait3A_310 = tpu.memref_slice %arg2[%dma_wait3A_308, %dma_wait3A_309] : memref<160000x128xf32, #tpu.memory_space<hbm>> -> memref<80x128xf32, #tpu.memory_space<hbm>>
    %dma_wait3A_311 = arith.constant 0 : i32
    %dma_wait3A_312 = arith.constant 0 : i32
    %dma_wait3A_313 = tpu.memref_slice %arg2[%dma_wait3A_311, %dma_wait3A_312] : memref<160000x128xf32, #tpu.memory_space<hbm>> -> memref<80x128xf32, #tpu.memory_space<hbm>>
    tpu.wait_dma2 semaphore(%arg25 : memref<!tpu.dma_semaphore, #tpu.memory_space<semaphore_mem>>) src(%dma_wait3A_313 : memref<80x128xf32, #tpu.memory_space<hbm>>) dst(%arg12 : memref<80x128xf32, #tpu.memory_space<vmem>>)
    %add3A_314 = arith.constant 4960 : i32
    %add3A_315 = arith.addi %mul3A_4, %add3A_314 : i32
    %multiple_of3A_316 = tpu.assume_multiple %add3A_315, 8 : i32
    %add3A_317 = arith.constant 160000 : i32
    %add3A_318 = arith.addi %add3A_317, %mul3A_4 : i32
    %add3A_319 = arith.constant 4960 : i32
    %add3A_320 = arith.addi %add3A_318, %add3A_319 : i32
    %multiple_of3A_321 = tpu.assume_multiple %add3A_320, 8 : i32
    %run_scoped3A = arith.constant 0 : i32
    "tpu.region"() ({
      %run_scoped3A_324 = tpu.sem_alloc : memref<!tpu.dma_semaphore, #tpu.memory_space<semaphore_mem>>
      %dma_start3A_325 = arith.constant 0 : i32
      %dma_start3A_326 = tpu.memref_slice %arg10[%run_scoped3A, %dma_start3A_325] : memref<1x40xi32, #tpu.memory_space<vmem>> -> memref<1x40xi32, #tpu.memory_space<vmem>>
      %dma_start3A_327 = tpu.memref_squeeze %dma_start3A_326 : memref<1x40xi32, #tpu.memory_space<vmem>> -> memref<40xi32, #tpu.memory_space<vmem>>
      %dma_start3A_328 = tpu.memref_slice %arg3[%multiple_of3A_321] : memref<320000xi32, #tpu.memory_space<hbm>> -> memref<40xi32, #tpu.memory_space<hbm>>
      %dma_start3A_329 = arith.constant 0 : i32
      %dma_start3A_330 = tpu.memref_slice %arg10[%run_scoped3A, %dma_start3A_329] : memref<1x40xi32, #tpu.memory_space<vmem>> -> memref<1x40xi32, #tpu.memory_space<vmem>>
      %dma_start3A_331 = tpu.memref_squeeze %dma_start3A_330 : memref<1x40xi32, #tpu.memory_space<vmem>> -> memref<40xi32, #tpu.memory_space<vmem>>
      %dma_start3A_332 = tpu.memref_slice %arg3[%multiple_of3A_321] : memref<320000xi32, #tpu.memory_space<hbm>> -> memref<40xi32, #tpu.memory_space<hbm>>
      tpu.enqueue_dma source(%dma_start3A_332 : memref<40xi32, #tpu.memory_space<hbm>>) target(%dma_start3A_331 : memref<40xi32, #tpu.memory_space<vmem>>) target_semaphore(%run_scoped3A_324 : memref<!tpu.dma_semaphore, #tpu.memory_space<semaphore_mem>>)
      %dma_wait3A_333 = arith.constant 0 : i32
      %dma_wait3A_334 = tpu.memref_slice %arg10[%run_scoped3A, %dma_wait3A_333] : memref<1x40xi32, #tpu.memory_space<vmem>> -> memref<1x40xi32, #tpu.memory_space<vmem>>
      %dma_wait3A_335 = tpu.memref_squeeze %dma_wait3A_334 : memref<1x40xi32, #tpu.memory_space<vmem>> -> memref<40xi32, #tpu.memory_space<vmem>>
      %dma_wait3A_336 = tpu.memref_slice %arg3[%multiple_of3A_321] : memref<320000xi32, #tpu.memory_space<hbm>> -> memref<40xi32, #tpu.memory_space<hbm>>
      %dma_wait3A_337 = arith.constant 0 : i32
      %dma_wait3A_338 = tpu.memref_slice %arg10[%run_scoped3A, %dma_wait3A_337] : memref<1x40xi32, #tpu.memory_space<vmem>> -> memref<1x40xi32, #tpu.memory_space<vmem>>
      %dma_wait3A_339 = tpu.memref_squeeze %dma_wait3A_338 : memref<1x40xi32, #tpu.memory_space<vmem>> -> memref<40xi32, #tpu.memory_space<vmem>>
      %dma_wait3A_340 = tpu.memref_slice %arg3[%multiple_of3A_321] : memref<320000xi32, #tpu.memory_space<hbm>> -> memref<40xi32, #tpu.memory_space<hbm>>
      tpu.wait_dma2 semaphore(%run_scoped3A_324 : memref<!tpu.dma_semaphore, #tpu.memory_space<semaphore_mem>>) src(%dma_wait3A_340 : memref<40xi32, #tpu.memory_space<hbm>>) dst(%dma_wait3A_339 : memref<40xi32, #tpu.memory_space<vmem>>)
      tpu.yield
    }) : () -> ()
    "tpu.region"() ({
      %run_scoped3A_324 = tpu.sem_alloc : memref<!tpu.dma_semaphore, #tpu.memory_space<semaphore_mem>>
      %dma_start3A_325 = arith.constant 0 : i32
      %dma_start3A_326 = arith.constant 0 : i32
      %dma_start3A_327 = tpu.memref_slice %arg11[%dma_start3A_325, %dma_start3A_326] : memref<80x128xf32, #tpu.memory_space<vmem>> -> memref<40x128xf32, #tpu.memory_space<vmem>>
      %dma_start3A_328 = arith.constant 0 : i32
      %dma_start3A_329 = tpu.memref_slice %arg2[%multiple_of3A_316, %dma_start3A_328] : memref<160000x128xf32, #tpu.memory_space<hbm>> -> memref<40x128xf32, #tpu.memory_space<hbm>>
      %dma_start3A_330 = arith.constant 0 : i32
      %dma_start3A_331 = arith.constant 0 : i32
      %dma_start3A_332 = tpu.memref_slice %arg11[%dma_start3A_330, %dma_start3A_331] : memref<80x128xf32, #tpu.memory_space<vmem>> -> memref<40x128xf32, #tpu.memory_space<vmem>>
      %dma_start3A_333 = arith.constant 0 : i32
      %dma_start3A_334 = tpu.memref_slice %arg2[%multiple_of3A_316, %dma_start3A_333] : memref<160000x128xf32, #tpu.memory_space<hbm>> -> memref<40x128xf32, #tpu.memory_space<hbm>>
      tpu.enqueue_dma source(%dma_start3A_334 : memref<40x128xf32, #tpu.memory_space<hbm>>) target(%dma_start3A_332 : memref<40x128xf32, #tpu.memory_space<vmem>>) target_semaphore(%run_scoped3A_324 : memref<!tpu.dma_semaphore, #tpu.memory_space<semaphore_mem>>)
      %dma_wait3A_335 = arith.constant 0 : i32
      %dma_wait3A_336 = arith.constant 0 : i32
      %dma_wait3A_337 = tpu.memref_slice %arg11[%dma_wait3A_335, %dma_wait3A_336] : memref<80x128xf32, #tpu.memory_space<vmem>> -> memref<40x128xf32, #tpu.memory_space<vmem>>
      %dma_wait3A_338 = arith.constant 0 : i32
      %dma_wait3A_339 = tpu.memref_slice %arg2[%multiple_of3A_316, %dma_wait3A_338] : memref<160000x128xf32, #tpu.memory_space<hbm>> -> memref<40x128xf32, #tpu.memory_space<hbm>>
      %dma_wait3A_340 = arith.constant 0 : i32
      %dma_wait3A_341 = arith.constant 0 : i32
      %dma_wait3A_342 = tpu.memref_slice %arg11[%dma_wait3A_340, %dma_wait3A_341] : memref<80x128xf32, #tpu.memory_space<vmem>> -> memref<40x128xf32, #tpu.memory_space<vmem>>
      %dma_wait3A_343 = arith.constant 0 : i32
      %dma_wait3A_344 = tpu.memref_slice %arg2[%multiple_of3A_316, %dma_wait3A_343] : memref<160000x128xf32, #tpu.memory_space<hbm>> -> memref<40x128xf32, #tpu.memory_space<hbm>>
      tpu.wait_dma2 semaphore(%run_scoped3A_324 : memref<!tpu.dma_semaphore, #tpu.memory_space<semaphore_mem>>) src(%dma_wait3A_344 : memref<40x128xf32, #tpu.memory_space<hbm>>) dst(%dma_wait3A_342 : memref<40x128xf32, #tpu.memory_space<vmem>>)
      tpu.yield
    }) : () -> ()
    %run_scoped3A_322 = arith.constant 0 : i32
    "tpu.region"() ({
      %run_scoped3A_324 = tpu.sem_alloc : memref<!tpu.dma_semaphore, #tpu.memory_space<semaphore_mem>>
      %dma_start3A_325 = arith.constant 0 : i32
      %dma_start3A_326 = arith.constant 0 : i32
      %dma_start3A_327 = tpu.memref_slice %arg11[%dma_start3A_325, %dma_start3A_326] : memref<80x128xf32, #tpu.memory_space<vmem>> -> memref<40x128xf32, #tpu.memory_space<vmem>>
      %dma_start3A_328 = arith.constant 0 : i32
      %dma_start3A_329 = tpu.memref_slice %arg10[%run_scoped3A_322, %dma_start3A_328] : memref<1x40xi32, #tpu.memory_space<vmem>> -> memref<1x40xi32, #tpu.memory_space<vmem>>
      %dma_start3A_330 = tpu.memref_squeeze %dma_start3A_329 : memref<1x40xi32, #tpu.memory_space<vmem>> -> memref<40xi32, #tpu.memory_space<vmem>>
      %dma_start3A_331 = arith.constant 0 : i32
      %dma_start3A_332 = arith.constant 0 : i32
      %dma_start3A_333 = tpu.memref_slice %arg15[%dma_start3A_331, %dma_start3A_332] : memref<10112x128xf32, #tpu.memory_space<vmem_shared>> -> memref<10112x128xf32, #tpu.memory_space<vmem_shared>>
      tpu.enqueue_indirect_dma source(%dma_start3A_327 : memref<40x128xf32, #tpu.memory_space<vmem>>) target(%dma_start3A_333 : memref<10112x128xf32, #tpu.memory_space<vmem_shared>>) offsets(%dma_start3A_330 : memref<40xi32, #tpu.memory_space<vmem>>) semaphore(%run_scoped3A_324 : memref<!tpu.dma_semaphore, #tpu.memory_space<semaphore_mem>>) {add = true}
      %dma_wait3A_334 = arith.constant 0 : i32
      %dma_wait3A_335 = arith.constant 0 : i32
      %dma_wait3A_336 = tpu.memref_slice %arg11[%dma_wait3A_334, %dma_wait3A_335] : memref<80x128xf32, #tpu.memory_space<vmem>> -> memref<40x128xf32, #tpu.memory_space<vmem>>
      %dma_wait3A_337 = arith.constant 0 : i32
      %dma_wait3A_338 = tpu.memref_slice %arg10[%run_scoped3A_322, %dma_wait3A_337] : memref<1x40xi32, #tpu.memory_space<vmem>> -> memref<1x40xi32, #tpu.memory_space<vmem>>
      %dma_wait3A_339 = tpu.memref_squeeze %dma_wait3A_338 : memref<1x40xi32, #tpu.memory_space<vmem>> -> memref<40xi32, #tpu.memory_space<vmem>>
      %dma_wait3A_340 = arith.constant 0 : i32
      %dma_wait3A_341 = arith.constant 0 : i32
      %dma_wait3A_342 = tpu.memref_slice %arg15[%dma_wait3A_340, %dma_wait3A_341] : memref<10112x128xf32, #tpu.memory_space<vmem_shared>> -> memref<10112x128xf32, #tpu.memory_space<vmem_shared>>
      tpu.wait_indirect_dma semaphore(%run_scoped3A_324 : memref<!tpu.dma_semaphore, #tpu.memory_space<semaphore_mem>>) src(%dma_wait3A_336 : memref<40x128xf32, #tpu.memory_space<vmem>>) dst(%dma_wait3A_342 : memref<10112x128xf32, #tpu.memory_space<vmem_shared>>)
      tpu.yield
    }) : () -> ()
    %barrier3A_323 = arith.constant 0 : index
    tpu.barrier barrier_id(%barrier3A_323)
    "tpu.region"() ({
      %run_scoped3A_324 = tpu.sem_alloc : memref<!tpu.dma_semaphore, #tpu.memory_space<semaphore_mem>>
      %dma_start3A_325 = arith.constant 0 : i32
      %dma_start3A_326 = tpu.memref_slice %arg5[%arg0, %multiple_of3A, %dma_start3A_325] : memref<2x10112x128xf32, #tpu.memory_space<hbm>> -> memref<1x632x128xf32, #tpu.memory_space<hbm>>
      %dma_start3A_327 = tpu.memref_squeeze %dma_start3A_326 : memref<1x632x128xf32, #tpu.memory_space<hbm>> -> memref<632x128xf32, #tpu.memory_space<hbm>>
      %dma_start3A_328 = arith.constant 0 : i32
      %dma_start3A_329 = tpu.memref_slice %arg15[%multiple_of3A, %dma_start3A_328] : memref<10112x128xf32, #tpu.memory_space<vmem_shared>> -> memref<632x128xf32, #tpu.memory_space<vmem_shared>>
      tpu.enqueue_dma source(%dma_start3A_329 : memref<632x128xf32, #tpu.memory_space<vmem_shared>>) target(%dma_start3A_327 : memref<632x128xf32, #tpu.memory_space<hbm>>) target_semaphore(%run_scoped3A_324 : memref<!tpu.dma_semaphore, #tpu.memory_space<semaphore_mem>>)
      %dma_wait3A_330 = arith.constant 0 : i32
      %dma_wait3A_331 = tpu.memref_slice %arg5[%arg0, %multiple_of3A, %dma_wait3A_330] : memref<2x10112x128xf32, #tpu.memory_space<hbm>> -> memref<1x632x128xf32, #tpu.memory_space<hbm>>
      %dma_wait3A_332 = tpu.memref_squeeze %dma_wait3A_331 : memref<1x632x128xf32, #tpu.memory_space<hbm>> -> memref<632x128xf32, #tpu.memory_space<hbm>>
      %dma_wait3A_333 = arith.constant 0 : i32
      %dma_wait3A_334 = tpu.memref_slice %arg15[%multiple_of3A, %dma_wait3A_333] : memref<10112x128xf32, #tpu.memory_space<vmem_shared>> -> memref<632x128xf32, #tpu.memory_space<vmem_shared>>
      tpu.wait_dma2 semaphore(%run_scoped3A_324 : memref<!tpu.dma_semaphore, #tpu.memory_space<semaphore_mem>>) src(%dma_wait3A_334 : memref<632x128xf32, #tpu.memory_space<vmem_shared>>) dst(%dma_wait3A_332 : memref<632x128xf32, #tpu.memory_space<hbm>>)
      tpu.yield
    }) : () -> ()
    return
  }
}

#map = affine_map<(d0, d1) -> (0, 0)>
#map1 = affine_map<(d0, d1) -> (0)>
#map2 = affine_map<(d0, d1) -> (0, 0, 0)>
module attributes {stable_mosaic.version = 14 : i64} {
  func.func @_scatter_body(%arg0: i32, %arg1: i32, %arg2: memref<160000x128xf32, #tpu.memory_space<hbm>>, %arg3: memref<320000xi32, #tpu.memory_space<hbm>>, %arg4: memref<10112x128xf32, #tpu.memory_space<hbm>>, %arg5: memref<2x10112x128xf32, #tpu.memory_space<hbm>>, %arg6: memref<1x80xi32, #tpu.memory_space<vmem>>, %arg7: memref<1x80xi32, #tpu.memory_space<vmem>>, %arg8: memref<1x80xi32, #tpu.memory_space<vmem>>, %arg9: memref<1x80xi32, #tpu.memory_space<vmem>>, %arg10: memref<1x40xi32, #tpu.memory_space<vmem>>, %arg11: memref<80x128xf32, #tpu.memory_space<vmem>>, %arg12: memref<80x128xf32, #tpu.memory_space<vmem>>, %arg13: memref<80x128xf32, #tpu.memory_space<vmem>>, %arg14: memref<80x128xf32, #tpu.memory_space<vmem>>, %arg15: memref<10112x128xf32, #tpu.memory_space<vmem_shared>>, %arg16: memref<!tpu.dma_semaphore, #tpu.memory_space<semaphore_mem>>, %arg17: memref<!tpu.dma_semaphore, #tpu.memory_space<semaphore_mem>>, %arg18: memref<!tpu.dma_semaphore, #tpu.memory_space<semaphore_mem>>, %arg19: memref<!tpu.dma_semaphore, #tpu.memory_space<semaphore_mem>>, %arg20: memref<!tpu.dma_semaphore, #tpu.memory_space<semaphore_mem>>, %arg21: memref<!tpu.dma_semaphore, #tpu.memory_space<semaphore_mem>>, %arg22: memref<!tpu.dma_semaphore, #tpu.memory_space<semaphore_mem>>, %arg23: memref<!tpu.dma_semaphore, #tpu.memory_space<semaphore_mem>>, %arg24: memref<!tpu.dma_semaphore, #tpu.memory_space<semaphore_mem>>, %arg25: memref<!tpu.dma_semaphore, #tpu.memory_space<semaphore_mem>>, %arg26: memref<!tpu.dma_semaphore, #tpu.memory_space<semaphore_mem>>, %arg27: memref<!tpu.dma_semaphore, #tpu.memory_space<semaphore_mem>>) attributes {dimension_semantics = [#tpu.dimension_semantics<core_parallel>, #tpu.dimension_semantics<subcore_parallel>], iteration_bounds = array<i64: 2, 16>, scalar_prefetch = 0 : i64, scratch_operands = 22 : i64, tpu.core_type = #tpu.core_type<sc_vector_subcore>, window_params = [{transform_indices = #map}, {transform_indices = #map1}, {transform_indices = #map}, {transform_indices = #map2}]} {
    %mul3A = arith.constant 16 : i32
    %mul3A_0 = arith.muli %arg0, %mul3A : i32
    %add3A = arith.addi %mul3A_0, %arg1 : i32
    %mul3A_1 = arith.constant 632 : i32
    %mul3A_2 = arith.muli %arg1, %mul3A_1 : i32
    %multiple_of3A = tpu.assume_multiple %mul3A_2, 8 : i32
    "tpu.region"() ({
      %run_scoped3A_324 = tpu.sem_alloc : memref<!tpu.dma_semaphore, #tpu.memory_space<semaphore_mem>>
      %dma_start3A_325 = arith.constant 0 : i32
      %dma_start3A_326 = tpu.memref_slice %arg15[%multiple_of3A, %dma_start3A_325] : memref<10112x128xf32, #tpu.memory_space<vmem_shared>> -> memref<632x128xf32, #tpu.memory_space<vmem_shared>>
      %dma_start3A_327 = arith.constant 0 : i32
      %dma_start3A_328 = tpu.memref_slice %arg4[%multiple_of3A, %dma_start3A_327] : memref<10112x128xf32, #tpu.memory_space<hbm>> -> memref<632x128xf32, #tpu.memory_space<hbm>>
      tpu.enqueue_dma source(%dma_start3A_328 : memref<632x128xf32, #tpu.memory_space<hbm>>) target(%dma_start3A_326 : memref<632x128xf32, #tpu.memory_space<vmem_shared>>) target_semaphore(%run_scoped3A_324 : memref<!tpu.dma_semaphore, #tpu.memory_space<semaphore_mem>>)
      %dma_wait3A_329 = arith.constant 0 : i32
      %dma_wait3A_330 = tpu.memref_slice %arg15[%multiple_of3A, %dma_wait3A_329] : memref<10112x128xf32, #tpu.memory_space<vmem_shared>> -> memref<632x128xf32, #tpu.memory_space<vmem_shared>>
      %dma_wait3A_331 = arith.constant 0 : i32
      %dma_wait3A_332 = tpu.memref_slice %arg4[%multiple_of3A, %dma_wait3A_331] : memref<10112x128xf32, #tpu.memory_space<hbm>> -> memref<632x128xf32, #tpu.memory_space<hbm>>
      tpu.wait_dma2 semaphore(%run_scoped3A_324 : memref<!tpu.dma_semaphore, #tpu.memory_space<semaphore_mem>>) src(%dma_wait3A_332 : memref<632x128xf32, #tpu.memory_space<hbm>>) dst(%dma_wait3A_330 : memref<632x128xf32, #tpu.memory_space<vmem_shared>>)
      tpu.yield
    }) : () -> ()
    %barrier3A = arith.constant 0 : index
    tpu.barrier barrier_id(%barrier3A)
    %mul3A_3 = arith.constant 5000 : i32
    %mul3A_4 = arith.muli %add3A, %mul3A_3 : i32
    %add3A_5 = arith.constant 0 : i32
    %add3A_6 = arith.addi %mul3A_4, %add3A_5 : i32
    %multiple_of3A_7 = tpu.assume_multiple %add3A_6, 8 : i32
    %add3A_8 = arith.constant 0 : i32
    %add3A_9 = arith.addi %add3A_8, %mul3A_4 : i32
    %add3A_10 = arith.constant 0 : i32
    %add3A_11 = arith.addi %add3A_9, %add3A_10 : i32
    %multiple_of3A_12 = tpu.assume_multiple %add3A_11, 8 : i32
    %dma_start3A = arith.constant 0 : i32
    %dma_start3A_13 = tpu.memref_slice %arg2[%multiple_of3A_7, %dma_start3A] : memref<160000x128xf32, #tpu.memory_space<hbm>> -> memref<80x128xf32, #tpu.memory_space<hbm>>
    %dma_start3A_14 = arith.constant 0 : i32
    %dma_start3A_15 = tpu.memref_slice %arg2[%multiple_of3A_7, %dma_start3A_14] : memref<160000x128xf32, #tpu.memory_space<hbm>> -> memref<80x128xf32, #tpu.memory_space<hbm>>
    tpu.enqueue_dma source(%dma_start3A_15 : memref<80x128xf32, #tpu.memory_space<hbm>>) target(%arg11 : memref<80x128xf32, #tpu.memory_space<vmem>>) target_semaphore(%arg16 : memref<!tpu.dma_semaphore, #tpu.memory_space<semaphore_mem>>)
    %dma_start3A_16 = arith.constant 0 : i32
    %dma_start3A_17 = arith.constant 0 : i32
    %dma_start3A_18 = tpu.memref_slice %arg6[%dma_start3A_16, %dma_start3A_17] : memref<1x80xi32, #tpu.memory_space<vmem>> -> memref<1x80xi32, #tpu.memory_space<vmem>>
    %dma_start3A_19 = tpu.memref_squeeze %dma_start3A_18 : memref<1x80xi32, #tpu.memory_space<vmem>> -> memref<80xi32, #tpu.memory_space<vmem>>
    %dma_start3A_20 = tpu.memref_slice %arg3[%multiple_of3A_12] : memref<320000xi32, #tpu.memory_space<hbm>> -> memref<80xi32, #tpu.memory_space<hbm>>
    %dma_start3A_21 = arith.constant 0 : i32
    %dma_start3A_22 = tpu.memref_slice %arg6[%dma_start3A_16, %dma_start3A_21] : memref<1x80xi32, #tpu.memory_space<vmem>> -> memref<1x80xi32, #tpu.memory_space<vmem>>
    %dma_start3A_23 = tpu.memref_squeeze %dma_start3A_22 : memref<1x80xi32, #tpu.memory_space<vmem>> -> memref<80xi32, #tpu.memory_space<vmem>>
    %dma_start3A_24 = tpu.memref_slice %arg3[%multiple_of3A_12] : memref<320000xi32, #tpu.memory_space<hbm>> -> memref<80xi32, #tpu.memory_space<hbm>>
    tpu.enqueue_dma source(%dma_start3A_24 : memref<80xi32, #tpu.memory_space<hbm>>) target(%dma_start3A_23 : memref<80xi32, #tpu.memory_space<vmem>>) target_semaphore(%arg20 : memref<!tpu.dma_semaphore, #tpu.memory_space<semaphore_mem>>)
    %add3A_25 = arith.constant 80 : i32
    %add3A_26 = arith.addi %mul3A_4, %add3A_25 : i32
    %multiple_of3A_27 = tpu.assume_multiple %add3A_26, 8 : i32
    %add3A_28 = arith.constant 0 : i32
    %add3A_29 = arith.addi %add3A_28, %mul3A_4 : i32
    %add3A_30 = arith.constant 80 : i32
    %add3A_31 = arith.addi %add3A_29, %add3A_30 : i32
    %multiple_of3A_32 = tpu.assume_multiple %add3A_31, 8 : i32
    %dma_start3A_33 = arith.constant 0 : i32
    %dma_start3A_34 = tpu.memref_slice %arg2[%multiple_of3A_27, %dma_start3A_33] : memref<160000x128xf32, #tpu.memory_space<hbm>> -> memref<80x128xf32, #tpu.memory_space<hbm>>
    %dma_start3A_35 = arith.constant 0 : i32
    %dma_start3A_36 = tpu.memref_slice %arg2[%multiple_of3A_27, %dma_start3A_35] : memref<160000x128xf32, #tpu.memory_space<hbm>> -> memref<80x128xf32, #tpu.memory_space<hbm>>
    tpu.enqueue_dma source(%dma_start3A_36 : memref<80x128xf32, #tpu.memory_space<hbm>>) target(%arg12 : memref<80x128xf32, #tpu.memory_space<vmem>>) target_semaphore(%arg17 : memref<!tpu.dma_semaphore, #tpu.memory_space<semaphore_mem>>)
    %dma_start3A_37 = arith.constant 0 : i32
    %dma_start3A_38 = arith.constant 0 : i32
    %dma_start3A_39 = tpu.memref_slice %arg7[%dma_start3A_37, %dma_start3A_38] : memref<1x80xi32, #tpu.memory_space<vmem>> -> memref<1x80xi32, #tpu.memory_space<vmem>>
    %dma_start3A_40 = tpu.memref_squeeze %dma_start3A_39 : memref<1x80xi32, #tpu.memory_space<vmem>> -> memref<80xi32, #tpu.memory_space<vmem>>
    %dma_start3A_41 = tpu.memref_slice %arg3[%multiple_of3A_32] : memref<320000xi32, #tpu.memory_space<hbm>> -> memref<80xi32, #tpu.memory_space<hbm>>
    %dma_start3A_42 = arith.constant 0 : i32
    %dma_start3A_43 = tpu.memref_slice %arg7[%dma_start3A_37, %dma_start3A_42] : memref<1x80xi32, #tpu.memory_space<vmem>> -> memref<1x80xi32, #tpu.memory_space<vmem>>
    %dma_start3A_44 = tpu.memref_squeeze %dma_start3A_43 : memref<1x80xi32, #tpu.memory_space<vmem>> -> memref<80xi32, #tpu.memory_space<vmem>>
    %dma_start3A_45 = tpu.memref_slice %arg3[%multiple_of3A_32] : memref<320000xi32, #tpu.memory_space<hbm>> -> memref<80xi32, #tpu.memory_space<hbm>>
    tpu.enqueue_dma source(%dma_start3A_45 : memref<80xi32, #tpu.memory_space<hbm>>) target(%dma_start3A_44 : memref<80xi32, #tpu.memory_space<vmem>>) target_semaphore(%arg21 : memref<!tpu.dma_semaphore, #tpu.memory_space<semaphore_mem>>)
    %dma_wait3A = arith.constant 0 : i32
    %dma_wait3A_46 = arith.constant 0 : i32
    %dma_wait3A_47 = tpu.memref_slice %arg2[%dma_wait3A, %dma_wait3A_46] : memref<160000x128xf32, #tpu.memory_space<hbm>> -> memref<80x128xf32, #tpu.memory_space<hbm>>
    %dma_wait3A_48 = arith.constant 0 : i32
    %dma_wait3A_49 = arith.constant 0 : i32
    %dma_wait3A_50 = tpu.memref_slice %arg2[%dma_wait3A_48, %dma_wait3A_49] : memref<160000x128xf32, #tpu.memory_space<hbm>> -> memref<80x128xf32, #tpu.memory_space<hbm>>
    tpu.wait_dma2 semaphore(%arg16 : memref<!tpu.dma_semaphore, #tpu.memory_space<semaphore_mem>>) src(%dma_wait3A_50 : memref<80x128xf32, #tpu.memory_space<hbm>>) dst(%arg11 : memref<80x128xf32, #tpu.memory_space<vmem>>)
    %dma_wait3A_51 = arith.constant 0 : i32
    %dma_wait3A_52 = arith.constant 0 : i32
    %dma_wait3A_53 = tpu.memref_slice %arg6[%dma_wait3A_51, %dma_wait3A_52] : memref<1x80xi32, #tpu.memory_space<vmem>> -> memref<1x80xi32, #tpu.memory_space<vmem>>
    %dma_wait3A_54 = tpu.memref_squeeze %dma_wait3A_53 : memref<1x80xi32, #tpu.memory_space<vmem>> -> memref<80xi32, #tpu.memory_space<vmem>>
    %dma_wait3A_55 = arith.constant 0 : i32
    %dma_wait3A_56 = tpu.memref_slice %arg3[%dma_wait3A_55] : memref<320000xi32, #tpu.memory_space<hbm>> -> memref<80xi32, #tpu.memory_space<hbm>>
    %dma_wait3A_57 = arith.constant 0 : i32
    %dma_wait3A_58 = tpu.memref_slice %arg6[%dma_wait3A_51, %dma_wait3A_57] : memref<1x80xi32, #tpu.memory_space<vmem>> -> memref<1x80xi32, #tpu.memory_space<vmem>>
    %dma_wait3A_59 = tpu.memref_squeeze %dma_wait3A_58 : memref<1x80xi32, #tpu.memory_space<vmem>> -> memref<80xi32, #tpu.memory_space<vmem>>
    %dma_wait3A_60 = arith.constant 0 : i32
    %dma_wait3A_61 = tpu.memref_slice %arg3[%dma_wait3A_60] : memref<320000xi32, #tpu.memory_space<hbm>> -> memref<80xi32, #tpu.memory_space<hbm>>
    tpu.wait_dma2 semaphore(%arg20 : memref<!tpu.dma_semaphore, #tpu.memory_space<semaphore_mem>>) src(%dma_wait3A_61 : memref<80xi32, #tpu.memory_space<hbm>>) dst(%dma_wait3A_59 : memref<80xi32, #tpu.memory_space<vmem>>)
    %dma_start3A_62 = arith.constant 0 : i32
    %dma_start3A_63 = arith.constant 0 : i32
    %dma_start3A_64 = tpu.memref_slice %arg6[%dma_start3A_62, %dma_start3A_63] : memref<1x80xi32, #tpu.memory_space<vmem>> -> memref<1x80xi32, #tpu.memory_space<vmem>>
    %dma_start3A_65 = tpu.memref_squeeze %dma_start3A_64 : memref<1x80xi32, #tpu.memory_space<vmem>> -> memref<80xi32, #tpu.memory_space<vmem>>
    %dma_start3A_66 = arith.constant 0 : i32
    %dma_start3A_67 = arith.constant 0 : i32
    %dma_start3A_68 = tpu.memref_slice %arg15[%dma_start3A_66, %dma_start3A_67] : memref<10112x128xf32, #tpu.memory_space<vmem_shared>> -> memref<10112x128xf32, #tpu.memory_space<vmem_shared>>
    tpu.enqueue_indirect_dma source(%arg11 : memref<80x128xf32, #tpu.memory_space<vmem>>) target(%dma_start3A_68 : memref<10112x128xf32, #tpu.memory_space<vmem_shared>>) offsets(%dma_start3A_65 : memref<80xi32, #tpu.memory_space<vmem>>) semaphore(%arg24 : memref<!tpu.dma_semaphore, #tpu.memory_space<semaphore_mem>>) {add = true}
    %add3A_69 = arith.constant 160 : i32
    %add3A_70 = arith.addi %mul3A_4, %add3A_69 : i32
    %multiple_of3A_71 = tpu.assume_multiple %add3A_70, 8 : i32
    %add3A_72 = arith.constant 0 : i32
    %add3A_73 = arith.addi %add3A_72, %mul3A_4 : i32
    %add3A_74 = arith.constant 160 : i32
    %add3A_75 = arith.addi %add3A_73, %add3A_74 : i32
    %multiple_of3A_76 = tpu.assume_multiple %add3A_75, 8 : i32
    %dma_start3A_77 = arith.constant 0 : i32
    %dma_start3A_78 = tpu.memref_slice %arg2[%multiple_of3A_71, %dma_start3A_77] : memref<160000x128xf32, #tpu.memory_space<hbm>> -> memref<80x128xf32, #tpu.memory_space<hbm>>
    %dma_start3A_79 = arith.constant 0 : i32
    %dma_start3A_80 = tpu.memref_slice %arg2[%multiple_of3A_71, %dma_start3A_79] : memref<160000x128xf32, #tpu.memory_space<hbm>> -> memref<80x128xf32, #tpu.memory_space<hbm>>
    tpu.enqueue_dma source(%dma_start3A_80 : memref<80x128xf32, #tpu.memory_space<hbm>>) target(%arg13 : memref<80x128xf32, #tpu.memory_space<vmem>>) target_semaphore(%arg18 : memref<!tpu.dma_semaphore, #tpu.memory_space<semaphore_mem>>)
    %dma_start3A_81 = arith.constant 0 : i32
    %dma_start3A_82 = arith.constant 0 : i32
    %dma_start3A_83 = tpu.memref_slice %arg8[%dma_start3A_81, %dma_start3A_82] : memref<1x80xi32, #tpu.memory_space<vmem>> -> memref<1x80xi32, #tpu.memory_space<vmem>>
    %dma_start3A_84 = tpu.memref_squeeze %dma_start3A_83 : memref<1x80xi32, #tpu.memory_space<vmem>> -> memref<80xi32, #tpu.memory_space<vmem>>
    %dma_start3A_85 = tpu.memref_slice %arg3[%multiple_of3A_76] : memref<320000xi32, #tpu.memory_space<hbm>> -> memref<80xi32, #tpu.memory_space<hbm>>
    %dma_start3A_86 = arith.constant 0 : i32
    %dma_start3A_87 = tpu.memref_slice %arg8[%dma_start3A_81, %dma_start3A_86] : memref<1x80xi32, #tpu.memory_space<vmem>> -> memref<1x80xi32, #tpu.memory_space<vmem>>
    %dma_start3A_88 = tpu.memref_squeeze %dma_start3A_87 : memref<1x80xi32, #tpu.memory_space<vmem>> -> memref<80xi32, #tpu.memory_space<vmem>>
    %dma_start3A_89 = tpu.memref_slice %arg3[%multiple_of3A_76] : memref<320000xi32, #tpu.memory_space<hbm>> -> memref<80xi32, #tpu.memory_space<hbm>>
    tpu.enqueue_dma source(%dma_start3A_89 : memref<80xi32, #tpu.memory_space<hbm>>) target(%dma_start3A_88 : memref<80xi32, #tpu.memory_space<vmem>>) target_semaphore(%arg22 : memref<!tpu.dma_semaphore, #tpu.memory_space<semaphore_mem>>)
    %dma_wait3A_90 = arith.constant 0 : i32
    %dma_wait3A_91 = arith.constant 0 : i32
    %dma_wait3A_92 = tpu.memref_slice %arg2[%dma_wait3A_90, %dma_wait3A_91] : memref<160000x128xf32, #tpu.memory_space<hbm>> -> memref<80x128xf32, #tpu.memory_space<hbm>>
    %dma_wait3A_93 = arith.constant 0 : i32
    %dma_wait3A_94 = arith.constant 0 : i32
    %dma_wait3A_95 = tpu.memref_slice %arg2[%dma_wait3A_93, %dma_wait3A_94] : memref<160000x128xf32, #tpu.memory_space<hbm>> -> memref<80x128xf32, #tpu.memory_space<hbm>>
    tpu.wait_dma2 semaphore(%arg17 : memref<!tpu.dma_semaphore, #tpu.memory_space<semaphore_mem>>) src(%dma_wait3A_95 : memref<80x128xf32, #tpu.memory_space<hbm>>) dst(%arg12 : memref<80x128xf32, #tpu.memory_space<vmem>>)
    %dma_wait3A_96 = arith.constant 0 : i32
    %dma_wait3A_97 = arith.constant 0 : i32
    %dma_wait3A_98 = tpu.memref_slice %arg7[%dma_wait3A_96, %dma_wait3A_97] : memref<1x80xi32, #tpu.memory_space<vmem>> -> memref<1x80xi32, #tpu.memory_space<vmem>>
    %dma_wait3A_99 = tpu.memref_squeeze %dma_wait3A_98 : memref<1x80xi32, #tpu.memory_space<vmem>> -> memref<80xi32, #tpu.memory_space<vmem>>
    %dma_wait3A_100 = arith.constant 0 : i32
    %dma_wait3A_101 = tpu.memref_slice %arg3[%dma_wait3A_100] : memref<320000xi32, #tpu.memory_space<hbm>> -> memref<80xi32, #tpu.memory_space<hbm>>
    %dma_wait3A_102 = arith.constant 0 : i32
    %dma_wait3A_103 = tpu.memref_slice %arg7[%dma_wait3A_96, %dma_wait3A_102] : memref<1x80xi32, #tpu.memory_space<vmem>> -> memref<1x80xi32, #tpu.memory_space<vmem>>
    %dma_wait3A_104 = tpu.memref_squeeze %dma_wait3A_103 : memref<1x80xi32, #tpu.memory_space<vmem>> -> memref<80xi32, #tpu.memory_space<vmem>>
    %dma_wait3A_105 = arith.constant 0 : i32
    %dma_wait3A_106 = tpu.memref_slice %arg3[%dma_wait3A_105] : memref<320000xi32, #tpu.memory_space<hbm>> -> memref<80xi32, #tpu.memory_space<hbm>>
    tpu.wait_dma2 semaphore(%arg21 : memref<!tpu.dma_semaphore, #tpu.memory_space<semaphore_mem>>) src(%dma_wait3A_106 : memref<80xi32, #tpu.memory_space<hbm>>) dst(%dma_wait3A_104 : memref<80xi32, #tpu.memory_space<vmem>>)
    %dma_start3A_107 = arith.constant 0 : i32
    %dma_start3A_108 = arith.constant 0 : i32
    %dma_start3A_109 = tpu.memref_slice %arg7[%dma_start3A_107, %dma_start3A_108] : memref<1x80xi32, #tpu.memory_space<vmem>> -> memref<1x80xi32, #tpu.memory_space<vmem>>
    %dma_start3A_110 = tpu.memref_squeeze %dma_start3A_109 : memref<1x80xi32, #tpu.memory_space<vmem>> -> memref<80xi32, #tpu.memory_space<vmem>>
    %dma_start3A_111 = arith.constant 0 : i32
    %dma_start3A_112 = arith.constant 0 : i32
    %dma_start3A_113 = tpu.memref_slice %arg15[%dma_start3A_111, %dma_start3A_112] : memref<10112x128xf32, #tpu.memory_space<vmem_shared>> -> memref<10112x128xf32, #tpu.memory_space<vmem_shared>>
    tpu.enqueue_indirect_dma source(%arg12 : memref<80x128xf32, #tpu.memory_space<vmem>>) target(%dma_start3A_113 : memref<10112x128xf32, #tpu.memory_space<vmem_shared>>) offsets(%dma_start3A_110 : memref<80xi32, #tpu.memory_space<vmem>>) semaphore(%arg25 : memref<!tpu.dma_semaphore, #tpu.memory_space<semaphore_mem>>) {add = true}
    %add3A_114 = arith.constant 240 : i32
    %add3A_115 = arith.addi %mul3A_4, %add3A_114 : i32
    %multiple_of3A_116 = tpu.assume_multiple %add3A_115, 8 : i32
    %add3A_117 = arith.constant 0 : i32
    %add3A_118 = arith.addi %add3A_117, %mul3A_4 : i32
    %add3A_119 = arith.constant 240 : i32
    %add3A_120 = arith.addi %add3A_118, %add3A_119 : i32
    %multiple_of3A_121 = tpu.assume_multiple %add3A_120, 8 : i32
    %dma_start3A_122 = arith.constant 0 : i32
    %dma_start3A_123 = tpu.memref_slice %arg2[%multiple_of3A_116, %dma_start3A_122] : memref<160000x128xf32, #tpu.memory_space<hbm>> -> memref<80x128xf32, #tpu.memory_space<hbm>>
    %dma_start3A_124 = arith.constant 0 : i32
    %dma_start3A_125 = tpu.memref_slice %arg2[%multiple_of3A_116, %dma_start3A_124] : memref<160000x128xf32, #tpu.memory_space<hbm>> -> memref<80x128xf32, #tpu.memory_space<hbm>>
    tpu.enqueue_dma source(%dma_start3A_125 : memref<80x128xf32, #tpu.memory_space<hbm>>) target(%arg14 : memref<80x128xf32, #tpu.memory_space<vmem>>) target_semaphore(%arg19 : memref<!tpu.dma_semaphore, #tpu.memory_space<semaphore_mem>>)
    %dma_start3A_126 = arith.constant 0 : i32
    %dma_start3A_127 = arith.constant 0 : i32
    %dma_start3A_128 = tpu.memref_slice %arg9[%dma_start3A_126, %dma_start3A_127] : memref<1x80xi32, #tpu.memory_space<vmem>> -> memref<1x80xi32, #tpu.memory_space<vmem>>
    %dma_start3A_129 = tpu.memref_squeeze %dma_start3A_128 : memref<1x80xi32, #tpu.memory_space<vmem>> -> memref<80xi32, #tpu.memory_space<vmem>>
    %dma_start3A_130 = tpu.memref_slice %arg3[%multiple_of3A_121] : memref<320000xi32, #tpu.memory_space<hbm>> -> memref<80xi32, #tpu.memory_space<hbm>>
    %dma_start3A_131 = arith.constant 0 : i32
    %dma_start3A_132 = tpu.memref_slice %arg9[%dma_start3A_126, %dma_start3A_131] : memref<1x80xi32, #tpu.memory_space<vmem>> -> memref<1x80xi32, #tpu.memory_space<vmem>>
    %dma_start3A_133 = tpu.memref_squeeze %dma_start3A_132 : memref<1x80xi32, #tpu.memory_space<vmem>> -> memref<80xi32, #tpu.memory_space<vmem>>
    %dma_start3A_134 = tpu.memref_slice %arg3[%multiple_of3A_121] : memref<320000xi32, #tpu.memory_space<hbm>> -> memref<80xi32, #tpu.memory_space<hbm>>
    tpu.enqueue_dma source(%dma_start3A_134 : memref<80xi32, #tpu.memory_space<hbm>>) target(%dma_start3A_133 : memref<80xi32, #tpu.memory_space<vmem>>) target_semaphore(%arg23 : memref<!tpu.dma_semaphore, #tpu.memory_space<semaphore_mem>>)
    %dma_wait3A_135 = arith.constant 0 : i32
    %dma_wait3A_136 = arith.constant 0 : i32
    %dma_wait3A_137 = tpu.memref_slice %arg2[%dma_wait3A_135, %dma_wait3A_136] : memref<160000x128xf32, #tpu.memory_space<hbm>> -> memref<80x128xf32, #tpu.memory_space<hbm>>
    %dma_wait3A_138 = arith.constant 0 : i32
    %dma_wait3A_139 = arith.constant 0 : i32
    %dma_wait3A_140 = tpu.memref_slice %arg2[%dma_wait3A_138, %dma_wait3A_139] : memref<160000x128xf32, #tpu.memory_space<hbm>> -> memref<80x128xf32, #tpu.memory_space<hbm>>
    tpu.wait_dma2 semaphore(%arg18 : memref<!tpu.dma_semaphore, #tpu.memory_space<semaphore_mem>>) src(%dma_wait3A_140 : memref<80x128xf32, #tpu.memory_space<hbm>>) dst(%arg13 : memref<80x128xf32, #tpu.memory_space<vmem>>)
    %dma_wait3A_141 = arith.constant 0 : i32
    %dma_wait3A_142 = arith.constant 0 : i32
    %dma_wait3A_143 = tpu.memref_slice %arg8[%dma_wait3A_141, %dma_wait3A_142] : memref<1x80xi32, #tpu.memory_space<vmem>> -> memref<1x80xi32, #tpu.memory_space<vmem>>
    %dma_wait3A_144 = tpu.memref_squeeze %dma_wait3A_143 : memref<1x80xi32, #tpu.memory_space<vmem>> -> memref<80xi32, #tpu.memory_space<vmem>>
    %dma_wait3A_145 = arith.constant 0 : i32
    %dma_wait3A_146 = tpu.memref_slice %arg3[%dma_wait3A_145] : memref<320000xi32, #tpu.memory_space<hbm>> -> memref<80xi32, #tpu.memory_space<hbm>>
    %dma_wait3A_147 = arith.constant 0 : i32
    %dma_wait3A_148 = tpu.memref_slice %arg8[%dma_wait3A_141, %dma_wait3A_147] : memref<1x80xi32, #tpu.memory_space<vmem>> -> memref<1x80xi32, #tpu.memory_space<vmem>>
    %dma_wait3A_149 = tpu.memref_squeeze %dma_wait3A_148 : memref<1x80xi32, #tpu.memory_space<vmem>> -> memref<80xi32, #tpu.memory_space<vmem>>
    %dma_wait3A_150 = arith.constant 0 : i32
    %dma_wait3A_151 = tpu.memref_slice %arg3[%dma_wait3A_150] : memref<320000xi32, #tpu.memory_space<hbm>> -> memref<80xi32, #tpu.memory_space<hbm>>
    tpu.wait_dma2 semaphore(%arg22 : memref<!tpu.dma_semaphore, #tpu.memory_space<semaphore_mem>>) src(%dma_wait3A_151 : memref<80xi32, #tpu.memory_space<hbm>>) dst(%dma_wait3A_149 : memref<80xi32, #tpu.memory_space<vmem>>)
    %dma_start3A_152 = arith.constant 0 : i32
    %dma_start3A_153 = arith.constant 0 : i32
    %dma_start3A_154 = tpu.memref_slice %arg8[%dma_start3A_152, %dma_start3A_153] : memref<1x80xi32, #tpu.memory_space<vmem>> -> memref<1x80xi32, #tpu.memory_space<vmem>>
    %dma_start3A_155 = tpu.memref_squeeze %dma_start3A_154 : memref<1x80xi32, #tpu.memory_space<vmem>> -> memref<80xi32, #tpu.memory_space<vmem>>
    %dma_start3A_156 = arith.constant 0 : i32
    %dma_start3A_157 = arith.constant 0 : i32
    %dma_start3A_158 = tpu.memref_slice %arg15[%dma_start3A_156, %dma_start3A_157] : memref<10112x128xf32, #tpu.memory_space<vmem_shared>> -> memref<10112x128xf32, #tpu.memory_space<vmem_shared>>
    tpu.enqueue_indirect_dma source(%arg13 : memref<80x128xf32, #tpu.memory_space<vmem>>) target(%dma_start3A_158 : memref<10112x128xf32, #tpu.memory_space<vmem_shared>>) offsets(%dma_start3A_155 : memref<80xi32, #tpu.memory_space<vmem>>) semaphore(%arg26 : memref<!tpu.dma_semaphore, #tpu.memory_space<semaphore_mem>>) {add = true}
    %scan3A = arith.constant 0 : i32
    %scan3A_159 = arith.constant 0 : i32
    %scan3A_160 = arith.constant 14 : i32
    %scan3A_161 = arith.addi %scan3A_159, %scan3A_160 : i32
    %scan3A_162 = arith.constant 1 : i32
    scf.for %scan3A_324 = %scan3A_159 to %scan3A_161 step %scan3A_162  : i32 {
      %mul3A_325 = arith.constant 4 : i32
      %mul3A_326 = arith.muli %mul3A_325, %scan3A_324 : i32
      %add3A_327 = arith.constant 3 : i32
      %add3A_328 = arith.addi %add3A_327, %mul3A_326 : i32
      %dma_wait3A_329 = arith.constant 0 : i32
      %dma_wait3A_330 = arith.constant 0 : i32
      %dma_wait3A_331 = tpu.memref_slice %arg2[%dma_wait3A_329, %dma_wait3A_330] : memref<160000x128xf32, #tpu.memory_space<hbm>> -> memref<80x128xf32, #tpu.memory_space<hbm>>
      %dma_wait3A_332 = arith.constant 0 : i32
      %dma_wait3A_333 = arith.constant 0 : i32
      %dma_wait3A_334 = tpu.memref_slice %arg2[%dma_wait3A_332, %dma_wait3A_333] : memref<160000x128xf32, #tpu.memory_space<hbm>> -> memref<80x128xf32, #tpu.memory_space<hbm>>
      tpu.wait_dma2 semaphore(%arg24 : memref<!tpu.dma_semaphore, #tpu.memory_space<semaphore_mem>>) src(%dma_wait3A_334 : memref<80x128xf32, #tpu.memory_space<hbm>>) dst(%arg11 : memref<80x128xf32, #tpu.memory_space<vmem>>)
      %add3A_335 = arith.constant 1 : i32
      %add3A_336 = arith.addi %add3A_328, %add3A_335 : i32
      %mul3A_337 = arith.constant 80 : i32
      %mul3A_338 = arith.muli %add3A_336, %mul3A_337 : i32
      %add3A_339 = arith.addi %mul3A_4, %mul3A_338 : i32
      %multiple_of3A_340 = tpu.assume_multiple %add3A_339, 8 : i32
      %add3A_341 = arith.constant 0 : i32
      %add3A_342 = arith.addi %add3A_341, %mul3A_4 : i32
      %mul3A_343 = arith.constant 80 : i32
      %mul3A_344 = arith.muli %add3A_336, %mul3A_343 : i32
      %add3A_345 = arith.addi %add3A_342, %mul3A_344 : i32
      %multiple_of3A_346 = tpu.assume_multiple %add3A_345, 8 : i32
      %dma_start3A_347 = arith.constant 0 : i32
      %dma_start3A_348 = tpu.memref_slice %arg2[%multiple_of3A_340, %dma_start3A_347] : memref<160000x128xf32, #tpu.memory_space<hbm>> -> memref<80x128xf32, #tpu.memory_space<hbm>>
      %dma_start3A_349 = arith.constant 0 : i32
      %dma_start3A_350 = tpu.memref_slice %arg2[%multiple_of3A_340, %dma_start3A_349] : memref<160000x128xf32, #tpu.memory_space<hbm>> -> memref<80x128xf32, #tpu.memory_space<hbm>>
      tpu.enqueue_dma source(%dma_start3A_350 : memref<80x128xf32, #tpu.memory_space<hbm>>) target(%arg11 : memref<80x128xf32, #tpu.memory_space<vmem>>) target_semaphore(%arg16 : memref<!tpu.dma_semaphore, #tpu.memory_space<semaphore_mem>>)
      %dma_start3A_351 = arith.constant 0 : i32
      %dma_start3A_352 = arith.constant 0 : i32
      %dma_start3A_353 = tpu.memref_slice %arg6[%dma_start3A_351, %dma_start3A_352] : memref<1x80xi32, #tpu.memory_space<vmem>> -> memref<1x80xi32, #tpu.memory_space<vmem>>
      %dma_start3A_354 = tpu.memref_squeeze %dma_start3A_353 : memref<1x80xi32, #tpu.memory_space<vmem>> -> memref<80xi32, #tpu.memory_space<vmem>>
      %dma_start3A_355 = tpu.memref_slice %arg3[%multiple_of3A_346] : memref<320000xi32, #tpu.memory_space<hbm>> -> memref<80xi32, #tpu.memory_space<hbm>>
      %dma_start3A_356 = arith.constant 0 : i32
      %dma_start3A_357 = tpu.memref_slice %arg6[%dma_start3A_351, %dma_start3A_356] : memref<1x80xi32, #tpu.memory_space<vmem>> -> memref<1x80xi32, #tpu.memory_space<vmem>>
      %dma_start3A_358 = tpu.memref_squeeze %dma_start3A_357 : memref<1x80xi32, #tpu.memory_space<vmem>> -> memref<80xi32, #tpu.memory_space<vmem>>
      %dma_start3A_359 = tpu.memref_slice %arg3[%multiple_of3A_346] : memref<320000xi32, #tpu.memory_space<hbm>> -> memref<80xi32, #tpu.memory_space<hbm>>
      tpu.enqueue_dma source(%dma_start3A_359 : memref<80xi32, #tpu.memory_space<hbm>>) target(%dma_start3A_358 : memref<80xi32, #tpu.memory_space<vmem>>) target_semaphore(%arg20 : memref<!tpu.dma_semaphore, #tpu.memory_space<semaphore_mem>>)
      %dma_wait3A_360 = arith.constant 0 : i32
      %dma_wait3A_361 = arith.constant 0 : i32
      %dma_wait3A_362 = tpu.memref_slice %arg2[%dma_wait3A_360, %dma_wait3A_361] : memref<160000x128xf32, #tpu.memory_space<hbm>> -> memref<80x128xf32, #tpu.memory_space<hbm>>
      %dma_wait3A_363 = arith.constant 0 : i32
      %dma_wait3A_364 = arith.constant 0 : i32
      %dma_wait3A_365 = tpu.memref_slice %arg2[%dma_wait3A_363, %dma_wait3A_364] : memref<160000x128xf32, #tpu.memory_space<hbm>> -> memref<80x128xf32, #tpu.memory_space<hbm>>
      tpu.wait_dma2 semaphore(%arg19 : memref<!tpu.dma_semaphore, #tpu.memory_space<semaphore_mem>>) src(%dma_wait3A_365 : memref<80x128xf32, #tpu.memory_space<hbm>>) dst(%arg14 : memref<80x128xf32, #tpu.memory_space<vmem>>)
      %dma_wait3A_366 = arith.constant 0 : i32
      %dma_wait3A_367 = arith.constant 0 : i32
      %dma_wait3A_368 = tpu.memref_slice %arg9[%dma_wait3A_366, %dma_wait3A_367] : memref<1x80xi32, #tpu.memory_space<vmem>> -> memref<1x80xi32, #tpu.memory_space<vmem>>
      %dma_wait3A_369 = tpu.memref_squeeze %dma_wait3A_368 : memref<1x80xi32, #tpu.memory_space<vmem>> -> memref<80xi32, #tpu.memory_space<vmem>>
      %dma_wait3A_370 = arith.constant 0 : i32
      %dma_wait3A_371 = tpu.memref_slice %arg3[%dma_wait3A_370] : memref<320000xi32, #tpu.memory_space<hbm>> -> memref<80xi32, #tpu.memory_space<hbm>>
      %dma_wait3A_372 = arith.constant 0 : i32
      %dma_wait3A_373 = tpu.memref_slice %arg9[%dma_wait3A_366, %dma_wait3A_372] : memref<1x80xi32, #tpu.memory_space<vmem>> -> memref<1x80xi32, #tpu.memory_space<vmem>>
      %dma_wait3A_374 = tpu.memref_squeeze %dma_wait3A_373 : memref<1x80xi32, #tpu.memory_space<vmem>> -> memref<80xi32, #tpu.memory_space<vmem>>
      %dma_wait3A_375 = arith.constant 0 : i32
      %dma_wait3A_376 = tpu.memref_slice %arg3[%dma_wait3A_375] : memref<320000xi32, #tpu.memory_space<hbm>> -> memref<80xi32, #tpu.memory_space<hbm>>
      tpu.wait_dma2 semaphore(%arg23 : memref<!tpu.dma_semaphore, #tpu.memory_space<semaphore_mem>>) src(%dma_wait3A_376 : memref<80xi32, #tpu.memory_space<hbm>>) dst(%dma_wait3A_374 : memref<80xi32, #tpu.memory_space<vmem>>)
      %dma_start3A_377 = arith.constant 0 : i32
      %dma_start3A_378 = arith.constant 0 : i32
      %dma_start3A_379 = tpu.memref_slice %arg9[%dma_start3A_377, %dma_start3A_378] : memref<1x80xi32, #tpu.memory_space<vmem>> -> memref<1x80xi32, #tpu.memory_space<vmem>>
      %dma_start3A_380 = tpu.memref_squeeze %dma_start3A_379 : memref<1x80xi32, #tpu.memory_space<vmem>> -> memref<80xi32, #tpu.memory_space<vmem>>
      %dma_start3A_381 = arith.constant 0 : i32
      %dma_start3A_382 = arith.constant 0 : i32
      %dma_start3A_383 = tpu.memref_slice %arg15[%dma_start3A_381, %dma_start3A_382] : memref<10112x128xf32, #tpu.memory_space<vmem_shared>> -> memref<10112x128xf32, #tpu.memory_space<vmem_shared>>
      tpu.enqueue_indirect_dma source(%arg14 : memref<80x128xf32, #tpu.memory_space<vmem>>) target(%dma_start3A_383 : memref<10112x128xf32, #tpu.memory_space<vmem_shared>>) offsets(%dma_start3A_380 : memref<80xi32, #tpu.memory_space<vmem>>) semaphore(%arg27 : memref<!tpu.dma_semaphore, #tpu.memory_space<semaphore_mem>>) {add = true}
      %add3A_384 = arith.constant 1 : i32
      %add3A_385 = arith.addi %add3A_328, %add3A_384 : i32
      %dma_wait3A_386 = arith.constant 0 : i32
      %dma_wait3A_387 = arith.constant 0 : i32
      %dma_wait3A_388 = tpu.memref_slice %arg2[%dma_wait3A_386, %dma_wait3A_387] : memref<160000x128xf32, #tpu.memory_space<hbm>> -> memref<80x128xf32, #tpu.memory_space<hbm>>
      %dma_wait3A_389 = arith.constant 0 : i32
      %dma_wait3A_390 = arith.constant 0 : i32
      %dma_wait3A_391 = tpu.memref_slice %arg2[%dma_wait3A_389, %dma_wait3A_390] : memref<160000x128xf32, #tpu.memory_space<hbm>> -> memref<80x128xf32, #tpu.memory_space<hbm>>
      tpu.wait_dma2 semaphore(%arg25 : memref<!tpu.dma_semaphore, #tpu.memory_space<semaphore_mem>>) src(%dma_wait3A_391 : memref<80x128xf32, #tpu.memory_space<hbm>>) dst(%arg12 : memref<80x128xf32, #tpu.memory_space<vmem>>)
      %add3A_392 = arith.constant 1 : i32
      %add3A_393 = arith.addi %add3A_385, %add3A_392 : i32
      %mul3A_394 = arith.constant 80 : i32
      %mul3A_395 = arith.muli %add3A_393, %mul3A_394 : i32
      %add3A_396 = arith.addi %mul3A_4, %mul3A_395 : i32
      %multiple_of3A_397 = tpu.assume_multiple %add3A_396, 8 : i32
      %add3A_398 = arith.constant 0 : i32
      %add3A_399 = arith.addi %add3A_398, %mul3A_4 : i32
      %mul3A_400 = arith.constant 80 : i32
      %mul3A_401 = arith.muli %add3A_393, %mul3A_400 : i32
      %add3A_402 = arith.addi %add3A_399, %mul3A_401 : i32
      %multiple_of3A_403 = tpu.assume_multiple %add3A_402, 8 : i32
      %dma_start3A_404 = arith.constant 0 : i32
      %dma_start3A_405 = tpu.memref_slice %arg2[%multiple_of3A_397, %dma_start3A_404] : memref<160000x128xf32, #tpu.memory_space<hbm>> -> memref<80x128xf32, #tpu.memory_space<hbm>>
      %dma_start3A_406 = arith.constant 0 : i32
      %dma_start3A_407 = tpu.memref_slice %arg2[%multiple_of3A_397, %dma_start3A_406] : memref<160000x128xf32, #tpu.memory_space<hbm>> -> memref<80x128xf32, #tpu.memory_space<hbm>>
      tpu.enqueue_dma source(%dma_start3A_407 : memref<80x128xf32, #tpu.memory_space<hbm>>) target(%arg12 : memref<80x128xf32, #tpu.memory_space<vmem>>) target_semaphore(%arg17 : memref<!tpu.dma_semaphore, #tpu.memory_space<semaphore_mem>>)
      %dma_start3A_408 = arith.constant 0 : i32
      %dma_start3A_409 = arith.constant 0 : i32
      %dma_start3A_410 = tpu.memref_slice %arg7[%dma_start3A_408, %dma_start3A_409] : memref<1x80xi32, #tpu.memory_space<vmem>> -> memref<1x80xi32, #tpu.memory_space<vmem>>
      %dma_start3A_411 = tpu.memref_squeeze %dma_start3A_410 : memref<1x80xi32, #tpu.memory_space<vmem>> -> memref<80xi32, #tpu.memory_space<vmem>>
      %dma_start3A_412 = tpu.memref_slice %arg3[%multiple_of3A_403] : memref<320000xi32, #tpu.memory_space<hbm>> -> memref<80xi32, #tpu.memory_space<hbm>>
      %dma_start3A_413 = arith.constant 0 : i32
      %dma_start3A_414 = tpu.memref_slice %arg7[%dma_start3A_408, %dma_start3A_413] : memref<1x80xi32, #tpu.memory_space<vmem>> -> memref<1x80xi32, #tpu.memory_space<vmem>>
      %dma_start3A_415 = tpu.memref_squeeze %dma_start3A_414 : memref<1x80xi32, #tpu.memory_space<vmem>> -> memref<80xi32, #tpu.memory_space<vmem>>
      %dma_start3A_416 = tpu.memref_slice %arg3[%multiple_of3A_403] : memref<320000xi32, #tpu.memory_space<hbm>> -> memref<80xi32, #tpu.memory_space<hbm>>
      tpu.enqueue_dma source(%dma_start3A_416 : memref<80xi32, #tpu.memory_space<hbm>>) target(%dma_start3A_415 : memref<80xi32, #tpu.memory_space<vmem>>) target_semaphore(%arg21 : memref<!tpu.dma_semaphore, #tpu.memory_space<semaphore_mem>>)
      %dma_wait3A_417 = arith.constant 0 : i32
      %dma_wait3A_418 = arith.constant 0 : i32
      %dma_wait3A_419 = tpu.memref_slice %arg2[%dma_wait3A_417, %dma_wait3A_418] : memref<160000x128xf32, #tpu.memory_space<hbm>> -> memref<80x128xf32, #tpu.memory_space<hbm>>
      %dma_wait3A_420 = arith.constant 0 : i32
      %dma_wait3A_421 = arith.constant 0 : i32
      %dma_wait3A_422 = tpu.memref_slice %arg2[%dma_wait3A_420, %dma_wait3A_421] : memref<160000x128xf32, #tpu.memory_space<hbm>> -> memref<80x128xf32, #tpu.memory_space<hbm>>
      tpu.wait_dma2 semaphore(%arg16 : memref<!tpu.dma_semaphore, #tpu.memory_space<semaphore_mem>>) src(%dma_wait3A_422 : memref<80x128xf32, #tpu.memory_space<hbm>>) dst(%arg11 : memref<80x128xf32, #tpu.memory_space<vmem>>)
      %dma_wait3A_423 = arith.constant 0 : i32
      %dma_wait3A_424 = arith.constant 0 : i32
      %dma_wait3A_425 = tpu.memref_slice %arg6[%dma_wait3A_423, %dma_wait3A_424] : memref<1x80xi32, #tpu.memory_space<vmem>> -> memref<1x80xi32, #tpu.memory_space<vmem>>
      %dma_wait3A_426 = tpu.memref_squeeze %dma_wait3A_425 : memref<1x80xi32, #tpu.memory_space<vmem>> -> memref<80xi32, #tpu.memory_space<vmem>>
      %dma_wait3A_427 = arith.constant 0 : i32
      %dma_wait3A_428 = tpu.memref_slice %arg3[%dma_wait3A_427] : memref<320000xi32, #tpu.memory_space<hbm>> -> memref<80xi32, #tpu.memory_space<hbm>>
      %dma_wait3A_429 = arith.constant 0 : i32
      %dma_wait3A_430 = tpu.memref_slice %arg6[%dma_wait3A_423, %dma_wait3A_429] : memref<1x80xi32, #tpu.memory_space<vmem>> -> memref<1x80xi32, #tpu.memory_space<vmem>>
      %dma_wait3A_431 = tpu.memref_squeeze %dma_wait3A_430 : memref<1x80xi32, #tpu.memory_space<vmem>> -> memref<80xi32, #tpu.memory_space<vmem>>
      %dma_wait3A_432 = arith.constant 0 : i32
      %dma_wait3A_433 = tpu.memref_slice %arg3[%dma_wait3A_432] : memref<320000xi32, #tpu.memory_space<hbm>> -> memref<80xi32, #tpu.memory_space<hbm>>
      tpu.wait_dma2 semaphore(%arg20 : memref<!tpu.dma_semaphore, #tpu.memory_space<semaphore_mem>>) src(%dma_wait3A_433 : memref<80xi32, #tpu.memory_space<hbm>>) dst(%dma_wait3A_431 : memref<80xi32, #tpu.memory_space<vmem>>)
      %dma_start3A_434 = arith.constant 0 : i32
      %dma_start3A_435 = arith.constant 0 : i32
      %dma_start3A_436 = tpu.memref_slice %arg6[%dma_start3A_434, %dma_start3A_435] : memref<1x80xi32, #tpu.memory_space<vmem>> -> memref<1x80xi32, #tpu.memory_space<vmem>>
      %dma_start3A_437 = tpu.memref_squeeze %dma_start3A_436 : memref<1x80xi32, #tpu.memory_space<vmem>> -> memref<80xi32, #tpu.memory_space<vmem>>
      %dma_start3A_438 = arith.constant 0 : i32
      %dma_start3A_439 = arith.constant 0 : i32
      %dma_start3A_440 = tpu.memref_slice %arg15[%dma_start3A_438, %dma_start3A_439] : memref<10112x128xf32, #tpu.memory_space<vmem_shared>> -> memref<10112x128xf32, #tpu.memory_space<vmem_shared>>
      tpu.enqueue_indirect_dma source(%arg11 : memref<80x128xf32, #tpu.memory_space<vmem>>) target(%dma_start3A_440 : memref<10112x128xf32, #tpu.memory_space<vmem_shared>>) offsets(%dma_start3A_437 : memref<80xi32, #tpu.memory_space<vmem>>) semaphore(%arg24 : memref<!tpu.dma_semaphore, #tpu.memory_space<semaphore_mem>>) {add = true}
      %add3A_441 = arith.constant 2 : i32
      %add3A_442 = arith.addi %add3A_328, %add3A_441 : i32
      %dma_wait3A_443 = arith.constant 0 : i32
      %dma_wait3A_444 = arith.constant 0 : i32
      %dma_wait3A_445 = tpu.memref_slice %arg2[%dma_wait3A_443, %dma_wait3A_444] : memref<160000x128xf32, #tpu.memory_space<hbm>> -> memref<80x128xf32, #tpu.memory_space<hbm>>
      %dma_wait3A_446 = arith.constant 0 : i32
      %dma_wait3A_447 = arith.constant 0 : i32
      %dma_wait3A_448 = tpu.memref_slice %arg2[%dma_wait3A_446, %dma_wait3A_447] : memref<160000x128xf32, #tpu.memory_space<hbm>> -> memref<80x128xf32, #tpu.memory_space<hbm>>
      tpu.wait_dma2 semaphore(%arg26 : memref<!tpu.dma_semaphore, #tpu.memory_space<semaphore_mem>>) src(%dma_wait3A_448 : memref<80x128xf32, #tpu.memory_space<hbm>>) dst(%arg13 : memref<80x128xf32, #tpu.memory_space<vmem>>)
      %add3A_449 = arith.constant 1 : i32
      %add3A_450 = arith.addi %add3A_442, %add3A_449 : i32
      %mul3A_451 = arith.constant 80 : i32
      %mul3A_452 = arith.muli %add3A_450, %mul3A_451 : i32
      %add3A_453 = arith.addi %mul3A_4, %mul3A_452 : i32
      %multiple_of3A_454 = tpu.assume_multiple %add3A_453, 8 : i32
      %add3A_455 = arith.constant 0 : i32
      %add3A_456 = arith.addi %add3A_455, %mul3A_4 : i32
      %mul3A_457 = arith.constant 80 : i32
      %mul3A_458 = arith.muli %add3A_450, %mul3A_457 : i32
      %add3A_459 = arith.addi %add3A_456, %mul3A_458 : i32
      %multiple_of3A_460 = tpu.assume_multiple %add3A_459, 8 : i32
      %dma_start3A_461 = arith.constant 0 : i32
      %dma_start3A_462 = tpu.memref_slice %arg2[%multiple_of3A_454, %dma_start3A_461] : memref<160000x128xf32, #tpu.memory_space<hbm>> -> memref<80x128xf32, #tpu.memory_space<hbm>>
      %dma_start3A_463 = arith.constant 0 : i32
      %dma_start3A_464 = tpu.memref_slice %arg2[%multiple_of3A_454, %dma_start3A_463] : memref<160000x128xf32, #tpu.memory_space<hbm>> -> memref<80x128xf32, #tpu.memory_space<hbm>>
      tpu.enqueue_dma source(%dma_start3A_464 : memref<80x128xf32, #tpu.memory_space<hbm>>) target(%arg13 : memref<80x128xf32, #tpu.memory_space<vmem>>) target_semaphore(%arg18 : memref<!tpu.dma_semaphore, #tpu.memory_space<semaphore_mem>>)
      %dma_start3A_465 = arith.constant 0 : i32
      %dma_start3A_466 = arith.constant 0 : i32
      %dma_start3A_467 = tpu.memref_slice %arg8[%dma_start3A_465, %dma_start3A_466] : memref<1x80xi32, #tpu.memory_space<vmem>> -> memref<1x80xi32, #tpu.memory_space<vmem>>
      %dma_start3A_468 = tpu.memref_squeeze %dma_start3A_467 : memref<1x80xi32, #tpu.memory_space<vmem>> -> memref<80xi32, #tpu.memory_space<vmem>>
      %dma_start3A_469 = tpu.memref_slice %arg3[%multiple_of3A_460] : memref<320000xi32, #tpu.memory_space<hbm>> -> memref<80xi32, #tpu.memory_space<hbm>>
      %dma_start3A_470 = arith.constant 0 : i32
      %dma_start3A_471 = tpu.memref_slice %arg8[%dma_start3A_465, %dma_start3A_470] : memref<1x80xi32, #tpu.memory_space<vmem>> -> memref<1x80xi32, #tpu.memory_space<vmem>>
      %dma_start3A_472 = tpu.memref_squeeze %dma_start3A_471 : memref<1x80xi32, #tpu.memory_space<vmem>> -> memref<80xi32, #tpu.memory_space<vmem>>
      %dma_start3A_473 = tpu.memref_slice %arg3[%multiple_of3A_460] : memref<320000xi32, #tpu.memory_space<hbm>> -> memref<80xi32, #tpu.memory_space<hbm>>
      tpu.enqueue_dma source(%dma_start3A_473 : memref<80xi32, #tpu.memory_space<hbm>>) target(%dma_start3A_472 : memref<80xi32, #tpu.memory_space<vmem>>) target_semaphore(%arg22 : memref<!tpu.dma_semaphore, #tpu.memory_space<semaphore_mem>>)
      %dma_wait3A_474 = arith.constant 0 : i32
      %dma_wait3A_475 = arith.constant 0 : i32
      %dma_wait3A_476 = tpu.memref_slice %arg2[%dma_wait3A_474, %dma_wait3A_475] : memref<160000x128xf32, #tpu.memory_space<hbm>> -> memref<80x128xf32, #tpu.memory_space<hbm>>
      %dma_wait3A_477 = arith.constant 0 : i32
      %dma_wait3A_478 = arith.constant 0 : i32
      %dma_wait3A_479 = tpu.memref_slice %arg2[%dma_wait3A_477, %dma_wait3A_478] : memref<160000x128xf32, #tpu.memory_space<hbm>> -> memref<80x128xf32, #tpu.memory_space<hbm>>
      tpu.wait_dma2 semaphore(%arg17 : memref<!tpu.dma_semaphore, #tpu.memory_space<semaphore_mem>>) src(%dma_wait3A_479 : memref<80x128xf32, #tpu.memory_space<hbm>>) dst(%arg12 : memref<80x128xf32, #tpu.memory_space<vmem>>)
      %dma_wait3A_480 = arith.constant 0 : i32
      %dma_wait3A_481 = arith.constant 0 : i32
      %dma_wait3A_482 = tpu.memref_slice %arg7[%dma_wait3A_480, %dma_wait3A_481] : memref<1x80xi32, #tpu.memory_space<vmem>> -> memref<1x80xi32, #tpu.memory_space<vmem>>
      %dma_wait3A_483 = tpu.memref_squeeze %dma_wait3A_482 : memref<1x80xi32, #tpu.memory_space<vmem>> -> memref<80xi32, #tpu.memory_space<vmem>>
      %dma_wait3A_484 = arith.constant 0 : i32
      %dma_wait3A_485 = tpu.memref_slice %arg3[%dma_wait3A_484] : memref<320000xi32, #tpu.memory_space<hbm>> -> memref<80xi32, #tpu.memory_space<hbm>>
      %dma_wait3A_486 = arith.constant 0 : i32
      %dma_wait3A_487 = tpu.memref_slice %arg7[%dma_wait3A_480, %dma_wait3A_486] : memref<1x80xi32, #tpu.memory_space<vmem>> -> memref<1x80xi32, #tpu.memory_space<vmem>>
      %dma_wait3A_488 = tpu.memref_squeeze %dma_wait3A_487 : memref<1x80xi32, #tpu.memory_space<vmem>> -> memref<80xi32, #tpu.memory_space<vmem>>
      %dma_wait3A_489 = arith.constant 0 : i32
      %dma_wait3A_490 = tpu.memref_slice %arg3[%dma_wait3A_489] : memref<320000xi32, #tpu.memory_space<hbm>> -> memref<80xi32, #tpu.memory_space<hbm>>
      tpu.wait_dma2 semaphore(%arg21 : memref<!tpu.dma_semaphore, #tpu.memory_space<semaphore_mem>>) src(%dma_wait3A_490 : memref<80xi32, #tpu.memory_space<hbm>>) dst(%dma_wait3A_488 : memref<80xi32, #tpu.memory_space<vmem>>)
      %dma_start3A_491 = arith.constant 0 : i32
      %dma_start3A_492 = arith.constant 0 : i32
      %dma_start3A_493 = tpu.memref_slice %arg7[%dma_start3A_491, %dma_start3A_492] : memref<1x80xi32, #tpu.memory_space<vmem>> -> memref<1x80xi32, #tpu.memory_space<vmem>>
      %dma_start3A_494 = tpu.memref_squeeze %dma_start3A_493 : memref<1x80xi32, #tpu.memory_space<vmem>> -> memref<80xi32, #tpu.memory_space<vmem>>
      %dma_start3A_495 = arith.constant 0 : i32
      %dma_start3A_496 = arith.constant 0 : i32
      %dma_start3A_497 = tpu.memref_slice %arg15[%dma_start3A_495, %dma_start3A_496] : memref<10112x128xf32, #tpu.memory_space<vmem_shared>> -> memref<10112x128xf32, #tpu.memory_space<vmem_shared>>
      tpu.enqueue_indirect_dma source(%arg12 : memref<80x128xf32, #tpu.memory_space<vmem>>) target(%dma_start3A_497 : memref<10112x128xf32, #tpu.memory_space<vmem_shared>>) offsets(%dma_start3A_494 : memref<80xi32, #tpu.memory_space<vmem>>) semaphore(%arg25 : memref<!tpu.dma_semaphore, #tpu.memory_space<semaphore_mem>>) {add = true}
      %add3A_498 = arith.constant 3 : i32
      %add3A_499 = arith.addi %add3A_328, %add3A_498 : i32
      %dma_wait3A_500 = arith.constant 0 : i32
      %dma_wait3A_501 = arith.constant 0 : i32
      %dma_wait3A_502 = tpu.memref_slice %arg2[%dma_wait3A_500, %dma_wait3A_501] : memref<160000x128xf32, #tpu.memory_space<hbm>> -> memref<80x128xf32, #tpu.memory_space<hbm>>
      %dma_wait3A_503 = arith.constant 0 : i32
      %dma_wait3A_504 = arith.constant 0 : i32
      %dma_wait3A_505 = tpu.memref_slice %arg2[%dma_wait3A_503, %dma_wait3A_504] : memref<160000x128xf32, #tpu.memory_space<hbm>> -> memref<80x128xf32, #tpu.memory_space<hbm>>
      tpu.wait_dma2 semaphore(%arg27 : memref<!tpu.dma_semaphore, #tpu.memory_space<semaphore_mem>>) src(%dma_wait3A_505 : memref<80x128xf32, #tpu.memory_space<hbm>>) dst(%arg14 : memref<80x128xf32, #tpu.memory_space<vmem>>)
      %add3A_506 = arith.constant 1 : i32
      %add3A_507 = arith.addi %add3A_499, %add3A_506 : i32
      %mul3A_508 = arith.constant 80 : i32
      %mul3A_509 = arith.muli %add3A_507, %mul3A_508 : i32
      %add3A_510 = arith.addi %mul3A_4, %mul3A_509 : i32
      %multiple_of3A_511 = tpu.assume_multiple %add3A_510, 8 : i32
      %add3A_512 = arith.constant 0 : i32
      %add3A_513 = arith.addi %add3A_512, %mul3A_4 : i32
      %mul3A_514 = arith.constant 80 : i32
      %mul3A_515 = arith.muli %add3A_507, %mul3A_514 : i32
      %add3A_516 = arith.addi %add3A_513, %mul3A_515 : i32
      %multiple_of3A_517 = tpu.assume_multiple %add3A_516, 8 : i32
      %dma_start3A_518 = arith.constant 0 : i32
      %dma_start3A_519 = tpu.memref_slice %arg2[%multiple_of3A_511, %dma_start3A_518] : memref<160000x128xf32, #tpu.memory_space<hbm>> -> memref<80x128xf32, #tpu.memory_space<hbm>>
      %dma_start3A_520 = arith.constant 0 : i32
      %dma_start3A_521 = tpu.memref_slice %arg2[%multiple_of3A_511, %dma_start3A_520] : memref<160000x128xf32, #tpu.memory_space<hbm>> -> memref<80x128xf32, #tpu.memory_space<hbm>>
      tpu.enqueue_dma source(%dma_start3A_521 : memref<80x128xf32, #tpu.memory_space<hbm>>) target(%arg14 : memref<80x128xf32, #tpu.memory_space<vmem>>) target_semaphore(%arg19 : memref<!tpu.dma_semaphore, #tpu.memory_space<semaphore_mem>>)
      %dma_start3A_522 = arith.constant 0 : i32
      %dma_start3A_523 = arith.constant 0 : i32
      %dma_start3A_524 = tpu.memref_slice %arg9[%dma_start3A_522, %dma_start3A_523] : memref<1x80xi32, #tpu.memory_space<vmem>> -> memref<1x80xi32, #tpu.memory_space<vmem>>
      %dma_start3A_525 = tpu.memref_squeeze %dma_start3A_524 : memref<1x80xi32, #tpu.memory_space<vmem>> -> memref<80xi32, #tpu.memory_space<vmem>>
      %dma_start3A_526 = tpu.memref_slice %arg3[%multiple_of3A_517] : memref<320000xi32, #tpu.memory_space<hbm>> -> memref<80xi32, #tpu.memory_space<hbm>>
      %dma_start3A_527 = arith.constant 0 : i32
      %dma_start3A_528 = tpu.memref_slice %arg9[%dma_start3A_522, %dma_start3A_527] : memref<1x80xi32, #tpu.memory_space<vmem>> -> memref<1x80xi32, #tpu.memory_space<vmem>>
      %dma_start3A_529 = tpu.memref_squeeze %dma_start3A_528 : memref<1x80xi32, #tpu.memory_space<vmem>> -> memref<80xi32, #tpu.memory_space<vmem>>
      %dma_start3A_530 = tpu.memref_slice %arg3[%multiple_of3A_517] : memref<320000xi32, #tpu.memory_space<hbm>> -> memref<80xi32, #tpu.memory_space<hbm>>
      tpu.enqueue_dma source(%dma_start3A_530 : memref<80xi32, #tpu.memory_space<hbm>>) target(%dma_start3A_529 : memref<80xi32, #tpu.memory_space<vmem>>) target_semaphore(%arg23 : memref<!tpu.dma_semaphore, #tpu.memory_space<semaphore_mem>>)
      %dma_wait3A_531 = arith.constant 0 : i32
      %dma_wait3A_532 = arith.constant 0 : i32
      %dma_wait3A_533 = tpu.memref_slice %arg2[%dma_wait3A_531, %dma_wait3A_532] : memref<160000x128xf32, #tpu.memory_space<hbm>> -> memref<80x128xf32, #tpu.memory_space<hbm>>
      %dma_wait3A_534 = arith.constant 0 : i32
      %dma_wait3A_535 = arith.constant 0 : i32
      %dma_wait3A_536 = tpu.memref_slice %arg2[%dma_wait3A_534, %dma_wait3A_535] : memref<160000x128xf32, #tpu.memory_space<hbm>> -> memref<80x128xf32, #tpu.memory_space<hbm>>
      tpu.wait_dma2 semaphore(%arg18 : memref<!tpu.dma_semaphore, #tpu.memory_space<semaphore_mem>>) src(%dma_wait3A_536 : memref<80x128xf32, #tpu.memory_space<hbm>>) dst(%arg13 : memref<80x128xf32, #tpu.memory_space<vmem>>)
      %dma_wait3A_537 = arith.constant 0 : i32
      %dma_wait3A_538 = arith.constant 0 : i32
      %dma_wait3A_539 = tpu.memref_slice %arg8[%dma_wait3A_537, %dma_wait3A_538] : memref<1x80xi32, #tpu.memory_space<vmem>> -> memref<1x80xi32, #tpu.memory_space<vmem>>
      %dma_wait3A_540 = tpu.memref_squeeze %dma_wait3A_539 : memref<1x80xi32, #tpu.memory_space<vmem>> -> memref<80xi32, #tpu.memory_space<vmem>>
      %dma_wait3A_541 = arith.constant 0 : i32
      %dma_wait3A_542 = tpu.memref_slice %arg3[%dma_wait3A_541] : memref<320000xi32, #tpu.memory_space<hbm>> -> memref<80xi32, #tpu.memory_space<hbm>>
      %dma_wait3A_543 = arith.constant 0 : i32
      %dma_wait3A_544 = tpu.memref_slice %arg8[%dma_wait3A_537, %dma_wait3A_543] : memref<1x80xi32, #tpu.memory_space<vmem>> -> memref<1x80xi32, #tpu.memory_space<vmem>>
      %dma_wait3A_545 = tpu.memref_squeeze %dma_wait3A_544 : memref<1x80xi32, #tpu.memory_space<vmem>> -> memref<80xi32, #tpu.memory_space<vmem>>
      %dma_wait3A_546 = arith.constant 0 : i32
      %dma_wait3A_547 = tpu.memref_slice %arg3[%dma_wait3A_546] : memref<320000xi32, #tpu.memory_space<hbm>> -> memref<80xi32, #tpu.memory_space<hbm>>
      tpu.wait_dma2 semaphore(%arg22 : memref<!tpu.dma_semaphore, #tpu.memory_space<semaphore_mem>>) src(%dma_wait3A_547 : memref<80xi32, #tpu.memory_space<hbm>>) dst(%dma_wait3A_545 : memref<80xi32, #tpu.memory_space<vmem>>)
      %dma_start3A_548 = arith.constant 0 : i32
      %dma_start3A_549 = arith.constant 0 : i32
      %dma_start3A_550 = tpu.memref_slice %arg8[%dma_start3A_548, %dma_start3A_549] : memref<1x80xi32, #tpu.memory_space<vmem>> -> memref<1x80xi32, #tpu.memory_space<vmem>>
      %dma_start3A_551 = tpu.memref_squeeze %dma_start3A_550 : memref<1x80xi32, #tpu.memory_space<vmem>> -> memref<80xi32, #tpu.memory_space<vmem>>
      %dma_start3A_552 = arith.constant 0 : i32
      %dma_start3A_553 = arith.constant 0 : i32
      %dma_start3A_554 = tpu.memref_slice %arg15[%dma_start3A_552, %dma_start3A_553] : memref<10112x128xf32, #tpu.memory_space<vmem_shared>> -> memref<10112x128xf32, #tpu.memory_space<vmem_shared>>
      tpu.enqueue_indirect_dma source(%arg13 : memref<80x128xf32, #tpu.memory_space<vmem>>) target(%dma_start3A_554 : memref<10112x128xf32, #tpu.memory_space<vmem_shared>>) offsets(%dma_start3A_551 : memref<80xi32, #tpu.memory_space<vmem>>) semaphore(%arg26 : memref<!tpu.dma_semaphore, #tpu.memory_space<semaphore_mem>>) {add = true}
    }
    %scan3A_163 = arith.constant 14 : i32
    %dma_wait3A_164 = arith.constant 0 : i32
    %dma_wait3A_165 = arith.constant 0 : i32
    %dma_wait3A_166 = tpu.memref_slice %arg2[%dma_wait3A_164, %dma_wait3A_165] : memref<160000x128xf32, #tpu.memory_space<hbm>> -> memref<80x128xf32, #tpu.memory_space<hbm>>
    %dma_wait3A_167 = arith.constant 0 : i32
    %dma_wait3A_168 = arith.constant 0 : i32
    %dma_wait3A_169 = tpu.memref_slice %arg2[%dma_wait3A_167, %dma_wait3A_168] : memref<160000x128xf32, #tpu.memory_space<hbm>> -> memref<80x128xf32, #tpu.memory_space<hbm>>
    tpu.wait_dma2 semaphore(%arg24 : memref<!tpu.dma_semaphore, #tpu.memory_space<semaphore_mem>>) src(%dma_wait3A_169 : memref<80x128xf32, #tpu.memory_space<hbm>>) dst(%arg11 : memref<80x128xf32, #tpu.memory_space<vmem>>)
    %add3A_170 = arith.constant 4800 : i32
    %add3A_171 = arith.addi %mul3A_4, %add3A_170 : i32
    %multiple_of3A_172 = tpu.assume_multiple %add3A_171, 8 : i32
    %add3A_173 = arith.constant 0 : i32
    %add3A_174 = arith.addi %add3A_173, %mul3A_4 : i32
    %add3A_175 = arith.constant 4800 : i32
    %add3A_176 = arith.addi %add3A_174, %add3A_175 : i32
    %multiple_of3A_177 = tpu.assume_multiple %add3A_176, 8 : i32
    %dma_start3A_178 = arith.constant 0 : i32
    %dma_start3A_179 = tpu.memref_slice %arg2[%multiple_of3A_172, %dma_start3A_178] : memref<160000x128xf32, #tpu.memory_space<hbm>> -> memref<80x128xf32, #tpu.memory_space<hbm>>
    %dma_start3A_180 = arith.constant 0 : i32
    %dma_start3A_181 = tpu.memref_slice %arg2[%multiple_of3A_172, %dma_start3A_180] : memref<160000x128xf32, #tpu.memory_space<hbm>> -> memref<80x128xf32, #tpu.memory_space<hbm>>
    tpu.enqueue_dma source(%dma_start3A_181 : memref<80x128xf32, #tpu.memory_space<hbm>>) target(%arg11 : memref<80x128xf32, #tpu.memory_space<vmem>>) target_semaphore(%arg16 : memref<!tpu.dma_semaphore, #tpu.memory_space<semaphore_mem>>)
    %dma_start3A_182 = arith.constant 0 : i32
    %dma_start3A_183 = arith.constant 0 : i32
    %dma_start3A_184 = tpu.memref_slice %arg6[%dma_start3A_182, %dma_start3A_183] : memref<1x80xi32, #tpu.memory_space<vmem>> -> memref<1x80xi32, #tpu.memory_space<vmem>>
    %dma_start3A_185 = tpu.memref_squeeze %dma_start3A_184 : memref<1x80xi32, #tpu.memory_space<vmem>> -> memref<80xi32, #tpu.memory_space<vmem>>
    %dma_start3A_186 = tpu.memref_slice %arg3[%multiple_of3A_177] : memref<320000xi32, #tpu.memory_space<hbm>> -> memref<80xi32, #tpu.memory_space<hbm>>
    %dma_start3A_187 = arith.constant 0 : i32
    %dma_start3A_188 = tpu.memref_slice %arg6[%dma_start3A_182, %dma_start3A_187] : memref<1x80xi32, #tpu.memory_space<vmem>> -> memref<1x80xi32, #tpu.memory_space<vmem>>
    %dma_start3A_189 = tpu.memref_squeeze %dma_start3A_188 : memref<1x80xi32, #tpu.memory_space<vmem>> -> memref<80xi32, #tpu.memory_space<vmem>>
    %dma_start3A_190 = tpu.memref_slice %arg3[%multiple_of3A_177] : memref<320000xi32, #tpu.memory_space<hbm>> -> memref<80xi32, #tpu.memory_space<hbm>>
    tpu.enqueue_dma source(%dma_start3A_190 : memref<80xi32, #tpu.memory_space<hbm>>) target(%dma_start3A_189 : memref<80xi32, #tpu.memory_space<vmem>>) target_semaphore(%arg20 : memref<!tpu.dma_semaphore, #tpu.memory_space<semaphore_mem>>)
    %dma_wait3A_191 = arith.constant 0 : i32
    %dma_wait3A_192 = arith.constant 0 : i32
    %dma_wait3A_193 = tpu.memref_slice %arg2[%dma_wait3A_191, %dma_wait3A_192] : memref<160000x128xf32, #tpu.memory_space<hbm>> -> memref<80x128xf32, #tpu.memory_space<hbm>>
    %dma_wait3A_194 = arith.constant 0 : i32
    %dma_wait3A_195 = arith.constant 0 : i32
    %dma_wait3A_196 = tpu.memref_slice %arg2[%dma_wait3A_194, %dma_wait3A_195] : memref<160000x128xf32, #tpu.memory_space<hbm>> -> memref<80x128xf32, #tpu.memory_space<hbm>>
    tpu.wait_dma2 semaphore(%arg19 : memref<!tpu.dma_semaphore, #tpu.memory_space<semaphore_mem>>) src(%dma_wait3A_196 : memref<80x128xf32, #tpu.memory_space<hbm>>) dst(%arg14 : memref<80x128xf32, #tpu.memory_space<vmem>>)
    %dma_wait3A_197 = arith.constant 0 : i32
    %dma_wait3A_198 = arith.constant 0 : i32
    %dma_wait3A_199 = tpu.memref_slice %arg9[%dma_wait3A_197, %dma_wait3A_198] : memref<1x80xi32, #tpu.memory_space<vmem>> -> memref<1x80xi32, #tpu.memory_space<vmem>>
    %dma_wait3A_200 = tpu.memref_squeeze %dma_wait3A_199 : memref<1x80xi32, #tpu.memory_space<vmem>> -> memref<80xi32, #tpu.memory_space<vmem>>
    %dma_wait3A_201 = arith.constant 0 : i32
    %dma_wait3A_202 = tpu.memref_slice %arg3[%dma_wait3A_201] : memref<320000xi32, #tpu.memory_space<hbm>> -> memref<80xi32, #tpu.memory_space<hbm>>
    %dma_wait3A_203 = arith.constant 0 : i32
    %dma_wait3A_204 = tpu.memref_slice %arg9[%dma_wait3A_197, %dma_wait3A_203] : memref<1x80xi32, #tpu.memory_space<vmem>> -> memref<1x80xi32, #tpu.memory_space<vmem>>
    %dma_wait3A_205 = tpu.memref_squeeze %dma_wait3A_204 : memref<1x80xi32, #tpu.memory_space<vmem>> -> memref<80xi32, #tpu.memory_space<vmem>>
    %dma_wait3A_206 = arith.constant 0 : i32
    %dma_wait3A_207 = tpu.memref_slice %arg3[%dma_wait3A_206] : memref<320000xi32, #tpu.memory_space<hbm>> -> memref<80xi32, #tpu.memory_space<hbm>>
    tpu.wait_dma2 semaphore(%arg23 : memref<!tpu.dma_semaphore, #tpu.memory_space<semaphore_mem>>) src(%dma_wait3A_207 : memref<80xi32, #tpu.memory_space<hbm>>) dst(%dma_wait3A_205 : memref<80xi32, #tpu.memory_space<vmem>>)
    %dma_start3A_208 = arith.constant 0 : i32
    %dma_start3A_209 = arith.constant 0 : i32
    %dma_start3A_210 = tpu.memref_slice %arg9[%dma_start3A_208, %dma_start3A_209] : memref<1x80xi32, #tpu.memory_space<vmem>> -> memref<1x80xi32, #tpu.memory_space<vmem>>
    %dma_start3A_211 = tpu.memref_squeeze %dma_start3A_210 : memref<1x80xi32, #tpu.memory_space<vmem>> -> memref<80xi32, #tpu.memory_space<vmem>>
    %dma_start3A_212 = arith.constant 0 : i32
    %dma_start3A_213 = arith.constant 0 : i32
    %dma_start3A_214 = tpu.memref_slice %arg15[%dma_start3A_212, %dma_start3A_213] : memref<10112x128xf32, #tpu.memory_space<vmem_shared>> -> memref<10112x128xf32, #tpu.memory_space<vmem_shared>>
    tpu.enqueue_indirect_dma source(%arg14 : memref<80x128xf32, #tpu.memory_space<vmem>>) target(%dma_start3A_214 : memref<10112x128xf32, #tpu.memory_space<vmem_shared>>) offsets(%dma_start3A_211 : memref<80xi32, #tpu.memory_space<vmem>>) semaphore(%arg27 : memref<!tpu.dma_semaphore, #tpu.memory_space<semaphore_mem>>) {add = true}
    %dma_wait3A_215 = arith.constant 0 : i32
    %dma_wait3A_216 = arith.constant 0 : i32
    %dma_wait3A_217 = tpu.memref_slice %arg2[%dma_wait3A_215, %dma_wait3A_216] : memref<160000x128xf32, #tpu.memory_space<hbm>> -> memref<80x128xf32, #tpu.memory_space<hbm>>
    %dma_wait3A_218 = arith.constant 0 : i32
    %dma_wait3A_219 = arith.constant 0 : i32
    %dma_wait3A_220 = tpu.memref_slice %arg2[%dma_wait3A_218, %dma_wait3A_219] : memref<160000x128xf32, #tpu.memory_space<hbm>> -> memref<80x128xf32, #tpu.memory_space<hbm>>
    tpu.wait_dma2 semaphore(%arg25 : memref<!tpu.dma_semaphore, #tpu.memory_space<semaphore_mem>>) src(%dma_wait3A_220 : memref<80x128xf32, #tpu.memory_space<hbm>>) dst(%arg12 : memref<80x128xf32, #tpu.memory_space<vmem>>)
    %add3A_221 = arith.constant 4880 : i32
    %add3A_222 = arith.addi %mul3A_4, %add3A_221 : i32
    %multiple_of3A_223 = tpu.assume_multiple %add3A_222, 8 : i32
    %add3A_224 = arith.constant 0 : i32
    %add3A_225 = arith.addi %add3A_224, %mul3A_4 : i32
    %add3A_226 = arith.constant 4880 : i32
    %add3A_227 = arith.addi %add3A_225, %add3A_226 : i32
    %multiple_of3A_228 = tpu.assume_multiple %add3A_227, 8 : i32
    %dma_start3A_229 = arith.constant 0 : i32
    %dma_start3A_230 = tpu.memref_slice %arg2[%multiple_of3A_223, %dma_start3A_229] : memref<160000x128xf32, #tpu.memory_space<hbm>> -> memref<80x128xf32, #tpu.memory_space<hbm>>
    %dma_start3A_231 = arith.constant 0 : i32
    %dma_start3A_232 = tpu.memref_slice %arg2[%multiple_of3A_223, %dma_start3A_231] : memref<160000x128xf32, #tpu.memory_space<hbm>> -> memref<80x128xf32, #tpu.memory_space<hbm>>
    tpu.enqueue_dma source(%dma_start3A_232 : memref<80x128xf32, #tpu.memory_space<hbm>>) target(%arg12 : memref<80x128xf32, #tpu.memory_space<vmem>>) target_semaphore(%arg17 : memref<!tpu.dma_semaphore, #tpu.memory_space<semaphore_mem>>)
    %dma_start3A_233 = arith.constant 0 : i32
    %dma_start3A_234 = arith.constant 0 : i32
    %dma_start3A_235 = tpu.memref_slice %arg7[%dma_start3A_233, %dma_start3A_234] : memref<1x80xi32, #tpu.memory_space<vmem>> -> memref<1x80xi32, #tpu.memory_space<vmem>>
    %dma_start3A_236 = tpu.memref_squeeze %dma_start3A_235 : memref<1x80xi32, #tpu.memory_space<vmem>> -> memref<80xi32, #tpu.memory_space<vmem>>
    %dma_start3A_237 = tpu.memref_slice %arg3[%multiple_of3A_228] : memref<320000xi32, #tpu.memory_space<hbm>> -> memref<80xi32, #tpu.memory_space<hbm>>
    %dma_start3A_238 = arith.constant 0 : i32
    %dma_start3A_239 = tpu.memref_slice %arg7[%dma_start3A_233, %dma_start3A_238] : memref<1x80xi32, #tpu.memory_space<vmem>> -> memref<1x80xi32, #tpu.memory_space<vmem>>
    %dma_start3A_240 = tpu.memref_squeeze %dma_start3A_239 : memref<1x80xi32, #tpu.memory_space<vmem>> -> memref<80xi32, #tpu.memory_space<vmem>>
    %dma_start3A_241 = tpu.memref_slice %arg3[%multiple_of3A_228] : memref<320000xi32, #tpu.memory_space<hbm>> -> memref<80xi32, #tpu.memory_space<hbm>>
    tpu.enqueue_dma source(%dma_start3A_241 : memref<80xi32, #tpu.memory_space<hbm>>) target(%dma_start3A_240 : memref<80xi32, #tpu.memory_space<vmem>>) target_semaphore(%arg21 : memref<!tpu.dma_semaphore, #tpu.memory_space<semaphore_mem>>)
    %dma_wait3A_242 = arith.constant 0 : i32
    %dma_wait3A_243 = arith.constant 0 : i32
    %dma_wait3A_244 = tpu.memref_slice %arg2[%dma_wait3A_242, %dma_wait3A_243] : memref<160000x128xf32, #tpu.memory_space<hbm>> -> memref<80x128xf32, #tpu.memory_space<hbm>>
    %dma_wait3A_245 = arith.constant 0 : i32
    %dma_wait3A_246 = arith.constant 0 : i32
    %dma_wait3A_247 = tpu.memref_slice %arg2[%dma_wait3A_245, %dma_wait3A_246] : memref<160000x128xf32, #tpu.memory_space<hbm>> -> memref<80x128xf32, #tpu.memory_space<hbm>>
    tpu.wait_dma2 semaphore(%arg16 : memref<!tpu.dma_semaphore, #tpu.memory_space<semaphore_mem>>) src(%dma_wait3A_247 : memref<80x128xf32, #tpu.memory_space<hbm>>) dst(%arg11 : memref<80x128xf32, #tpu.memory_space<vmem>>)
    %dma_wait3A_248 = arith.constant 0 : i32
    %dma_wait3A_249 = arith.constant 0 : i32
    %dma_wait3A_250 = tpu.memref_slice %arg6[%dma_wait3A_248, %dma_wait3A_249] : memref<1x80xi32, #tpu.memory_space<vmem>> -> memref<1x80xi32, #tpu.memory_space<vmem>>
    %dma_wait3A_251 = tpu.memref_squeeze %dma_wait3A_250 : memref<1x80xi32, #tpu.memory_space<vmem>> -> memref<80xi32, #tpu.memory_space<vmem>>
    %dma_wait3A_252 = arith.constant 0 : i32
    %dma_wait3A_253 = tpu.memref_slice %arg3[%dma_wait3A_252] : memref<320000xi32, #tpu.memory_space<hbm>> -> memref<80xi32, #tpu.memory_space<hbm>>
    %dma_wait3A_254 = arith.constant 0 : i32
    %dma_wait3A_255 = tpu.memref_slice %arg6[%dma_wait3A_248, %dma_wait3A_254] : memref<1x80xi32, #tpu.memory_space<vmem>> -> memref<1x80xi32, #tpu.memory_space<vmem>>
    %dma_wait3A_256 = tpu.memref_squeeze %dma_wait3A_255 : memref<1x80xi32, #tpu.memory_space<vmem>> -> memref<80xi32, #tpu.memory_space<vmem>>
    %dma_wait3A_257 = arith.constant 0 : i32
    %dma_wait3A_258 = tpu.memref_slice %arg3[%dma_wait3A_257] : memref<320000xi32, #tpu.memory_space<hbm>> -> memref<80xi32, #tpu.memory_space<hbm>>
    tpu.wait_dma2 semaphore(%arg20 : memref<!tpu.dma_semaphore, #tpu.memory_space<semaphore_mem>>) src(%dma_wait3A_258 : memref<80xi32, #tpu.memory_space<hbm>>) dst(%dma_wait3A_256 : memref<80xi32, #tpu.memory_space<vmem>>)
    %dma_start3A_259 = arith.constant 0 : i32
    %dma_start3A_260 = arith.constant 0 : i32
    %dma_start3A_261 = tpu.memref_slice %arg6[%dma_start3A_259, %dma_start3A_260] : memref<1x80xi32, #tpu.memory_space<vmem>> -> memref<1x80xi32, #tpu.memory_space<vmem>>
    %dma_start3A_262 = tpu.memref_squeeze %dma_start3A_261 : memref<1x80xi32, #tpu.memory_space<vmem>> -> memref<80xi32, #tpu.memory_space<vmem>>
    %dma_start3A_263 = arith.constant 0 : i32
    %dma_start3A_264 = arith.constant 0 : i32
    %dma_start3A_265 = tpu.memref_slice %arg15[%dma_start3A_263, %dma_start3A_264] : memref<10112x128xf32, #tpu.memory_space<vmem_shared>> -> memref<10112x128xf32, #tpu.memory_space<vmem_shared>>
    tpu.enqueue_indirect_dma source(%arg11 : memref<80x128xf32, #tpu.memory_space<vmem>>) target(%dma_start3A_265 : memref<10112x128xf32, #tpu.memory_space<vmem_shared>>) offsets(%dma_start3A_262 : memref<80xi32, #tpu.memory_space<vmem>>) semaphore(%arg24 : memref<!tpu.dma_semaphore, #tpu.memory_space<semaphore_mem>>) {add = true}
    %dma_wait3A_266 = arith.constant 0 : i32
    %dma_wait3A_267 = arith.constant 0 : i32
    %dma_wait3A_268 = tpu.memref_slice %arg2[%dma_wait3A_266, %dma_wait3A_267] : memref<160000x128xf32, #tpu.memory_space<hbm>> -> memref<80x128xf32, #tpu.memory_space<hbm>>
    %dma_wait3A_269 = arith.constant 0 : i32
    %dma_wait3A_270 = arith.constant 0 : i32
    %dma_wait3A_271 = tpu.memref_slice %arg2[%dma_wait3A_269, %dma_wait3A_270] : memref<160000x128xf32, #tpu.memory_space<hbm>> -> memref<80x128xf32, #tpu.memory_space<hbm>>
    tpu.wait_dma2 semaphore(%arg26 : memref<!tpu.dma_semaphore, #tpu.memory_space<semaphore_mem>>) src(%dma_wait3A_271 : memref<80x128xf32, #tpu.memory_space<hbm>>) dst(%arg13 : memref<80x128xf32, #tpu.memory_space<vmem>>)
    %dma_wait3A_272 = arith.constant 0 : i32
    %dma_wait3A_273 = arith.constant 0 : i32
    %dma_wait3A_274 = tpu.memref_slice %arg2[%dma_wait3A_272, %dma_wait3A_273] : memref<160000x128xf32, #tpu.memory_space<hbm>> -> memref<80x128xf32, #tpu.memory_space<hbm>>
    %dma_wait3A_275 = arith.constant 0 : i32
    %dma_wait3A_276 = arith.constant 0 : i32
    %dma_wait3A_277 = tpu.memref_slice %arg2[%dma_wait3A_275, %dma_wait3A_276] : memref<160000x128xf32, #tpu.memory_space<hbm>> -> memref<80x128xf32, #tpu.memory_space<hbm>>
    tpu.wait_dma2 semaphore(%arg17 : memref<!tpu.dma_semaphore, #tpu.memory_space<semaphore_mem>>) src(%dma_wait3A_277 : memref<80x128xf32, #tpu.memory_space<hbm>>) dst(%arg12 : memref<80x128xf32, #tpu.memory_space<vmem>>)
    %dma_wait3A_278 = arith.constant 0 : i32
    %dma_wait3A_279 = arith.constant 0 : i32
    %dma_wait3A_280 = tpu.memref_slice %arg7[%dma_wait3A_278, %dma_wait3A_279] : memref<1x80xi32, #tpu.memory_space<vmem>> -> memref<1x80xi32, #tpu.memory_space<vmem>>
    %dma_wait3A_281 = tpu.memref_squeeze %dma_wait3A_280 : memref<1x80xi32, #tpu.memory_space<vmem>> -> memref<80xi32, #tpu.memory_space<vmem>>
    %dma_wait3A_282 = arith.constant 0 : i32
    %dma_wait3A_283 = tpu.memref_slice %arg3[%dma_wait3A_282] : memref<320000xi32, #tpu.memory_space<hbm>> -> memref<80xi32, #tpu.memory_space<hbm>>
    %dma_wait3A_284 = arith.constant 0 : i32
    %dma_wait3A_285 = tpu.memref_slice %arg7[%dma_wait3A_278, %dma_wait3A_284] : memref<1x80xi32, #tpu.memory_space<vmem>> -> memref<1x80xi32, #tpu.memory_space<vmem>>
    %dma_wait3A_286 = tpu.memref_squeeze %dma_wait3A_285 : memref<1x80xi32, #tpu.memory_space<vmem>> -> memref<80xi32, #tpu.memory_space<vmem>>
    %dma_wait3A_287 = arith.constant 0 : i32
    %dma_wait3A_288 = tpu.memref_slice %arg3[%dma_wait3A_287] : memref<320000xi32, #tpu.memory_space<hbm>> -> memref<80xi32, #tpu.memory_space<hbm>>
    tpu.wait_dma2 semaphore(%arg21 : memref<!tpu.dma_semaphore, #tpu.memory_space<semaphore_mem>>) src(%dma_wait3A_288 : memref<80xi32, #tpu.memory_space<hbm>>) dst(%dma_wait3A_286 : memref<80xi32, #tpu.memory_space<vmem>>)
    %dma_start3A_289 = arith.constant 0 : i32
    %dma_start3A_290 = arith.constant 0 : i32
    %dma_start3A_291 = tpu.memref_slice %arg7[%dma_start3A_289, %dma_start3A_290] : memref<1x80xi32, #tpu.memory_space<vmem>> -> memref<1x80xi32, #tpu.memory_space<vmem>>
    %dma_start3A_292 = tpu.memref_squeeze %dma_start3A_291 : memref<1x80xi32, #tpu.memory_space<vmem>> -> memref<80xi32, #tpu.memory_space<vmem>>
    %dma_start3A_293 = arith.constant 0 : i32
    %dma_start3A_294 = arith.constant 0 : i32
    %dma_start3A_295 = tpu.memref_slice %arg15[%dma_start3A_293, %dma_start3A_294] : memref<10112x128xf32, #tpu.memory_space<vmem_shared>> -> memref<10112x128xf32, #tpu.memory_space<vmem_shared>>
    tpu.enqueue_indirect_dma source(%arg12 : memref<80x128xf32, #tpu.memory_space<vmem>>) target(%dma_start3A_295 : memref<10112x128xf32, #tpu.memory_space<vmem_shared>>) offsets(%dma_start3A_292 : memref<80xi32, #tpu.memory_space<vmem>>) semaphore(%arg25 : memref<!tpu.dma_semaphore, #tpu.memory_space<semaphore_mem>>) {add = true}
    %dma_wait3A_296 = arith.constant 0 : i32
    %dma_wait3A_297 = arith.constant 0 : i32
    %dma_wait3A_298 = tpu.memref_slice %arg2[%dma_wait3A_296, %dma_wait3A_297] : memref<160000x128xf32, #tpu.memory_space<hbm>> -> memref<80x128xf32, #tpu.memory_space<hbm>>
    %dma_wait3A_299 = arith.constant 0 : i32
    %dma_wait3A_300 = arith.constant 0 : i32
    %dma_wait3A_301 = tpu.memref_slice %arg2[%dma_wait3A_299, %dma_wait3A_300] : memref<160000x128xf32, #tpu.memory_space<hbm>> -> memref<80x128xf32, #tpu.memory_space<hbm>>
    tpu.wait_dma2 semaphore(%arg27 : memref<!tpu.dma_semaphore, #tpu.memory_space<semaphore_mem>>) src(%dma_wait3A_301 : memref<80x128xf32, #tpu.memory_space<hbm>>) dst(%arg14 : memref<80x128xf32, #tpu.memory_space<vmem>>)
    %dma_wait3A_302 = arith.constant 0 : i32
    %dma_wait3A_303 = arith.constant 0 : i32
    %dma_wait3A_304 = tpu.memref_slice %arg2[%dma_wait3A_302, %dma_wait3A_303] : memref<160000x128xf32, #tpu.memory_space<hbm>> -> memref<80x128xf32, #tpu.memory_space<hbm>>
    %dma_wait3A_305 = arith.constant 0 : i32
    %dma_wait3A_306 = arith.constant 0 : i32
    %dma_wait3A_307 = tpu.memref_slice %arg2[%dma_wait3A_305, %dma_wait3A_306] : memref<160000x128xf32, #tpu.memory_space<hbm>> -> memref<80x128xf32, #tpu.memory_space<hbm>>
    tpu.wait_dma2 semaphore(%arg24 : memref<!tpu.dma_semaphore, #tpu.memory_space<semaphore_mem>>) src(%dma_wait3A_307 : memref<80x128xf32, #tpu.memory_space<hbm>>) dst(%arg11 : memref<80x128xf32, #tpu.memory_space<vmem>>)
    %dma_wait3A_308 = arith.constant 0 : i32
    %dma_wait3A_309 = arith.constant 0 : i32
    %dma_wait3A_310 = tpu.memref_slice %arg2[%dma_wait3A_308, %dma_wait3A_309] : memref<160000x128xf32, #tpu.memory_space<hbm>> -> memref<80x128xf32, #tpu.memory_space<hbm>>
    %dma_wait3A_311 = arith.constant 0 : i32
    %dma_wait3A_312 = arith.constant 0 : i32
    %dma_wait3A_313 = tpu.memref_slice %arg2[%dma_wait3A_311, %dma_wait3A_312] : memref<160000x128xf32, #tpu.memory_space<hbm>> -> memref<80x128xf32, #tpu.memory_space<hbm>>
    tpu.wait_dma2 semaphore(%arg25 : memref<!tpu.dma_semaphore, #tpu.memory_space<semaphore_mem>>) src(%dma_wait3A_313 : memref<80x128xf32, #tpu.memory_space<hbm>>) dst(%arg12 : memref<80x128xf32, #tpu.memory_space<vmem>>)
    %add3A_314 = arith.constant 4960 : i32
    %add3A_315 = arith.addi %mul3A_4, %add3A_314 : i32
    %multiple_of3A_316 = tpu.assume_multiple %add3A_315, 8 : i32
    %add3A_317 = arith.constant 0 : i32
    %add3A_318 = arith.addi %add3A_317, %mul3A_4 : i32
    %add3A_319 = arith.constant 4960 : i32
    %add3A_320 = arith.addi %add3A_318, %add3A_319 : i32
    %multiple_of3A_321 = tpu.assume_multiple %add3A_320, 8 : i32
    %run_scoped3A = arith.constant 0 : i32
    "tpu.region"() ({
      %run_scoped3A_324 = tpu.sem_alloc : memref<!tpu.dma_semaphore, #tpu.memory_space<semaphore_mem>>
      %dma_start3A_325 = arith.constant 0 : i32
      %dma_start3A_326 = tpu.memref_slice %arg10[%run_scoped3A, %dma_start3A_325] : memref<1x40xi32, #tpu.memory_space<vmem>> -> memref<1x40xi32, #tpu.memory_space<vmem>>
      %dma_start3A_327 = tpu.memref_squeeze %dma_start3A_326 : memref<1x40xi32, #tpu.memory_space<vmem>> -> memref<40xi32, #tpu.memory_space<vmem>>
      %dma_start3A_328 = tpu.memref_slice %arg3[%multiple_of3A_321] : memref<320000xi32, #tpu.memory_space<hbm>> -> memref<40xi32, #tpu.memory_space<hbm>>
      %dma_start3A_329 = arith.constant 0 : i32
      %dma_start3A_330 = tpu.memref_slice %arg10[%run_scoped3A, %dma_start3A_329] : memref<1x40xi32, #tpu.memory_space<vmem>> -> memref<1x40xi32, #tpu.memory_space<vmem>>
      %dma_start3A_331 = tpu.memref_squeeze %dma_start3A_330 : memref<1x40xi32, #tpu.memory_space<vmem>> -> memref<40xi32, #tpu.memory_space<vmem>>
      %dma_start3A_332 = tpu.memref_slice %arg3[%multiple_of3A_321] : memref<320000xi32, #tpu.memory_space<hbm>> -> memref<40xi32, #tpu.memory_space<hbm>>
      tpu.enqueue_dma source(%dma_start3A_332 : memref<40xi32, #tpu.memory_space<hbm>>) target(%dma_start3A_331 : memref<40xi32, #tpu.memory_space<vmem>>) target_semaphore(%run_scoped3A_324 : memref<!tpu.dma_semaphore, #tpu.memory_space<semaphore_mem>>)
      %dma_wait3A_333 = arith.constant 0 : i32
      %dma_wait3A_334 = tpu.memref_slice %arg10[%run_scoped3A, %dma_wait3A_333] : memref<1x40xi32, #tpu.memory_space<vmem>> -> memref<1x40xi32, #tpu.memory_space<vmem>>
      %dma_wait3A_335 = tpu.memref_squeeze %dma_wait3A_334 : memref<1x40xi32, #tpu.memory_space<vmem>> -> memref<40xi32, #tpu.memory_space<vmem>>
      %dma_wait3A_336 = tpu.memref_slice %arg3[%multiple_of3A_321] : memref<320000xi32, #tpu.memory_space<hbm>> -> memref<40xi32, #tpu.memory_space<hbm>>
      %dma_wait3A_337 = arith.constant 0 : i32
      %dma_wait3A_338 = tpu.memref_slice %arg10[%run_scoped3A, %dma_wait3A_337] : memref<1x40xi32, #tpu.memory_space<vmem>> -> memref<1x40xi32, #tpu.memory_space<vmem>>
      %dma_wait3A_339 = tpu.memref_squeeze %dma_wait3A_338 : memref<1x40xi32, #tpu.memory_space<vmem>> -> memref<40xi32, #tpu.memory_space<vmem>>
      %dma_wait3A_340 = tpu.memref_slice %arg3[%multiple_of3A_321] : memref<320000xi32, #tpu.memory_space<hbm>> -> memref<40xi32, #tpu.memory_space<hbm>>
      tpu.wait_dma2 semaphore(%run_scoped3A_324 : memref<!tpu.dma_semaphore, #tpu.memory_space<semaphore_mem>>) src(%dma_wait3A_340 : memref<40xi32, #tpu.memory_space<hbm>>) dst(%dma_wait3A_339 : memref<40xi32, #tpu.memory_space<vmem>>)
      tpu.yield
    }) : () -> ()
    "tpu.region"() ({
      %run_scoped3A_324 = tpu.sem_alloc : memref<!tpu.dma_semaphore, #tpu.memory_space<semaphore_mem>>
      %dma_start3A_325 = arith.constant 0 : i32
      %dma_start3A_326 = arith.constant 0 : i32
      %dma_start3A_327 = tpu.memref_slice %arg11[%dma_start3A_325, %dma_start3A_326] : memref<80x128xf32, #tpu.memory_space<vmem>> -> memref<40x128xf32, #tpu.memory_space<vmem>>
      %dma_start3A_328 = arith.constant 0 : i32
      %dma_start3A_329 = tpu.memref_slice %arg2[%multiple_of3A_316, %dma_start3A_328] : memref<160000x128xf32, #tpu.memory_space<hbm>> -> memref<40x128xf32, #tpu.memory_space<hbm>>
      %dma_start3A_330 = arith.constant 0 : i32
      %dma_start3A_331 = arith.constant 0 : i32
      %dma_start3A_332 = tpu.memref_slice %arg11[%dma_start3A_330, %dma_start3A_331] : memref<80x128xf32, #tpu.memory_space<vmem>> -> memref<40x128xf32, #tpu.memory_space<vmem>>
      %dma_start3A_333 = arith.constant 0 : i32
      %dma_start3A_334 = tpu.memref_slice %arg2[%multiple_of3A_316, %dma_start3A_333] : memref<160000x128xf32, #tpu.memory_space<hbm>> -> memref<40x128xf32, #tpu.memory_space<hbm>>
      tpu.enqueue_dma source(%dma_start3A_334 : memref<40x128xf32, #tpu.memory_space<hbm>>) target(%dma_start3A_332 : memref<40x128xf32, #tpu.memory_space<vmem>>) target_semaphore(%run_scoped3A_324 : memref<!tpu.dma_semaphore, #tpu.memory_space<semaphore_mem>>)
      %dma_wait3A_335 = arith.constant 0 : i32
      %dma_wait3A_336 = arith.constant 0 : i32
      %dma_wait3A_337 = tpu.memref_slice %arg11[%dma_wait3A_335, %dma_wait3A_336] : memref<80x128xf32, #tpu.memory_space<vmem>> -> memref<40x128xf32, #tpu.memory_space<vmem>>
      %dma_wait3A_338 = arith.constant 0 : i32
      %dma_wait3A_339 = tpu.memref_slice %arg2[%multiple_of3A_316, %dma_wait3A_338] : memref<160000x128xf32, #tpu.memory_space<hbm>> -> memref<40x128xf32, #tpu.memory_space<hbm>>
      %dma_wait3A_340 = arith.constant 0 : i32
      %dma_wait3A_341 = arith.constant 0 : i32
      %dma_wait3A_342 = tpu.memref_slice %arg11[%dma_wait3A_340, %dma_wait3A_341] : memref<80x128xf32, #tpu.memory_space<vmem>> -> memref<40x128xf32, #tpu.memory_space<vmem>>
      %dma_wait3A_343 = arith.constant 0 : i32
      %dma_wait3A_344 = tpu.memref_slice %arg2[%multiple_of3A_316, %dma_wait3A_343] : memref<160000x128xf32, #tpu.memory_space<hbm>> -> memref<40x128xf32, #tpu.memory_space<hbm>>
      tpu.wait_dma2 semaphore(%run_scoped3A_324 : memref<!tpu.dma_semaphore, #tpu.memory_space<semaphore_mem>>) src(%dma_wait3A_344 : memref<40x128xf32, #tpu.memory_space<hbm>>) dst(%dma_wait3A_342 : memref<40x128xf32, #tpu.memory_space<vmem>>)
      tpu.yield
    }) : () -> ()
    %run_scoped3A_322 = arith.constant 0 : i32
    "tpu.region"() ({
      %run_scoped3A_324 = tpu.sem_alloc : memref<!tpu.dma_semaphore, #tpu.memory_space<semaphore_mem>>
      %dma_start3A_325 = arith.constant 0 : i32
      %dma_start3A_326 = arith.constant 0 : i32
      %dma_start3A_327 = tpu.memref_slice %arg11[%dma_start3A_325, %dma_start3A_326] : memref<80x128xf32, #tpu.memory_space<vmem>> -> memref<40x128xf32, #tpu.memory_space<vmem>>
      %dma_start3A_328 = arith.constant 0 : i32
      %dma_start3A_329 = tpu.memref_slice %arg10[%run_scoped3A_322, %dma_start3A_328] : memref<1x40xi32, #tpu.memory_space<vmem>> -> memref<1x40xi32, #tpu.memory_space<vmem>>
      %dma_start3A_330 = tpu.memref_squeeze %dma_start3A_329 : memref<1x40xi32, #tpu.memory_space<vmem>> -> memref<40xi32, #tpu.memory_space<vmem>>
      %dma_start3A_331 = arith.constant 0 : i32
      %dma_start3A_332 = arith.constant 0 : i32
      %dma_start3A_333 = tpu.memref_slice %arg15[%dma_start3A_331, %dma_start3A_332] : memref<10112x128xf32, #tpu.memory_space<vmem_shared>> -> memref<10112x128xf32, #tpu.memory_space<vmem_shared>>
      tpu.enqueue_indirect_dma source(%dma_start3A_327 : memref<40x128xf32, #tpu.memory_space<vmem>>) target(%dma_start3A_333 : memref<10112x128xf32, #tpu.memory_space<vmem_shared>>) offsets(%dma_start3A_330 : memref<40xi32, #tpu.memory_space<vmem>>) semaphore(%run_scoped3A_324 : memref<!tpu.dma_semaphore, #tpu.memory_space<semaphore_mem>>) {add = true}
      %dma_wait3A_334 = arith.constant 0 : i32
      %dma_wait3A_335 = arith.constant 0 : i32
      %dma_wait3A_336 = tpu.memref_slice %arg11[%dma_wait3A_334, %dma_wait3A_335] : memref<80x128xf32, #tpu.memory_space<vmem>> -> memref<40x128xf32, #tpu.memory_space<vmem>>
      %dma_wait3A_337 = arith.constant 0 : i32
      %dma_wait3A_338 = tpu.memref_slice %arg10[%run_scoped3A_322, %dma_wait3A_337] : memref<1x40xi32, #tpu.memory_space<vmem>> -> memref<1x40xi32, #tpu.memory_space<vmem>>
      %dma_wait3A_339 = tpu.memref_squeeze %dma_wait3A_338 : memref<1x40xi32, #tpu.memory_space<vmem>> -> memref<40xi32, #tpu.memory_space<vmem>>
      %dma_wait3A_340 = arith.constant 0 : i32
      %dma_wait3A_341 = arith.constant 0 : i32
      %dma_wait3A_342 = tpu.memref_slice %arg15[%dma_wait3A_340, %dma_wait3A_341] : memref<10112x128xf32, #tpu.memory_space<vmem_shared>> -> memref<10112x128xf32, #tpu.memory_space<vmem_shared>>
      tpu.wait_indirect_dma semaphore(%run_scoped3A_324 : memref<!tpu.dma_semaphore, #tpu.memory_space<semaphore_mem>>) src(%dma_wait3A_336 : memref<40x128xf32, #tpu.memory_space<vmem>>) dst(%dma_wait3A_342 : memref<10112x128xf32, #tpu.memory_space<vmem_shared>>)
      tpu.yield
    }) : () -> ()
    %barrier3A_323 = arith.constant 0 : index
    tpu.barrier barrier_id(%barrier3A_323)
    "tpu.region"() ({
      %run_scoped3A_324 = tpu.sem_alloc : memref<!tpu.dma_semaphore, #tpu.memory_space<semaphore_mem>>
      %dma_start3A_325 = arith.constant 0 : i32
      %dma_start3A_326 = tpu.memref_slice %arg5[%arg0, %multiple_of3A, %dma_start3A_325] : memref<2x10112x128xf32, #tpu.memory_space<hbm>> -> memref<1x632x128xf32, #tpu.memory_space<hbm>>
      %dma_start3A_327 = tpu.memref_squeeze %dma_start3A_326 : memref<1x632x128xf32, #tpu.memory_space<hbm>> -> memref<632x128xf32, #tpu.memory_space<hbm>>
      %dma_start3A_328 = arith.constant 0 : i32
      %dma_start3A_329 = tpu.memref_slice %arg15[%multiple_of3A, %dma_start3A_328] : memref<10112x128xf32, #tpu.memory_space<vmem_shared>> -> memref<632x128xf32, #tpu.memory_space<vmem_shared>>
      tpu.enqueue_dma source(%dma_start3A_329 : memref<632x128xf32, #tpu.memory_space<vmem_shared>>) target(%dma_start3A_327 : memref<632x128xf32, #tpu.memory_space<hbm>>) target_semaphore(%run_scoped3A_324 : memref<!tpu.dma_semaphore, #tpu.memory_space<semaphore_mem>>)
      %dma_wait3A_330 = arith.constant 0 : i32
      %dma_wait3A_331 = tpu.memref_slice %arg5[%arg0, %multiple_of3A, %dma_wait3A_330] : memref<2x10112x128xf32, #tpu.memory_space<hbm>> -> memref<1x632x128xf32, #tpu.memory_space<hbm>>
      %dma_wait3A_332 = tpu.memref_squeeze %dma_wait3A_331 : memref<1x632x128xf32, #tpu.memory_space<hbm>> -> memref<632x128xf32, #tpu.memory_space<hbm>>
      %dma_wait3A_333 = arith.constant 0 : i32
      %dma_wait3A_334 = tpu.memref_slice %arg15[%multiple_of3A, %dma_wait3A_333] : memref<10112x128xf32, #tpu.memory_space<vmem_shared>> -> memref<632x128xf32, #tpu.memory_space<vmem_shared>>
      tpu.wait_dma2 semaphore(%run_scoped3A_324 : memref<!tpu.dma_semaphore, #tpu.memory_space<semaphore_mem>>) src(%dma_wait3A_334 : memref<632x128xf32, #tpu.memory_space<vmem_shared>>) dst(%dma_wait3A_332 : memref<632x128xf32, #tpu.memory_space<hbm>>)
      tpu.yield
    }) : () -> ()
    return
  }
}

module attributes {stable_mosaic.version = 14 : i64} {
  func.func @_msg_body(%arg0: i32, %arg1: memref<8000x128xf32, #tpu.memory_space<vmem>>, %arg2: memref<128x128xf32, #tpu.memory_space<vmem>>, %arg3: memref<1x128xf32, #tpu.memory_space<vmem>>, %arg4: memref<1x1x8000xi32, #tpu.memory_space<vmem>>, %arg5: memref<1x1x8000xi32, #tpu.memory_space<smem>>, %arg6: memref<8000x128xf32, #tpu.memory_space<vmem>>, %arg7: memref<10112x128xf32, #tpu.memory_space<vmem>>, %arg8: memref<10112x128xf32, #tpu.memory_space<vmem>>) attributes {dimension_semantics = [#tpu.dimension_semantics<arbitrary>], iteration_bounds = array<i64: 20>, scalar_prefetch = 0 : i64, scratch_operands = 1 : i64, tpu.core_type = #tpu.core_type<tc>, window_params = [{transform_indices = @transform_0, window_bounds = array<i64: 8000, 128>}, {pipeline_mode = #tpu.pipeline_mode<synchronous>, transform_indices = @transform_1, window_bounds = array<i64: 128, 128>}, {pipeline_mode = #tpu.pipeline_mode<synchronous>, transform_indices = @transform_2, window_bounds = array<i64: 1, 128>}, {transform_indices = @transform_3, window_bounds = array<i64: 1, 1, 8000>}, {transform_indices = @transform_4, window_bounds = array<i64: 1, 1, 8000>}, {transform_indices = @transform_5, window_bounds = array<i64: 8000, 128>}, {pipeline_mode = #tpu.pipeline_mode<synchronous>, transform_indices = @transform_6, window_bounds = array<i64: 10112, 128>}]} {
    %eq3A = arith.constant 0 : i32
    %eq3A_0 = arith.cmpi eq, %arg0, %eq3A : i32
    %convert_element_type3A = arith.extui %eq3A_0 : i1 to i32
    %cond3A = arith.constant 0 : i32
    %cond3A_1 = arith.cmpi ne, %convert_element_type3A, %cond3A : i32
    scf.if %cond3A_1 {
      %broadcast_in_dim3A = arith.constant 0.000000e+00 : f32
      %broadcast_in_dim3A_370 = vector.broadcast %broadcast_in_dim3A : f32 to vector<10112x128xf32>
      %swap3A_371 = arith.constant 0 : index
      %swap3A_372 = arith.constant 0 : index
      %swap3A_373 = vector.load %arg8[%swap3A_371, %swap3A_372] : memref<10112x128xf32, #tpu.memory_space<vmem>>, vector<10112x128xf32>
      tpu.vector_store %arg8[%swap3A_371, %swap3A_372], %broadcast_in_dim3A_370 {strides = array<i32>} : memref<10112x128xf32, #tpu.memory_space<vmem>>, vector<10112x128xf32>,
    } else {
    }
    %get3A = arith.constant 0 : index
    %get3A_2 = arith.constant 0 : index
    %get3A_3 = vector.load %arg1[%get3A, %get3A_2] : memref<8000x128xf32, #tpu.memory_space<vmem>>, vector<8000x128xf32>
    %get3A_4 = arith.constant 0 : index
    %get3A_5 = arith.constant 0 : index
    %get3A_6 = vector.load %arg2[%get3A_4, %get3A_5] : memref<128x128xf32, #tpu.memory_space<vmem>>, vector<128x128xf32>
    %dot_general3A = arith.constant dense<0.000000e+00> : vector<8000x128xf32>
    %dot_general3A_7 = tpu.matmul %get3A_3, %get3A_6, %dot_general3A {dimension_numbers = #tpu.dot_dimension_numbers<[1], [1], [0], [0], [0, 0, 1, 0], [], []>, transpose_lhs_hint = false} : vector<8000x128xf32>, vector<128x128xf32>, vector<8000x128xf32> -> vector<8000x128xf32>
    %get3A_8 = arith.constant 0 : index
    %get3A_9 = arith.constant 0 : index
    %get3A_10 = vector.load %arg3[%get3A_8, %get3A_9] : memref<1x128xf32, #tpu.memory_space<vmem>>, vector<1x128xf32>
    %add3A = vector.broadcast %get3A_10 : vector<1x128xf32> to vector<8000x128xf32>
    %add3A_11 = arith.addf %dot_general3A_7, %add3A : vector<8000x128xf32>
    %max3A = arith.constant 0.000000e+00 : f32
    %max3A_12 = vector.broadcast %max3A : f32 to vector<8000x128xf32>
    %max3A_13 = arith.maximumf %add3A_11, %max3A_12 : vector<8000x128xf32>
    %swap3A = arith.constant 0 : index
    %swap3A_14 = arith.constant 0 : index
    %swap3A_15 = vector.load %arg6[%swap3A, %swap3A_14] : memref<8000x128xf32, #tpu.memory_space<vmem>>, vector<8000x128xf32>
    tpu.vector_store %arg6[%swap3A, %swap3A_14], %max3A_13 {strides = array<i32>} : memref<8000x128xf32, #tpu.memory_space<vmem>>, vector<8000x128xf32>,
    %get3A_16 = arith.constant 0 : index
    %get3A_17 = arith.constant 0 : index
    %get3A_18 = arith.constant 0 : index
    %get3A_19 = memref.load %arg5[%get3A_16, %get3A_17, %get3A_18] : memref<1x1x8000xi32, #tpu.memory_space<smem>>
    %get3A_20 = arith.constant 0 : index
    %get3A_21 = arith.constant 0 : index
    %get3A_22 = arith.constant 999 : index
    %get3A_23 = memref.load %arg5[%get3A_20, %get3A_21, %get3A_22] : memref<1x1x8000xi32, #tpu.memory_space<smem>>
    %jit3A = arith.constant 8 : i32
    %div3A = arith.divsi %get3A_19, %jit3A : i32
    %sign3A = arith.constant 0 : i32
    %sign3A_24 = arith.cmpi sgt, %get3A_19, %sign3A : i32
    %sign3A_25 = arith.extui %sign3A_24 : i1 to i32
    %sign3A_26 = arith.constant 0 : i32
    %sign3A_27 = arith.cmpi slt, %get3A_19, %sign3A_26 : i32
    %sign3A_28 = arith.extui %sign3A_27 : i1 to i32
    %sign3A_29 = arith.subi %sign3A_25, %sign3A_28 : i32
    %sign3A_30 = arith.constant 0 : i32
    %sign3A_31 = arith.cmpi sgt, %jit3A, %sign3A_30 : i32
    %sign3A_32 = arith.extui %sign3A_31 : i1 to i32
    %sign3A_33 = arith.constant 0 : i32
    %sign3A_34 = arith.cmpi slt, %jit3A, %sign3A_33 : i32
    %sign3A_35 = arith.extui %sign3A_34 : i1 to i32
    %sign3A_36 = arith.subi %sign3A_32, %sign3A_35 : i32
    %ne3A = arith.cmpi ne, %sign3A_29, %sign3A_36 : i32
    %rem3A = arith.remsi %get3A_19, %jit3A : i32
    %ne3A_37 = arith.constant 0 : i32
    %ne3A_38 = arith.cmpi ne, %rem3A, %ne3A_37 : i32
    %and3A = arith.andi %ne3A, %ne3A_38 : i1
    %sub3A = arith.constant 1 : i32
    %sub3A_39 = arith.subi %div3A, %sub3A : i32
    %select_n3A = arith.select %and3A, %sub3A_39, %div3A : i32
    %mul3A = arith.constant 8 : i32
    %mul3A_40 = arith.muli %select_n3A, %mul3A : i32
    %sub3A_41 = arith.subi %get3A_23, %mul3A_40 : i32
    %lt3A = arith.constant 64 : i32
    %lt3A_42 = arith.cmpi slt, %sub3A_41, %lt3A : i32
    %convert_element_type3A_43 = arith.extui %lt3A_42 : i1 to i32
    %cond3A_44 = arith.constant 0 : i32
    %cond3A_45 = arith.cmpi ne, %convert_element_type3A_43, %cond3A_44 : i32
    scf.if %cond3A_45 {
      %get3A_370 = arith.constant 0 : index
      %get3A_371 = arith.constant 0 : index
      %get3A_372 = arith.constant 0 : index
      %get3A_373 = vector.load %arg4[%get3A_370, %get3A_371, %get3A_372] : memref<1x1x8000xi32, #tpu.memory_space<vmem>>, vector<1x1x1000xi32>
      %get3A_374 = vector.shape_cast %get3A_373 : vector<1x1x1000xi32> to vector<1000xi32>
      %iota3A = tpu.iota {dimensions = array<i32: 0>} : vector<64x1000xi32>
      %add3A_375 = vector.broadcast %mul3A_40 : i32 to vector<64x1000xi32>
      %add3A_376 = arith.addi %iota3A, %add3A_375 : vector<64x1000xi32>
      %broadcast_in_dim3A = vector.shape_cast %get3A_374 : vector<1000xi32> to vector<1x1000xi32>
      %eq3A_377 = vector.broadcast %broadcast_in_dim3A : vector<1x1000xi32> to vector<64x1000xi32>
      %eq3A_378 = arith.cmpi eq, %add3A_376, %eq3A_377 : vector<64x1000xi32>
      %convert_element_type3A_379 = arith.extui %eq3A_378 : vector<64x1000xi1> to vector<64x1000xi32>
      %convert_element_type3A_380 = arith.sitofp %convert_element_type3A_379 : vector<64x1000xi32> to vector<64x1000xf32>
      %reduce_sum3A = arith.constant dense<0.000000e+00> : vector<64xf32>
      %reduce_sum3A_381 = vector.multi_reduction <add>, %convert_element_type3A_380, %reduce_sum3A [1] : vector<64x1000xf32> to vector<64xf32>
      %broadcast_in_dim3A_382 = vector.shape_cast %reduce_sum3A_381 : vector<64xf32> to vector<64x1xf32>
      %get3A_383 = arith.index_cast %mul3A_40 : i32 to index
      %get3A_384 = arith.constant 0 : index
      %get3A_385 = vector.load %arg8[%get3A_383, %get3A_384] : memref<10112x128xf32, #tpu.memory_space<vmem>>, vector<64x128xf32>
      %add3A_386 = vector.broadcast %broadcast_in_dim3A_382 : vector<64x1xf32> to vector<64x128xf32>
      %add3A_387 = arith.addf %get3A_385, %add3A_386 : vector<64x128xf32>
      %swap3A_388 = arith.index_cast %mul3A_40 : i32 to index
      %swap3A_389 = arith.constant 0 : index
      %swap3A_390 = vector.load %arg8[%swap3A_388, %swap3A_389] : memref<10112x128xf32, #tpu.memory_space<vmem>>, vector<64x128xf32>
      tpu.vector_store %arg8[%swap3A_388, %swap3A_389], %add3A_387 {strides = array<i32>} : memref<10112x128xf32, #tpu.memory_space<vmem>>, vector<64x128xf32>,
    } else {
    }
    %not3A = arith.constant true
    %not3A_46 = arith.xori %lt3A_42, %not3A : i1
    %convert_element_type3A_47 = arith.extui %not3A_46 : i1 to i32
    %cond3A_48 = arith.constant 0 : i32
    %cond3A_49 = arith.cmpi ne, %convert_element_type3A_47, %cond3A_48 : i32
    scf.if %cond3A_49 {
      %scan3A = arith.constant 0 : i32
      %scan3A_370 = arith.constant 1000 : i32
      %scan3A_371 = arith.addi %scan3A, %scan3A_370 : i32
      %scan3A_372 = arith.constant 1 : i32
      scf.for %scan3A_374 = %scan3A to %scan3A_371 step %scan3A_372  : i32 {
        %get3A_375 = arith.constant 0 : index
        %get3A_376 = arith.constant 0 : index
        %get3A_377 = arith.index_cast %scan3A_374 : i32 to index
        %get3A_378 = memref.load %arg5[%get3A_375, %get3A_376, %get3A_377] : memref<1x1x8000xi32, #tpu.memory_space<smem>>
        %get3A_379 = arith.index_cast %get3A_378 : i32 to index
        %get3A_380 = arith.constant 0 : index
        %get3A_381 = vector.load %arg8[%get3A_379, %get3A_380] : memref<10112x128xf32, #tpu.memory_space<vmem>>, vector<1x128xf32>
        %add3A_382 = arith.constant 1.000000e+00 : f32
        %add3A_383 = vector.broadcast %add3A_382 : f32 to vector<1x128xf32>
        %add3A_384 = arith.addf %get3A_381, %add3A_383 : vector<1x128xf32>
        %swap3A_385 = arith.index_cast %get3A_378 : i32 to index
        %swap3A_386 = arith.constant 0 : index
        %swap3A_387 = vector.load %arg8[%swap3A_385, %swap3A_386] : memref<10112x128xf32, #tpu.memory_space<vmem>>, vector<1x128xf32>
        tpu.vector_store %arg8[%swap3A_385, %swap3A_386], %add3A_384 {strides = array<i32>} : memref<10112x128xf32, #tpu.memory_space<vmem>>, vector<1x128xf32>,
      }
      %scan3A_373 = arith.constant 1000 : i32
    } else {
    }
    %get3A_50 = arith.constant 0 : index
    %get3A_51 = arith.constant 0 : index
    %get3A_52 = arith.constant 1000 : index
    %get3A_53 = memref.load %arg5[%get3A_50, %get3A_51, %get3A_52] : memref<1x1x8000xi32, #tpu.memory_space<smem>>
    %get3A_54 = arith.constant 0 : index
    %get3A_55 = arith.constant 0 : index
    %get3A_56 = arith.constant 1999 : index
    %get3A_57 = memref.load %arg5[%get3A_54, %get3A_55, %get3A_56] : memref<1x1x8000xi32, #tpu.memory_space<smem>>
    %jit3A_58 = arith.constant 8 : i32
    %div3A_59 = arith.divsi %get3A_53, %jit3A_58 : i32
    %sign3A_60 = arith.constant 0 : i32
    %sign3A_61 = arith.cmpi sgt, %get3A_53, %sign3A_60 : i32
    %sign3A_62 = arith.extui %sign3A_61 : i1 to i32
    %sign3A_63 = arith.constant 0 : i32
    %sign3A_64 = arith.cmpi slt, %get3A_53, %sign3A_63 : i32
    %sign3A_65 = arith.extui %sign3A_64 : i1 to i32
    %sign3A_66 = arith.subi %sign3A_62, %sign3A_65 : i32
    %sign3A_67 = arith.constant 0 : i32
    %sign3A_68 = arith.cmpi sgt, %jit3A_58, %sign3A_67 : i32
    %sign3A_69 = arith.extui %sign3A_68 : i1 to i32
    %sign3A_70 = arith.constant 0 : i32
    %sign3A_71 = arith.cmpi slt, %jit3A_58, %sign3A_70 : i32
    %sign3A_72 = arith.extui %sign3A_71 : i1 to i32
    %sign3A_73 = arith.subi %sign3A_69, %sign3A_72 : i32
    %ne3A_74 = arith.cmpi ne, %sign3A_66, %sign3A_73 : i32
    %rem3A_75 = arith.remsi %get3A_53, %jit3A_58 : i32
    %ne3A_76 = arith.constant 0 : i32
    %ne3A_77 = arith.cmpi ne, %rem3A_75, %ne3A_76 : i32
    %and3A_78 = arith.andi %ne3A_74, %ne3A_77 : i1
    %sub3A_79 = arith.constant 1 : i32
    %sub3A_80 = arith.subi %div3A_59, %sub3A_79 : i32
    %select_n3A_81 = arith.select %and3A_78, %sub3A_80, %div3A_59 : i32
    %mul3A_82 = arith.constant 8 : i32
    %mul3A_83 = arith.muli %select_n3A_81, %mul3A_82 : i32
    %sub3A_84 = arith.subi %get3A_57, %mul3A_83 : i32
    %lt3A_85 = arith.constant 64 : i32
    %lt3A_86 = arith.cmpi slt, %sub3A_84, %lt3A_85 : i32
    %convert_element_type3A_87 = arith.extui %lt3A_86 : i1 to i32
    %cond3A_88 = arith.constant 0 : i32
    %cond3A_89 = arith.cmpi ne, %convert_element_type3A_87, %cond3A_88 : i32
    scf.if %cond3A_89 {
      %get3A_370 = arith.constant 0 : index
      %get3A_371 = arith.constant 0 : index
      %get3A_372 = arith.constant 1000 : index
      %get3A_373 = vector.load %arg4[%get3A_370, %get3A_371, %get3A_372] : memref<1x1x8000xi32, #tpu.memory_space<vmem>>, vector<1x1x1000xi32>
      %get3A_374 = vector.shape_cast %get3A_373 : vector<1x1x1000xi32> to vector<1000xi32>
      %iota3A = tpu.iota {dimensions = array<i32: 0>} : vector<64x1000xi32>
      %add3A_375 = vector.broadcast %mul3A_83 : i32 to vector<64x1000xi32>
      %add3A_376 = arith.addi %iota3A, %add3A_375 : vector<64x1000xi32>
      %broadcast_in_dim3A = vector.shape_cast %get3A_374 : vector<1000xi32> to vector<1x1000xi32>
      %eq3A_377 = vector.broadcast %broadcast_in_dim3A : vector<1x1000xi32> to vector<64x1000xi32>
      %eq3A_378 = arith.cmpi eq, %add3A_376, %eq3A_377 : vector<64x1000xi32>
      %convert_element_type3A_379 = arith.extui %eq3A_378 : vector<64x1000xi1> to vector<64x1000xi32>
      %convert_element_type3A_380 = arith.sitofp %convert_element_type3A_379 : vector<64x1000xi32> to vector<64x1000xf32>
      %reduce_sum3A = arith.constant dense<0.000000e+00> : vector<64xf32>
      %reduce_sum3A_381 = vector.multi_reduction <add>, %convert_element_type3A_380, %reduce_sum3A [1] : vector<64x1000xf32> to vector<64xf32>
      %broadcast_in_dim3A_382 = vector.shape_cast %reduce_sum3A_381 : vector<64xf32> to vector<64x1xf32>
      %get3A_383 = arith.index_cast %mul3A_83 : i32 to index
      %get3A_384 = arith.constant 0 : index
      %get3A_385 = vector.load %arg8[%get3A_383, %get3A_384] : memref<10112x128xf32, #tpu.memory_space<vmem>>, vector<64x128xf32>
      %add3A_386 = vector.broadcast %broadcast_in_dim3A_382 : vector<64x1xf32> to vector<64x128xf32>
      %add3A_387 = arith.addf %get3A_385, %add3A_386 : vector<64x128xf32>
      %swap3A_388 = arith.index_cast %mul3A_83 : i32 to index
      %swap3A_389 = arith.constant 0 : index
      %swap3A_390 = vector.load %arg8[%swap3A_388, %swap3A_389] : memref<10112x128xf32, #tpu.memory_space<vmem>>, vector<64x128xf32>
      tpu.vector_store %arg8[%swap3A_388, %swap3A_389], %add3A_387 {strides = array<i32>} : memref<10112x128xf32, #tpu.memory_space<vmem>>, vector<64x128xf32>,
    } else {
    }
    %not3A_90 = arith.constant true
    %not3A_91 = arith.xori %lt3A_86, %not3A_90 : i1
    %convert_element_type3A_92 = arith.extui %not3A_91 : i1 to i32
    %cond3A_93 = arith.constant 0 : i32
    %cond3A_94 = arith.cmpi ne, %convert_element_type3A_92, %cond3A_93 : i32
    scf.if %cond3A_94 {
      %scan3A = arith.constant 1000 : i32
      %scan3A_370 = arith.constant 1000 : i32
      %scan3A_371 = arith.addi %scan3A, %scan3A_370 : i32
      %scan3A_372 = arith.constant 1 : i32
      scf.for %scan3A_374 = %scan3A to %scan3A_371 step %scan3A_372  : i32 {
        %get3A_375 = arith.constant 0 : index
        %get3A_376 = arith.constant 0 : index
        %get3A_377 = arith.index_cast %scan3A_374 : i32 to index
        %get3A_378 = memref.load %arg5[%get3A_375, %get3A_376, %get3A_377] : memref<1x1x8000xi32, #tpu.memory_space<smem>>
        %get3A_379 = arith.index_cast %get3A_378 : i32 to index
        %get3A_380 = arith.constant 0 : index
        %get3A_381 = vector.load %arg8[%get3A_379, %get3A_380] : memref<10112x128xf32, #tpu.memory_space<vmem>>, vector<1x128xf32>
        %add3A_382 = arith.constant 1.000000e+00 : f32
        %add3A_383 = vector.broadcast %add3A_382 : f32 to vector<1x128xf32>
        %add3A_384 = arith.addf %get3A_381, %add3A_383 : vector<1x128xf32>
        %swap3A_385 = arith.index_cast %get3A_378 : i32 to index
        %swap3A_386 = arith.constant 0 : index
        %swap3A_387 = vector.load %arg8[%swap3A_385, %swap3A_386] : memref<10112x128xf32, #tpu.memory_space<vmem>>, vector<1x128xf32>
        tpu.vector_store %arg8[%swap3A_385, %swap3A_386], %add3A_384 {strides = array<i32>} : memref<10112x128xf32, #tpu.memory_space<vmem>>, vector<1x128xf32>,
      }
      %scan3A_373 = arith.constant 1000 : i32
    } else {
    }
    %get3A_95 = arith.constant 0 : index
    %get3A_96 = arith.constant 0 : index
    %get3A_97 = arith.constant 2000 : index
    %get3A_98 = memref.load %arg5[%get3A_95, %get3A_96, %get3A_97] : memref<1x1x8000xi32, #tpu.memory_space<smem>>
    %get3A_99 = arith.constant 0 : index
    %get3A_100 = arith.constant 0 : index
    %get3A_101 = arith.constant 2999 : index
    %get3A_102 = memref.load %arg5[%get3A_99, %get3A_100, %get3A_101] : memref<1x1x8000xi32, #tpu.memory_space<smem>>
    %jit3A_103 = arith.constant 8 : i32
    %div3A_104 = arith.divsi %get3A_98, %jit3A_103 : i32
    %sign3A_105 = arith.constant 0 : i32
    %sign3A_106 = arith.cmpi sgt, %get3A_98, %sign3A_105 : i32
    %sign3A_107 = arith.extui %sign3A_106 : i1 to i32
    %sign3A_108 = arith.constant 0 : i32
    %sign3A_109 = arith.cmpi slt, %get3A_98, %sign3A_108 : i32
    %sign3A_110 = arith.extui %sign3A_109 : i1 to i32
    %sign3A_111 = arith.subi %sign3A_107, %sign3A_110 : i32
    %sign3A_112 = arith.constant 0 : i32
    %sign3A_113 = arith.cmpi sgt, %jit3A_103, %sign3A_112 : i32
    %sign3A_114 = arith.extui %sign3A_113 : i1 to i32
    %sign3A_115 = arith.constant 0 : i32
    %sign3A_116 = arith.cmpi slt, %jit3A_103, %sign3A_115 : i32
    %sign3A_117 = arith.extui %sign3A_116 : i1 to i32
    %sign3A_118 = arith.subi %sign3A_114, %sign3A_117 : i32
    %ne3A_119 = arith.cmpi ne, %sign3A_111, %sign3A_118 : i32
    %rem3A_120 = arith.remsi %get3A_98, %jit3A_103 : i32
    %ne3A_121 = arith.constant 0 : i32
    %ne3A_122 = arith.cmpi ne, %rem3A_120, %ne3A_121 : i32
    %and3A_123 = arith.andi %ne3A_119, %ne3A_122 : i1
    %sub3A_124 = arith.constant 1 : i32
    %sub3A_125 = arith.subi %div3A_104, %sub3A_124 : i32
    %select_n3A_126 = arith.select %and3A_123, %sub3A_125, %div3A_104 : i32
    %mul3A_127 = arith.constant 8 : i32
    %mul3A_128 = arith.muli %select_n3A_126, %mul3A_127 : i32
    %sub3A_129 = arith.subi %get3A_102, %mul3A_128 : i32
    %lt3A_130 = arith.constant 64 : i32
    %lt3A_131 = arith.cmpi slt, %sub3A_129, %lt3A_130 : i32
    %convert_element_type3A_132 = arith.extui %lt3A_131 : i1 to i32
    %cond3A_133 = arith.constant 0 : i32
    %cond3A_134 = arith.cmpi ne, %convert_element_type3A_132, %cond3A_133 : i32
    scf.if %cond3A_134 {
      %get3A_370 = arith.constant 0 : index
      %get3A_371 = arith.constant 0 : index
      %get3A_372 = arith.constant 2000 : index
      %get3A_373 = vector.load %arg4[%get3A_370, %get3A_371, %get3A_372] : memref<1x1x8000xi32, #tpu.memory_space<vmem>>, vector<1x1x1000xi32>
      %get3A_374 = vector.shape_cast %get3A_373 : vector<1x1x1000xi32> to vector<1000xi32>
      %iota3A = tpu.iota {dimensions = array<i32: 0>} : vector<64x1000xi32>
      %add3A_375 = vector.broadcast %mul3A_128 : i32 to vector<64x1000xi32>
      %add3A_376 = arith.addi %iota3A, %add3A_375 : vector<64x1000xi32>
      %broadcast_in_dim3A = vector.shape_cast %get3A_374 : vector<1000xi32> to vector<1x1000xi32>
      %eq3A_377 = vector.broadcast %broadcast_in_dim3A : vector<1x1000xi32> to vector<64x1000xi32>
      %eq3A_378 = arith.cmpi eq, %add3A_376, %eq3A_377 : vector<64x1000xi32>
      %convert_element_type3A_379 = arith.extui %eq3A_378 : vector<64x1000xi1> to vector<64x1000xi32>
      %convert_element_type3A_380 = arith.sitofp %convert_element_type3A_379 : vector<64x1000xi32> to vector<64x1000xf32>
      %reduce_sum3A = arith.constant dense<0.000000e+00> : vector<64xf32>
      %reduce_sum3A_381 = vector.multi_reduction <add>, %convert_element_type3A_380, %reduce_sum3A [1] : vector<64x1000xf32> to vector<64xf32>
      %broadcast_in_dim3A_382 = vector.shape_cast %reduce_sum3A_381 : vector<64xf32> to vector<64x1xf32>
      %get3A_383 = arith.index_cast %mul3A_128 : i32 to index
      %get3A_384 = arith.constant 0 : index
      %get3A_385 = vector.load %arg8[%get3A_383, %get3A_384] : memref<10112x128xf32, #tpu.memory_space<vmem>>, vector<64x128xf32>
      %add3A_386 = vector.broadcast %broadcast_in_dim3A_382 : vector<64x1xf32> to vector<64x128xf32>
      %add3A_387 = arith.addf %get3A_385, %add3A_386 : vector<64x128xf32>
      %swap3A_388 = arith.index_cast %mul3A_128 : i32 to index
      %swap3A_389 = arith.constant 0 : index
      %swap3A_390 = vector.load %arg8[%swap3A_388, %swap3A_389] : memref<10112x128xf32, #tpu.memory_space<vmem>>, vector<64x128xf32>
      tpu.vector_store %arg8[%swap3A_388, %swap3A_389], %add3A_387 {strides = array<i32>} : memref<10112x128xf32, #tpu.memory_space<vmem>>, vector<64x128xf32>,
    } else {
    }
    %not3A_135 = arith.constant true
    %not3A_136 = arith.xori %lt3A_131, %not3A_135 : i1
    %convert_element_type3A_137 = arith.extui %not3A_136 : i1 to i32
    %cond3A_138 = arith.constant 0 : i32
    %cond3A_139 = arith.cmpi ne, %convert_element_type3A_137, %cond3A_138 : i32
    scf.if %cond3A_139 {
      %scan3A = arith.constant 2000 : i32
      %scan3A_370 = arith.constant 1000 : i32
      %scan3A_371 = arith.addi %scan3A, %scan3A_370 : i32
      %scan3A_372 = arith.constant 1 : i32
      scf.for %scan3A_374 = %scan3A to %scan3A_371 step %scan3A_372  : i32 {
        %get3A_375 = arith.constant 0 : index
        %get3A_376 = arith.constant 0 : index
        %get3A_377 = arith.index_cast %scan3A_374 : i32 to index
        %get3A_378 = memref.load %arg5[%get3A_375, %get3A_376, %get3A_377] : memref<1x1x8000xi32, #tpu.memory_space<smem>>
        %get3A_379 = arith.index_cast %get3A_378 : i32 to index
        %get3A_380 = arith.constant 0 : index
        %get3A_381 = vector.load %arg8[%get3A_379, %get3A_380] : memref<10112x128xf32, #tpu.memory_space<vmem>>, vector<1x128xf32>
        %add3A_382 = arith.constant 1.000000e+00 : f32
        %add3A_383 = vector.broadcast %add3A_382 : f32 to vector<1x128xf32>
        %add3A_384 = arith.addf %get3A_381, %add3A_383 : vector<1x128xf32>
        %swap3A_385 = arith.index_cast %get3A_378 : i32 to index
        %swap3A_386 = arith.constant 0 : index
        %swap3A_387 = vector.load %arg8[%swap3A_385, %swap3A_386] : memref<10112x128xf32, #tpu.memory_space<vmem>>, vector<1x128xf32>
        tpu.vector_store %arg8[%swap3A_385, %swap3A_386], %add3A_384 {strides = array<i32>} : memref<10112x128xf32, #tpu.memory_space<vmem>>, vector<1x128xf32>,
      }
      %scan3A_373 = arith.constant 1000 : i32
    } else {
    }
    %get3A_140 = arith.constant 0 : index
    %get3A_141 = arith.constant 0 : index
    %get3A_142 = arith.constant 3000 : index
    %get3A_143 = memref.load %arg5[%get3A_140, %get3A_141, %get3A_142] : memref<1x1x8000xi32, #tpu.memory_space<smem>>
    %get3A_144 = arith.constant 0 : index
    %get3A_145 = arith.constant 0 : index
    %get3A_146 = arith.constant 3999 : index
    %get3A_147 = memref.load %arg5[%get3A_144, %get3A_145, %get3A_146] : memref<1x1x8000xi32, #tpu.memory_space<smem>>
    %jit3A_148 = arith.constant 8 : i32
    %div3A_149 = arith.divsi %get3A_143, %jit3A_148 : i32
    %sign3A_150 = arith.constant 0 : i32
    %sign3A_151 = arith.cmpi sgt, %get3A_143, %sign3A_150 : i32
    %sign3A_152 = arith.extui %sign3A_151 : i1 to i32
    %sign3A_153 = arith.constant 0 : i32
    %sign3A_154 = arith.cmpi slt, %get3A_143, %sign3A_153 : i32
    %sign3A_155 = arith.extui %sign3A_154 : i1 to i32
    %sign3A_156 = arith.subi %sign3A_152, %sign3A_155 : i32
    %sign3A_157 = arith.constant 0 : i32
    %sign3A_158 = arith.cmpi sgt, %jit3A_148, %sign3A_157 : i32
    %sign3A_159 = arith.extui %sign3A_158 : i1 to i32
    %sign3A_160 = arith.constant 0 : i32
    %sign3A_161 = arith.cmpi slt, %jit3A_148, %sign3A_160 : i32
    %sign3A_162 = arith.extui %sign3A_161 : i1 to i32
    %sign3A_163 = arith.subi %sign3A_159, %sign3A_162 : i32
    %ne3A_164 = arith.cmpi ne, %sign3A_156, %sign3A_163 : i32
    %rem3A_165 = arith.remsi %get3A_143, %jit3A_148 : i32
    %ne3A_166 = arith.constant 0 : i32
    %ne3A_167 = arith.cmpi ne, %rem3A_165, %ne3A_166 : i32
    %and3A_168 = arith.andi %ne3A_164, %ne3A_167 : i1
    %sub3A_169 = arith.constant 1 : i32
    %sub3A_170 = arith.subi %div3A_149, %sub3A_169 : i32
    %select_n3A_171 = arith.select %and3A_168, %sub3A_170, %div3A_149 : i32
    %mul3A_172 = arith.constant 8 : i32
    %mul3A_173 = arith.muli %select_n3A_171, %mul3A_172 : i32
    %sub3A_174 = arith.subi %get3A_147, %mul3A_173 : i32
    %lt3A_175 = arith.constant 64 : i32
    %lt3A_176 = arith.cmpi slt, %sub3A_174, %lt3A_175 : i32
    %convert_element_type3A_177 = arith.extui %lt3A_176 : i1 to i32
    %cond3A_178 = arith.constant 0 : i32
    %cond3A_179 = arith.cmpi ne, %convert_element_type3A_177, %cond3A_178 : i32
    scf.if %cond3A_179 {
      %get3A_370 = arith.constant 0 : index
      %get3A_371 = arith.constant 0 : index
      %get3A_372 = arith.constant 3000 : index
      %get3A_373 = vector.load %arg4[%get3A_370, %get3A_371, %get3A_372] : memref<1x1x8000xi32, #tpu.memory_space<vmem>>, vector<1x1x1000xi32>
      %get3A_374 = vector.shape_cast %get3A_373 : vector<1x1x1000xi32> to vector<1000xi32>
      %iota3A = tpu.iota {dimensions = array<i32: 0>} : vector<64x1000xi32>
      %add3A_375 = vector.broadcast %mul3A_173 : i32 to vector<64x1000xi32>
      %add3A_376 = arith.addi %iota3A, %add3A_375 : vector<64x1000xi32>
      %broadcast_in_dim3A = vector.shape_cast %get3A_374 : vector<1000xi32> to vector<1x1000xi32>
      %eq3A_377 = vector.broadcast %broadcast_in_dim3A : vector<1x1000xi32> to vector<64x1000xi32>
      %eq3A_378 = arith.cmpi eq, %add3A_376, %eq3A_377 : vector<64x1000xi32>
      %convert_element_type3A_379 = arith.extui %eq3A_378 : vector<64x1000xi1> to vector<64x1000xi32>
      %convert_element_type3A_380 = arith.sitofp %convert_element_type3A_379 : vector<64x1000xi32> to vector<64x1000xf32>
      %reduce_sum3A = arith.constant dense<0.000000e+00> : vector<64xf32>
      %reduce_sum3A_381 = vector.multi_reduction <add>, %convert_element_type3A_380, %reduce_sum3A [1] : vector<64x1000xf32> to vector<64xf32>
      %broadcast_in_dim3A_382 = vector.shape_cast %reduce_sum3A_381 : vector<64xf32> to vector<64x1xf32>
      %get3A_383 = arith.index_cast %mul3A_173 : i32 to index
      %get3A_384 = arith.constant 0 : index
      %get3A_385 = vector.load %arg8[%get3A_383, %get3A_384] : memref<10112x128xf32, #tpu.memory_space<vmem>>, vector<64x128xf32>
      %add3A_386 = vector.broadcast %broadcast_in_dim3A_382 : vector<64x1xf32> to vector<64x128xf32>
      %add3A_387 = arith.addf %get3A_385, %add3A_386 : vector<64x128xf32>
      %swap3A_388 = arith.index_cast %mul3A_173 : i32 to index
      %swap3A_389 = arith.constant 0 : index
      %swap3A_390 = vector.load %arg8[%swap3A_388, %swap3A_389] : memref<10112x128xf32, #tpu.memory_space<vmem>>, vector<64x128xf32>
      tpu.vector_store %arg8[%swap3A_388, %swap3A_389], %add3A_387 {strides = array<i32>} : memref<10112x128xf32, #tpu.memory_space<vmem>>, vector<64x128xf32>,
    } else {
    }
    %not3A_180 = arith.constant true
    %not3A_181 = arith.xori %lt3A_176, %not3A_180 : i1
    %convert_element_type3A_182 = arith.extui %not3A_181 : i1 to i32
    %cond3A_183 = arith.constant 0 : i32
    %cond3A_184 = arith.cmpi ne, %convert_element_type3A_182, %cond3A_183 : i32
    scf.if %cond3A_184 {
      %scan3A = arith.constant 3000 : i32
      %scan3A_370 = arith.constant 1000 : i32
      %scan3A_371 = arith.addi %scan3A, %scan3A_370 : i32
      %scan3A_372 = arith.constant 1 : i32
      scf.for %scan3A_374 = %scan3A to %scan3A_371 step %scan3A_372  : i32 {
        %get3A_375 = arith.constant 0 : index
        %get3A_376 = arith.constant 0 : index
        %get3A_377 = arith.index_cast %scan3A_374 : i32 to index
        %get3A_378 = memref.load %arg5[%get3A_375, %get3A_376, %get3A_377] : memref<1x1x8000xi32, #tpu.memory_space<smem>>
        %get3A_379 = arith.index_cast %get3A_378 : i32 to index
        %get3A_380 = arith.constant 0 : index
        %get3A_381 = vector.load %arg8[%get3A_379, %get3A_380] : memref<10112x128xf32, #tpu.memory_space<vmem>>, vector<1x128xf32>
        %add3A_382 = arith.constant 1.000000e+00 : f32
        %add3A_383 = vector.broadcast %add3A_382 : f32 to vector<1x128xf32>
        %add3A_384 = arith.addf %get3A_381, %add3A_383 : vector<1x128xf32>
        %swap3A_385 = arith.index_cast %get3A_378 : i32 to index
        %swap3A_386 = arith.constant 0 : index
        %swap3A_387 = vector.load %arg8[%swap3A_385, %swap3A_386] : memref<10112x128xf32, #tpu.memory_space<vmem>>, vector<1x128xf32>
        tpu.vector_store %arg8[%swap3A_385, %swap3A_386], %add3A_384 {strides = array<i32>} : memref<10112x128xf32, #tpu.memory_space<vmem>>, vector<1x128xf32>,
      }
      %scan3A_373 = arith.constant 1000 : i32
    } else {
    }
    %get3A_185 = arith.constant 0 : index
    %get3A_186 = arith.constant 0 : index
    %get3A_187 = arith.constant 4000 : index
    %get3A_188 = memref.load %arg5[%get3A_185, %get3A_186, %get3A_187] : memref<1x1x8000xi32, #tpu.memory_space<smem>>
    %get3A_189 = arith.constant 0 : index
    %get3A_190 = arith.constant 0 : index
    %get3A_191 = arith.constant 4999 : index
    %get3A_192 = memref.load %arg5[%get3A_189, %get3A_190, %get3A_191] : memref<1x1x8000xi32, #tpu.memory_space<smem>>
    %jit3A_193 = arith.constant 8 : i32
    %div3A_194 = arith.divsi %get3A_188, %jit3A_193 : i32
    %sign3A_195 = arith.constant 0 : i32
    %sign3A_196 = arith.cmpi sgt, %get3A_188, %sign3A_195 : i32
    %sign3A_197 = arith.extui %sign3A_196 : i1 to i32
    %sign3A_198 = arith.constant 0 : i32
    %sign3A_199 = arith.cmpi slt, %get3A_188, %sign3A_198 : i32
    %sign3A_200 = arith.extui %sign3A_199 : i1 to i32
    %sign3A_201 = arith.subi %sign3A_197, %sign3A_200 : i32
    %sign3A_202 = arith.constant 0 : i32
    %sign3A_203 = arith.cmpi sgt, %jit3A_193, %sign3A_202 : i32
    %sign3A_204 = arith.extui %sign3A_203 : i1 to i32
    %sign3A_205 = arith.constant 0 : i32
    %sign3A_206 = arith.cmpi slt, %jit3A_193, %sign3A_205 : i32
    %sign3A_207 = arith.extui %sign3A_206 : i1 to i32
    %sign3A_208 = arith.subi %sign3A_204, %sign3A_207 : i32
    %ne3A_209 = arith.cmpi ne, %sign3A_201, %sign3A_208 : i32
    %rem3A_210 = arith.remsi %get3A_188, %jit3A_193 : i32
    %ne3A_211 = arith.constant 0 : i32
    %ne3A_212 = arith.cmpi ne, %rem3A_210, %ne3A_211 : i32
    %and3A_213 = arith.andi %ne3A_209, %ne3A_212 : i1
    %sub3A_214 = arith.constant 1 : i32
    %sub3A_215 = arith.subi %div3A_194, %sub3A_214 : i32
    %select_n3A_216 = arith.select %and3A_213, %sub3A_215, %div3A_194 : i32
    %mul3A_217 = arith.constant 8 : i32
    %mul3A_218 = arith.muli %select_n3A_216, %mul3A_217 : i32
    %sub3A_219 = arith.subi %get3A_192, %mul3A_218 : i32
    %lt3A_220 = arith.constant 64 : i32
    %lt3A_221 = arith.cmpi slt, %sub3A_219, %lt3A_220 : i32
    %convert_element_type3A_222 = arith.extui %lt3A_221 : i1 to i32
    %cond3A_223 = arith.constant 0 : i32
    %cond3A_224 = arith.cmpi ne, %convert_element_type3A_222, %cond3A_223 : i32
    scf.if %cond3A_224 {
      %get3A_370 = arith.constant 0 : index
      %get3A_371 = arith.constant 0 : index
      %get3A_372 = arith.constant 4000 : index
      %get3A_373 = vector.load %arg4[%get3A_370, %get3A_371, %get3A_372] : memref<1x1x8000xi32, #tpu.memory_space<vmem>>, vector<1x1x1000xi32>
      %get3A_374 = vector.shape_cast %get3A_373 : vector<1x1x1000xi32> to vector<1000xi32>
      %iota3A = tpu.iota {dimensions = array<i32: 0>} : vector<64x1000xi32>
      %add3A_375 = vector.broadcast %mul3A_218 : i32 to vector<64x1000xi32>
      %add3A_376 = arith.addi %iota3A, %add3A_375 : vector<64x1000xi32>
      %broadcast_in_dim3A = vector.shape_cast %get3A_374 : vector<1000xi32> to vector<1x1000xi32>
      %eq3A_377 = vector.broadcast %broadcast_in_dim3A : vector<1x1000xi32> to vector<64x1000xi32>
      %eq3A_378 = arith.cmpi eq, %add3A_376, %eq3A_377 : vector<64x1000xi32>
      %convert_element_type3A_379 = arith.extui %eq3A_378 : vector<64x1000xi1> to vector<64x1000xi32>
      %convert_element_type3A_380 = arith.sitofp %convert_element_type3A_379 : vector<64x1000xi32> to vector<64x1000xf32>
      %reduce_sum3A = arith.constant dense<0.000000e+00> : vector<64xf32>
      %reduce_sum3A_381 = vector.multi_reduction <add>, %convert_element_type3A_380, %reduce_sum3A [1] : vector<64x1000xf32> to vector<64xf32>
      %broadcast_in_dim3A_382 = vector.shape_cast %reduce_sum3A_381 : vector<64xf32> to vector<64x1xf32>
      %get3A_383 = arith.index_cast %mul3A_218 : i32 to index
      %get3A_384 = arith.constant 0 : index
      %get3A_385 = vector.load %arg8[%get3A_383, %get3A_384] : memref<10112x128xf32, #tpu.memory_space<vmem>>, vector<64x128xf32>
      %add3A_386 = vector.broadcast %broadcast_in_dim3A_382 : vector<64x1xf32> to vector<64x128xf32>
      %add3A_387 = arith.addf %get3A_385, %add3A_386 : vector<64x128xf32>
      %swap3A_388 = arith.index_cast %mul3A_218 : i32 to index
      %swap3A_389 = arith.constant 0 : index
      %swap3A_390 = vector.load %arg8[%swap3A_388, %swap3A_389] : memref<10112x128xf32, #tpu.memory_space<vmem>>, vector<64x128xf32>
      tpu.vector_store %arg8[%swap3A_388, %swap3A_389], %add3A_387 {strides = array<i32>} : memref<10112x128xf32, #tpu.memory_space<vmem>>, vector<64x128xf32>,
    } else {
    }
    %not3A_225 = arith.constant true
    %not3A_226 = arith.xori %lt3A_221, %not3A_225 : i1
    %convert_element_type3A_227 = arith.extui %not3A_226 : i1 to i32
    %cond3A_228 = arith.constant 0 : i32
    %cond3A_229 = arith.cmpi ne, %convert_element_type3A_227, %cond3A_228 : i32
    scf.if %cond3A_229 {
      %scan3A = arith.constant 4000 : i32
      %scan3A_370 = arith.constant 1000 : i32
      %scan3A_371 = arith.addi %scan3A, %scan3A_370 : i32
      %scan3A_372 = arith.constant 1 : i32
      scf.for %scan3A_374 = %scan3A to %scan3A_371 step %scan3A_372  : i32 {
        %get3A_375 = arith.constant 0 : index
        %get3A_376 = arith.constant 0 : index
        %get3A_377 = arith.index_cast %scan3A_374 : i32 to index
        %get3A_378 = memref.load %arg5[%get3A_375, %get3A_376, %get3A_377] : memref<1x1x8000xi32, #tpu.memory_space<smem>>
        %get3A_379 = arith.index_cast %get3A_378 : i32 to index
        %get3A_380 = arith.constant 0 : index
        %get3A_381 = vector.load %arg8[%get3A_379, %get3A_380] : memref<10112x128xf32, #tpu.memory_space<vmem>>, vector<1x128xf32>
        %add3A_382 = arith.constant 1.000000e+00 : f32
        %add3A_383 = vector.broadcast %add3A_382 : f32 to vector<1x128xf32>
        %add3A_384 = arith.addf %get3A_381, %add3A_383 : vector<1x128xf32>
        %swap3A_385 = arith.index_cast %get3A_378 : i32 to index
        %swap3A_386 = arith.constant 0 : index
        %swap3A_387 = vector.load %arg8[%swap3A_385, %swap3A_386] : memref<10112x128xf32, #tpu.memory_space<vmem>>, vector<1x128xf32>
        tpu.vector_store %arg8[%swap3A_385, %swap3A_386], %add3A_384 {strides = array<i32>} : memref<10112x128xf32, #tpu.memory_space<vmem>>, vector<1x128xf32>,
      }
      %scan3A_373 = arith.constant 1000 : i32
    } else {
    }
    %get3A_230 = arith.constant 0 : index
    %get3A_231 = arith.constant 0 : index
    %get3A_232 = arith.constant 5000 : index
    %get3A_233 = memref.load %arg5[%get3A_230, %get3A_231, %get3A_232] : memref<1x1x8000xi32, #tpu.memory_space<smem>>
    %get3A_234 = arith.constant 0 : index
    %get3A_235 = arith.constant 0 : index
    %get3A_236 = arith.constant 5999 : index
    %get3A_237 = memref.load %arg5[%get3A_234, %get3A_235, %get3A_236] : memref<1x1x8000xi32, #tpu.memory_space<smem>>
    %jit3A_238 = arith.constant 8 : i32
    %div3A_239 = arith.divsi %get3A_233, %jit3A_238 : i32
    %sign3A_240 = arith.constant 0 : i32
    %sign3A_241 = arith.cmpi sgt, %get3A_233, %sign3A_240 : i32
    %sign3A_242 = arith.extui %sign3A_241 : i1 to i32
    %sign3A_243 = arith.constant 0 : i32
    %sign3A_244 = arith.cmpi slt, %get3A_233, %sign3A_243 : i32
    %sign3A_245 = arith.extui %sign3A_244 : i1 to i32
    %sign3A_246 = arith.subi %sign3A_242, %sign3A_245 : i32
    %sign3A_247 = arith.constant 0 : i32
    %sign3A_248 = arith.cmpi sgt, %jit3A_238, %sign3A_247 : i32
    %sign3A_249 = arith.extui %sign3A_248 : i1 to i32
    %sign3A_250 = arith.constant 0 : i32
    %sign3A_251 = arith.cmpi slt, %jit3A_238, %sign3A_250 : i32
    %sign3A_252 = arith.extui %sign3A_251 : i1 to i32
    %sign3A_253 = arith.subi %sign3A_249, %sign3A_252 : i32
    %ne3A_254 = arith.cmpi ne, %sign3A_246, %sign3A_253 : i32
    %rem3A_255 = arith.remsi %get3A_233, %jit3A_238 : i32
    %ne3A_256 = arith.constant 0 : i32
    %ne3A_257 = arith.cmpi ne, %rem3A_255, %ne3A_256 : i32
    %and3A_258 = arith.andi %ne3A_254, %ne3A_257 : i1
    %sub3A_259 = arith.constant 1 : i32
    %sub3A_260 = arith.subi %div3A_239, %sub3A_259 : i32
    %select_n3A_261 = arith.select %and3A_258, %sub3A_260, %div3A_239 : i32
    %mul3A_262 = arith.constant 8 : i32
    %mul3A_263 = arith.muli %select_n3A_261, %mul3A_262 : i32
    %sub3A_264 = arith.subi %get3A_237, %mul3A_263 : i32
    %lt3A_265 = arith.constant 64 : i32
    %lt3A_266 = arith.cmpi slt, %sub3A_264, %lt3A_265 : i32
    %convert_element_type3A_267 = arith.extui %lt3A_266 : i1 to i32
    %cond3A_268 = arith.constant 0 : i32
    %cond3A_269 = arith.cmpi ne, %convert_element_type3A_267, %cond3A_268 : i32
    scf.if %cond3A_269 {
      %get3A_370 = arith.constant 0 : index
      %get3A_371 = arith.constant 0 : index
      %get3A_372 = arith.constant 5000 : index
      %get3A_373 = vector.load %arg4[%get3A_370, %get3A_371, %get3A_372] : memref<1x1x8000xi32, #tpu.memory_space<vmem>>, vector<1x1x1000xi32>
      %get3A_374 = vector.shape_cast %get3A_373 : vector<1x1x1000xi32> to vector<1000xi32>
      %iota3A = tpu.iota {dimensions = array<i32: 0>} : vector<64x1000xi32>
      %add3A_375 = vector.broadcast %mul3A_263 : i32 to vector<64x1000xi32>
      %add3A_376 = arith.addi %iota3A, %add3A_375 : vector<64x1000xi32>
      %broadcast_in_dim3A = vector.shape_cast %get3A_374 : vector<1000xi32> to vector<1x1000xi32>
      %eq3A_377 = vector.broadcast %broadcast_in_dim3A : vector<1x1000xi32> to vector<64x1000xi32>
      %eq3A_378 = arith.cmpi eq, %add3A_376, %eq3A_377 : vector<64x1000xi32>
      %convert_element_type3A_379 = arith.extui %eq3A_378 : vector<64x1000xi1> to vector<64x1000xi32>
      %convert_element_type3A_380 = arith.sitofp %convert_element_type3A_379 : vector<64x1000xi32> to vector<64x1000xf32>
      %reduce_sum3A = arith.constant dense<0.000000e+00> : vector<64xf32>
      %reduce_sum3A_381 = vector.multi_reduction <add>, %convert_element_type3A_380, %reduce_sum3A [1] : vector<64x1000xf32> to vector<64xf32>
      %broadcast_in_dim3A_382 = vector.shape_cast %reduce_sum3A_381 : vector<64xf32> to vector<64x1xf32>
      %get3A_383 = arith.index_cast %mul3A_263 : i32 to index
      %get3A_384 = arith.constant 0 : index
      %get3A_385 = vector.load %arg8[%get3A_383, %get3A_384] : memref<10112x128xf32, #tpu.memory_space<vmem>>, vector<64x128xf32>
      %add3A_386 = vector.broadcast %broadcast_in_dim3A_382 : vector<64x1xf32> to vector<64x128xf32>
      %add3A_387 = arith.addf %get3A_385, %add3A_386 : vector<64x128xf32>
      %swap3A_388 = arith.index_cast %mul3A_263 : i32 to index
      %swap3A_389 = arith.constant 0 : index
      %swap3A_390 = vector.load %arg8[%swap3A_388, %swap3A_389] : memref<10112x128xf32, #tpu.memory_space<vmem>>, vector<64x128xf32>
      tpu.vector_store %arg8[%swap3A_388, %swap3A_389], %add3A_387 {strides = array<i32>} : memref<10112x128xf32, #tpu.memory_space<vmem>>, vector<64x128xf32>,
    } else {
    }
    %not3A_270 = arith.constant true
    %not3A_271 = arith.xori %lt3A_266, %not3A_270 : i1
    %convert_element_type3A_272 = arith.extui %not3A_271 : i1 to i32
    %cond3A_273 = arith.constant 0 : i32
    %cond3A_274 = arith.cmpi ne, %convert_element_type3A_272, %cond3A_273 : i32
    scf.if %cond3A_274 {
      %scan3A = arith.constant 5000 : i32
      %scan3A_370 = arith.constant 1000 : i32
      %scan3A_371 = arith.addi %scan3A, %scan3A_370 : i32
      %scan3A_372 = arith.constant 1 : i32
      scf.for %scan3A_374 = %scan3A to %scan3A_371 step %scan3A_372  : i32 {
        %get3A_375 = arith.constant 0 : index
        %get3A_376 = arith.constant 0 : index
        %get3A_377 = arith.index_cast %scan3A_374 : i32 to index
        %get3A_378 = memref.load %arg5[%get3A_375, %get3A_376, %get3A_377] : memref<1x1x8000xi32, #tpu.memory_space<smem>>
        %get3A_379 = arith.index_cast %get3A_378 : i32 to index
        %get3A_380 = arith.constant 0 : index
        %get3A_381 = vector.load %arg8[%get3A_379, %get3A_380] : memref<10112x128xf32, #tpu.memory_space<vmem>>, vector<1x128xf32>
        %add3A_382 = arith.constant 1.000000e+00 : f32
        %add3A_383 = vector.broadcast %add3A_382 : f32 to vector<1x128xf32>
        %add3A_384 = arith.addf %get3A_381, %add3A_383 : vector<1x128xf32>
        %swap3A_385 = arith.index_cast %get3A_378 : i32 to index
        %swap3A_386 = arith.constant 0 : index
        %swap3A_387 = vector.load %arg8[%swap3A_385, %swap3A_386] : memref<10112x128xf32, #tpu.memory_space<vmem>>, vector<1x128xf32>
        tpu.vector_store %arg8[%swap3A_385, %swap3A_386], %add3A_384 {strides = array<i32>} : memref<10112x128xf32, #tpu.memory_space<vmem>>, vector<1x128xf32>,
      }
      %scan3A_373 = arith.constant 1000 : i32
    } else {
    }
    %get3A_275 = arith.constant 0 : index
    %get3A_276 = arith.constant 0 : index
    %get3A_277 = arith.constant 6000 : index
    %get3A_278 = memref.load %arg5[%get3A_275, %get3A_276, %get3A_277] : memref<1x1x8000xi32, #tpu.memory_space<smem>>
    %get3A_279 = arith.constant 0 : index
    %get3A_280 = arith.constant 0 : index
    %get3A_281 = arith.constant 6999 : index
    %get3A_282 = memref.load %arg5[%get3A_279, %get3A_280, %get3A_281] : memref<1x1x8000xi32, #tpu.memory_space<smem>>
    %jit3A_283 = arith.constant 8 : i32
    %div3A_284 = arith.divsi %get3A_278, %jit3A_283 : i32
    %sign3A_285 = arith.constant 0 : i32
    %sign3A_286 = arith.cmpi sgt, %get3A_278, %sign3A_285 : i32
    %sign3A_287 = arith.extui %sign3A_286 : i1 to i32
    %sign3A_288 = arith.constant 0 : i32
    %sign3A_289 = arith.cmpi slt, %get3A_278, %sign3A_288 : i32
    %sign3A_290 = arith.extui %sign3A_289 : i1 to i32
    %sign3A_291 = arith.subi %sign3A_287, %sign3A_290 : i32
    %sign3A_292 = arith.constant 0 : i32
    %sign3A_293 = arith.cmpi sgt, %jit3A_283, %sign3A_292 : i32
    %sign3A_294 = arith.extui %sign3A_293 : i1 to i32
    %sign3A_295 = arith.constant 0 : i32
    %sign3A_296 = arith.cmpi slt, %jit3A_283, %sign3A_295 : i32
    %sign3A_297 = arith.extui %sign3A_296 : i1 to i32
    %sign3A_298 = arith.subi %sign3A_294, %sign3A_297 : i32
    %ne3A_299 = arith.cmpi ne, %sign3A_291, %sign3A_298 : i32
    %rem3A_300 = arith.remsi %get3A_278, %jit3A_283 : i32
    %ne3A_301 = arith.constant 0 : i32
    %ne3A_302 = arith.cmpi ne, %rem3A_300, %ne3A_301 : i32
    %and3A_303 = arith.andi %ne3A_299, %ne3A_302 : i1
    %sub3A_304 = arith.constant 1 : i32
    %sub3A_305 = arith.subi %div3A_284, %sub3A_304 : i32
    %select_n3A_306 = arith.select %and3A_303, %sub3A_305, %div3A_284 : i32
    %mul3A_307 = arith.constant 8 : i32
    %mul3A_308 = arith.muli %select_n3A_306, %mul3A_307 : i32
    %sub3A_309 = arith.subi %get3A_282, %mul3A_308 : i32
    %lt3A_310 = arith.constant 64 : i32
    %lt3A_311 = arith.cmpi slt, %sub3A_309, %lt3A_310 : i32
    %convert_element_type3A_312 = arith.extui %lt3A_311 : i1 to i32
    %cond3A_313 = arith.constant 0 : i32
    %cond3A_314 = arith.cmpi ne, %convert_element_type3A_312, %cond3A_313 : i32
    scf.if %cond3A_314 {
      %get3A_370 = arith.constant 0 : index
      %get3A_371 = arith.constant 0 : index
      %get3A_372 = arith.constant 6000 : index
      %get3A_373 = vector.load %arg4[%get3A_370, %get3A_371, %get3A_372] : memref<1x1x8000xi32, #tpu.memory_space<vmem>>, vector<1x1x1000xi32>
      %get3A_374 = vector.shape_cast %get3A_373 : vector<1x1x1000xi32> to vector<1000xi32>
      %iota3A = tpu.iota {dimensions = array<i32: 0>} : vector<64x1000xi32>
      %add3A_375 = vector.broadcast %mul3A_308 : i32 to vector<64x1000xi32>
      %add3A_376 = arith.addi %iota3A, %add3A_375 : vector<64x1000xi32>
      %broadcast_in_dim3A = vector.shape_cast %get3A_374 : vector<1000xi32> to vector<1x1000xi32>
      %eq3A_377 = vector.broadcast %broadcast_in_dim3A : vector<1x1000xi32> to vector<64x1000xi32>
      %eq3A_378 = arith.cmpi eq, %add3A_376, %eq3A_377 : vector<64x1000xi32>
      %convert_element_type3A_379 = arith.extui %eq3A_378 : vector<64x1000xi1> to vector<64x1000xi32>
      %convert_element_type3A_380 = arith.sitofp %convert_element_type3A_379 : vector<64x1000xi32> to vector<64x1000xf32>
      %reduce_sum3A = arith.constant dense<0.000000e+00> : vector<64xf32>
      %reduce_sum3A_381 = vector.multi_reduction <add>, %convert_element_type3A_380, %reduce_sum3A [1] : vector<64x1000xf32> to vector<64xf32>
      %broadcast_in_dim3A_382 = vector.shape_cast %reduce_sum3A_381 : vector<64xf32> to vector<64x1xf32>
      %get3A_383 = arith.index_cast %mul3A_308 : i32 to index
      %get3A_384 = arith.constant 0 : index
      %get3A_385 = vector.load %arg8[%get3A_383, %get3A_384] : memref<10112x128xf32, #tpu.memory_space<vmem>>, vector<64x128xf32>
      %add3A_386 = vector.broadcast %broadcast_in_dim3A_382 : vector<64x1xf32> to vector<64x128xf32>
      %add3A_387 = arith.addf %get3A_385, %add3A_386 : vector<64x128xf32>
      %swap3A_388 = arith.index_cast %mul3A_308 : i32 to index
      %swap3A_389 = arith.constant 0 : index
      %swap3A_390 = vector.load %arg8[%swap3A_388, %swap3A_389] : memref<10112x128xf32, #tpu.memory_space<vmem>>, vector<64x128xf32>
      tpu.vector_store %arg8[%swap3A_388, %swap3A_389], %add3A_387 {strides = array<i32>} : memref<10112x128xf32, #tpu.memory_space<vmem>>, vector<64x128xf32>,
    } else {
    }
    %not3A_315 = arith.constant true
    %not3A_316 = arith.xori %lt3A_311, %not3A_315 : i1
    %convert_element_type3A_317 = arith.extui %not3A_316 : i1 to i32
    %cond3A_318 = arith.constant 0 : i32
    %cond3A_319 = arith.cmpi ne, %convert_element_type3A_317, %cond3A_318 : i32
    scf.if %cond3A_319 {
      %scan3A = arith.constant 6000 : i32
      %scan3A_370 = arith.constant 1000 : i32
      %scan3A_371 = arith.addi %scan3A, %scan3A_370 : i32
      %scan3A_372 = arith.constant 1 : i32
      scf.for %scan3A_374 = %scan3A to %scan3A_371 step %scan3A_372  : i32 {
        %get3A_375 = arith.constant 0 : index
        %get3A_376 = arith.constant 0 : index
        %get3A_377 = arith.index_cast %scan3A_374 : i32 to index
        %get3A_378 = memref.load %arg5[%get3A_375, %get3A_376, %get3A_377] : memref<1x1x8000xi32, #tpu.memory_space<smem>>
        %get3A_379 = arith.index_cast %get3A_378 : i32 to index
        %get3A_380 = arith.constant 0 : index
        %get3A_381 = vector.load %arg8[%get3A_379, %get3A_380] : memref<10112x128xf32, #tpu.memory_space<vmem>>, vector<1x128xf32>
        %add3A_382 = arith.constant 1.000000e+00 : f32
        %add3A_383 = vector.broadcast %add3A_382 : f32 to vector<1x128xf32>
        %add3A_384 = arith.addf %get3A_381, %add3A_383 : vector<1x128xf32>
        %swap3A_385 = arith.index_cast %get3A_378 : i32 to index
        %swap3A_386 = arith.constant 0 : index
        %swap3A_387 = vector.load %arg8[%swap3A_385, %swap3A_386] : memref<10112x128xf32, #tpu.memory_space<vmem>>, vector<1x128xf32>
        tpu.vector_store %arg8[%swap3A_385, %swap3A_386], %add3A_384 {strides = array<i32>} : memref<10112x128xf32, #tpu.memory_space<vmem>>, vector<1x128xf32>,
      }
      %scan3A_373 = arith.constant 1000 : i32
    } else {
    }
    %get3A_320 = arith.constant 0 : index
    %get3A_321 = arith.constant 0 : index
    %get3A_322 = arith.constant 7000 : index
    %get3A_323 = memref.load %arg5[%get3A_320, %get3A_321, %get3A_322] : memref<1x1x8000xi32, #tpu.memory_space<smem>>
    %get3A_324 = arith.constant 0 : index
    %get3A_325 = arith.constant 0 : index
    %get3A_326 = arith.constant 7999 : index
    %get3A_327 = memref.load %arg5[%get3A_324, %get3A_325, %get3A_326] : memref<1x1x8000xi32, #tpu.memory_space<smem>>
    %jit3A_328 = arith.constant 8 : i32
    %div3A_329 = arith.divsi %get3A_323, %jit3A_328 : i32
    %sign3A_330 = arith.constant 0 : i32
    %sign3A_331 = arith.cmpi sgt, %get3A_323, %sign3A_330 : i32
    %sign3A_332 = arith.extui %sign3A_331 : i1 to i32
    %sign3A_333 = arith.constant 0 : i32
    %sign3A_334 = arith.cmpi slt, %get3A_323, %sign3A_333 : i32
    %sign3A_335 = arith.extui %sign3A_334 : i1 to i32
    %sign3A_336 = arith.subi %sign3A_332, %sign3A_335 : i32
    %sign3A_337 = arith.constant 0 : i32
    %sign3A_338 = arith.cmpi sgt, %jit3A_328, %sign3A_337 : i32
    %sign3A_339 = arith.extui %sign3A_338 : i1 to i32
    %sign3A_340 = arith.constant 0 : i32
    %sign3A_341 = arith.cmpi slt, %jit3A_328, %sign3A_340 : i32
    %sign3A_342 = arith.extui %sign3A_341 : i1 to i32
    %sign3A_343 = arith.subi %sign3A_339, %sign3A_342 : i32
    %ne3A_344 = arith.cmpi ne, %sign3A_336, %sign3A_343 : i32
    %rem3A_345 = arith.remsi %get3A_323, %jit3A_328 : i32
    %ne3A_346 = arith.constant 0 : i32
    %ne3A_347 = arith.cmpi ne, %rem3A_345, %ne3A_346 : i32
    %and3A_348 = arith.andi %ne3A_344, %ne3A_347 : i1
    %sub3A_349 = arith.constant 1 : i32
    %sub3A_350 = arith.subi %div3A_329, %sub3A_349 : i32
    %select_n3A_351 = arith.select %and3A_348, %sub3A_350, %div3A_329 : i32
    %mul3A_352 = arith.constant 8 : i32
    %mul3A_353 = arith.muli %select_n3A_351, %mul3A_352 : i32
    %sub3A_354 = arith.subi %get3A_327, %mul3A_353 : i32
    %lt3A_355 = arith.constant 64 : i32
    %lt3A_356 = arith.cmpi slt, %sub3A_354, %lt3A_355 : i32
    %convert_element_type3A_357 = arith.extui %lt3A_356 : i1 to i32
    %cond3A_358 = arith.constant 0 : i32
    %cond3A_359 = arith.cmpi ne, %convert_element_type3A_357, %cond3A_358 : i32
    scf.if %cond3A_359 {
      %get3A_370 = arith.constant 0 : index
      %get3A_371 = arith.constant 0 : index
      %get3A_372 = arith.constant 7000 : index
      %get3A_373 = vector.load %arg4[%get3A_370, %get3A_371, %get3A_372] : memref<1x1x8000xi32, #tpu.memory_space<vmem>>, vector<1x1x1000xi32>
      %get3A_374 = vector.shape_cast %get3A_373 : vector<1x1x1000xi32> to vector<1000xi32>
      %iota3A = tpu.iota {dimensions = array<i32: 0>} : vector<64x1000xi32>
      %add3A_375 = vector.broadcast %mul3A_353 : i32 to vector<64x1000xi32>
      %add3A_376 = arith.addi %iota3A, %add3A_375 : vector<64x1000xi32>
      %broadcast_in_dim3A = vector.shape_cast %get3A_374 : vector<1000xi32> to vector<1x1000xi32>
      %eq3A_377 = vector.broadcast %broadcast_in_dim3A : vector<1x1000xi32> to vector<64x1000xi32>
      %eq3A_378 = arith.cmpi eq, %add3A_376, %eq3A_377 : vector<64x1000xi32>
      %convert_element_type3A_379 = arith.extui %eq3A_378 : vector<64x1000xi1> to vector<64x1000xi32>
      %convert_element_type3A_380 = arith.sitofp %convert_element_type3A_379 : vector<64x1000xi32> to vector<64x1000xf32>
      %reduce_sum3A = arith.constant dense<0.000000e+00> : vector<64xf32>
      %reduce_sum3A_381 = vector.multi_reduction <add>, %convert_element_type3A_380, %reduce_sum3A [1] : vector<64x1000xf32> to vector<64xf32>
      %broadcast_in_dim3A_382 = vector.shape_cast %reduce_sum3A_381 : vector<64xf32> to vector<64x1xf32>
      %get3A_383 = arith.index_cast %mul3A_353 : i32 to index
      %get3A_384 = arith.constant 0 : index
      %get3A_385 = vector.load %arg8[%get3A_383, %get3A_384] : memref<10112x128xf32, #tpu.memory_space<vmem>>, vector<64x128xf32>
      %add3A_386 = vector.broadcast %broadcast_in_dim3A_382 : vector<64x1xf32> to vector<64x128xf32>
      %add3A_387 = arith.addf %get3A_385, %add3A_386 : vector<64x128xf32>
      %swap3A_388 = arith.index_cast %mul3A_353 : i32 to index
      %swap3A_389 = arith.constant 0 : index
      %swap3A_390 = vector.load %arg8[%swap3A_388, %swap3A_389] : memref<10112x128xf32, #tpu.memory_space<vmem>>, vector<64x128xf32>
      tpu.vector_store %arg8[%swap3A_388, %swap3A_389], %add3A_387 {strides = array<i32>} : memref<10112x128xf32, #tpu.memory_space<vmem>>, vector<64x128xf32>,
    } else {
    }
    %not3A_360 = arith.constant true
    %not3A_361 = arith.xori %lt3A_356, %not3A_360 : i1
    %convert_element_type3A_362 = arith.extui %not3A_361 : i1 to i32
    %cond3A_363 = arith.constant 0 : i32
    %cond3A_364 = arith.cmpi ne, %convert_element_type3A_362, %cond3A_363 : i32
    scf.if %cond3A_364 {
      %scan3A = arith.constant 7000 : i32
      %scan3A_370 = arith.constant 1000 : i32
      %scan3A_371 = arith.addi %scan3A, %scan3A_370 : i32
      %scan3A_372 = arith.constant 1 : i32
      scf.for %scan3A_374 = %scan3A to %scan3A_371 step %scan3A_372  : i32 {
        %get3A_375 = arith.constant 0 : index
        %get3A_376 = arith.constant 0 : index
        %get3A_377 = arith.index_cast %scan3A_374 : i32 to index
        %get3A_378 = memref.load %arg5[%get3A_375, %get3A_376, %get3A_377] : memref<1x1x8000xi32, #tpu.memory_space<smem>>
        %get3A_379 = arith.index_cast %get3A_378 : i32 to index
        %get3A_380 = arith.constant 0 : index
        %get3A_381 = vector.load %arg8[%get3A_379, %get3A_380] : memref<10112x128xf32, #tpu.memory_space<vmem>>, vector<1x128xf32>
        %add3A_382 = arith.constant 1.000000e+00 : f32
        %add3A_383 = vector.broadcast %add3A_382 : f32 to vector<1x128xf32>
        %add3A_384 = arith.addf %get3A_381, %add3A_383 : vector<1x128xf32>
        %swap3A_385 = arith.index_cast %get3A_378 : i32 to index
        %swap3A_386 = arith.constant 0 : index
        %swap3A_387 = vector.load %arg8[%swap3A_385, %swap3A_386] : memref<10112x128xf32, #tpu.memory_space<vmem>>, vector<1x128xf32>
        tpu.vector_store %arg8[%swap3A_385, %swap3A_386], %add3A_384 {strides = array<i32>} : memref<10112x128xf32, #tpu.memory_space<vmem>>, vector<1x128xf32>,
      }
      %scan3A_373 = arith.constant 1000 : i32
    } else {
    }
    %eq3A_365 = arith.constant 19 : i32
    %eq3A_366 = arith.cmpi eq, %arg0, %eq3A_365 : i32
    %convert_element_type3A_367 = arith.extui %eq3A_366 : i1 to i32
    %cond3A_368 = arith.constant 0 : i32
    %cond3A_369 = arith.cmpi ne, %convert_element_type3A_367, %cond3A_368 : i32
    scf.if %cond3A_369 {
      %get3A_370 = arith.constant 0 : index
      %get3A_371 = arith.constant 0 : index
      %get3A_372 = vector.load %arg8[%get3A_370, %get3A_371] : memref<10112x128xf32, #tpu.memory_space<vmem>>, vector<10112x128xf32>
      %swap3A_373 = arith.constant 0 : index
      %swap3A_374 = arith.constant 0 : index
      %swap3A_375 = vector.load %arg7[%swap3A_373, %swap3A_374] : memref<10112x128xf32, #tpu.memory_space<vmem>>, vector<10112x128xf32>
      tpu.vector_store %arg7[%swap3A_373, %swap3A_374], %get3A_372 {strides = array<i32>} : memref<10112x128xf32, #tpu.memory_space<vmem>>, vector<10112x128xf32>,
    } else {
    }
    return
  }
  func.func @transform_0(%arg0: i32) -> (i32, i32) {
    %add3A = arith.constant 20 : i32
    %add3A_0 = arith.addi %arg0, %add3A : i32
    %c0_i32 = arith.constant 0 : i32
    %c0_i32_1 = arith.constant 0 : i32
    return %add3A_0, %c0_i32 : i32, i32
  }
  func.func @transform_1(%arg0: i32) -> (i32, i32) {
    %c0_i32 = arith.constant 0 : i32
    %c0_i32_0 = arith.constant 0 : i32
    %c0_i32_1 = arith.constant 0 : i32
    return %c0_i32, %c0_i32_0 : i32, i32
  }
  func.func @transform_2(%arg0: i32) -> (i32, i32) {
    %c0_i32 = arith.constant 0 : i32
    %c0_i32_0 = arith.constant 0 : i32
    %c0_i32_1 = arith.constant 0 : i32
    return %c0_i32, %c0_i32_0 : i32, i32
  }
  func.func @transform_3(%arg0: i32) -> (i32, i32, i32) {
    %add3A = arith.constant 20 : i32
    %add3A_0 = arith.addi %arg0, %add3A : i32
    %c0_i32 = arith.constant 0 : i32
    %c0_i32_1 = arith.constant 0 : i32
    %c0_i32_2 = arith.constant 0 : i32
    return %add3A_0, %c0_i32, %c0_i32_1 : i32, i32, i32
  }
  func.func @transform_4(%arg0: i32) -> (i32, i32, i32) {
    %add3A = arith.constant 20 : i32
    %add3A_0 = arith.addi %arg0, %add3A : i32
    %c0_i32 = arith.constant 0 : i32
    %c0_i32_1 = arith.constant 0 : i32
    %c0_i32_2 = arith.constant 0 : i32
    return %add3A_0, %c0_i32, %c0_i32_1 : i32, i32, i32
  }
  func.func @transform_5(%arg0: i32) -> (i32, i32) {
    %c0_i32 = arith.constant 0 : i32
    %c0_i32_0 = arith.constant 0 : i32
    return %arg0, %c0_i32 : i32, i32
  }
  func.func @transform_6(%arg0: i32) -> (i32, i32) {
    %c0_i32 = arith.constant 0 : i32
    %c0_i32_0 = arith.constant 0 : i32
    %c0_i32_1 = arith.constant 0 : i32
    return %c0_i32, %c0_i32_0 : i32, i32
  }
}

module attributes {stable_mosaic.version = 14 : i64} {
  func.func @_msg_body(%arg0: i32, %arg1: memref<8000x128xf32, #tpu.memory_space<vmem>>, %arg2: memref<128x128xf32, #tpu.memory_space<vmem>>, %arg3: memref<1x128xf32, #tpu.memory_space<vmem>>, %arg4: memref<1x1x8000xi32, #tpu.memory_space<vmem>>, %arg5: memref<1x1x8000xi32, #tpu.memory_space<smem>>, %arg6: memref<8000x128xf32, #tpu.memory_space<vmem>>, %arg7: memref<10112x128xf32, #tpu.memory_space<vmem>>, %arg8: memref<10112x128xf32, #tpu.memory_space<vmem>>) attributes {dimension_semantics = [#tpu.dimension_semantics<arbitrary>], iteration_bounds = array<i64: 20>, scalar_prefetch = 0 : i64, scratch_operands = 1 : i64, tpu.core_type = #tpu.core_type<tc>, window_params = [{transform_indices = @transform_0, window_bounds = array<i64: 8000, 128>}, {pipeline_mode = #tpu.pipeline_mode<synchronous>, transform_indices = @transform_1, window_bounds = array<i64: 128, 128>}, {pipeline_mode = #tpu.pipeline_mode<synchronous>, transform_indices = @transform_2, window_bounds = array<i64: 1, 128>}, {transform_indices = @transform_3, window_bounds = array<i64: 1, 1, 8000>}, {transform_indices = @transform_4, window_bounds = array<i64: 1, 1, 8000>}, {transform_indices = @transform_5, window_bounds = array<i64: 8000, 128>}, {pipeline_mode = #tpu.pipeline_mode<synchronous>, transform_indices = @transform_6, window_bounds = array<i64: 10112, 128>}]} {
    %eq3A = arith.constant 0 : i32
    %eq3A_0 = arith.cmpi eq, %arg0, %eq3A : i32
    %convert_element_type3A = arith.extui %eq3A_0 : i1 to i32
    %cond3A = arith.constant 0 : i32
    %cond3A_1 = arith.cmpi ne, %convert_element_type3A, %cond3A : i32
    scf.if %cond3A_1 {
      %broadcast_in_dim3A = arith.constant 0.000000e+00 : f32
      %broadcast_in_dim3A_370 = vector.broadcast %broadcast_in_dim3A : f32 to vector<10112x128xf32>
      %swap3A_371 = arith.constant 0 : index
      %swap3A_372 = arith.constant 0 : index
      %swap3A_373 = vector.load %arg8[%swap3A_371, %swap3A_372] : memref<10112x128xf32, #tpu.memory_space<vmem>>, vector<10112x128xf32>
      tpu.vector_store %arg8[%swap3A_371, %swap3A_372], %broadcast_in_dim3A_370 {strides = array<i32>} : memref<10112x128xf32, #tpu.memory_space<vmem>>, vector<10112x128xf32>,
    } else {
    }
    %get3A = arith.constant 0 : index
    %get3A_2 = arith.constant 0 : index
    %get3A_3 = vector.load %arg1[%get3A, %get3A_2] : memref<8000x128xf32, #tpu.memory_space<vmem>>, vector<8000x128xf32>
    %get3A_4 = arith.constant 0 : index
    %get3A_5 = arith.constant 0 : index
    %get3A_6 = vector.load %arg2[%get3A_4, %get3A_5] : memref<128x128xf32, #tpu.memory_space<vmem>>, vector<128x128xf32>
    %dot_general3A = arith.constant dense<0.000000e+00> : vector<8000x128xf32>
    %dot_general3A_7 = tpu.matmul %get3A_3, %get3A_6, %dot_general3A {dimension_numbers = #tpu.dot_dimension_numbers<[1], [1], [0], [0], [0, 0, 1, 0], [], []>, transpose_lhs_hint = false} : vector<8000x128xf32>, vector<128x128xf32>, vector<8000x128xf32> -> vector<8000x128xf32>
    %get3A_8 = arith.constant 0 : index
    %get3A_9 = arith.constant 0 : index
    %get3A_10 = vector.load %arg3[%get3A_8, %get3A_9] : memref<1x128xf32, #tpu.memory_space<vmem>>, vector<1x128xf32>
    %add3A = vector.broadcast %get3A_10 : vector<1x128xf32> to vector<8000x128xf32>
    %add3A_11 = arith.addf %dot_general3A_7, %add3A : vector<8000x128xf32>
    %max3A = arith.constant 0.000000e+00 : f32
    %max3A_12 = vector.broadcast %max3A : f32 to vector<8000x128xf32>
    %max3A_13 = arith.maximumf %add3A_11, %max3A_12 : vector<8000x128xf32>
    %swap3A = arith.constant 0 : index
    %swap3A_14 = arith.constant 0 : index
    %swap3A_15 = vector.load %arg6[%swap3A, %swap3A_14] : memref<8000x128xf32, #tpu.memory_space<vmem>>, vector<8000x128xf32>
    tpu.vector_store %arg6[%swap3A, %swap3A_14], %max3A_13 {strides = array<i32>} : memref<8000x128xf32, #tpu.memory_space<vmem>>, vector<8000x128xf32>,
    %get3A_16 = arith.constant 0 : index
    %get3A_17 = arith.constant 0 : index
    %get3A_18 = arith.constant 0 : index
    %get3A_19 = memref.load %arg5[%get3A_16, %get3A_17, %get3A_18] : memref<1x1x8000xi32, #tpu.memory_space<smem>>
    %get3A_20 = arith.constant 0 : index
    %get3A_21 = arith.constant 0 : index
    %get3A_22 = arith.constant 999 : index
    %get3A_23 = memref.load %arg5[%get3A_20, %get3A_21, %get3A_22] : memref<1x1x8000xi32, #tpu.memory_space<smem>>
    %jit3A = arith.constant 8 : i32
    %div3A = arith.divsi %get3A_19, %jit3A : i32
    %sign3A = arith.constant 0 : i32
    %sign3A_24 = arith.cmpi sgt, %get3A_19, %sign3A : i32
    %sign3A_25 = arith.extui %sign3A_24 : i1 to i32
    %sign3A_26 = arith.constant 0 : i32
    %sign3A_27 = arith.cmpi slt, %get3A_19, %sign3A_26 : i32
    %sign3A_28 = arith.extui %sign3A_27 : i1 to i32
    %sign3A_29 = arith.subi %sign3A_25, %sign3A_28 : i32
    %sign3A_30 = arith.constant 0 : i32
    %sign3A_31 = arith.cmpi sgt, %jit3A, %sign3A_30 : i32
    %sign3A_32 = arith.extui %sign3A_31 : i1 to i32
    %sign3A_33 = arith.constant 0 : i32
    %sign3A_34 = arith.cmpi slt, %jit3A, %sign3A_33 : i32
    %sign3A_35 = arith.extui %sign3A_34 : i1 to i32
    %sign3A_36 = arith.subi %sign3A_32, %sign3A_35 : i32
    %ne3A = arith.cmpi ne, %sign3A_29, %sign3A_36 : i32
    %rem3A = arith.remsi %get3A_19, %jit3A : i32
    %ne3A_37 = arith.constant 0 : i32
    %ne3A_38 = arith.cmpi ne, %rem3A, %ne3A_37 : i32
    %and3A = arith.andi %ne3A, %ne3A_38 : i1
    %sub3A = arith.constant 1 : i32
    %sub3A_39 = arith.subi %div3A, %sub3A : i32
    %select_n3A = arith.select %and3A, %sub3A_39, %div3A : i32
    %mul3A = arith.constant 8 : i32
    %mul3A_40 = arith.muli %select_n3A, %mul3A : i32
    %sub3A_41 = arith.subi %get3A_23, %mul3A_40 : i32
    %lt3A = arith.constant 64 : i32
    %lt3A_42 = arith.cmpi slt, %sub3A_41, %lt3A : i32
    %convert_element_type3A_43 = arith.extui %lt3A_42 : i1 to i32
    %cond3A_44 = arith.constant 0 : i32
    %cond3A_45 = arith.cmpi ne, %convert_element_type3A_43, %cond3A_44 : i32
    scf.if %cond3A_45 {
      %get3A_370 = arith.constant 0 : index
      %get3A_371 = arith.constant 0 : index
      %get3A_372 = arith.constant 0 : index
      %get3A_373 = vector.load %arg4[%get3A_370, %get3A_371, %get3A_372] : memref<1x1x8000xi32, #tpu.memory_space<vmem>>, vector<1x1x1000xi32>
      %get3A_374 = vector.shape_cast %get3A_373 : vector<1x1x1000xi32> to vector<1000xi32>
      %iota3A = tpu.iota {dimensions = array<i32: 0>} : vector<64x1000xi32>
      %add3A_375 = vector.broadcast %mul3A_40 : i32 to vector<64x1000xi32>
      %add3A_376 = arith.addi %iota3A, %add3A_375 : vector<64x1000xi32>
      %broadcast_in_dim3A = vector.shape_cast %get3A_374 : vector<1000xi32> to vector<1x1000xi32>
      %eq3A_377 = vector.broadcast %broadcast_in_dim3A : vector<1x1000xi32> to vector<64x1000xi32>
      %eq3A_378 = arith.cmpi eq, %add3A_376, %eq3A_377 : vector<64x1000xi32>
      %convert_element_type3A_379 = arith.extui %eq3A_378 : vector<64x1000xi1> to vector<64x1000xi32>
      %convert_element_type3A_380 = arith.sitofp %convert_element_type3A_379 : vector<64x1000xi32> to vector<64x1000xf32>
      %reduce_sum3A = arith.constant dense<0.000000e+00> : vector<64xf32>
      %reduce_sum3A_381 = vector.multi_reduction <add>, %convert_element_type3A_380, %reduce_sum3A [1] : vector<64x1000xf32> to vector<64xf32>
      %broadcast_in_dim3A_382 = vector.shape_cast %reduce_sum3A_381 : vector<64xf32> to vector<64x1xf32>
      %get3A_383 = arith.index_cast %mul3A_40 : i32 to index
      %get3A_384 = arith.constant 0 : index
      %get3A_385 = vector.load %arg8[%get3A_383, %get3A_384] : memref<10112x128xf32, #tpu.memory_space<vmem>>, vector<64x128xf32>
      %add3A_386 = vector.broadcast %broadcast_in_dim3A_382 : vector<64x1xf32> to vector<64x128xf32>
      %add3A_387 = arith.addf %get3A_385, %add3A_386 : vector<64x128xf32>
      %swap3A_388 = arith.index_cast %mul3A_40 : i32 to index
      %swap3A_389 = arith.constant 0 : index
      %swap3A_390 = vector.load %arg8[%swap3A_388, %swap3A_389] : memref<10112x128xf32, #tpu.memory_space<vmem>>, vector<64x128xf32>
      tpu.vector_store %arg8[%swap3A_388, %swap3A_389], %add3A_387 {strides = array<i32>} : memref<10112x128xf32, #tpu.memory_space<vmem>>, vector<64x128xf32>,
    } else {
    }
    %not3A = arith.constant true
    %not3A_46 = arith.xori %lt3A_42, %not3A : i1
    %convert_element_type3A_47 = arith.extui %not3A_46 : i1 to i32
    %cond3A_48 = arith.constant 0 : i32
    %cond3A_49 = arith.cmpi ne, %convert_element_type3A_47, %cond3A_48 : i32
    scf.if %cond3A_49 {
      %scan3A = arith.constant 0 : i32
      %scan3A_370 = arith.constant 1000 : i32
      %scan3A_371 = arith.addi %scan3A, %scan3A_370 : i32
      %scan3A_372 = arith.constant 1 : i32
      scf.for %scan3A_374 = %scan3A to %scan3A_371 step %scan3A_372  : i32 {
        %get3A_375 = arith.constant 0 : index
        %get3A_376 = arith.constant 0 : index
        %get3A_377 = arith.index_cast %scan3A_374 : i32 to index
        %get3A_378 = memref.load %arg5[%get3A_375, %get3A_376, %get3A_377] : memref<1x1x8000xi32, #tpu.memory_space<smem>>
        %get3A_379 = arith.index_cast %get3A_378 : i32 to index
        %get3A_380 = arith.constant 0 : index
        %get3A_381 = vector.load %arg8[%get3A_379, %get3A_380] : memref<10112x128xf32, #tpu.memory_space<vmem>>, vector<1x128xf32>
        %add3A_382 = arith.constant 1.000000e+00 : f32
        %add3A_383 = vector.broadcast %add3A_382 : f32 to vector<1x128xf32>
        %add3A_384 = arith.addf %get3A_381, %add3A_383 : vector<1x128xf32>
        %swap3A_385 = arith.index_cast %get3A_378 : i32 to index
        %swap3A_386 = arith.constant 0 : index
        %swap3A_387 = vector.load %arg8[%swap3A_385, %swap3A_386] : memref<10112x128xf32, #tpu.memory_space<vmem>>, vector<1x128xf32>
        tpu.vector_store %arg8[%swap3A_385, %swap3A_386], %add3A_384 {strides = array<i32>} : memref<10112x128xf32, #tpu.memory_space<vmem>>, vector<1x128xf32>,
      }
      %scan3A_373 = arith.constant 1000 : i32
    } else {
    }
    %get3A_50 = arith.constant 0 : index
    %get3A_51 = arith.constant 0 : index
    %get3A_52 = arith.constant 1000 : index
    %get3A_53 = memref.load %arg5[%get3A_50, %get3A_51, %get3A_52] : memref<1x1x8000xi32, #tpu.memory_space<smem>>
    %get3A_54 = arith.constant 0 : index
    %get3A_55 = arith.constant 0 : index
    %get3A_56 = arith.constant 1999 : index
    %get3A_57 = memref.load %arg5[%get3A_54, %get3A_55, %get3A_56] : memref<1x1x8000xi32, #tpu.memory_space<smem>>
    %jit3A_58 = arith.constant 8 : i32
    %div3A_59 = arith.divsi %get3A_53, %jit3A_58 : i32
    %sign3A_60 = arith.constant 0 : i32
    %sign3A_61 = arith.cmpi sgt, %get3A_53, %sign3A_60 : i32
    %sign3A_62 = arith.extui %sign3A_61 : i1 to i32
    %sign3A_63 = arith.constant 0 : i32
    %sign3A_64 = arith.cmpi slt, %get3A_53, %sign3A_63 : i32
    %sign3A_65 = arith.extui %sign3A_64 : i1 to i32
    %sign3A_66 = arith.subi %sign3A_62, %sign3A_65 : i32
    %sign3A_67 = arith.constant 0 : i32
    %sign3A_68 = arith.cmpi sgt, %jit3A_58, %sign3A_67 : i32
    %sign3A_69 = arith.extui %sign3A_68 : i1 to i32
    %sign3A_70 = arith.constant 0 : i32
    %sign3A_71 = arith.cmpi slt, %jit3A_58, %sign3A_70 : i32
    %sign3A_72 = arith.extui %sign3A_71 : i1 to i32
    %sign3A_73 = arith.subi %sign3A_69, %sign3A_72 : i32
    %ne3A_74 = arith.cmpi ne, %sign3A_66, %sign3A_73 : i32
    %rem3A_75 = arith.remsi %get3A_53, %jit3A_58 : i32
    %ne3A_76 = arith.constant 0 : i32
    %ne3A_77 = arith.cmpi ne, %rem3A_75, %ne3A_76 : i32
    %and3A_78 = arith.andi %ne3A_74, %ne3A_77 : i1
    %sub3A_79 = arith.constant 1 : i32
    %sub3A_80 = arith.subi %div3A_59, %sub3A_79 : i32
    %select_n3A_81 = arith.select %and3A_78, %sub3A_80, %div3A_59 : i32
    %mul3A_82 = arith.constant 8 : i32
    %mul3A_83 = arith.muli %select_n3A_81, %mul3A_82 : i32
    %sub3A_84 = arith.subi %get3A_57, %mul3A_83 : i32
    %lt3A_85 = arith.constant 64 : i32
    %lt3A_86 = arith.cmpi slt, %sub3A_84, %lt3A_85 : i32
    %convert_element_type3A_87 = arith.extui %lt3A_86 : i1 to i32
    %cond3A_88 = arith.constant 0 : i32
    %cond3A_89 = arith.cmpi ne, %convert_element_type3A_87, %cond3A_88 : i32
    scf.if %cond3A_89 {
      %get3A_370 = arith.constant 0 : index
      %get3A_371 = arith.constant 0 : index
      %get3A_372 = arith.constant 1000 : index
      %get3A_373 = vector.load %arg4[%get3A_370, %get3A_371, %get3A_372] : memref<1x1x8000xi32, #tpu.memory_space<vmem>>, vector<1x1x1000xi32>
      %get3A_374 = vector.shape_cast %get3A_373 : vector<1x1x1000xi32> to vector<1000xi32>
      %iota3A = tpu.iota {dimensions = array<i32: 0>} : vector<64x1000xi32>
      %add3A_375 = vector.broadcast %mul3A_83 : i32 to vector<64x1000xi32>
      %add3A_376 = arith.addi %iota3A, %add3A_375 : vector<64x1000xi32>
      %broadcast_in_dim3A = vector.shape_cast %get3A_374 : vector<1000xi32> to vector<1x1000xi32>
      %eq3A_377 = vector.broadcast %broadcast_in_dim3A : vector<1x1000xi32> to vector<64x1000xi32>
      %eq3A_378 = arith.cmpi eq, %add3A_376, %eq3A_377 : vector<64x1000xi32>
      %convert_element_type3A_379 = arith.extui %eq3A_378 : vector<64x1000xi1> to vector<64x1000xi32>
      %convert_element_type3A_380 = arith.sitofp %convert_element_type3A_379 : vector<64x1000xi32> to vector<64x1000xf32>
      %reduce_sum3A = arith.constant dense<0.000000e+00> : vector<64xf32>
      %reduce_sum3A_381 = vector.multi_reduction <add>, %convert_element_type3A_380, %reduce_sum3A [1] : vector<64x1000xf32> to vector<64xf32>
      %broadcast_in_dim3A_382 = vector.shape_cast %reduce_sum3A_381 : vector<64xf32> to vector<64x1xf32>
      %get3A_383 = arith.index_cast %mul3A_83 : i32 to index
      %get3A_384 = arith.constant 0 : index
      %get3A_385 = vector.load %arg8[%get3A_383, %get3A_384] : memref<10112x128xf32, #tpu.memory_space<vmem>>, vector<64x128xf32>
      %add3A_386 = vector.broadcast %broadcast_in_dim3A_382 : vector<64x1xf32> to vector<64x128xf32>
      %add3A_387 = arith.addf %get3A_385, %add3A_386 : vector<64x128xf32>
      %swap3A_388 = arith.index_cast %mul3A_83 : i32 to index
      %swap3A_389 = arith.constant 0 : index
      %swap3A_390 = vector.load %arg8[%swap3A_388, %swap3A_389] : memref<10112x128xf32, #tpu.memory_space<vmem>>, vector<64x128xf32>
      tpu.vector_store %arg8[%swap3A_388, %swap3A_389], %add3A_387 {strides = array<i32>} : memref<10112x128xf32, #tpu.memory_space<vmem>>, vector<64x128xf32>,
    } else {
    }
    %not3A_90 = arith.constant true
    %not3A_91 = arith.xori %lt3A_86, %not3A_90 : i1
    %convert_element_type3A_92 = arith.extui %not3A_91 : i1 to i32
    %cond3A_93 = arith.constant 0 : i32
    %cond3A_94 = arith.cmpi ne, %convert_element_type3A_92, %cond3A_93 : i32
    scf.if %cond3A_94 {
      %scan3A = arith.constant 1000 : i32
      %scan3A_370 = arith.constant 1000 : i32
      %scan3A_371 = arith.addi %scan3A, %scan3A_370 : i32
      %scan3A_372 = arith.constant 1 : i32
      scf.for %scan3A_374 = %scan3A to %scan3A_371 step %scan3A_372  : i32 {
        %get3A_375 = arith.constant 0 : index
        %get3A_376 = arith.constant 0 : index
        %get3A_377 = arith.index_cast %scan3A_374 : i32 to index
        %get3A_378 = memref.load %arg5[%get3A_375, %get3A_376, %get3A_377] : memref<1x1x8000xi32, #tpu.memory_space<smem>>
        %get3A_379 = arith.index_cast %get3A_378 : i32 to index
        %get3A_380 = arith.constant 0 : index
        %get3A_381 = vector.load %arg8[%get3A_379, %get3A_380] : memref<10112x128xf32, #tpu.memory_space<vmem>>, vector<1x128xf32>
        %add3A_382 = arith.constant 1.000000e+00 : f32
        %add3A_383 = vector.broadcast %add3A_382 : f32 to vector<1x128xf32>
        %add3A_384 = arith.addf %get3A_381, %add3A_383 : vector<1x128xf32>
        %swap3A_385 = arith.index_cast %get3A_378 : i32 to index
        %swap3A_386 = arith.constant 0 : index
        %swap3A_387 = vector.load %arg8[%swap3A_385, %swap3A_386] : memref<10112x128xf32, #tpu.memory_space<vmem>>, vector<1x128xf32>
        tpu.vector_store %arg8[%swap3A_385, %swap3A_386], %add3A_384 {strides = array<i32>} : memref<10112x128xf32, #tpu.memory_space<vmem>>, vector<1x128xf32>,
      }
      %scan3A_373 = arith.constant 1000 : i32
    } else {
    }
    %get3A_95 = arith.constant 0 : index
    %get3A_96 = arith.constant 0 : index
    %get3A_97 = arith.constant 2000 : index
    %get3A_98 = memref.load %arg5[%get3A_95, %get3A_96, %get3A_97] : memref<1x1x8000xi32, #tpu.memory_space<smem>>
    %get3A_99 = arith.constant 0 : index
    %get3A_100 = arith.constant 0 : index
    %get3A_101 = arith.constant 2999 : index
    %get3A_102 = memref.load %arg5[%get3A_99, %get3A_100, %get3A_101] : memref<1x1x8000xi32, #tpu.memory_space<smem>>
    %jit3A_103 = arith.constant 8 : i32
    %div3A_104 = arith.divsi %get3A_98, %jit3A_103 : i32
    %sign3A_105 = arith.constant 0 : i32
    %sign3A_106 = arith.cmpi sgt, %get3A_98, %sign3A_105 : i32
    %sign3A_107 = arith.extui %sign3A_106 : i1 to i32
    %sign3A_108 = arith.constant 0 : i32
    %sign3A_109 = arith.cmpi slt, %get3A_98, %sign3A_108 : i32
    %sign3A_110 = arith.extui %sign3A_109 : i1 to i32
    %sign3A_111 = arith.subi %sign3A_107, %sign3A_110 : i32
    %sign3A_112 = arith.constant 0 : i32
    %sign3A_113 = arith.cmpi sgt, %jit3A_103, %sign3A_112 : i32
    %sign3A_114 = arith.extui %sign3A_113 : i1 to i32
    %sign3A_115 = arith.constant 0 : i32
    %sign3A_116 = arith.cmpi slt, %jit3A_103, %sign3A_115 : i32
    %sign3A_117 = arith.extui %sign3A_116 : i1 to i32
    %sign3A_118 = arith.subi %sign3A_114, %sign3A_117 : i32
    %ne3A_119 = arith.cmpi ne, %sign3A_111, %sign3A_118 : i32
    %rem3A_120 = arith.remsi %get3A_98, %jit3A_103 : i32
    %ne3A_121 = arith.constant 0 : i32
    %ne3A_122 = arith.cmpi ne, %rem3A_120, %ne3A_121 : i32
    %and3A_123 = arith.andi %ne3A_119, %ne3A_122 : i1
    %sub3A_124 = arith.constant 1 : i32
    %sub3A_125 = arith.subi %div3A_104, %sub3A_124 : i32
    %select_n3A_126 = arith.select %and3A_123, %sub3A_125, %div3A_104 : i32
    %mul3A_127 = arith.constant 8 : i32
    %mul3A_128 = arith.muli %select_n3A_126, %mul3A_127 : i32
    %sub3A_129 = arith.subi %get3A_102, %mul3A_128 : i32
    %lt3A_130 = arith.constant 64 : i32
    %lt3A_131 = arith.cmpi slt, %sub3A_129, %lt3A_130 : i32
    %convert_element_type3A_132 = arith.extui %lt3A_131 : i1 to i32
    %cond3A_133 = arith.constant 0 : i32
    %cond3A_134 = arith.cmpi ne, %convert_element_type3A_132, %cond3A_133 : i32
    scf.if %cond3A_134 {
      %get3A_370 = arith.constant 0 : index
      %get3A_371 = arith.constant 0 : index
      %get3A_372 = arith.constant 2000 : index
      %get3A_373 = vector.load %arg4[%get3A_370, %get3A_371, %get3A_372] : memref<1x1x8000xi32, #tpu.memory_space<vmem>>, vector<1x1x1000xi32>
      %get3A_374 = vector.shape_cast %get3A_373 : vector<1x1x1000xi32> to vector<1000xi32>
      %iota3A = tpu.iota {dimensions = array<i32: 0>} : vector<64x1000xi32>
      %add3A_375 = vector.broadcast %mul3A_128 : i32 to vector<64x1000xi32>
      %add3A_376 = arith.addi %iota3A, %add3A_375 : vector<64x1000xi32>
      %broadcast_in_dim3A = vector.shape_cast %get3A_374 : vector<1000xi32> to vector<1x1000xi32>
      %eq3A_377 = vector.broadcast %broadcast_in_dim3A : vector<1x1000xi32> to vector<64x1000xi32>
      %eq3A_378 = arith.cmpi eq, %add3A_376, %eq3A_377 : vector<64x1000xi32>
      %convert_element_type3A_379 = arith.extui %eq3A_378 : vector<64x1000xi1> to vector<64x1000xi32>
      %convert_element_type3A_380 = arith.sitofp %convert_element_type3A_379 : vector<64x1000xi32> to vector<64x1000xf32>
      %reduce_sum3A = arith.constant dense<0.000000e+00> : vector<64xf32>
      %reduce_sum3A_381 = vector.multi_reduction <add>, %convert_element_type3A_380, %reduce_sum3A [1] : vector<64x1000xf32> to vector<64xf32>
      %broadcast_in_dim3A_382 = vector.shape_cast %reduce_sum3A_381 : vector<64xf32> to vector<64x1xf32>
      %get3A_383 = arith.index_cast %mul3A_128 : i32 to index
      %get3A_384 = arith.constant 0 : index
      %get3A_385 = vector.load %arg8[%get3A_383, %get3A_384] : memref<10112x128xf32, #tpu.memory_space<vmem>>, vector<64x128xf32>
      %add3A_386 = vector.broadcast %broadcast_in_dim3A_382 : vector<64x1xf32> to vector<64x128xf32>
      %add3A_387 = arith.addf %get3A_385, %add3A_386 : vector<64x128xf32>
      %swap3A_388 = arith.index_cast %mul3A_128 : i32 to index
      %swap3A_389 = arith.constant 0 : index
      %swap3A_390 = vector.load %arg8[%swap3A_388, %swap3A_389] : memref<10112x128xf32, #tpu.memory_space<vmem>>, vector<64x128xf32>
      tpu.vector_store %arg8[%swap3A_388, %swap3A_389], %add3A_387 {strides = array<i32>} : memref<10112x128xf32, #tpu.memory_space<vmem>>, vector<64x128xf32>,
    } else {
    }
    %not3A_135 = arith.constant true
    %not3A_136 = arith.xori %lt3A_131, %not3A_135 : i1
    %convert_element_type3A_137 = arith.extui %not3A_136 : i1 to i32
    %cond3A_138 = arith.constant 0 : i32
    %cond3A_139 = arith.cmpi ne, %convert_element_type3A_137, %cond3A_138 : i32
    scf.if %cond3A_139 {
      %scan3A = arith.constant 2000 : i32
      %scan3A_370 = arith.constant 1000 : i32
      %scan3A_371 = arith.addi %scan3A, %scan3A_370 : i32
      %scan3A_372 = arith.constant 1 : i32
      scf.for %scan3A_374 = %scan3A to %scan3A_371 step %scan3A_372  : i32 {
        %get3A_375 = arith.constant 0 : index
        %get3A_376 = arith.constant 0 : index
        %get3A_377 = arith.index_cast %scan3A_374 : i32 to index
        %get3A_378 = memref.load %arg5[%get3A_375, %get3A_376, %get3A_377] : memref<1x1x8000xi32, #tpu.memory_space<smem>>
        %get3A_379 = arith.index_cast %get3A_378 : i32 to index
        %get3A_380 = arith.constant 0 : index
        %get3A_381 = vector.load %arg8[%get3A_379, %get3A_380] : memref<10112x128xf32, #tpu.memory_space<vmem>>, vector<1x128xf32>
        %add3A_382 = arith.constant 1.000000e+00 : f32
        %add3A_383 = vector.broadcast %add3A_382 : f32 to vector<1x128xf32>
        %add3A_384 = arith.addf %get3A_381, %add3A_383 : vector<1x128xf32>
        %swap3A_385 = arith.index_cast %get3A_378 : i32 to index
        %swap3A_386 = arith.constant 0 : index
        %swap3A_387 = vector.load %arg8[%swap3A_385, %swap3A_386] : memref<10112x128xf32, #tpu.memory_space<vmem>>, vector<1x128xf32>
        tpu.vector_store %arg8[%swap3A_385, %swap3A_386], %add3A_384 {strides = array<i32>} : memref<10112x128xf32, #tpu.memory_space<vmem>>, vector<1x128xf32>,
      }
      %scan3A_373 = arith.constant 1000 : i32
    } else {
    }
    %get3A_140 = arith.constant 0 : index
    %get3A_141 = arith.constant 0 : index
    %get3A_142 = arith.constant 3000 : index
    %get3A_143 = memref.load %arg5[%get3A_140, %get3A_141, %get3A_142] : memref<1x1x8000xi32, #tpu.memory_space<smem>>
    %get3A_144 = arith.constant 0 : index
    %get3A_145 = arith.constant 0 : index
    %get3A_146 = arith.constant 3999 : index
    %get3A_147 = memref.load %arg5[%get3A_144, %get3A_145, %get3A_146] : memref<1x1x8000xi32, #tpu.memory_space<smem>>
    %jit3A_148 = arith.constant 8 : i32
    %div3A_149 = arith.divsi %get3A_143, %jit3A_148 : i32
    %sign3A_150 = arith.constant 0 : i32
    %sign3A_151 = arith.cmpi sgt, %get3A_143, %sign3A_150 : i32
    %sign3A_152 = arith.extui %sign3A_151 : i1 to i32
    %sign3A_153 = arith.constant 0 : i32
    %sign3A_154 = arith.cmpi slt, %get3A_143, %sign3A_153 : i32
    %sign3A_155 = arith.extui %sign3A_154 : i1 to i32
    %sign3A_156 = arith.subi %sign3A_152, %sign3A_155 : i32
    %sign3A_157 = arith.constant 0 : i32
    %sign3A_158 = arith.cmpi sgt, %jit3A_148, %sign3A_157 : i32
    %sign3A_159 = arith.extui %sign3A_158 : i1 to i32
    %sign3A_160 = arith.constant 0 : i32
    %sign3A_161 = arith.cmpi slt, %jit3A_148, %sign3A_160 : i32
    %sign3A_162 = arith.extui %sign3A_161 : i1 to i32
    %sign3A_163 = arith.subi %sign3A_159, %sign3A_162 : i32
    %ne3A_164 = arith.cmpi ne, %sign3A_156, %sign3A_163 : i32
    %rem3A_165 = arith.remsi %get3A_143, %jit3A_148 : i32
    %ne3A_166 = arith.constant 0 : i32
    %ne3A_167 = arith.cmpi ne, %rem3A_165, %ne3A_166 : i32
    %and3A_168 = arith.andi %ne3A_164, %ne3A_167 : i1
    %sub3A_169 = arith.constant 1 : i32
    %sub3A_170 = arith.subi %div3A_149, %sub3A_169 : i32
    %select_n3A_171 = arith.select %and3A_168, %sub3A_170, %div3A_149 : i32
    %mul3A_172 = arith.constant 8 : i32
    %mul3A_173 = arith.muli %select_n3A_171, %mul3A_172 : i32
    %sub3A_174 = arith.subi %get3A_147, %mul3A_173 : i32
    %lt3A_175 = arith.constant 64 : i32
    %lt3A_176 = arith.cmpi slt, %sub3A_174, %lt3A_175 : i32
    %convert_element_type3A_177 = arith.extui %lt3A_176 : i1 to i32
    %cond3A_178 = arith.constant 0 : i32
    %cond3A_179 = arith.cmpi ne, %convert_element_type3A_177, %cond3A_178 : i32
    scf.if %cond3A_179 {
      %get3A_370 = arith.constant 0 : index
      %get3A_371 = arith.constant 0 : index
      %get3A_372 = arith.constant 3000 : index
      %get3A_373 = vector.load %arg4[%get3A_370, %get3A_371, %get3A_372] : memref<1x1x8000xi32, #tpu.memory_space<vmem>>, vector<1x1x1000xi32>
      %get3A_374 = vector.shape_cast %get3A_373 : vector<1x1x1000xi32> to vector<1000xi32>
      %iota3A = tpu.iota {dimensions = array<i32: 0>} : vector<64x1000xi32>
      %add3A_375 = vector.broadcast %mul3A_173 : i32 to vector<64x1000xi32>
      %add3A_376 = arith.addi %iota3A, %add3A_375 : vector<64x1000xi32>
      %broadcast_in_dim3A = vector.shape_cast %get3A_374 : vector<1000xi32> to vector<1x1000xi32>
      %eq3A_377 = vector.broadcast %broadcast_in_dim3A : vector<1x1000xi32> to vector<64x1000xi32>
      %eq3A_378 = arith.cmpi eq, %add3A_376, %eq3A_377 : vector<64x1000xi32>
      %convert_element_type3A_379 = arith.extui %eq3A_378 : vector<64x1000xi1> to vector<64x1000xi32>
      %convert_element_type3A_380 = arith.sitofp %convert_element_type3A_379 : vector<64x1000xi32> to vector<64x1000xf32>
      %reduce_sum3A = arith.constant dense<0.000000e+00> : vector<64xf32>
      %reduce_sum3A_381 = vector.multi_reduction <add>, %convert_element_type3A_380, %reduce_sum3A [1] : vector<64x1000xf32> to vector<64xf32>
      %broadcast_in_dim3A_382 = vector.shape_cast %reduce_sum3A_381 : vector<64xf32> to vector<64x1xf32>
      %get3A_383 = arith.index_cast %mul3A_173 : i32 to index
      %get3A_384 = arith.constant 0 : index
      %get3A_385 = vector.load %arg8[%get3A_383, %get3A_384] : memref<10112x128xf32, #tpu.memory_space<vmem>>, vector<64x128xf32>
      %add3A_386 = vector.broadcast %broadcast_in_dim3A_382 : vector<64x1xf32> to vector<64x128xf32>
      %add3A_387 = arith.addf %get3A_385, %add3A_386 : vector<64x128xf32>
      %swap3A_388 = arith.index_cast %mul3A_173 : i32 to index
      %swap3A_389 = arith.constant 0 : index
      %swap3A_390 = vector.load %arg8[%swap3A_388, %swap3A_389] : memref<10112x128xf32, #tpu.memory_space<vmem>>, vector<64x128xf32>
      tpu.vector_store %arg8[%swap3A_388, %swap3A_389], %add3A_387 {strides = array<i32>} : memref<10112x128xf32, #tpu.memory_space<vmem>>, vector<64x128xf32>,
    } else {
    }
    %not3A_180 = arith.constant true
    %not3A_181 = arith.xori %lt3A_176, %not3A_180 : i1
    %convert_element_type3A_182 = arith.extui %not3A_181 : i1 to i32
    %cond3A_183 = arith.constant 0 : i32
    %cond3A_184 = arith.cmpi ne, %convert_element_type3A_182, %cond3A_183 : i32
    scf.if %cond3A_184 {
      %scan3A = arith.constant 3000 : i32
      %scan3A_370 = arith.constant 1000 : i32
      %scan3A_371 = arith.addi %scan3A, %scan3A_370 : i32
      %scan3A_372 = arith.constant 1 : i32
      scf.for %scan3A_374 = %scan3A to %scan3A_371 step %scan3A_372  : i32 {
        %get3A_375 = arith.constant 0 : index
        %get3A_376 = arith.constant 0 : index
        %get3A_377 = arith.index_cast %scan3A_374 : i32 to index
        %get3A_378 = memref.load %arg5[%get3A_375, %get3A_376, %get3A_377] : memref<1x1x8000xi32, #tpu.memory_space<smem>>
        %get3A_379 = arith.index_cast %get3A_378 : i32 to index
        %get3A_380 = arith.constant 0 : index
        %get3A_381 = vector.load %arg8[%get3A_379, %get3A_380] : memref<10112x128xf32, #tpu.memory_space<vmem>>, vector<1x128xf32>
        %add3A_382 = arith.constant 1.000000e+00 : f32
        %add3A_383 = vector.broadcast %add3A_382 : f32 to vector<1x128xf32>
        %add3A_384 = arith.addf %get3A_381, %add3A_383 : vector<1x128xf32>
        %swap3A_385 = arith.index_cast %get3A_378 : i32 to index
        %swap3A_386 = arith.constant 0 : index
        %swap3A_387 = vector.load %arg8[%swap3A_385, %swap3A_386] : memref<10112x128xf32, #tpu.memory_space<vmem>>, vector<1x128xf32>
        tpu.vector_store %arg8[%swap3A_385, %swap3A_386], %add3A_384 {strides = array<i32>} : memref<10112x128xf32, #tpu.memory_space<vmem>>, vector<1x128xf32>,
      }
      %scan3A_373 = arith.constant 1000 : i32
    } else {
    }
    %get3A_185 = arith.constant 0 : index
    %get3A_186 = arith.constant 0 : index
    %get3A_187 = arith.constant 4000 : index
    %get3A_188 = memref.load %arg5[%get3A_185, %get3A_186, %get3A_187] : memref<1x1x8000xi32, #tpu.memory_space<smem>>
    %get3A_189 = arith.constant 0 : index
    %get3A_190 = arith.constant 0 : index
    %get3A_191 = arith.constant 4999 : index
    %get3A_192 = memref.load %arg5[%get3A_189, %get3A_190, %get3A_191] : memref<1x1x8000xi32, #tpu.memory_space<smem>>
    %jit3A_193 = arith.constant 8 : i32
    %div3A_194 = arith.divsi %get3A_188, %jit3A_193 : i32
    %sign3A_195 = arith.constant 0 : i32
    %sign3A_196 = arith.cmpi sgt, %get3A_188, %sign3A_195 : i32
    %sign3A_197 = arith.extui %sign3A_196 : i1 to i32
    %sign3A_198 = arith.constant 0 : i32
    %sign3A_199 = arith.cmpi slt, %get3A_188, %sign3A_198 : i32
    %sign3A_200 = arith.extui %sign3A_199 : i1 to i32
    %sign3A_201 = arith.subi %sign3A_197, %sign3A_200 : i32
    %sign3A_202 = arith.constant 0 : i32
    %sign3A_203 = arith.cmpi sgt, %jit3A_193, %sign3A_202 : i32
    %sign3A_204 = arith.extui %sign3A_203 : i1 to i32
    %sign3A_205 = arith.constant 0 : i32
    %sign3A_206 = arith.cmpi slt, %jit3A_193, %sign3A_205 : i32
    %sign3A_207 = arith.extui %sign3A_206 : i1 to i32
    %sign3A_208 = arith.subi %sign3A_204, %sign3A_207 : i32
    %ne3A_209 = arith.cmpi ne, %sign3A_201, %sign3A_208 : i32
    %rem3A_210 = arith.remsi %get3A_188, %jit3A_193 : i32
    %ne3A_211 = arith.constant 0 : i32
    %ne3A_212 = arith.cmpi ne, %rem3A_210, %ne3A_211 : i32
    %and3A_213 = arith.andi %ne3A_209, %ne3A_212 : i1
    %sub3A_214 = arith.constant 1 : i32
    %sub3A_215 = arith.subi %div3A_194, %sub3A_214 : i32
    %select_n3A_216 = arith.select %and3A_213, %sub3A_215, %div3A_194 : i32
    %mul3A_217 = arith.constant 8 : i32
    %mul3A_218 = arith.muli %select_n3A_216, %mul3A_217 : i32
    %sub3A_219 = arith.subi %get3A_192, %mul3A_218 : i32
    %lt3A_220 = arith.constant 64 : i32
    %lt3A_221 = arith.cmpi slt, %sub3A_219, %lt3A_220 : i32
    %convert_element_type3A_222 = arith.extui %lt3A_221 : i1 to i32
    %cond3A_223 = arith.constant 0 : i32
    %cond3A_224 = arith.cmpi ne, %convert_element_type3A_222, %cond3A_223 : i32
    scf.if %cond3A_224 {
      %get3A_370 = arith.constant 0 : index
      %get3A_371 = arith.constant 0 : index
      %get3A_372 = arith.constant 4000 : index
      %get3A_373 = vector.load %arg4[%get3A_370, %get3A_371, %get3A_372] : memref<1x1x8000xi32, #tpu.memory_space<vmem>>, vector<1x1x1000xi32>
      %get3A_374 = vector.shape_cast %get3A_373 : vector<1x1x1000xi32> to vector<1000xi32>
      %iota3A = tpu.iota {dimensions = array<i32: 0>} : vector<64x1000xi32>
      %add3A_375 = vector.broadcast %mul3A_218 : i32 to vector<64x1000xi32>
      %add3A_376 = arith.addi %iota3A, %add3A_375 : vector<64x1000xi32>
      %broadcast_in_dim3A = vector.shape_cast %get3A_374 : vector<1000xi32> to vector<1x1000xi32>
      %eq3A_377 = vector.broadcast %broadcast_in_dim3A : vector<1x1000xi32> to vector<64x1000xi32>
      %eq3A_378 = arith.cmpi eq, %add3A_376, %eq3A_377 : vector<64x1000xi32>
      %convert_element_type3A_379 = arith.extui %eq3A_378 : vector<64x1000xi1> to vector<64x1000xi32>
      %convert_element_type3A_380 = arith.sitofp %convert_element_type3A_379 : vector<64x1000xi32> to vector<64x1000xf32>
      %reduce_sum3A = arith.constant dense<0.000000e+00> : vector<64xf32>
      %reduce_sum3A_381 = vector.multi_reduction <add>, %convert_element_type3A_380, %reduce_sum3A [1] : vector<64x1000xf32> to vector<64xf32>
      %broadcast_in_dim3A_382 = vector.shape_cast %reduce_sum3A_381 : vector<64xf32> to vector<64x1xf32>
      %get3A_383 = arith.index_cast %mul3A_218 : i32 to index
      %get3A_384 = arith.constant 0 : index
      %get3A_385 = vector.load %arg8[%get3A_383, %get3A_384] : memref<10112x128xf32, #tpu.memory_space<vmem>>, vector<64x128xf32>
      %add3A_386 = vector.broadcast %broadcast_in_dim3A_382 : vector<64x1xf32> to vector<64x128xf32>
      %add3A_387 = arith.addf %get3A_385, %add3A_386 : vector<64x128xf32>
      %swap3A_388 = arith.index_cast %mul3A_218 : i32 to index
      %swap3A_389 = arith.constant 0 : index
      %swap3A_390 = vector.load %arg8[%swap3A_388, %swap3A_389] : memref<10112x128xf32, #tpu.memory_space<vmem>>, vector<64x128xf32>
      tpu.vector_store %arg8[%swap3A_388, %swap3A_389], %add3A_387 {strides = array<i32>} : memref<10112x128xf32, #tpu.memory_space<vmem>>, vector<64x128xf32>,
    } else {
    }
    %not3A_225 = arith.constant true
    %not3A_226 = arith.xori %lt3A_221, %not3A_225 : i1
    %convert_element_type3A_227 = arith.extui %not3A_226 : i1 to i32
    %cond3A_228 = arith.constant 0 : i32
    %cond3A_229 = arith.cmpi ne, %convert_element_type3A_227, %cond3A_228 : i32
    scf.if %cond3A_229 {
      %scan3A = arith.constant 4000 : i32
      %scan3A_370 = arith.constant 1000 : i32
      %scan3A_371 = arith.addi %scan3A, %scan3A_370 : i32
      %scan3A_372 = arith.constant 1 : i32
      scf.for %scan3A_374 = %scan3A to %scan3A_371 step %scan3A_372  : i32 {
        %get3A_375 = arith.constant 0 : index
        %get3A_376 = arith.constant 0 : index
        %get3A_377 = arith.index_cast %scan3A_374 : i32 to index
        %get3A_378 = memref.load %arg5[%get3A_375, %get3A_376, %get3A_377] : memref<1x1x8000xi32, #tpu.memory_space<smem>>
        %get3A_379 = arith.index_cast %get3A_378 : i32 to index
        %get3A_380 = arith.constant 0 : index
        %get3A_381 = vector.load %arg8[%get3A_379, %get3A_380] : memref<10112x128xf32, #tpu.memory_space<vmem>>, vector<1x128xf32>
        %add3A_382 = arith.constant 1.000000e+00 : f32
        %add3A_383 = vector.broadcast %add3A_382 : f32 to vector<1x128xf32>
        %add3A_384 = arith.addf %get3A_381, %add3A_383 : vector<1x128xf32>
        %swap3A_385 = arith.index_cast %get3A_378 : i32 to index
        %swap3A_386 = arith.constant 0 : index
        %swap3A_387 = vector.load %arg8[%swap3A_385, %swap3A_386] : memref<10112x128xf32, #tpu.memory_space<vmem>>, vector<1x128xf32>
        tpu.vector_store %arg8[%swap3A_385, %swap3A_386], %add3A_384 {strides = array<i32>} : memref<10112x128xf32, #tpu.memory_space<vmem>>, vector<1x128xf32>,
      }
      %scan3A_373 = arith.constant 1000 : i32
    } else {
    }
    %get3A_230 = arith.constant 0 : index
    %get3A_231 = arith.constant 0 : index
    %get3A_232 = arith.constant 5000 : index
    %get3A_233 = memref.load %arg5[%get3A_230, %get3A_231, %get3A_232] : memref<1x1x8000xi32, #tpu.memory_space<smem>>
    %get3A_234 = arith.constant 0 : index
    %get3A_235 = arith.constant 0 : index
    %get3A_236 = arith.constant 5999 : index
    %get3A_237 = memref.load %arg5[%get3A_234, %get3A_235, %get3A_236] : memref<1x1x8000xi32, #tpu.memory_space<smem>>
    %jit3A_238 = arith.constant 8 : i32
    %div3A_239 = arith.divsi %get3A_233, %jit3A_238 : i32
    %sign3A_240 = arith.constant 0 : i32
    %sign3A_241 = arith.cmpi sgt, %get3A_233, %sign3A_240 : i32
    %sign3A_242 = arith.extui %sign3A_241 : i1 to i32
    %sign3A_243 = arith.constant 0 : i32
    %sign3A_244 = arith.cmpi slt, %get3A_233, %sign3A_243 : i32
    %sign3A_245 = arith.extui %sign3A_244 : i1 to i32
    %sign3A_246 = arith.subi %sign3A_242, %sign3A_245 : i32
    %sign3A_247 = arith.constant 0 : i32
    %sign3A_248 = arith.cmpi sgt, %jit3A_238, %sign3A_247 : i32
    %sign3A_249 = arith.extui %sign3A_248 : i1 to i32
    %sign3A_250 = arith.constant 0 : i32
    %sign3A_251 = arith.cmpi slt, %jit3A_238, %sign3A_250 : i32
    %sign3A_252 = arith.extui %sign3A_251 : i1 to i32
    %sign3A_253 = arith.subi %sign3A_249, %sign3A_252 : i32
    %ne3A_254 = arith.cmpi ne, %sign3A_246, %sign3A_253 : i32
    %rem3A_255 = arith.remsi %get3A_233, %jit3A_238 : i32
    %ne3A_256 = arith.constant 0 : i32
    %ne3A_257 = arith.cmpi ne, %rem3A_255, %ne3A_256 : i32
    %and3A_258 = arith.andi %ne3A_254, %ne3A_257 : i1
    %sub3A_259 = arith.constant 1 : i32
    %sub3A_260 = arith.subi %div3A_239, %sub3A_259 : i32
    %select_n3A_261 = arith.select %and3A_258, %sub3A_260, %div3A_239 : i32
    %mul3A_262 = arith.constant 8 : i32
    %mul3A_263 = arith.muli %select_n3A_261, %mul3A_262 : i32
    %sub3A_264 = arith.subi %get3A_237, %mul3A_263 : i32
    %lt3A_265 = arith.constant 64 : i32
    %lt3A_266 = arith.cmpi slt, %sub3A_264, %lt3A_265 : i32
    %convert_element_type3A_267 = arith.extui %lt3A_266 : i1 to i32
    %cond3A_268 = arith.constant 0 : i32
    %cond3A_269 = arith.cmpi ne, %convert_element_type3A_267, %cond3A_268 : i32
    scf.if %cond3A_269 {
      %get3A_370 = arith.constant 0 : index
      %get3A_371 = arith.constant 0 : index
      %get3A_372 = arith.constant 5000 : index
      %get3A_373 = vector.load %arg4[%get3A_370, %get3A_371, %get3A_372] : memref<1x1x8000xi32, #tpu.memory_space<vmem>>, vector<1x1x1000xi32>
      %get3A_374 = vector.shape_cast %get3A_373 : vector<1x1x1000xi32> to vector<1000xi32>
      %iota3A = tpu.iota {dimensions = array<i32: 0>} : vector<64x1000xi32>
      %add3A_375 = vector.broadcast %mul3A_263 : i32 to vector<64x1000xi32>
      %add3A_376 = arith.addi %iota3A, %add3A_375 : vector<64x1000xi32>
      %broadcast_in_dim3A = vector.shape_cast %get3A_374 : vector<1000xi32> to vector<1x1000xi32>
      %eq3A_377 = vector.broadcast %broadcast_in_dim3A : vector<1x1000xi32> to vector<64x1000xi32>
      %eq3A_378 = arith.cmpi eq, %add3A_376, %eq3A_377 : vector<64x1000xi32>
      %convert_element_type3A_379 = arith.extui %eq3A_378 : vector<64x1000xi1> to vector<64x1000xi32>
      %convert_element_type3A_380 = arith.sitofp %convert_element_type3A_379 : vector<64x1000xi32> to vector<64x1000xf32>
      %reduce_sum3A = arith.constant dense<0.000000e+00> : vector<64xf32>
      %reduce_sum3A_381 = vector.multi_reduction <add>, %convert_element_type3A_380, %reduce_sum3A [1] : vector<64x1000xf32> to vector<64xf32>
      %broadcast_in_dim3A_382 = vector.shape_cast %reduce_sum3A_381 : vector<64xf32> to vector<64x1xf32>
      %get3A_383 = arith.index_cast %mul3A_263 : i32 to index
      %get3A_384 = arith.constant 0 : index
      %get3A_385 = vector.load %arg8[%get3A_383, %get3A_384] : memref<10112x128xf32, #tpu.memory_space<vmem>>, vector<64x128xf32>
      %add3A_386 = vector.broadcast %broadcast_in_dim3A_382 : vector<64x1xf32> to vector<64x128xf32>
      %add3A_387 = arith.addf %get3A_385, %add3A_386 : vector<64x128xf32>
      %swap3A_388 = arith.index_cast %mul3A_263 : i32 to index
      %swap3A_389 = arith.constant 0 : index
      %swap3A_390 = vector.load %arg8[%swap3A_388, %swap3A_389] : memref<10112x128xf32, #tpu.memory_space<vmem>>, vector<64x128xf32>
      tpu.vector_store %arg8[%swap3A_388, %swap3A_389], %add3A_387 {strides = array<i32>} : memref<10112x128xf32, #tpu.memory_space<vmem>>, vector<64x128xf32>,
    } else {
    }
    %not3A_270 = arith.constant true
    %not3A_271 = arith.xori %lt3A_266, %not3A_270 : i1
    %convert_element_type3A_272 = arith.extui %not3A_271 : i1 to i32
    %cond3A_273 = arith.constant 0 : i32
    %cond3A_274 = arith.cmpi ne, %convert_element_type3A_272, %cond3A_273 : i32
    scf.if %cond3A_274 {
      %scan3A = arith.constant 5000 : i32
      %scan3A_370 = arith.constant 1000 : i32
      %scan3A_371 = arith.addi %scan3A, %scan3A_370 : i32
      %scan3A_372 = arith.constant 1 : i32
      scf.for %scan3A_374 = %scan3A to %scan3A_371 step %scan3A_372  : i32 {
        %get3A_375 = arith.constant 0 : index
        %get3A_376 = arith.constant 0 : index
        %get3A_377 = arith.index_cast %scan3A_374 : i32 to index
        %get3A_378 = memref.load %arg5[%get3A_375, %get3A_376, %get3A_377] : memref<1x1x8000xi32, #tpu.memory_space<smem>>
        %get3A_379 = arith.index_cast %get3A_378 : i32 to index
        %get3A_380 = arith.constant 0 : index
        %get3A_381 = vector.load %arg8[%get3A_379, %get3A_380] : memref<10112x128xf32, #tpu.memory_space<vmem>>, vector<1x128xf32>
        %add3A_382 = arith.constant 1.000000e+00 : f32
        %add3A_383 = vector.broadcast %add3A_382 : f32 to vector<1x128xf32>
        %add3A_384 = arith.addf %get3A_381, %add3A_383 : vector<1x128xf32>
        %swap3A_385 = arith.index_cast %get3A_378 : i32 to index
        %swap3A_386 = arith.constant 0 : index
        %swap3A_387 = vector.load %arg8[%swap3A_385, %swap3A_386] : memref<10112x128xf32, #tpu.memory_space<vmem>>, vector<1x128xf32>
        tpu.vector_store %arg8[%swap3A_385, %swap3A_386], %add3A_384 {strides = array<i32>} : memref<10112x128xf32, #tpu.memory_space<vmem>>, vector<1x128xf32>,
      }
      %scan3A_373 = arith.constant 1000 : i32
    } else {
    }
    %get3A_275 = arith.constant 0 : index
    %get3A_276 = arith.constant 0 : index
    %get3A_277 = arith.constant 6000 : index
    %get3A_278 = memref.load %arg5[%get3A_275, %get3A_276, %get3A_277] : memref<1x1x8000xi32, #tpu.memory_space<smem>>
    %get3A_279 = arith.constant 0 : index
    %get3A_280 = arith.constant 0 : index
    %get3A_281 = arith.constant 6999 : index
    %get3A_282 = memref.load %arg5[%get3A_279, %get3A_280, %get3A_281] : memref<1x1x8000xi32, #tpu.memory_space<smem>>
    %jit3A_283 = arith.constant 8 : i32
    %div3A_284 = arith.divsi %get3A_278, %jit3A_283 : i32
    %sign3A_285 = arith.constant 0 : i32
    %sign3A_286 = arith.cmpi sgt, %get3A_278, %sign3A_285 : i32
    %sign3A_287 = arith.extui %sign3A_286 : i1 to i32
    %sign3A_288 = arith.constant 0 : i32
    %sign3A_289 = arith.cmpi slt, %get3A_278, %sign3A_288 : i32
    %sign3A_290 = arith.extui %sign3A_289 : i1 to i32
    %sign3A_291 = arith.subi %sign3A_287, %sign3A_290 : i32
    %sign3A_292 = arith.constant 0 : i32
    %sign3A_293 = arith.cmpi sgt, %jit3A_283, %sign3A_292 : i32
    %sign3A_294 = arith.extui %sign3A_293 : i1 to i32
    %sign3A_295 = arith.constant 0 : i32
    %sign3A_296 = arith.cmpi slt, %jit3A_283, %sign3A_295 : i32
    %sign3A_297 = arith.extui %sign3A_296 : i1 to i32
    %sign3A_298 = arith.subi %sign3A_294, %sign3A_297 : i32
    %ne3A_299 = arith.cmpi ne, %sign3A_291, %sign3A_298 : i32
    %rem3A_300 = arith.remsi %get3A_278, %jit3A_283 : i32
    %ne3A_301 = arith.constant 0 : i32
    %ne3A_302 = arith.cmpi ne, %rem3A_300, %ne3A_301 : i32
    %and3A_303 = arith.andi %ne3A_299, %ne3A_302 : i1
    %sub3A_304 = arith.constant 1 : i32
    %sub3A_305 = arith.subi %div3A_284, %sub3A_304 : i32
    %select_n3A_306 = arith.select %and3A_303, %sub3A_305, %div3A_284 : i32
    %mul3A_307 = arith.constant 8 : i32
    %mul3A_308 = arith.muli %select_n3A_306, %mul3A_307 : i32
    %sub3A_309 = arith.subi %get3A_282, %mul3A_308 : i32
    %lt3A_310 = arith.constant 64 : i32
    %lt3A_311 = arith.cmpi slt, %sub3A_309, %lt3A_310 : i32
    %convert_element_type3A_312 = arith.extui %lt3A_311 : i1 to i32
    %cond3A_313 = arith.constant 0 : i32
    %cond3A_314 = arith.cmpi ne, %convert_element_type3A_312, %cond3A_313 : i32
    scf.if %cond3A_314 {
      %get3A_370 = arith.constant 0 : index
      %get3A_371 = arith.constant 0 : index
      %get3A_372 = arith.constant 6000 : index
      %get3A_373 = vector.load %arg4[%get3A_370, %get3A_371, %get3A_372] : memref<1x1x8000xi32, #tpu.memory_space<vmem>>, vector<1x1x1000xi32>
      %get3A_374 = vector.shape_cast %get3A_373 : vector<1x1x1000xi32> to vector<1000xi32>
      %iota3A = tpu.iota {dimensions = array<i32: 0>} : vector<64x1000xi32>
      %add3A_375 = vector.broadcast %mul3A_308 : i32 to vector<64x1000xi32>
      %add3A_376 = arith.addi %iota3A, %add3A_375 : vector<64x1000xi32>
      %broadcast_in_dim3A = vector.shape_cast %get3A_374 : vector<1000xi32> to vector<1x1000xi32>
      %eq3A_377 = vector.broadcast %broadcast_in_dim3A : vector<1x1000xi32> to vector<64x1000xi32>
      %eq3A_378 = arith.cmpi eq, %add3A_376, %eq3A_377 : vector<64x1000xi32>
      %convert_element_type3A_379 = arith.extui %eq3A_378 : vector<64x1000xi1> to vector<64x1000xi32>
      %convert_element_type3A_380 = arith.sitofp %convert_element_type3A_379 : vector<64x1000xi32> to vector<64x1000xf32>
      %reduce_sum3A = arith.constant dense<0.000000e+00> : vector<64xf32>
      %reduce_sum3A_381 = vector.multi_reduction <add>, %convert_element_type3A_380, %reduce_sum3A [1] : vector<64x1000xf32> to vector<64xf32>
      %broadcast_in_dim3A_382 = vector.shape_cast %reduce_sum3A_381 : vector<64xf32> to vector<64x1xf32>
      %get3A_383 = arith.index_cast %mul3A_308 : i32 to index
      %get3A_384 = arith.constant 0 : index
      %get3A_385 = vector.load %arg8[%get3A_383, %get3A_384] : memref<10112x128xf32, #tpu.memory_space<vmem>>, vector<64x128xf32>
      %add3A_386 = vector.broadcast %broadcast_in_dim3A_382 : vector<64x1xf32> to vector<64x128xf32>
      %add3A_387 = arith.addf %get3A_385, %add3A_386 : vector<64x128xf32>
      %swap3A_388 = arith.index_cast %mul3A_308 : i32 to index
      %swap3A_389 = arith.constant 0 : index
      %swap3A_390 = vector.load %arg8[%swap3A_388, %swap3A_389] : memref<10112x128xf32, #tpu.memory_space<vmem>>, vector<64x128xf32>
      tpu.vector_store %arg8[%swap3A_388, %swap3A_389], %add3A_387 {strides = array<i32>} : memref<10112x128xf32, #tpu.memory_space<vmem>>, vector<64x128xf32>,
    } else {
    }
    %not3A_315 = arith.constant true
    %not3A_316 = arith.xori %lt3A_311, %not3A_315 : i1
    %convert_element_type3A_317 = arith.extui %not3A_316 : i1 to i32
    %cond3A_318 = arith.constant 0 : i32
    %cond3A_319 = arith.cmpi ne, %convert_element_type3A_317, %cond3A_318 : i32
    scf.if %cond3A_319 {
      %scan3A = arith.constant 6000 : i32
      %scan3A_370 = arith.constant 1000 : i32
      %scan3A_371 = arith.addi %scan3A, %scan3A_370 : i32
      %scan3A_372 = arith.constant 1 : i32
      scf.for %scan3A_374 = %scan3A to %scan3A_371 step %scan3A_372  : i32 {
        %get3A_375 = arith.constant 0 : index
        %get3A_376 = arith.constant 0 : index
        %get3A_377 = arith.index_cast %scan3A_374 : i32 to index
        %get3A_378 = memref.load %arg5[%get3A_375, %get3A_376, %get3A_377] : memref<1x1x8000xi32, #tpu.memory_space<smem>>
        %get3A_379 = arith.index_cast %get3A_378 : i32 to index
        %get3A_380 = arith.constant 0 : index
        %get3A_381 = vector.load %arg8[%get3A_379, %get3A_380] : memref<10112x128xf32, #tpu.memory_space<vmem>>, vector<1x128xf32>
        %add3A_382 = arith.constant 1.000000e+00 : f32
        %add3A_383 = vector.broadcast %add3A_382 : f32 to vector<1x128xf32>
        %add3A_384 = arith.addf %get3A_381, %add3A_383 : vector<1x128xf32>
        %swap3A_385 = arith.index_cast %get3A_378 : i32 to index
        %swap3A_386 = arith.constant 0 : index
        %swap3A_387 = vector.load %arg8[%swap3A_385, %swap3A_386] : memref<10112x128xf32, #tpu.memory_space<vmem>>, vector<1x128xf32>
        tpu.vector_store %arg8[%swap3A_385, %swap3A_386], %add3A_384 {strides = array<i32>} : memref<10112x128xf32, #tpu.memory_space<vmem>>, vector<1x128xf32>,
      }
      %scan3A_373 = arith.constant 1000 : i32
    } else {
    }
    %get3A_320 = arith.constant 0 : index
    %get3A_321 = arith.constant 0 : index
    %get3A_322 = arith.constant 7000 : index
    %get3A_323 = memref.load %arg5[%get3A_320, %get3A_321, %get3A_322] : memref<1x1x8000xi32, #tpu.memory_space<smem>>
    %get3A_324 = arith.constant 0 : index
    %get3A_325 = arith.constant 0 : index
    %get3A_326 = arith.constant 7999 : index
    %get3A_327 = memref.load %arg5[%get3A_324, %get3A_325, %get3A_326] : memref<1x1x8000xi32, #tpu.memory_space<smem>>
    %jit3A_328 = arith.constant 8 : i32
    %div3A_329 = arith.divsi %get3A_323, %jit3A_328 : i32
    %sign3A_330 = arith.constant 0 : i32
    %sign3A_331 = arith.cmpi sgt, %get3A_323, %sign3A_330 : i32
    %sign3A_332 = arith.extui %sign3A_331 : i1 to i32
    %sign3A_333 = arith.constant 0 : i32
    %sign3A_334 = arith.cmpi slt, %get3A_323, %sign3A_333 : i32
    %sign3A_335 = arith.extui %sign3A_334 : i1 to i32
    %sign3A_336 = arith.subi %sign3A_332, %sign3A_335 : i32
    %sign3A_337 = arith.constant 0 : i32
    %sign3A_338 = arith.cmpi sgt, %jit3A_328, %sign3A_337 : i32
    %sign3A_339 = arith.extui %sign3A_338 : i1 to i32
    %sign3A_340 = arith.constant 0 : i32
    %sign3A_341 = arith.cmpi slt, %jit3A_328, %sign3A_340 : i32
    %sign3A_342 = arith.extui %sign3A_341 : i1 to i32
    %sign3A_343 = arith.subi %sign3A_339, %sign3A_342 : i32
    %ne3A_344 = arith.cmpi ne, %sign3A_336, %sign3A_343 : i32
    %rem3A_345 = arith.remsi %get3A_323, %jit3A_328 : i32
    %ne3A_346 = arith.constant 0 : i32
    %ne3A_347 = arith.cmpi ne, %rem3A_345, %ne3A_346 : i32
    %and3A_348 = arith.andi %ne3A_344, %ne3A_347 : i1
    %sub3A_349 = arith.constant 1 : i32
    %sub3A_350 = arith.subi %div3A_329, %sub3A_349 : i32
    %select_n3A_351 = arith.select %and3A_348, %sub3A_350, %div3A_329 : i32
    %mul3A_352 = arith.constant 8 : i32
    %mul3A_353 = arith.muli %select_n3A_351, %mul3A_352 : i32
    %sub3A_354 = arith.subi %get3A_327, %mul3A_353 : i32
    %lt3A_355 = arith.constant 64 : i32
    %lt3A_356 = arith.cmpi slt, %sub3A_354, %lt3A_355 : i32
    %convert_element_type3A_357 = arith.extui %lt3A_356 : i1 to i32
    %cond3A_358 = arith.constant 0 : i32
    %cond3A_359 = arith.cmpi ne, %convert_element_type3A_357, %cond3A_358 : i32
    scf.if %cond3A_359 {
      %get3A_370 = arith.constant 0 : index
      %get3A_371 = arith.constant 0 : index
      %get3A_372 = arith.constant 7000 : index
      %get3A_373 = vector.load %arg4[%get3A_370, %get3A_371, %get3A_372] : memref<1x1x8000xi32, #tpu.memory_space<vmem>>, vector<1x1x1000xi32>
      %get3A_374 = vector.shape_cast %get3A_373 : vector<1x1x1000xi32> to vector<1000xi32>
      %iota3A = tpu.iota {dimensions = array<i32: 0>} : vector<64x1000xi32>
      %add3A_375 = vector.broadcast %mul3A_353 : i32 to vector<64x1000xi32>
      %add3A_376 = arith.addi %iota3A, %add3A_375 : vector<64x1000xi32>
      %broadcast_in_dim3A = vector.shape_cast %get3A_374 : vector<1000xi32> to vector<1x1000xi32>
      %eq3A_377 = vector.broadcast %broadcast_in_dim3A : vector<1x1000xi32> to vector<64x1000xi32>
      %eq3A_378 = arith.cmpi eq, %add3A_376, %eq3A_377 : vector<64x1000xi32>
      %convert_element_type3A_379 = arith.extui %eq3A_378 : vector<64x1000xi1> to vector<64x1000xi32>
      %convert_element_type3A_380 = arith.sitofp %convert_element_type3A_379 : vector<64x1000xi32> to vector<64x1000xf32>
      %reduce_sum3A = arith.constant dense<0.000000e+00> : vector<64xf32>
      %reduce_sum3A_381 = vector.multi_reduction <add>, %convert_element_type3A_380, %reduce_sum3A [1] : vector<64x1000xf32> to vector<64xf32>
      %broadcast_in_dim3A_382 = vector.shape_cast %reduce_sum3A_381 : vector<64xf32> to vector<64x1xf32>
      %get3A_383 = arith.index_cast %mul3A_353 : i32 to index
      %get3A_384 = arith.constant 0 : index
      %get3A_385 = vector.load %arg8[%get3A_383, %get3A_384] : memref<10112x128xf32, #tpu.memory_space<vmem>>, vector<64x128xf32>
      %add3A_386 = vector.broadcast %broadcast_in_dim3A_382 : vector<64x1xf32> to vector<64x128xf32>
      %add3A_387 = arith.addf %get3A_385, %add3A_386 : vector<64x128xf32>
      %swap3A_388 = arith.index_cast %mul3A_353 : i32 to index
      %swap3A_389 = arith.constant 0 : index
      %swap3A_390 = vector.load %arg8[%swap3A_388, %swap3A_389] : memref<10112x128xf32, #tpu.memory_space<vmem>>, vector<64x128xf32>
      tpu.vector_store %arg8[%swap3A_388, %swap3A_389], %add3A_387 {strides = array<i32>} : memref<10112x128xf32, #tpu.memory_space<vmem>>, vector<64x128xf32>,
    } else {
    }
    %not3A_360 = arith.constant true
    %not3A_361 = arith.xori %lt3A_356, %not3A_360 : i1
    %convert_element_type3A_362 = arith.extui %not3A_361 : i1 to i32
    %cond3A_363 = arith.constant 0 : i32
    %cond3A_364 = arith.cmpi ne, %convert_element_type3A_362, %cond3A_363 : i32
    scf.if %cond3A_364 {
      %scan3A = arith.constant 7000 : i32
      %scan3A_370 = arith.constant 1000 : i32
      %scan3A_371 = arith.addi %scan3A, %scan3A_370 : i32
      %scan3A_372 = arith.constant 1 : i32
      scf.for %scan3A_374 = %scan3A to %scan3A_371 step %scan3A_372  : i32 {
        %get3A_375 = arith.constant 0 : index
        %get3A_376 = arith.constant 0 : index
        %get3A_377 = arith.index_cast %scan3A_374 : i32 to index
        %get3A_378 = memref.load %arg5[%get3A_375, %get3A_376, %get3A_377] : memref<1x1x8000xi32, #tpu.memory_space<smem>>
        %get3A_379 = arith.index_cast %get3A_378 : i32 to index
        %get3A_380 = arith.constant 0 : index
        %get3A_381 = vector.load %arg8[%get3A_379, %get3A_380] : memref<10112x128xf32, #tpu.memory_space<vmem>>, vector<1x128xf32>
        %add3A_382 = arith.constant 1.000000e+00 : f32
        %add3A_383 = vector.broadcast %add3A_382 : f32 to vector<1x128xf32>
        %add3A_384 = arith.addf %get3A_381, %add3A_383 : vector<1x128xf32>
        %swap3A_385 = arith.index_cast %get3A_378 : i32 to index
        %swap3A_386 = arith.constant 0 : index
        %swap3A_387 = vector.load %arg8[%swap3A_385, %swap3A_386] : memref<10112x128xf32, #tpu.memory_space<vmem>>, vector<1x128xf32>
        tpu.vector_store %arg8[%swap3A_385, %swap3A_386], %add3A_384 {strides = array<i32>} : memref<10112x128xf32, #tpu.memory_space<vmem>>, vector<1x128xf32>,
      }
      %scan3A_373 = arith.constant 1000 : i32
    } else {
    }
    %eq3A_365 = arith.constant 19 : i32
    %eq3A_366 = arith.cmpi eq, %arg0, %eq3A_365 : i32
    %convert_element_type3A_367 = arith.extui %eq3A_366 : i1 to i32
    %cond3A_368 = arith.constant 0 : i32
    %cond3A_369 = arith.cmpi ne, %convert_element_type3A_367, %cond3A_368 : i32
    scf.if %cond3A_369 {
      %get3A_370 = arith.constant 0 : index
      %get3A_371 = arith.constant 0 : index
      %get3A_372 = vector.load %arg8[%get3A_370, %get3A_371] : memref<10112x128xf32, #tpu.memory_space<vmem>>, vector<10112x128xf32>
      %swap3A_373 = arith.constant 0 : index
      %swap3A_374 = arith.constant 0 : index
      %swap3A_375 = vector.load %arg7[%swap3A_373, %swap3A_374] : memref<10112x128xf32, #tpu.memory_space<vmem>>, vector<10112x128xf32>
      tpu.vector_store %arg7[%swap3A_373, %swap3A_374], %get3A_372 {strides = array<i32>} : memref<10112x128xf32, #tpu.memory_space<vmem>>, vector<10112x128xf32>,
    } else {
    }
    return
  }
  func.func @transform_0(%arg0: i32) -> (i32, i32) {
    %add3A = arith.constant 0 : i32
    %add3A_0 = arith.addi %arg0, %add3A : i32
    %c0_i32 = arith.constant 0 : i32
    %c0_i32_1 = arith.constant 0 : i32
    return %add3A_0, %c0_i32 : i32, i32
  }
  func.func @transform_1(%arg0: i32) -> (i32, i32) {
    %c0_i32 = arith.constant 0 : i32
    %c0_i32_0 = arith.constant 0 : i32
    %c0_i32_1 = arith.constant 0 : i32
    return %c0_i32, %c0_i32_0 : i32, i32
  }
  func.func @transform_2(%arg0: i32) -> (i32, i32) {
    %c0_i32 = arith.constant 0 : i32
    %c0_i32_0 = arith.constant 0 : i32
    %c0_i32_1 = arith.constant 0 : i32
    return %c0_i32, %c0_i32_0 : i32, i32
  }
  func.func @transform_3(%arg0: i32) -> (i32, i32, i32) {
    %add3A = arith.constant 0 : i32
    %add3A_0 = arith.addi %arg0, %add3A : i32
    %c0_i32 = arith.constant 0 : i32
    %c0_i32_1 = arith.constant 0 : i32
    %c0_i32_2 = arith.constant 0 : i32
    return %add3A_0, %c0_i32, %c0_i32_1 : i32, i32, i32
  }
  func.func @transform_4(%arg0: i32) -> (i32, i32, i32) {
    %add3A = arith.constant 0 : i32
    %add3A_0 = arith.addi %arg0, %add3A : i32
    %c0_i32 = arith.constant 0 : i32
    %c0_i32_1 = arith.constant 0 : i32
    %c0_i32_2 = arith.constant 0 : i32
    return %add3A_0, %c0_i32, %c0_i32_1 : i32, i32, i32
  }
  func.func @transform_5(%arg0: i32) -> (i32, i32) {
    %c0_i32 = arith.constant 0 : i32
    %c0_i32_0 = arith.constant 0 : i32
    return %arg0, %c0_i32 : i32, i32
  }
  func.func @transform_6(%arg0: i32) -> (i32, i32) {
    %c0_i32 = arith.constant 0 : i32
    %c0_i32_0 = arith.constant 0 : i32
    %c0_i32_1 = arith.constant 0 : i32
    return %c0_i32, %c0_i32_0 : i32, i32
  }
}

module attributes {stable_mosaic.version = 14 : i64} {
  func.func @_combine_body(%arg0: i32, %arg1: memref<2x2000x128xf32, #tpu.memory_space<vmem>>, %arg2: memref<2x2000x128xf32, #tpu.memory_space<vmem>>, %arg3: memref<2000x128xf32, #tpu.memory_space<vmem>>, %arg4: memref<2000x128xf32, #tpu.memory_space<vmem>>, %arg5: memref<2000x128xf32, #tpu.memory_space<vmem>>) attributes {dimension_semantics = [#tpu.dimension_semantics<arbitrary>], iteration_bounds = array<i64: 5>, scalar_prefetch = 0 : i64, scratch_operands = 0 : i64, tpu.core_type = #tpu.core_type<tc>, window_params = [{transform_indices = @transform_0, window_bounds = array<i64: 2, 2000, 128>}, {transform_indices = @transform_1, window_bounds = array<i64: 2, 2000, 128>}, {transform_indices = @transform_2, window_bounds = array<i64: 2000, 128>}, {transform_indices = @transform_3, window_bounds = array<i64: 2000, 128>}, {transform_indices = @transform_4, window_bounds = array<i64: 2000, 128>}]} {
    %get3A = arith.constant 0 : index
    %get3A_0 = arith.constant 0 : index
    %get3A_1 = arith.constant 0 : index
    %get3A_2 = vector.load %arg1[%get3A, %get3A_0, %get3A_1] : memref<2x2000x128xf32, #tpu.memory_space<vmem>>, vector<1x2000x128xf32>
    %get3A_3 = vector.shape_cast %get3A_2 : vector<1x2000x128xf32> to vector<2000x128xf32>
    %get3A_4 = arith.constant 1 : index
    %get3A_5 = arith.constant 0 : index
    %get3A_6 = arith.constant 0 : index
    %get3A_7 = vector.load %arg1[%get3A_4, %get3A_5, %get3A_6] : memref<2x2000x128xf32, #tpu.memory_space<vmem>>, vector<1x2000x128xf32>
    %get3A_8 = vector.shape_cast %get3A_7 : vector<1x2000x128xf32> to vector<2000x128xf32>
    %add3A = arith.addf %get3A_3, %get3A_8 : vector<2000x128xf32>
    %get3A_9 = arith.constant 0 : index
    %get3A_10 = arith.constant 0 : index
    %get3A_11 = arith.constant 0 : index
    %get3A_12 = vector.load %arg2[%get3A_9, %get3A_10, %get3A_11] : memref<2x2000x128xf32, #tpu.memory_space<vmem>>, vector<1x2000x128xf32>
    %get3A_13 = vector.shape_cast %get3A_12 : vector<1x2000x128xf32> to vector<2000x128xf32>
    %add3A_14 = arith.addf %add3A, %get3A_13 : vector<2000x128xf32>
    %get3A_15 = arith.constant 1 : index
    %get3A_16 = arith.constant 0 : index
    %get3A_17 = arith.constant 0 : index
    %get3A_18 = vector.load %arg2[%get3A_15, %get3A_16, %get3A_17] : memref<2x2000x128xf32, #tpu.memory_space<vmem>>, vector<1x2000x128xf32>
    %get3A_19 = vector.shape_cast %get3A_18 : vector<1x2000x128xf32> to vector<2000x128xf32>
    %add3A_20 = arith.addf %add3A_14, %get3A_19 : vector<2000x128xf32>
    %get3A_21 = arith.constant 0 : index
    %get3A_22 = arith.constant 0 : index
    %get3A_23 = vector.load %arg3[%get3A_21, %get3A_22] : memref<2000x128xf32, #tpu.memory_space<vmem>>, vector<2000x128xf32>
    %get3A_24 = arith.constant 0 : index
    %get3A_25 = arith.constant 0 : index
    %get3A_26 = vector.load %arg4[%get3A_24, %get3A_25] : memref<2000x128xf32, #tpu.memory_space<vmem>>, vector<2000x128xf32>
    %add3A_27 = arith.addf %get3A_23, %get3A_26 : vector<2000x128xf32>
    %max3A = arith.constant 1.000000e+00 : f32
    %max3A_28 = vector.broadcast %max3A : f32 to vector<2000x128xf32>
    %max3A_29 = arith.maximumf %add3A_27, %max3A_28 : vector<2000x128xf32>
    %div3A = arith.divf %add3A_20, %max3A_29 : vector<2000x128xf32>
    %swap3A = arith.constant 0 : index
    %swap3A_30 = arith.constant 0 : index
    %swap3A_31 = vector.load %arg5[%swap3A, %swap3A_30] : memref<2000x128xf32, #tpu.memory_space<vmem>>, vector<2000x128xf32>
    tpu.vector_store %arg5[%swap3A, %swap3A_30], %div3A {strides = array<i32>} : memref<2000x128xf32, #tpu.memory_space<vmem>>, vector<2000x128xf32>,
    return
  }
  func.func @transform_0(%arg0: i32) -> (i32, i32, i32) {
    %c0_i32 = arith.constant 0 : i32
    %c0_i32_0 = arith.constant 0 : i32
    %c0_i32_1 = arith.constant 0 : i32
    return %c0_i32, %arg0, %c0_i32_0 : i32, i32, i32
  }
  func.func @transform_1(%arg0: i32) -> (i32, i32, i32) {
    %c0_i32 = arith.constant 0 : i32
    %c0_i32_0 = arith.constant 0 : i32
    %c0_i32_1 = arith.constant 0 : i32
    return %c0_i32, %arg0, %c0_i32_0 : i32, i32, i32
  }
  func.func @transform_2(%arg0: i32) -> (i32, i32) {
    %c0_i32 = arith.constant 0 : i32
    %c0_i32_0 = arith.constant 0 : i32
    return %arg0, %c0_i32 : i32, i32
  }
  func.func @transform_3(%arg0: i32) -> (i32, i32) {
    %c0_i32 = arith.constant 0 : i32
    %c0_i32_0 = arith.constant 0 : i32
    return %arg0, %c0_i32 : i32, i32
  }
  func.func @transform_4(%arg0: i32) -> (i32, i32) {
    %c0_i32 = arith.constant 0 : i32
    %c0_i32_0 = arith.constant 0 : i32
    return %arg0, %c0_i32 : i32, i32
  }
}

</mosaic_0001>

<sc_bundles>
// kernel: kernel.10.cloned.1.call-start
scs
__scs_entry_jumppad:
0x0: {  	(pc) =	sbr.rel $0x88, $3  }
0x1: {  	(tag) =	ssettag $0x0;
	lr =	simm.s32 $0x1  }
0x2: {  	[smem:$0x3F9D] =	sst lr;
	_ =	strace $0xD0000000  }
0x3: {  	_ = 	snop  }
0x4: {  	_ = 	snop  }
0x5: {  	_ = 	snop  }
0x6: {  	_ = 	snop  }
0x7: {  	_ = 	snop  }
__scs_overlays_trampoline_lowered:
0x8: {  	[smem:$0x3FAC] =	sst s0  }
0x9: {  	[smem:$0x3FAD] =	sst s1  }
0xa: {  	[smem:$0x3FAE] =	sst s2  }
0xb: {  	[smem:$0x3FAF] =	sst s3  }
0xc: {  	[smem:$0x3FB0] =	sst s4  }
0xd: {  	[smem:$0x3FB1] =	sst s5  }
0xe: {  	[smem:$0x3FB2] =	sst s6  }
0xf: {  	[smem:$0x3FB3] =	sst s7  }
0x10: {  	[smem:$0x3FB4] =	sst s8  }
0x11: {  	[smem:$0x3FB5] =	sst s9;
	s0 =	simm.s32 @!p0 $0x0  }
0x12: {  	s1 =	sld [smem:$0x3F9B];
	s0 =	simm.s32 @p0 $0x1  }
0x13: {  	[smem:$0x3FB6] =	sst s0;
	s0 =	simm.s32 @!p1 $0x0  }
0x14: {  	s2 =	sld [smem:$0x3F9A];
	s0 =	simm.s32 @p1 $0x1  }
0x15: {  	[smem:$0x3FB7] =	sst s0;
	s0 =	simm.s32 @!p2 $0x0  }
0x16: {  	s3 =	sld [smem:$0x3FDB];
	s0 =	simm.s32 @p2 $0x1  }
0x17: {  	s4 =	simm.s32 $0x1BF5;
	[smem:$0x3FB9] =	sst s0  }
0x18: {  	s0 =	sld [smem:$0x3F9C];
	_ =	swait.ge [sflag:s4], $0x0  }
0x19: {  	s7 =	sld [smem:$0x3F9D]  }
0x1a: {  	s8 =	sadd.s32 $0xFFFFE003, lr  }
0x1b: {  	s9 =	sadd.s32 $0xFFFFFEF7, lr;
	s5 =	simm.s32 $0xFFFFFFFF;
	p2 =	slt.u32 s8, $0xFFFFF086  }
0x1c: {  	p1 =	slt.u32 s9, $0xF7A;
	s5 =	simm.s32 @!p2 $0x0  }
0x1d: {  	s5 =	simm.s32 @p1 $0x1;
	p0 =	seq.s32 s7, s2  }
0x1e: {  	s7 =	smul.u32 @!p0 $0xF7A, s2;
	p2 =	seq.s32 @!p0 s5, $0x0  }
0x1f: {  	s9 =	smul.u32 $0xF7A, s1;
	s8 =	simm.s32 @!p0 $0x1BF5;
	p2 =	por !p2, p0  }
0x20: {  	[sflag:s8] =	ssyncset.s32 @!p0 $0xFFFFF086;
	s6 =	sadd.s32 @!p0 s3, s7;
	s7 =	simm.s32 @!p0 $0x108  }
0x21: {  	s3 =	sadd.s32 s3, s9;
	s6 =	sadd.s32 @!p0 $0x88, s6;
	s7 =	simm.s32 @p2 $0x1082  }
0x22: {  	[simem:s7], [sflag:s8] =	dma.local @!p0 [hbm:s6], $0xF7A  }
0x23: {  	s9 =	sor.u32 $0xD0000000, s2;
	s6 =	simm.s32 $0x108;
	_ =	swait.ge @!p0 [sflag:s8], $0x0  }
0x24: {  	s3 =	sadd.s32 $0x88, s3;
	s6 =	simm.s32 @!p1 $0x1082;
	[sflag:s4] =	ssyncset.s32 $0xFFFFF086  }
0x25: {  	[simem:s6], [sflag:s4] =	dma.local [hbm:s3], $0xF7A  }
0x26: {  	[smem:$0x3F9D] =	sst s1;
	(tag) =	ssettag s2;
	_ =	strace s9  }
0x27: {  	s1 =	sld [smem:$0x3FAD]  }
0x28: {  	s2 =	sld [smem:$0x3FAE]  }
0x29: {  	s4 =	sld [smem:$0x3FB0]  }
0x2a: {  	p0 =	seq.s32 s5, $0x0;
	s5 =	sld [smem:$0x3FB1]  }
0x2b: {  	s6 =	sld [smem:$0x3FB2]  }
0x2c: {  	s7 =	sld [smem:$0x3FB3]  }
0x2d: {  	s3 =	simm.s32 $0x108;
	s8 =	sld [smem:$0x3FB4]  }
0x2e: {  	s3 =	simm.s32 @!p0 $0x1082;
	s9 =	sld [smem:$0x3FB5]  }
0x2f: {  	lr =	sadd.s32 s0, s3;
	s0 =	sld [smem:$0x3FAC]  }
0x30: {  	s3 =	sld [smem:$0x3FAF]  }
0x31: {  	[smem:$0x3FB8] =	sst s10  }
0x32: {  	s10 =	sld [smem:$0x3FB6];
	_ =	sdelay $0x3  }
0x33: {  	p0 =	seq.s32 s10, $0x1;
	s10 =	sld [smem:$0x3FB8];
	_ =	sdelay $0x3  }
0x34: {  	[smem:$0x3FB8] =	sst s10  }
0x35: {  	s10 =	sld [smem:$0x3FB7];
	_ =	sdelay $0x3  }
0x36: {  	p1 =	seq.s32 s10, $0x1;
	s10 =	sld [smem:$0x3FB8];
	_ =	sdelay $0x3  }
0x37: {  	[smem:$0x3FB8] =	sst s10  }
0x38: {  	s10 =	sld [smem:$0x3FB9]  }
0x39: {  	_ = 	snop;
	(pc) =	sbr.ind lr, $3  }
0x3a: {  	_ = 	snop  }
0x3b: {  	_ = 	snop  }
0x3c: {  	p2 =	seq.s32 s10, $0x1;
	s10 =	sld [smem:$0x3FB8]  }
0x3d: {  	_ =	shalt  }
0x3e: {  	_ =	shalt  }
0x3f: {  	_ =	shalt  }
0x40: {  	_ =	shalt  }
0x41: {  	_ =	shalt  }
0x42: {  	_ =	shalt  }
0x43: {  	_ =	shalt  }
0x44: {  	_ =	shalt  }
0x45: {  	_ =	shalt  }
0x46: {  	_ =	shalt  }
0x47: {  	_ =	shalt  }
0x48: {  	_ =	shalt  }
0x49: {  	_ =	shalt  }
0x4a: {  	_ =	shalt  }
0x4b: {  	_ =	shalt  }
0x4c: {  	_ =	shalt  }
0x4d: {  	_ =	shalt  }
0x4e: {  	_ =	shalt  }
0x4f: {  	_ =	shalt  }
0x50: {  	_ =	shalt  }
0x51: {  	_ =	shalt  }
0x52: {  	_ =	shalt  }
0x53: {  	_ =	shalt  }
0x54: {  	_ =	shalt  }
0x55: {  	_ =	shalt  }
0x56: {  	_ =	shalt  }
0x57: {  	_ =	shalt  }
0x58: {  	_ =	shalt  }
0x59: {  	_ =	shalt  }
0x5a: {  	_ =	shalt  }
0x5b: {  	_ =	shalt  }
0x5c: {  	_ =	shalt  }
0x5d: {  	_ =	shalt  }
0x5e: {  	_ =	shalt  }
0x5f: {  	_ =	shalt  }
0x60: {  	_ =	shalt  }
0x61: {  	_ =	shalt  }
0x62: {  	_ =	shalt  }
0x63: {  	_ =	shalt  }
0x64: {  	_ =	shalt  }
0x65: {  	_ =	shalt  }
0x66: {  	_ =	shalt  }
0x67: {  	_ =	shalt  }
0x68: {  	_ =	shalt  }
0x69: {  	_ =	shalt  }
0x6a: {  	_ =	shalt  }
0x6b: {  	_ =	shalt  }
0x6c: {  	_ =	shalt  }
0x6d: {  	_ =	shalt  }
0x6e: {  	_ =	shalt  }
0x6f: {  	_ =	shalt  }
0x70: {  	_ =	shalt  }
0x71: {  	_ =	shalt  }
0x72: {  	_ =	shalt  }
0x73: {  	_ =	shalt  }
0x74: {  	_ =	shalt  }
0x75: {  	_ =	shalt  }
0x76: {  	_ =	shalt  }
0x77: {  	_ =	shalt  }
0x78: {  	_ =	shalt  }
0x79: {  	_ =	shalt  }
0x7a: {  	_ =	shalt  }
0x7b: {  	_ =	shalt  }
0x7c: {  	_ =	shalt  }
0x7d: {  	_ =	shalt  }
0x7e: {  	_ =	shalt  }
0x7f: {  	_ =	shalt  }
0x80: {  	_ =	shalt  }
0x81: {  	_ =	shalt  }
0x82: {  	_ =	shalt  }
0x83: {  	_ =	shalt  }
0x84: {  	_ =	shalt  }
0x85: {  	_ =	shalt  }
0x86: {  	_ =	shalt  }
0x87: {  	_ =	shalt  }
.Lfunc_end0:
.L_simem_size_0:
called_computation.1_lowered:
.L_overlay_start_0:
0x88: {  	s2 =	sld [smem:$0x3FD9]  }
0x89: {  	s3 =	sld [smem:$0x3FFE];
	_ =	sdelay $0x1  }
0x8a: {  	s1 =	srdreg.scid  }
0x8b: {  	s0 =	sand.u32 $0x1, s1  }
0x8c: {  	s17 =	sshll.u32 s0, $0xA;
	s2 =	sadd.s32 s3, s2  }
0x8d: {  	s2 =	sadd.s32 s2, s17  }
0x8e: {  	[smem:$0x3FC4] =	sst s2  }
0x8f: {  	_ = 	snop  }
0x90: {  	s2 =	sld [smem:$0x3FC8];
	(tm) =	ssettm $0x1  }
0x91: {  	s18 =	sld [smem:$0x3FFB];
	_ =	sdelay $0x3  }
0x92: {  	_ =	strace s18  }
0x93: {  	s3 =	sld [smem:$0x3FFC];
	_ =	sdelay $0x3  }
0x94: {  	_ =	strace s3  }
0x95: {  	s3 =	sld [smem:$0x3FFD];
	_ =	sdelay $0x3  }
0x96: {  	_ =	strace s3  }
0x97: {  	_ =	strace $0x8FFFFFFF  }
0x98: {  	s19 =	sld [smem:$0x3FDB];
	_ =	sdelay $0x1  }
0x99: {  	s4 =	simm.s32 $_scs_section_size  }
0x9a: {  	s5 =	simm.s32 $_size__tile_overlayer_lowered;
	s6 =	simm.s32 $_tile_overlayer_lowered  }
0x9b: {  	s22 =	simm.s32 $0x1BFF;
	s21 =	sshll.u32 s6, $0x1;
	s3 =	sadd.s32 s4, s19  }
0x9c: {  	s7 =	simm.s32 $0x0;
	s20 =	sshll.u32 s5, $0x1;
	s5 =	sadd.s32 s21, s3  }
0x9d: {  	[timem:s7], [sflag:s22] =	dma.local [hbm:s5], s20  }
0x9e: {  	_ =	swait.ge [sflag:s22], s20  }
0x9f: {  	s4 =	ssub.s32 $0x0, s20;
	[sflag:s22] =	ssyncset.done $0x0  }
0xa0: {  	[sflag:s22] =	ssyncadd.s32 s4;
	_ =	sdelay $0x1  }
0xa1: {  	s23 =	simm.s32 $0x1B8B  }
0xa2: {  	_ =	swait.ge [sflag:s23], $0x1  }
0xa3: {  	[sflag:s23] =	ssyncset.done $0x0  }
0xa4: {  	s25 =	simm.s32 $0x1B8E;
	s24 =	sld [smem:$0x3FFE];
	[sflag:s23] =	ssyncadd.s32 $0xFFFFFFFF  }
0xa5: {  	s26 =	simm.s32 $execute0_lowered;
	[smem:$0x3FD2] =	sst s25  }
0xa6: {  	s5 =	sshll.u32 s26, $0x1;
	_ =	strace $0x80000046;
	[dreg:$0x1] =	wrdreg $0xFFFFFFFF  }
0xa7: {  	s28 =	simm.s32 $_size_execute0_lowered;
	s3 =	sadd.s32 s3, s5;
	[dreg:$0x0] =	wrdreg $0x0  }
0xa8: {  	s5 =	sshll.u32 s28, $0x1;
	[dreg:$0x2] =	wrdreg s3  }
0xa9: {  	[dreg:$0x3] =	wrdreg s5  }
0xaa: {  	[dreg:$0x4] =	wrdreg $0xC0  }
0xab: {  	_ =	task [dreg:s7], $0x5FFFF  }
0xac: {  	[dreg:$0x1] =	wrdreg $0xFFFFFFFF  }
0xad: {  	[dreg:$0x0] =	wrdreg $0x60  }
0xae: {  	[dreg:$0x2] =	wrdreg s24  }
0xaf: {  	[dreg:$0x3] =	wrdreg s2  }
0xb0: {  	[dreg:$0x4] =	wrdreg $0xA2800  }
0xb1: {  	[dreg:$0x5] =	wrdreg $0xA  }
0xb2: {  	_ =	task.clear_ibuf [dreg:s7], $0x6FFFF;
	_ =	strace $0x90000046  }
0xb3: {  	s29 =	simm.s32 $0xA;
	_ =	strace $0x80000048  }
0xb4: {  	_ =	swait.ge [sflag:s29], $0x1  }
0xb5: {  	[sflag:s29] =	ssyncadd.s32 $0xFFFFFFFF  }
0xb6: {  	_ =	strace $0x90000048  }
0xb7: {  	_ =	sfence  }
0xb8: {  	s30 =	sld [smem:$0x0];
	_ =	sdelay $0x2  }
0xb9: {  	s31 =	sshll.u32 s1, $0xD;
	s1 =	sshrl.u32 s1, $0x2  }
0xba: {  	s3 =	sand.u32 $0x4000, s31;
	s1 =	sadd.s32 s1, s30  }
0xbb: {  	s0 =	sor.u32 s3, s0;
	s1 =	sshll.u32 s1, $0x11  }
0xbc: {  	s0 =	sor.u32 s1, s0  }
0xbd: {  	s0 =	sadd.s32 $0x8F2B, s0  }
0xbe: {  	[sflag:s0] =	ssyncadd.remote.s32 $0x1  }
0xbf: {  	_ =	sfence.sel $0xFFFF  }
0xc0: {  	[dreg:$0x0] =	wrdreg $0xFFFFFFFF;
	(pc) =	sbr.abs _section_cstart, $3  }
0xc1: {  	[dreg:$0x1] =	wrdreg $0xFFFFFFFF  }
0xc2: {  	_ =	task.clear_ibuf [dreg:s7], $0x2FFFF;
	_ =	strace $0x9FFFFFFF  }
0xc3: {  	(tm) =	ssettm $0x7FFFFFFF  }
tec
execute0_lowered:
.L_overlay_start_1:
0x0: {  	(tag) =	ssettag $0x1  }
0x1: {  	s1 =	rddreg [dreg:$0x0]  }
0x2: {  	s0 =	rddreg [dreg:$0x1]  }
0x3: {  	s2 =	rddreg [dreg:$0x2]  }
0x4: {  	s12 =	stileid.u32;
	s4 =	srdreg.scid  }
0x5: {  	s3 =	simm.s32 $0x0;
	s28 =	simm.s32 $0xD;
	s29 =	simm.s32 $0x280  }
0x6: {  	s30 =	simm.s32 $0x2A80;
	s31 =	simm.s32 $0x80;
	s5 =	smul.u32 $0x13C00, s12  }
0x7: {  	s4 =	sand.u32 $0x1, s4;
	[smem:$0x7FF] =	sst s3;
	s10 =	smul.u32 $0x4F000, s12  }
0x8: {  	s7 =	sadd.s32 $0x1C00, s1;
	s14 =	sshll.u32 s12, $0x6;
	s6 =	smul.u32 $0x13C000, s4  }
0x9: {  	_ =	strace $0x80000047;
	s25 =	sshll.u32 s4, $0x4;
	s9 =	ssub.s32 $0x2, s4  }
0xa: {  	s17 =	sor.u32 $0x1C0D, s14;
	s19 =	smul.u32 $0x13880, s4;
	s8 =	sshrl.u32 s5, $0x3  }
0xb: {  	s4 =	smul.u32 $0x138800, s4;
	s24 =	sadd.s32 s8, s1;
	s8 =	sor.u32 s12, s25  }
0xc: {  	s26 =	sshrl.u32 s9, $0x1;
	s10 =	sshrl.u32 s10, $0x2;
	s11 =	smul.u32 $0x1388, s8  }
0xd: {  	[dreg:$0x7] =	wrdreg s17;
	s5 =	sadd.s32 s5, s6;
	s13 =	smul.u32 $0x13880, s8  }
0xe: {  	s4 =	sadd.s32 s4, s7;
	s5 =	sshrl.u32 s5, $0x3;
	s8 =	smul.u32 $0x9C400, s8  }
0xf: {  	s6 =	sadd.s32 $0x29A400, s24;
	s1 =	sadd.s32 s5, s1;
	s5 =	ssub.s32 s9, s26  }
0x10: {  	s9 =	sadd.s32 s10, s2;
	[dreg:$0x6] =	wrdreg s6;
	s26 =	smul.u32 $0x13880, s12  }
0x11: {  	[dreg:$0x5] =	wrdreg s9;
	s15 =	sshrl.u32 s11, $0x3;
	s16 =	sadd.s32 s7, s13  }
0x12: {  	s8 =	sshrl.u32 s8, $0x3;
	[dreg:$0x8] =	wrdreg s16;
	s4 =	sadd.s32 s26, s4  }
0x13: {  	s6 =	sadd.s32 s0, s15;
	s26 =	smax.u32 s5, $0x1;
	[dreg:$0x4] =	wrdreg s4  }
0x14: {  	s8 =	sadd.s32 s7, s8;
	s18 =	sadd.s32 $0x4E20, s6;
	[dreg:$0x1b] =	wrdreg s26  }
0x15: {  	s22 =	smul.u32 $0x1388, s12;
	s20 =	sadd.s32 $0x500, s8;
	[dreg:$0x9] =	wrdreg s18  }
0x16: {  	s10 =	simm.s32 $0x7A80;
	s21 =	sadd.s32 $0x4E2A, s6;
	[dreg:$0xa] =	wrdreg s20  }
0x17: {  	s9 =	sadd.s32 s22, s19;
	s23 =	sadd.s32 $0xA00, s8;
	[dreg:$0xb] =	wrdreg s21  }
0x18: {  	s11 =	simm.s32 $0x180;
	s24 =	sadd.s32 $0x4E34, s6;
	[dreg:$0xc] =	wrdreg s23  }
0x19: {  	s13 =	sadd.s32 $0x27330, s9;
	s25 =	sadd.s32 $0xF00, s8;
	[dreg:$0xd] =	wrdreg s24  }
0x1a: {  	s19 =	sadd.s32 $0x27290, s9;
	s12 =	sadd.s32 $0x4E3E, s6;
	[dreg:$0xe] =	wrdreg s25  }
0x1b: {  	s5 =	simm.s32 $0x5280;
	s14 =	sadd.s32 $0x12C00, s8;
	[dreg:$0xf] =	wrdreg s12  }
0x1c: {  	s7 =	sshrl.u32 s13, $0x3;
	s15 =	sadd.s32 $0x5078, s6;
	[dreg:$0x10] =	wrdreg s14  }
0x1d: {  	s22 =	sadd.s32 $0x508C, s6;
	s13 =	simm.s32 $0x7;
	[dreg:$0x11] =	wrdreg s15  }
0x1e: {  	s16 =	sadd.s32 s7, s0;
	s18 =	sadd.s32 $0x272E0, s9;
	s9 =	sadd.s32 $0x27240, s9  }
0x1f: {  	s7 =	sshrl.u32 s19, $0x3;
	s21 =	sadd.s32 $0x5082, s6;
	[dreg:$0x17] =	wrdreg s22  }
0x20: {  	s23 =	sadd.s32 $0x13100, s8;
	s24 =	sadd.s32 $0x13600, s8;
	s25 =	sadd.s32 $0x2C1C00, s1  }
0x21: {  	s1 =	simm.s32 $0x5;
	s8 =	simm.s32 $0x2;
	[dreg:$0x12] =	wrdreg s16  }
0x22: {  	s12 =	simm.s32 $0x3;
	s14 =	simm.s32 $0x9;
	[dreg:$0x16] =	wrdreg s21  }
0x23: {  	s15 =	simm.s32 $0x4;
	s22 =	simm.s32 $0xB;
	[dreg:$0x18] =	wrdreg s23  }
0x24: {  	s4 =	sshrl.u32 s18, $0x3;
	s9 =	sshrl.u32 s9, $0x3;
	[dreg:$0x19] =	wrdreg s24  }
0x25: {  	s20 =	sadd.s32 s7, s0;
	[dreg:$0x1a] =	wrdreg s25;
	s7 =	simm.s32 $0x100  }
0x26: {  	s16 =	simm.s32 $0x8;
	s21 =	simm.s32 $0xA;
	s23 =	simm.s32 $0xC  }
0x27: {  	s25 =	simm.s32 $0x0;
	s4 =	sadd.s32 s4, s0;
	[dreg:$0x14] =	wrdreg s20  }
0x28: {  	s0 =	sadd.s32 s9, s0;
	s9 =	simm.s32 $0x6;
	[dreg:$0x13] =	wrdreg s4  }
0x29: {  	[dreg:$0x15] =	wrdreg s0;
	s0 =	simm.s32 $0x1;
	s4 =	simm.s32 $0x50  }
.LBB2_1:
0x2a: {  	s6 =	rddreg [dreg:$0x5]  }
0x2b: {  	s24 =	rddreg [dreg:$0x6];
	s18 =	sshrl.u32 s6, $0x3  }
0x2c: {  	[dreg:$0x1c] =	wrdreg s18  }
0x2d: {  	[spmem:s18], [sflag:s17] =	dma.local [hbm:s24], $0x2780  }
0x2e: {  	_ =	swait.ge [sflag:s28], $0x2780  }
0x2f: {  	[sflag:s28] =	ssyncset.done $0x0  }
0x30: {  	[sflag:s28] =	ssyncadd.s32 $0xFFFFD880  }
0x31: {  	[bflag:$0x0] =	sbarrier.arrive $0xFFFF  }
0x32: {  	s26 =	rddreg [dreg:$0x8]  }
0x33: {  	[tilespmem:s29], [sflag:$0x1] =	stream.linear.gather [hbm4b:s26+s3], $0x2800, $0x38;
	[tilespmem:$0x1DE80] =	vst v63  }
0x34: {  	s17 =	rddreg [dreg:$0x9]  }
0x35: {  	[tilespmem:s3], [sflag:$0x5] =	stream.linear.gather [hbm4b:s17+s3], $0x50, $0x38;
	[tilespmem:$0x1DE80] =	vst v63  }
0x36: {  	s18 =	rddreg [dreg:$0xa]  }
0x37: {  	[tilespmem:s30], [sflag:$0x2] =	stream.linear.gather [hbm4b:s18+s3], $0x2800, $0x38;
	[tilespmem:$0x1DE80] =	vst v63  }
0x38: {  	s19 =	rddreg [dreg:$0xb]  }
0x39: {  	[tilespmem:s31], [sflag:$0x6] =	stream.linear.gather [hbm4b:s19+s3], $0x50, $0x38;
	[tilespmem:$0x1DE80] =	vst v63  }
0x3a: {  	_ =	swait.ge [sflag:s0], $0x2800  }
0x3b: {  	[sflag:s0] =	ssyncset.done $0x0  }
0x3c: {  	[sflag:s0] =	ssyncadd.s32 $0xFFFFD800  }
0x3d: {  	_ =	swait.ge [sflag:s1], $0x50  }
0x3e: {  	[sflag:s1] =	ssyncset.done $0x0  }
0x3f: {  	[sflag:s1] =	ssyncadd.s32 $0xFFFFFFB0  }
0x40: {  	[spmem:s2] =	stream.indirect.scatter.add.f32 [tilespmem:s29], [sflag:$0x9], $0x80, s3, s4, $0xb8;
	[tilespmem:$0x1DE80] =	vst v63  }
0x41: {  	s20 =	rddreg [dreg:$0xc]  }
0x42: {  	[tilespmem:s5], [sflag:$0x3] =	stream.linear.gather [hbm4b:s20+s3], $0x2800, $0x38;
	[tilespmem:$0x1DE80] =	vst v63  }
0x43: {  	s24 =	rddreg [dreg:$0xd]  }
0x44: {  	[tilespmem:s7], [sflag:$0x7] =	stream.linear.gather [hbm4b:s24+s3], $0x50, $0x38;
	[tilespmem:$0x1DE80] =	vst v63  }
0x45: {  	_ =	swait.ge [sflag:s8], $0x2800  }
0x46: {  	[sflag:s8] =	ssyncset.done $0x0  }
0x47: {  	[sflag:s8] =	ssyncadd.s32 $0xFFFFD800  }
0x48: {  	_ =	swait.ge [sflag:s9], $0x50  }
0x49: {  	[sflag:s9] =	ssyncset.done $0x0  }
0x4a: {  	[sflag:s9] =	ssyncadd.s32 $0xFFFFFFB0  }
0x4b: {  	[spmem:s2] =	stream.indirect.scatter.add.f32 [tilespmem:s30], [sflag:$0xA], $0x80, s31, s4, $0xb8;
	[tilespmem:$0x1DE80] =	vst v63  }
0x4c: {  	s26 =	rddreg [dreg:$0xe]  }
0x4d: {  	[tilespmem:s10], [sflag:$0x4] =	stream.linear.gather [hbm4b:s26+s3], $0x2800, $0x38;
	[tilespmem:$0x1DE80] =	vst v63  }
0x4e: {  	s17 =	rddreg [dreg:$0xf]  }
0x4f: {  	[tilespmem:s11], [sflag:$0x8] =	stream.linear.gather [hbm4b:s17+s3], $0x50, $0x38;
	[tilespmem:$0x1DE80] =	vst v63  }
0x50: {  	_ =	swait.ge [sflag:s12], $0x2800  }
0x51: {  	[sflag:s12] =	ssyncset.done $0x0  }
0x52: {  	[sflag:s12] =	ssyncadd.s32 $0xFFFFD800  }
0x53: {  	_ =	swait.ge [sflag:s13], $0x50  }
0x54: {  	[sflag:s13] =	ssyncset.done $0x0  }
0x55: {  	[sflag:s13] =	ssyncadd.s32 $0xFFFFFFB0  }
0x56: {  	[spmem:s2] =	stream.indirect.scatter.add.f32 [tilespmem:s5], [sflag:$0xB], $0x80, s7, s4, $0xb8;
	[tilespmem:$0x1DE80] =	vst v63  }
0x57: {  	_ =	swait.ge [sflag:s14], $0x2800  }
0x58: {  	s18 =	rddreg [dreg:$0x4]  }
0x59: {  	[sflag:s14] =	ssyncset.done $0x0;
	s6 =	sadd.s32 $0x0, s18  }
0x5a: {  	[sflag:s14] =	ssyncadd.s32 $0xFFFFD800;
	s19 =	sadd.s32 $0x1400, s6  }
0x5b: {  	[tilespmem:s29], [sflag:$0x1] =	stream.linear.gather [hbm4b:s19+s3], $0x2800, $0x38;
	[tilespmem:$0x1DE80] =	vst v63  }
0x5c: {  	s26 =	rddreg [dreg:$0x15]  }
0x5d: {  	[tilespmem:s3], [sflag:$0x5] =	stream.linear.gather [hbm4b:s26+s3], $0x50, $0x38;
	[tilespmem:$0x1DE80] =	vst v63  }
0x5e: {  	_ =	swait.ge [sflag:s15], $0x2800  }
0x5f: {  	[sflag:s15] =	ssyncset.done $0x0  }
0x60: {  	[sflag:s15] =	ssyncadd.s32 $0xFFFFD800  }
0x61: {  	_ =	swait.ge [sflag:s16], $0x50  }
0x62: {  	[sflag:s16] =	ssyncset.done $0x0  }
0x63: {  	[sflag:s16] =	ssyncadd.s32 $0xFFFFFFB0  }
0x64: {  	[spmem:s2] =	stream.indirect.scatter.add.f32 [tilespmem:s10], [sflag:$0xC], $0x80, s11, s4, $0xb8;
	[tilespmem:$0x1DE80] =	vst v63  }
0x65: {  	_ =	swait.ge [sflag:s21], $0x2800  }
0x66: {  	[sflag:s21] =	ssyncset.done $0x0  }
0x67: {  	s20 =	sadd.s32 $0x1900, s6;
	[sflag:s21] =	ssyncadd.s32 $0xFFFFD800  }
0x68: {  	[tilespmem:s30], [sflag:$0x2] =	stream.linear.gather [hbm4b:s20+s3], $0x2800, $0x38;
	[tilespmem:$0x1DE80] =	vst v63  }
0x69: {  	s20 =	rddreg [dreg:$0x14]  }
0x6a: {  	[tilespmem:s31], [sflag:$0x6] =	stream.linear.gather [hbm4b:s20+s3], $0x50, $0x38;
	[tilespmem:$0x1DE80] =	vst v63  }
0x6b: {  	_ =	swait.ge [sflag:s0], $0x2800  }
0x6c: {  	[sflag:s0] =	ssyncset.done $0x0  }
0x6d: {  	[sflag:s0] =	ssyncadd.s32 $0xFFFFD800  }
0x6e: {  	_ =	swait.ge [sflag:s1], $0x50  }
0x6f: {  	[sflag:s1] =	ssyncset.done $0x0  }
0x70: {  	[sflag:s1] =	ssyncadd.s32 $0xFFFFFFB0  }
0x71: {  	[spmem:s2] =	stream.indirect.scatter.add.f32 [tilespmem:s29], [sflag:$0x9], $0x80, s3, s4, $0xb8;
	[tilespmem:$0x1DE80] =	vst v63  }
0x72: {  	_ =	swait.ge [sflag:s22], $0x2800  }
0x73: {  	[sflag:s22] =	ssyncset.done $0x0  }
0x74: {  	s24 =	sadd.s32 $0x1E00, s6;
	[sflag:s22] =	ssyncadd.s32 $0xFFFFD800  }
0x75: {  	[tilespmem:s5], [sflag:$0x3] =	stream.linear.gather [hbm4b:s24+s3], $0x2800, $0x38;
	[tilespmem:$0x1DE80] =	vst v63  }
0x76: {  	s19 =	rddreg [dreg:$0x13]  }
0x77: {  	[tilespmem:s7], [sflag:$0x7] =	stream.linear.gather [hbm4b:s19+s3], $0x50, $0x38;
	[tilespmem:$0x1DE80] =	vst v63  }
0x78: {  	_ =	swait.ge [sflag:s8], $0x2800  }
0x79: {  	[sflag:s8] =	ssyncset.done $0x0  }
0x7a: {  	[sflag:s8] =	ssyncadd.s32 $0xFFFFD800  }
0x7b: {  	_ =	swait.ge [sflag:s9], $0x50  }
0x7c: {  	[sflag:s9] =	ssyncset.done $0x0  }
0x7d: {  	[sflag:s9] =	ssyncadd.s32 $0xFFFFFFB0  }
0x7e: {  	[spmem:s2] =	stream.indirect.scatter.add.f32 [tilespmem:s30], [sflag:$0xA], $0x80, s31, s4, $0xb8;
	[tilespmem:$0x1DE80] =	vst v63  }
0x7f: {  	_ =	swait.ge [sflag:s23], $0x2800  }
0x80: {  	[sflag:s23] =	ssyncset.done $0x0  }
0x81: {  	s6 =	sadd.s32 $0x2300, s6;
	[sflag:s23] =	ssyncadd.s32 $0xFFFFD800  }
0x82: {  	[tilespmem:s10], [sflag:$0x4] =	stream.linear.gather [hbm4b:s6+s3], $0x2800, $0x38;
	[tilespmem:$0x1DE80] =	vst v63  }
0x83: {  	s18 =	rddreg [dreg:$0x12]  }
0x84: {  	[tilespmem:s11], [sflag:$0x8] =	stream.linear.gather [hbm4b:s18+s3], $0x50, $0x38;
	[tilespmem:$0x1DE80] =	vst v63  }
0x85: {  	_ =	swait.ge [sflag:s12], $0x2800  }
0x86: {  	[sflag:s12] =	ssyncset.done $0x0  }
0x87: {  	[sflag:s12] =	ssyncadd.s32 $0xFFFFD800  }
0x88: {  	s17 =	sadd.s32 $0x28, s26;
	_ =	swait.ge [sflag:s13], $0x50  }
0x89: {  	s24 =	simm.s32 $0x1400;
	s19 =	sadd.s32 $0x28, s19;
	[sflag:s13] =	ssyncset.done $0x0  }
0x8a: {  	s6 =	sadd.s32 $0x28, s20;
	s18 =	sadd.s32 $0x28, s18;
	[sflag:s13] =	ssyncadd.s32 $0xFFFFFFB0  }
.LBB2_2:
0x8b: {  	[spmem:s2] =	stream.indirect.scatter.add.f32 [tilespmem:s5], [sflag:$0xB], $0x80, s7, s4, $0xb8;
	[tilespmem:$0x1DE80] =	vst v63  }
0x8c: {  	_ =	swait.ge [sflag:s14], $0x2800  }
0x8d: {  	s20 =	smov.u32 s24;
	s26 =	rddreg [dreg:$0x4]  }
0x8e: {  	[sflag:s14] =	ssyncset.done $0x0;
	s20 =	sadd.s32 s20, s26  }
0x8f: {  	[sflag:s14] =	ssyncadd.s32 $0xFFFFD800;
	s26 =	sadd.s32 $0x1400, s20  }
0x90: {  	[tilespmem:s29], [sflag:$0x1] =	stream.linear.gather [hbm4b:s26+s3], $0x2800, $0x38;
	[tilespmem:$0x1DE80] =	vst v63  }
0x91: {  	_ = 	snop  }
0x92: {  	[tilespmem:s3], [sflag:$0x5] =	stream.linear.gather [hbm4b:s17+s3], $0x50, $0x38;
	[tilespmem:$0x1DE80] =	vst v63  }
0x93: {  	_ =	swait.ge [sflag:s15], $0x2800  }
0x94: {  	[sflag:s15] =	ssyncset.done $0x0  }
0x95: {  	[sflag:s15] =	ssyncadd.s32 $0xFFFFD800  }
0x96: {  	_ =	swait.ge [sflag:s16], $0x50  }
0x97: {  	[sflag:s16] =	ssyncset.done $0x0  }
0x98: {  	[sflag:s16] =	ssyncadd.s32 $0xFFFFFFB0  }
0x99: {  	[spmem:s2] =	stream.indirect.scatter.add.f32 [tilespmem:s10], [sflag:$0xC], $0x80, s11, s4, $0xb8;
	[tilespmem:$0x1DE80] =	vst v63  }
0x9a: {  	_ =	swait.ge [sflag:s21], $0x2800  }
0x9b: {  	[sflag:s21] =	ssyncset.done $0x0  }
0x9c: {  	s26 =	sadd.s32 $0x1900, s20;
	[sflag:s21] =	ssyncadd.s32 $0xFFFFD800  }
0x9d: {  	[tilespmem:s30], [sflag:$0x2] =	stream.linear.gather [hbm4b:s26+s3], $0x2800, $0x38;
	[tilespmem:$0x1DE80] =	vst v63  }
0x9e: {  	_ = 	snop  }
0x9f: {  	[tilespmem:s31], [sflag:$0x6] =	stream.linear.gather [hbm4b:s6+s3], $0x50, $0x38;
	[tilespmem:$0x1DE80] =	vst v63  }
0xa0: {  	_ =	swait.ge [sflag:s0], $0x2800  }
0xa1: {  	[sflag:s0] =	ssyncset.done $0x0  }
0xa2: {  	[sflag:s0] =	ssyncadd.s32 $0xFFFFD800  }
0xa3: {  	_ =	swait.ge [sflag:s1], $0x50  }
0xa4: {  	[sflag:s1] =	ssyncset.done $0x0  }
0xa5: {  	[sflag:s1] =	ssyncadd.s32 $0xFFFFFFB0  }
0xa6: {  	[spmem:s2] =	stream.indirect.scatter.add.f32 [tilespmem:s29], [sflag:$0x9], $0x80, s3, s4, $0xb8;
	[tilespmem:$0x1DE80] =	vst v63  }
0xa7: {  	_ =	swait.ge [sflag:s22], $0x2800  }
0xa8: {  	[sflag:s22] =	ssyncset.done $0x0  }
0xa9: {  	s26 =	sadd.s32 $0x1E00, s20;
	[sflag:s22] =	ssyncadd.s32 $0xFFFFD800  }
0xaa: {  	[tilespmem:s5], [sflag:$0x3] =	stream.linear.gather [hbm4b:s26+s3], $0x2800, $0x38;
	[tilespmem:$0x1DE80] =	vst v63  }
0xab: {  	_ = 	snop  }
0xac: {  	[tilespmem:s7], [sflag:$0x7] =	stream.linear.gather [hbm4b:s19+s3], $0x50, $0x38;
	[tilespmem:$0x1DE80] =	vst v63  }
0xad: {  	_ =	swait.ge [sflag:s8], $0x2800  }
0xae: {  	[sflag:s8] =	ssyncset.done $0x0  }
0xaf: {  	[sflag:s8] =	ssyncadd.s32 $0xFFFFD800  }
0xb0: {  	_ =	swait.ge [sflag:s9], $0x50  }
0xb1: {  	[sflag:s9] =	ssyncset.done $0x0  }
0xb2: {  	[sflag:s9] =	ssyncadd.s32 $0xFFFFFFB0  }
0xb3: {  	[spmem:s2] =	stream.indirect.scatter.add.f32 [tilespmem:s30], [sflag:$0xA], $0x80, s31, s4, $0xb8;
	[tilespmem:$0x1DE80] =	vst v63  }
0xb4: {  	_ =	swait.ge [sflag:s23], $0x2800  }
0xb5: {  	[sflag:s23] =	ssyncset.done $0x0  }
0xb6: {  	s20 =	sadd.s32 $0x2300, s20;
	[sflag:s23] =	ssyncadd.s32 $0xFFFFD800  }
0xb7: {  	[tilespmem:s10], [sflag:$0x4] =	stream.linear.gather [hbm4b:s20+s3], $0x2800, $0x38;
	[tilespmem:$0x1DE80] =	vst v63  }
0xb8: {  	_ = 	snop  }
0xb9: {  	[tilespmem:s11], [sflag:$0x8] =	stream.linear.gather [hbm4b:s18+s3], $0x50, $0x38;
	[tilespmem:$0x1DE80] =	vst v63  }
0xba: {  	p0 =	sne.s32 s24, $0x10400;
	_ =	swait.ge [sflag:s12], $0x2800  }
.Ltmp0:
0xbb: {  	[sflag:s12] =	ssyncset.done $0x0;
	(pc) =	sbr.rel @p0 .LBB2_2-.Ltmp0, $4  }
0xbc: {  	[sflag:s12] =	ssyncadd.s32 $0xFFFFD800  }
0xbd: {  	s24 =	sadd.s32 $0x1400, s24;
	_ =	swait.ge [sflag:s13], $0x50  }
0xbe: {  	s17 =	sadd.s32 $0x28, s17;
	s6 =	sadd.s32 $0x28, s6;
	[sflag:s13] =	ssyncset.done $0x0  }
0xbf: {  	s19 =	sadd.s32 $0x28, s19;
	s18 =	sadd.s32 $0x28, s18;
	[sflag:s13] =	ssyncadd.s32 $0xFFFFFFB0  }
0xc0: {  	[spmem:s2] =	stream.indirect.scatter.add.f32 [tilespmem:s5], [sflag:$0xB], $0x80, s7, s4, $0xb8;
	[tilespmem:$0x1DE80] =	vst v63  }
0xc1: {  	_ =	swait.ge [sflag:s14], $0x2800  }
0xc2: {  	[sflag:s14] =	ssyncset.done $0x0  }
0xc3: {  	s6 =	rddreg [dreg:$0x10];
	[sflag:s14] =	ssyncadd.s32 $0xFFFFD800  }
0xc4: {  	[tilespmem:s29], [sflag:$0x1] =	stream.linear.gather [hbm4b:s6+s3], $0x2800, $0x38;
	[tilespmem:$0x1DE80] =	vst v63  }
0xc5: {  	s24 =	rddreg [dreg:$0x11]  }
0xc6: {  	[tilespmem:s3], [sflag:$0x5] =	stream.linear.gather [hbm4b:s24+s3], $0x50, $0x38;
	[tilespmem:$0x1DE80] =	vst v63  }
0xc7: {  	_ =	swait.ge [sflag:s15], $0x2800  }
0xc8: {  	[sflag:s15] =	ssyncset.done $0x0  }
0xc9: {  	[sflag:s15] =	ssyncadd.s32 $0xFFFFD800  }
0xca: {  	_ =	swait.ge [sflag:s16], $0x50  }
0xcb: {  	[sflag:s16] =	ssyncset.done $0x0  }
0xcc: {  	[sflag:s16] =	ssyncadd.s32 $0xFFFFFFB0  }
0xcd: {  	[spmem:s2] =	stream.indirect.scatter.add.f32 [tilespmem:s10], [sflag:$0xC], $0x80, s11, s4, $0xb8;
	[tilespmem:$0x1DE80] =	vst v63  }
0xce: {  	_ =	swait.ge [sflag:s21], $0x2800  }
0xcf: {  	[sflag:s21] =	ssyncset.done $0x0  }
0xd0: {  	s26 =	rddreg [dreg:$0x18];
	[sflag:s21] =	ssyncadd.s32 $0xFFFFD800  }
0xd1: {  	[tilespmem:s30], [sflag:$0x2] =	stream.linear.gather [hbm4b:s26+s3], $0x2800, $0x38;
	[tilespmem:$0x1DE80] =	vst v63  }
0xd2: {  	s17 =	rddreg [dreg:$0x16]  }
0xd3: {  	[tilespmem:s31], [sflag:$0x6] =	stream.linear.gather [hbm4b:s17+s3], $0x50, $0x38;
	[tilespmem:$0x1DE80] =	vst v63  }
0xd4: {  	_ =	swait.ge [sflag:s0], $0x2800  }
0xd5: {  	[sflag:s0] =	ssyncset.done $0x0  }
0xd6: {  	[sflag:s0] =	ssyncadd.s32 $0xFFFFD800  }
0xd7: {  	_ =	swait.ge [sflag:s1], $0x50  }
0xd8: {  	[sflag:s1] =	ssyncset.done $0x0  }
0xd9: {  	[sflag:s1] =	ssyncadd.s32 $0xFFFFFFB0  }
0xda: {  	[spmem:s2] =	stream.indirect.scatter.add.f32 [tilespmem:s29], [sflag:$0x9], $0x80, s3, s4, $0xb8;
	[tilespmem:$0x1DE80] =	vst v63  }
0xdb: {  	_ =	swait.ge [sflag:s22], $0x2800  }
0xdc: {  	[sflag:s22] =	ssyncset.done $0x0  }
0xdd: {  	[sflag:s22] =	ssyncadd.s32 $0xFFFFD800  }
0xde: {  	_ =	swait.ge [sflag:s8], $0x2800  }
0xdf: {  	[sflag:s8] =	ssyncset.done $0x0  }
0xe0: {  	[sflag:s8] =	ssyncadd.s32 $0xFFFFD800  }
0xe1: {  	_ =	swait.ge [sflag:s9], $0x50  }
0xe2: {  	[sflag:s9] =	ssyncset.done $0x0  }
0xe3: {  	[sflag:s9] =	ssyncadd.s32 $0xFFFFFFB0  }
0xe4: {  	[spmem:s2] =	stream.indirect.scatter.add.f32 [tilespmem:s30], [sflag:$0xA], $0x80, s31, s4, $0xb8;
	[tilespmem:$0x1DE80] =	vst v63  }
0xe5: {  	_ =	swait.ge [sflag:s23], $0x2800  }
0xe6: {  	[sflag:s23] =	ssyncset.done $0x0  }
0xe7: {  	[sflag:s23] =	ssyncadd.s32 $0xFFFFD800  }
0xe8: {  	_ =	swait.ge [sflag:s14], $0x2800  }
0xe9: {  	[sflag:s14] =	ssyncset.done $0x0  }
0xea: {  	[sflag:s14] =	ssyncadd.s32 $0xFFFFD800  }
0xeb: {  	_ =	swait.ge [sflag:s21], $0x2800  }
0xec: {  	[sflag:s21] =	ssyncset.done $0x0  }
0xed: {  	s17 =	simm.s32 $0x200;
	s18 =	rddreg [dreg:$0x17];
	[sflag:s21] =	ssyncadd.s32 $0xFFFFD800  }
0xee: {  	[tilespmem:s17], [sflag:$0xD] =	stream.linear.gather [hbm4b:s18+s3], $0x28, $0x38;
	[tilespmem:$0x1DE80] =	vst v63  }
0xef: {  	_ =	swait.ge [sflag:s28], $0x28  }
0xf0: {  	[sflag:s28] =	ssyncset.done $0x0  }
0xf1: {  	s19 =	rddreg [dreg:$0x19];
	[sflag:s28] =	ssyncadd.s32 $0xFFFFFFD8  }
0xf2: {  	[tilespmem:s29], [sflag:$0xD] =	stream.linear.gather [hbm4b:s19+s3], $0x1400, $0x38;
	[tilespmem:$0x1DE80] =	vst v63  }
0xf3: {  	_ =	swait.ge [sflag:s28], $0x1400  }
0xf4: {  	[sflag:s28] =	ssyncset.done $0x0  }
0xf5: {  	s20 =	simm.s32 $0x28;
	[sflag:s28] =	ssyncadd.s32 $0xFFFFEC00  }
0xf6: {  	[spmem:s2] =	stream.indirect.scatter.add.f32 [tilespmem:s29], [sflag:$0xD], $0x80, s17, s20, $0xb8;
	[tilespmem:$0x1DE80] =	vst v63  }
0xf7: {  	_ =	swait.ge [sflag:s28], $0x1400  }
0xf8: {  	[sflag:s28] =	ssyncset.done $0x0  }
0xf9: {  	[sflag:s28] =	ssyncadd.s32 $0xFFFFEC00  }
0xfa: {  	[bflag:$0x0] =	sbarrier.arrive $0xFFFF  }
0xfb: {  	s17 =	rddreg [dreg:$0x7]  }
0xfc: {  	s24 =	rddreg [dreg:$0x1a]  }
0xfd: {  	s18 =	rddreg [dreg:$0x1c]  }
0xfe: {  	[hbm:s24], [sflag:s17] =	dma.local [spmem:s18], $0x2780  }
0xff: {  	_ =	swait.ge [sflag:s28], $0x2780  }
0x100: {  	s25 =	sadd.s32 $0x1, s25;
	s26 =	rddreg [dreg:$0x1b]  }
0x101: {  	p0 =	sne.s32 s25, s26  }
.Ltmp1:
0x102: {  	_ = 	snop;
	(pc) =	sbr.rel @p0 .LBB2_1-.Ltmp1, $3  }
0x103: {  	_ =	sdelay $0x1  }
0x104: {  	[sflag:s28] =	ssyncset.done $0x0  }
0x105: {  	[sflag:s28] =	ssyncadd.s32 $0xFFFFD880  }
0x106: {  	_ =	sfence.sel $0x180000  }
0x107: {  	[bflag:$0x0] =	sbarrier.arrive $0xFFFF  }
0x108: {  	_ =	strace $0x90000047  }
0x109: {  	s0 =	stileid.u32;
	[bflag:$0x2] =	sbarrier.arrive $0xFFFF  }
0x10a: {  	p0 =	sne.s32 s0, $0x0;
	s0 =	rddreg [dreg:$0x3]  }
0x10b: {  	s0 =	sadd.s32 @!p0 $0x100000, s0  }
0x10c: {  	[sflag:s0] =	ssyncadd.tile.s32 @!p0 $0x1;
	_ =	shalt  }
.Lfunc_end2:
_tile_overlayer_lowered:
.L_overlay_start_2:
0x10d: {  	(tag) =	ssettag $0x2  }
0x10e: {  	s0 =	rddreg [dreg:$0x0];
	s2 =	stileid.u32  }
0x10f: {  	s1 =	rddreg [dreg:$0x1];
	p0 =	sne.s32 s2, $0x0  }
0x110: {  	s3 =	rddreg [dreg:$0x2];
	[bflag:$0x3] =	sbarrier.arrive $0xFFFF;
	s2 =	simm.s32 @!p0 $0x1C0D  }
0x111: {  	[timem:s3], [sflag:s2] =	dma.local @!p0 [hbm:s0], s1  }
0x112: {  	s0 =	simm.s32 @!p0 $0xD  }
0x113: {  	_ =	swait.ge @!p0 [sflag:s0], s1  }
0x114: {  	s1 =	ssub.s32 @!p0 $0x0, s1;
	[sflag:s0] =	ssyncset.done @!p0 $0x0  }
0x115: {  	[sflag:s0] =	ssyncadd.s32 @!p0 s1  }
0x116: {  	[bflag:$0x3] =	sbarrier.arrive $0xFFFF  }
0x117: {  	_ =	shalt  }

// kernel: kernel.7.cloned.1.call-start
scs
__scs_entry_jumppad:
0x0: {  	(pc) =	sbr.rel $0x88, $3  }
0x1: {  	(tag) =	ssettag $0x0;
	lr =	simm.s32 $0x1  }
0x2: {  	[smem:$0x3F9D] =	sst lr;
	_ =	strace $0xD0000000  }
0x3: {  	_ = 	snop  }
0x4: {  	_ = 	snop  }
0x5: {  	_ = 	snop  }
0x6: {  	_ = 	snop  }
0x7: {  	_ = 	snop  }
__scs_overlays_trampoline_lowered:
0x8: {  	[smem:$0x3FAC] =	sst s0  }
0x9: {  	[smem:$0x3FAD] =	sst s1  }
0xa: {  	[smem:$0x3FAE] =	sst s2  }
0xb: {  	[smem:$0x3FAF] =	sst s3  }
0xc: {  	[smem:$0x3FB0] =	sst s4  }
0xd: {  	[smem:$0x3FB1] =	sst s5  }
0xe: {  	[smem:$0x3FB2] =	sst s6  }
0xf: {  	[smem:$0x3FB3] =	sst s7  }
0x10: {  	[smem:$0x3FB4] =	sst s8  }
0x11: {  	[smem:$0x3FB5] =	sst s9;
	s0 =	simm.s32 @!p0 $0x0  }
0x12: {  	s1 =	sld [smem:$0x3F9B];
	s0 =	simm.s32 @p0 $0x1  }
0x13: {  	[smem:$0x3FB6] =	sst s0;
	s0 =	simm.s32 @!p1 $0x0  }
0x14: {  	s2 =	sld [smem:$0x3F9A];
	s0 =	simm.s32 @p1 $0x1  }
0x15: {  	[smem:$0x3FB7] =	sst s0;
	s0 =	simm.s32 @!p2 $0x0  }
0x16: {  	s3 =	sld [smem:$0x3FDB];
	s0 =	simm.s32 @p2 $0x1  }
0x17: {  	s4 =	simm.s32 $0x1BF5;
	[smem:$0x3FB9] =	sst s0  }
0x18: {  	s0 =	sld [smem:$0x3F9C];
	_ =	swait.ge [sflag:s4], $0x0  }
0x19: {  	s7 =	sld [smem:$0x3F9D]  }
0x1a: {  	s8 =	sadd.s32 $0xFFFFE003, lr  }
0x1b: {  	s9 =	sadd.s32 $0xFFFFFEF7, lr;
	s5 =	simm.s32 $0xFFFFFFFF;
	p2 =	slt.u32 s8, $0xFFFFF086  }
0x1c: {  	p1 =	slt.u32 s9, $0xF7A;
	s5 =	simm.s32 @!p2 $0x0  }
0x1d: {  	s5 =	simm.s32 @p1 $0x1;
	p0 =	seq.s32 s7, s2  }
0x1e: {  	s7 =	smul.u32 @!p0 $0xF7A, s2;
	p2 =	seq.s32 @!p0 s5, $0x0  }
0x1f: {  	s9 =	smul.u32 $0xF7A, s1;
	s8 =	simm.s32 @!p0 $0x1BF5;
	p2 =	por !p2, p0  }
0x20: {  	[sflag:s8] =	ssyncset.s32 @!p0 $0xFFFFF086;
	s6 =	sadd.s32 @!p0 s3, s7;
	s7 =	simm.s32 @!p0 $0x108  }
0x21: {  	s3 =	sadd.s32 s3, s9;
	s6 =	sadd.s32 @!p0 $0x88, s6;
	s7 =	simm.s32 @p2 $0x1082  }
0x22: {  	[simem:s7], [sflag:s8] =	dma.local @!p0 [hbm:s6], $0xF7A  }
0x23: {  	s9 =	sor.u32 $0xD0000000, s2;
	s6 =	simm.s32 $0x108;
	_ =	swait.ge @!p0 [sflag:s8], $0x0  }
0x24: {  	s3 =	sadd.s32 $0x88, s3;
	s6 =	simm.s32 @!p1 $0x1082;
	[sflag:s4] =	ssyncset.s32 $0xFFFFF086  }
0x25: {  	[simem:s6], [sflag:s4] =	dma.local [hbm:s3], $0xF7A  }
0x26: {  	[smem:$0x3F9D] =	sst s1;
	(tag) =	ssettag s2;
	_ =	strace s9  }
0x27: {  	s1 =	sld [smem:$0x3FAD]  }
0x28: {  	s2 =	sld [smem:$0x3FAE]  }
0x29: {  	s4 =	sld [smem:$0x3FB0]  }
0x2a: {  	p0 =	seq.s32 s5, $0x0;
	s5 =	sld [smem:$0x3FB1]  }
0x2b: {  	s6 =	sld [smem:$0x3FB2]  }
0x2c: {  	s7 =	sld [smem:$0x3FB3]  }
0x2d: {  	s3 =	simm.s32 $0x108;
	s8 =	sld [smem:$0x3FB4]  }
0x2e: {  	s3 =	simm.s32 @!p0 $0x1082;
	s9 =	sld [smem:$0x3FB5]  }
0x2f: {  	lr =	sadd.s32 s0, s3;
	s0 =	sld [smem:$0x3FAC]  }
0x30: {  	s3 =	sld [smem:$0x3FAF]  }
0x31: {  	[smem:$0x3FB8] =	sst s10  }
0x32: {  	s10 =	sld [smem:$0x3FB6];
	_ =	sdelay $0x3  }
0x33: {  	p0 =	seq.s32 s10, $0x1;
	s10 =	sld [smem:$0x3FB8];
	_ =	sdelay $0x3  }
0x34: {  	[smem:$0x3FB8] =	sst s10  }
0x35: {  	s10 =	sld [smem:$0x3FB7];
	_ =	sdelay $0x3  }
0x36: {  	p1 =	seq.s32 s10, $0x1;
	s10 =	sld [smem:$0x3FB8];
	_ =	sdelay $0x3  }
0x37: {  	[smem:$0x3FB8] =	sst s10  }
0x38: {  	s10 =	sld [smem:$0x3FB9]  }
0x39: {  	_ = 	snop;
	(pc) =	sbr.ind lr, $3  }
0x3a: {  	_ = 	snop  }
0x3b: {  	_ = 	snop  }
0x3c: {  	p2 =	seq.s32 s10, $0x1;
	s10 =	sld [smem:$0x3FB8]  }
0x3d: {  	_ =	shalt  }
0x3e: {  	_ =	shalt  }
0x3f: {  	_ =	shalt  }
0x40: {  	_ =	shalt  }
0x41: {  	_ =	shalt  }
0x42: {  	_ =	shalt  }
0x43: {  	_ =	shalt  }
0x44: {  	_ =	shalt  }
0x45: {  	_ =	shalt  }
0x46: {  	_ =	shalt  }
0x47: {  	_ =	shalt  }
0x48: {  	_ =	shalt  }
0x49: {  	_ =	shalt  }
0x4a: {  	_ =	shalt  }
0x4b: {  	_ =	shalt  }
0x4c: {  	_ =	shalt  }
0x4d: {  	_ =	shalt  }
0x4e: {  	_ =	shalt  }
0x4f: {  	_ =	shalt  }
0x50: {  	_ =	shalt  }
0x51: {  	_ =	shalt  }
0x52: {  	_ =	shalt  }
0x53: {  	_ =	shalt  }
0x54: {  	_ =	shalt  }
0x55: {  	_ =	shalt  }
0x56: {  	_ =	shalt  }
0x57: {  	_ =	shalt  }
0x58: {  	_ =	shalt  }
0x59: {  	_ =	shalt  }
0x5a: {  	_ =	shalt  }
0x5b: {  	_ =	shalt  }
0x5c: {  	_ =	shalt  }
0x5d: {  	_ =	shalt  }
0x5e: {  	_ =	shalt  }
0x5f: {  	_ =	shalt  }
0x60: {  	_ =	shalt  }
0x61: {  	_ =	shalt  }
0x62: {  	_ =	shalt  }
0x63: {  	_ =	shalt  }
0x64: {  	_ =	shalt  }
0x65: {  	_ =	shalt  }
0x66: {  	_ =	shalt  }
0x67: {  	_ =	shalt  }
0x68: {  	_ =	shalt  }
0x69: {  	_ =	shalt  }
0x6a: {  	_ =	shalt  }
0x6b: {  	_ =	shalt  }
0x6c: {  	_ =	shalt  }
0x6d: {  	_ =	shalt  }
0x6e: {  	_ =	shalt  }
0x6f: {  	_ =	shalt  }
0x70: {  	_ =	shalt  }
0x71: {  	_ =	shalt  }
0x72: {  	_ =	shalt  }
0x73: {  	_ =	shalt  }
0x74: {  	_ =	shalt  }
0x75: {  	_ =	shalt  }
0x76: {  	_ =	shalt  }
0x77: {  	_ =	shalt  }
0x78: {  	_ =	shalt  }
0x79: {  	_ =	shalt  }
0x7a: {  	_ =	shalt  }
0x7b: {  	_ =	shalt  }
0x7c: {  	_ =	shalt  }
0x7d: {  	_ =	shalt  }
0x7e: {  	_ =	shalt  }
0x7f: {  	_ =	shalt  }
0x80: {  	_ =	shalt  }
0x81: {  	_ =	shalt  }
0x82: {  	_ =	shalt  }
0x83: {  	_ =	shalt  }
0x84: {  	_ =	shalt  }
0x85: {  	_ =	shalt  }
0x86: {  	_ =	shalt  }
0x87: {  	_ =	shalt  }
.Lfunc_end0:
.L_simem_size_0:
called_computation_lowered:
.L_overlay_start_0:
0x88: {  	s2 =	sld [smem:$0x3FD9]  }
0x89: {  	s3 =	sld [smem:$0x3FFE];
	_ =	sdelay $0x1  }
0x8a: {  	s1 =	srdreg.scid  }
0x8b: {  	s0 =	sand.u32 $0x1, s1  }
0x8c: {  	s17 =	sshll.u32 s0, $0xA;
	s2 =	sadd.s32 s3, s2  }
0x8d: {  	s2 =	sadd.s32 s2, s17  }
0x8e: {  	[smem:$0x3FC4] =	sst s2  }
0x8f: {  	_ = 	snop  }
0x90: {  	s18 =	sld [smem:$0x3FC8];
	(tm) =	ssettm $0x1  }
0x91: {  	s19 =	sld [smem:$0x3FFB];
	_ =	sdelay $0x3  }
0x92: {  	_ =	strace s19  }
0x93: {  	s2 =	sld [smem:$0x3FFC];
	_ =	sdelay $0x3  }
0x94: {  	_ =	strace s2  }
0x95: {  	s2 =	sld [smem:$0x3FFD];
	_ =	sdelay $0x3  }
0x96: {  	_ =	strace s2  }
0x97: {  	_ =	strace $0x8FFFFFFF  }
0x98: {  	s20 =	sld [smem:$0x3FDB];
	_ =	sdelay $0x1  }
0x99: {  	s4 =	simm.s32 $_scs_section_size  }
0x9a: {  	s5 =	simm.s32 $_size__tile_overlayer_lowered;
	s6 =	simm.s32 $_tile_overlayer_lowered  }
0x9b: {  	s7 =	simm.s32 $0x1BFF;
	s21 =	sshll.u32 s6, $0x1;
	s4 =	sadd.s32 s4, s20  }
0x9c: {  	s22 =	simm.s32 $0x0;
	s5 =	sshll.u32 s5, $0x1;
	s6 =	sadd.s32 s21, s4  }
0x9d: {  	[timem:s22], [sflag:s7] =	dma.local [hbm:s6], s5  }
0x9e: {  	_ =	swait.ge [sflag:s7], s5  }
0x9f: {  	s5 =	ssub.s32 $0x0, s5;
	[sflag:s7] =	ssyncset.done $0x0  }
0xa0: {  	[sflag:s7] =	ssyncadd.s32 s5;
	_ =	sdelay $0x1  }
0xa1: {  	s23 =	simm.s32 $0x1B8B  }
0xa2: {  	_ =	swait.ge [sflag:s23], $0x1  }
0xa3: {  	[sflag:s23] =	ssyncset.done $0x0  }
0xa4: {  	[sflag:s23] =	ssyncadd.s32 $0xFFFFFFFF  }
0xa5: {  	s5 =	sld [smem:$0x0]  }
0xa6: {  	s6 =	sand.u32 $0xFFFFFFFE, s1  }
0xa7: {  	p0 =	sne.s32 s1, s6  }
0xa8: {  	s6 =	sshll.u32 @p0 s6, $0xE  }
0xa9: {  	s6 =	sadd.s32 @p0 $0x11B8D, s6;
	s7 =	sshll.u32 @p0 s5, $0x11  }
0xaa: {  	s6 =	sor.u32 @p0 s7, s6  }
0xab: {  	[sflag:s6] =	ssyncadd.remote.s32 @p0 $0x1;
	_ =	sdelay $0x1  }
0xac: {  	s6 =	simm.s32 @p0 $0x1B8D  }
0xad: {  	_ =	swait.eq @p0 [sflag:s6], $0x1  }
0xae: {  	[sflag:s6] =	ssyncadd.s32 @p0 $0xFFFFFFFF  }
0xaf: {  	s7 =	sshll.u32 @!p0 s1, $0xE  }
0xb0: {  	s7 =	sor.u32 @!p0 $0x4000, s7;
	s6 =	simm.s32 @!p0 $0x1B8D  }
0xb1: {  	s5 =	sshll.u32 @!p0 s5, $0x11;
	s7 =	sadd.s32 @!p0 $0x11B8D, s7;
	_ =	swait.eq @!p0 [sflag:s6], $0x1  }
0xb2: {  	s5 =	sor.u32 @!p0 s5, s7;
	[sflag:s6] =	ssyncadd.s32 @!p0 $0xFFFFFFFF  }
0xb3: {  	s25 =	simm.s32 $0x1B8E;
	s24 =	sld [smem:$0x3FFE];
	[sflag:s5] =	ssyncadd.remote.s32 @!p0 $0x1  }
0xb4: {  	s26 =	simm.s32 $execute0_lowered;
	[smem:$0x3FD2] =	sst s25  }
0xb5: {  	s6 =	sshll.u32 s26, $0x1;
	_ =	strace $0x80000049;
	[dreg:$0x1] =	wrdreg $0xFFFFFFFF  }
0xb6: {  	s28 =	simm.s32 $_size_execute0_lowered;
	s4 =	sadd.s32 s4, s6;
	[dreg:$0x0] =	wrdreg $0x0  }
0xb7: {  	s6 =	sshll.u32 s28, $0x1;
	[dreg:$0x2] =	wrdreg s4  }
0xb8: {  	[dreg:$0x3] =	wrdreg s6  }
0xb9: {  	[dreg:$0x4] =	wrdreg $0xC0  }
0xba: {  	_ =	task [dreg:s22], $0x5FFFF  }
0xbb: {  	[dreg:$0x1] =	wrdreg $0xFFFFFFFF  }
0xbc: {  	[dreg:$0x0] =	wrdreg $0x60  }
0xbd: {  	[dreg:$0x2] =	wrdreg s24  }
0xbe: {  	[dreg:$0x3] =	wrdreg s18  }
0xbf: {  	[dreg:$0x4] =	wrdreg $0xA2800  }
0xc0: {  	[dreg:$0x5] =	wrdreg $0x9  }
0xc1: {  	_ =	task.clear_ibuf [dreg:s22], $0x6FFFF;
	_ =	strace $0x90000049  }
0xc2: {  	s29 =	simm.s32 $0x9;
	_ =	strace $0x8000004B  }
0xc3: {  	_ =	swait.ge [sflag:s29], $0x1  }
0xc4: {  	[sflag:s29] =	ssyncadd.s32 $0xFFFFFFFF  }
0xc5: {  	_ =	strace $0x9000004B  }
0xc6: {  	_ =	sfence  }
0xc7: {  	s30 =	sld [smem:$0x0];
	_ =	sdelay $0x2  }
0xc8: {  	s31 =	sshll.u32 s1, $0xD;
	s1 =	sshrl.u32 s1, $0x2  }
0xc9: {  	s4 =	sand.u32 $0x4000, s31;
	s1 =	sadd.s32 s1, s30  }
0xca: {  	s0 =	sor.u32 s4, s0;
	s1 =	sshll.u32 s1, $0x11  }
0xcb: {  	s0 =	sor.u32 s1, s0  }
0xcc: {  	s0 =	sadd.s32 $0x8F2B, s0  }
0xcd: {  	[sflag:s0] =	ssyncadd.remote.s32 $0x1  }
0xce: {  	_ =	sfence.sel $0xFFFF  }
0xcf: {  	[dreg:$0x0] =	wrdreg $0xFFFFFFFF;
	(pc) =	sbr.abs _section_cstart, $3  }
0xd0: {  	[dreg:$0x1] =	wrdreg $0xFFFFFFFF  }
0xd1: {  	_ =	task.clear_ibuf [dreg:s22], $0x2FFFF;
	_ =	strace $0x9FFFFFFF  }
0xd2: {  	(tm) =	ssettm $0x7FFFFFFF  }
0xd3: {  	_ =	shalt  }
tec
execute0_lowered:
.L_overlay_start_1:
0x0: {  	(tag) =	ssettag $0x1  }
0x1: {  	s0 =	rddreg [dreg:$0x0]  }
0x2: {  	s2 =	rddreg [dreg:$0x1];
	s19 =	stileid.u32  }
0x3: {  	s3 =	rddreg [dreg:$0x2];
	s1 =	smul.u32 $0x13C00, s19  }
0x4: {  	s5 =	srdreg.scid;
	s4 =	simm.s32 $0x0;
	s29 =	smul.u32 $0x4F000, s19  }
0x5: {  	s30 =	simm.s32 $0x280;
	s31 =	simm.s32 $0x2A80;
	s25 =	smul.u32 $0x13880, s19  }
0x6: {  	s5 =	sand.u32 $0x1, s5;
	s9 =	sadd.s32 $0x310C00, s0;
	s26 =	smul.u32 $0x1388, s19  }
0x7: {  	[smem:$0x7FF] =	sst s4;
	s7 =	smul.u32 $0x13C000, s5;
	s8 =	sshll.u32 s5, $0x4  }
0x8: {  	s28 =	ssub.s32 $0x2, s5;
	s6 =	sshrl.u32 s1, $0x3;
	s8 =	sor.u32 s19, s8  }
0x9: {  	s11 =	sshrl.u32 s28, $0x1;
	s1 =	sadd.s32 s1, s7;
	s10 =	smul.u32 $0x1388, s8  }
0xa: {  	s6 =	sadd.s32 s6, s0;
	s8 =	smul.u32 $0x13880, s8;
	s1 =	sshrl.u32 s1, $0x3  }
0xb: {  	s6 =	sadd.s32 $0x29A400, s6;
	s0 =	sadd.s32 s1, s0;
	s1 =	ssub.s32 s28, s11  }
0xc: {  	s7 =	sadd.s32 $0x50, s10;
	s8 =	sadd.s32 s9, s8;
	s12 =	sadd.s32 $0xF0, s10  }
0xd: {  	s15 =	sadd.s32 $0x12C0, s10;
	s21 =	sadd.s32 $0x1310, s10;
	s23 =	sadd.s32 $0x1360, s10  }
0xe: {  	s11 =	sshrl.u32 s29, $0x2;
	s28 =	sshll.u32 s19, $0x6;
	[dreg:$0x5] =	wrdreg s8  }
0xf: {  	s17 =	sshll.u32 s7, $0x4;
	s14 =	sshll.u32 s12, $0x4;
	s20 =	sshll.u32 s15, $0x4  }
0x10: {  	s16 =	sshll.u32 s21, $0x4;
	s11 =	sadd.s32 s11, s3;
	s22 =	sor.u32 $0x1C0D, s28  }
0x11: {  	s7 =	sshrl.u32 s7, $0x3;
	s0 =	sadd.s32 $0x581C00, s0;
	s8 =	sadd.s32 s9, s17  }
0x12: {  	s18 =	sadd.s32 s9, s14;
	s17 =	sshll.u32 s23, $0x4;
	[dreg:$0x6] =	wrdreg s8  }
0x13: {  	s16 =	sadd.s32 s9, s16;
	s8 =	sadd.s32 $0xA0, s10;
	[dreg:$0x8] =	wrdreg s18  }
0x14: {  	s18 =	smul.u32 $0x138800, s5;
	[dreg:$0xa] =	wrdreg s16;
	s24 =	sadd.s32 s9, s17  }
0x15: {  	s5 =	smul.u32 $0x13880, s5;
	s10 =	sshrl.u32 s10, $0x3;
	s16 =	sshrl.u32 s15, $0x3  }
0x16: {  	s17 =	sshrl.u32 s21, $0x3;
	s15 =	simm.s32 $0x7;
	s13 =	sshll.u32 s8, $0x4  }
0x17: {  	[dreg:$0xb] =	wrdreg s24;
	s29 =	sadd.s32 s2, s10;
	s10 =	sshrl.u32 s8, $0x3  }
0x18: {  	s8 =	simm.s32 $0x100;
	s13 =	sadd.s32 s9, s13;
	s5 =	sadd.s32 s26, s5  }
0x19: {  	[dreg:$0x7] =	wrdreg s13;
	s13 =	sadd.s32 s9, s20;
	s9 =	sadd.s32 s18, s9  }
0x1a: {  	s18 =	sshrl.u32 s23, $0x3;
	s20 =	smax.u32 s1, $0x1;
	s21 =	sadd.s32 $0x230, s5  }
0x1b: {  	s23 =	sadd.s32 $0x1E0, s5;
	s24 =	sadd.s32 $0x190, s5;
	[dreg:$0x9] =	wrdreg s13  }
0x1c: {  	s1 =	simm.s32 $0x80;
	_ =	strace $0x8000004A;
	[dreg:$0xc] =	wrdreg s11  }
0x1d: {  	s9 =	sadd.s32 s25, s9;
	s19 =	sadd.s32 s2, s18;
	[dreg:$0xd] =	wrdreg s6  }
0x1e: {  	s25 =	sshrl.u32 s23, $0x3;
	s26 =	sshrl.u32 s24, $0x3;
	[dreg:$0xf] =	wrdreg s29  }
0x1f: {  	s23 =	simm.s32 $0xD;
	s13 =	simm.s32 $0x3;
	[dreg:$0x15] =	wrdreg s19  }
0x20: {  	s18 =	simm.s32 $0x8;
	s24 =	simm.s32 $0x0;
	[dreg:$0x16] =	wrdreg s0  }
0x21: {  	s6 =	sadd.s32 s2, s7;
	s11 =	sshrl.u32 s12, $0x3;
	[dreg:$0x17] =	wrdreg s20  }
0x22: {  	[dreg:$0x4] =	wrdreg s9;
	s0 =	sshrl.u32 s21, $0x3;
	s28 =	sadd.s32 s26, s2  }
0x23: {  	s29 =	sadd.s32 $0x140, s5;
	s5 =	simm.s32 $0x5;
	[dreg:$0xe] =	wrdreg s22  }
0x24: {  	s7 =	simm.s32 $0x5280;
	s9 =	simm.s32 $0x2;
	[dreg:$0x10] =	wrdreg s6  }
0x25: {  	s19 =	simm.s32 $0xA;
	s20 =	simm.s32 $0xB;
	[dreg:$0x1a] =	wrdreg s28  }
0x26: {  	s21 =	simm.s32 $0xC;
	s6 =	sadd.s32 s2, s10;
	[dreg:$0x1b] =	wrdreg s29  }
0x27: {  	s12 =	sadd.s32 s2, s11;
	s0 =	sadd.s32 s0, s2;
	[dreg:$0x11] =	wrdreg s6  }
0x28: {  	s10 =	simm.s32 $0x6;
	s11 =	simm.s32 $0x7A80;
	[dreg:$0x12] =	wrdreg s12  }
0x29: {  	s6 =	sadd.s32 s2, s16;
	[dreg:$0x18] =	wrdreg s0;
	s0 =	sadd.s32 s25, s2  }
0x2a: {  	s12 =	simm.s32 $0x180;
	s16 =	simm.s32 $0x9;
	[dreg:$0x13] =	wrdreg s6  }
0x2b: {  	s6 =	sadd.s32 s2, s17;
	[dreg:$0x19] =	wrdreg s0;
	s0 =	simm.s32 $0x1  }
0x2c: {  	s17 =	simm.s32 $0x4;
	[dreg:$0x14] =	wrdreg s6;
	s6 =	simm.s32 $0x50  }
.LBB2_1:
0x2d: {  	[dreg:$0x1c] =	wrdreg s24  }
0x2e: {  	s14 =	rddreg [dreg:$0xc]  }
0x2f: {  	s29 =	rddreg [dreg:$0xd];
	s26 =	sshrl.u32 s14, $0x3  }
0x30: {  	[dreg:$0x1d] =	wrdreg s26  }
0x31: {  	[spmem:s26], [sflag:s22] =	dma.local [hbm:s29], $0x2780  }
0x32: {  	_ =	swait.ge [sflag:s23], $0x2780  }
0x33: {  	[sflag:s23] =	ssyncset.done $0x0  }
0x34: {  	[sflag:s23] =	ssyncadd.s32 $0xFFFFD880  }
0x35: {  	[bflag:$0x0] =	sbarrier.arrive $0xFFFF  }
0x36: {  	s23 =	rddreg [dreg:$0x5]  }
0x37: {  	[tilespmem:s30], [sflag:$0x1] =	stream.linear.gather [hbm4b:s23+s4], $0x2800, $0x38;
	[tilespmem:$0x1DE80] =	vst v63  }
0x38: {  	s24 =	rddreg [dreg:$0xf]  }
0x39: {  	[tilespmem:s4], [sflag:$0x5] =	stream.linear.gather [hbm4b:s24+s4], $0x50, $0x38;
	[tilespmem:$0x1DE80] =	vst v63  }
0x3a: {  	s25 =	rddreg [dreg:$0x6]  }
0x3b: {  	[tilespmem:s31], [sflag:$0x2] =	stream.linear.gather [hbm4b:s25+s4], $0x2800, $0x38;
	[tilespmem:$0x1DE80] =	vst v63  }
0x3c: {  	s26 =	rddreg [dreg:$0x10]  }
0x3d: {  	[tilespmem:s1], [sflag:$0x6] =	stream.linear.gather [hbm4b:s26+s4], $0x50, $0x38;
	[tilespmem:$0x1DE80] =	vst v63  }
0x3e: {  	_ =	swait.ge [sflag:s0], $0x2800  }
0x3f: {  	[sflag:s0] =	ssyncset.done $0x0  }
0x40: {  	[sflag:s0] =	ssyncadd.s32 $0xFFFFD800  }
0x41: {  	_ =	swait.ge [sflag:s5], $0x50  }
0x42: {  	[sflag:s5] =	ssyncset.done $0x0  }
0x43: {  	[sflag:s5] =	ssyncadd.s32 $0xFFFFFFB0  }
0x44: {  	[spmem:s3] =	stream.indirect.scatter.add.f32 [tilespmem:s30], [sflag:$0x9], $0x80, s4, s6, $0xb8;
	[tilespmem:$0x1DE80] =	vst v63  }
0x45: {  	s29 =	rddreg [dreg:$0x7]  }
0x46: {  	[tilespmem:s7], [sflag:$0x3] =	stream.linear.gather [hbm4b:s29+s4], $0x2800, $0x38;
	[tilespmem:$0x1DE80] =	vst v63  }
0x47: {  	s22 =	rddreg [dreg:$0x11]  }
0x48: {  	[tilespmem:s8], [sflag:$0x7] =	stream.linear.gather [hbm4b:s22+s4], $0x50, $0x38;
	[tilespmem:$0x1DE80] =	vst v63  }
0x49: {  	_ =	swait.ge [sflag:s9], $0x2800  }
0x4a: {  	[sflag:s9] =	ssyncset.done $0x0  }
0x4b: {  	[sflag:s9] =	ssyncadd.s32 $0xFFFFD800  }
0x4c: {  	_ =	swait.ge [sflag:s10], $0x50  }
0x4d: {  	[sflag:s10] =	ssyncset.done $0x0  }
0x4e: {  	[sflag:s10] =	ssyncadd.s32 $0xFFFFFFB0  }
0x4f: {  	[spmem:s3] =	stream.indirect.scatter.add.f32 [tilespmem:s31], [sflag:$0xA], $0x80, s1, s6, $0xb8;
	[tilespmem:$0x1DE80] =	vst v63  }
0x50: {  	s23 =	rddreg [dreg:$0x8]  }
0x51: {  	[tilespmem:s11], [sflag:$0x4] =	stream.linear.gather [hbm4b:s23+s4], $0x2800, $0x38;
	[tilespmem:$0x1DE80] =	vst v63  }
0x52: {  	s24 =	rddreg [dreg:$0x12]  }
0x53: {  	[tilespmem:s12], [sflag:$0x8] =	stream.linear.gather [hbm4b:s24+s4], $0x50, $0x38;
	[tilespmem:$0x1DE80] =	vst v63  }
0x54: {  	_ =	swait.ge [sflag:s13], $0x2800  }
0x55: {  	[sflag:s13] =	ssyncset.done $0x0  }
0x56: {  	[sflag:s13] =	ssyncadd.s32 $0xFFFFD800  }
0x57: {  	_ =	swait.ge [sflag:s15], $0x50  }
0x58: {  	[sflag:s15] =	ssyncset.done $0x0  }
0x59: {  	[sflag:s15] =	ssyncadd.s32 $0xFFFFFFB0  }
0x5a: {  	[spmem:s3] =	stream.indirect.scatter.add.f32 [tilespmem:s7], [sflag:$0xB], $0x80, s8, s6, $0xb8;
	[tilespmem:$0x1DE80] =	vst v63  }
0x5b: {  	_ =	swait.ge [sflag:s16], $0x2800  }
0x5c: {  	s25 =	rddreg [dreg:$0x4]  }
0x5d: {  	[sflag:s16] =	ssyncset.done $0x0;
	s14 =	sadd.s32 $0x0, s25;
	s25 =	rddreg [dreg:$0x1b]  }
0x5e: {  	[sflag:s16] =	ssyncadd.s32 $0xFFFFD800;
	s26 =	sadd.s32 $0x1400, s14;
	s29 =	sshrl.u32 s25, $0x3  }
0x5f: {  	[tilespmem:s30], [sflag:$0x1] =	stream.linear.gather [hbm4b:s26+s4], $0x2800, $0x38;
	[tilespmem:$0x1DE80] =	vst v63  }
0x60: {  	s23 =	sadd.s32 s2, s29  }
0x61: {  	[tilespmem:s4], [sflag:$0x5] =	stream.linear.gather [hbm4b:s23+s4], $0x50, $0x38;
	[tilespmem:$0x1DE80] =	vst v63  }
0x62: {  	_ =	swait.ge [sflag:s17], $0x2800  }
0x63: {  	[sflag:s17] =	ssyncset.done $0x0  }
0x64: {  	[sflag:s17] =	ssyncadd.s32 $0xFFFFD800  }
0x65: {  	_ =	swait.ge [sflag:s18], $0x50  }
0x66: {  	[sflag:s18] =	ssyncset.done $0x0  }
0x67: {  	[sflag:s18] =	ssyncadd.s32 $0xFFFFFFB0  }
0x68: {  	[spmem:s3] =	stream.indirect.scatter.add.f32 [tilespmem:s11], [sflag:$0xC], $0x80, s12, s6, $0xb8;
	[tilespmem:$0x1DE80] =	vst v63  }
0x69: {  	_ =	swait.ge [sflag:s19], $0x2800  }
0x6a: {  	[sflag:s19] =	ssyncset.done $0x0  }
0x6b: {  	s24 =	sadd.s32 $0x1900, s14;
	[sflag:s19] =	ssyncadd.s32 $0xFFFFD800  }
0x6c: {  	[tilespmem:s31], [sflag:$0x2] =	stream.linear.gather [hbm4b:s24+s4], $0x2800, $0x38;
	[tilespmem:$0x1DE80] =	vst v63  }
0x6d: {  	s24 =	rddreg [dreg:$0x1a]  }
0x6e: {  	[tilespmem:s1], [sflag:$0x6] =	stream.linear.gather [hbm4b:s24+s4], $0x50, $0x38;
	[tilespmem:$0x1DE80] =	vst v63  }
0x6f: {  	_ =	swait.ge [sflag:s0], $0x2800  }
0x70: {  	[sflag:s0] =	ssyncset.done $0x0  }
0x71: {  	[sflag:s0] =	ssyncadd.s32 $0xFFFFD800  }
0x72: {  	_ =	swait.ge [sflag:s5], $0x50  }
0x73: {  	[sflag:s5] =	ssyncset.done $0x0  }
0x74: {  	[sflag:s5] =	ssyncadd.s32 $0xFFFFFFB0  }
0x75: {  	[spmem:s3] =	stream.indirect.scatter.add.f32 [tilespmem:s30], [sflag:$0x9], $0x80, s4, s6, $0xb8;
	[tilespmem:$0x1DE80] =	vst v63  }
0x76: {  	_ =	swait.ge [sflag:s20], $0x2800  }
0x77: {  	[sflag:s20] =	ssyncset.done $0x0  }
0x78: {  	s26 =	sadd.s32 $0x1E00, s14;
	[sflag:s20] =	ssyncadd.s32 $0xFFFFD800  }
0x79: {  	[tilespmem:s7], [sflag:$0x3] =	stream.linear.gather [hbm4b:s26+s4], $0x2800, $0x38;
	[tilespmem:$0x1DE80] =	vst v63  }
0x7a: {  	s23 =	rddreg [dreg:$0x19]  }
0x7b: {  	[tilespmem:s8], [sflag:$0x7] =	stream.linear.gather [hbm4b:s23+s4], $0x50, $0x38;
	[tilespmem:$0x1DE80] =	vst v63  }
0x7c: {  	_ =	swait.ge [sflag:s9], $0x2800  }
0x7d: {  	[sflag:s9] =	ssyncset.done $0x0  }
0x7e: {  	[sflag:s9] =	ssyncadd.s32 $0xFFFFD800  }
0x7f: {  	_ =	swait.ge [sflag:s10], $0x50  }
0x80: {  	[sflag:s10] =	ssyncset.done $0x0  }
0x81: {  	[sflag:s10] =	ssyncadd.s32 $0xFFFFFFB0  }
0x82: {  	[spmem:s3] =	stream.indirect.scatter.add.f32 [tilespmem:s31], [sflag:$0xA], $0x80, s1, s6, $0xb8;
	[tilespmem:$0x1DE80] =	vst v63  }
0x83: {  	_ =	swait.ge [sflag:s21], $0x2800  }
0x84: {  	[sflag:s21] =	ssyncset.done $0x0  }
0x85: {  	s14 =	sadd.s32 $0x2300, s14;
	[sflag:s21] =	ssyncadd.s32 $0xFFFFD800  }
0x86: {  	[tilespmem:s11], [sflag:$0x4] =	stream.linear.gather [hbm4b:s14+s4], $0x2800, $0x38;
	[tilespmem:$0x1DE80] =	vst v63  }
0x87: {  	s29 =	rddreg [dreg:$0x18]  }
0x88: {  	[tilespmem:s12], [sflag:$0x8] =	stream.linear.gather [hbm4b:s29+s4], $0x50, $0x38;
	[tilespmem:$0x1DE80] =	vst v63  }
0x89: {  	_ =	swait.ge [sflag:s13], $0x2800  }
0x8a: {  	[sflag:s13] =	ssyncset.done $0x0  }
0x8b: {  	[sflag:s13] =	ssyncadd.s32 $0xFFFFD800  }
0x8c: {  	s25 =	sadd.s32 $0x140, s25;
	_ =	swait.ge [sflag:s15], $0x50  }
0x8d: {  	s24 =	sadd.s32 $0x28, s24;
	s28 =	sadd.s32 $0x28, s23;
	[sflag:s15] =	ssyncset.done $0x0  }
0x8e: {  	s26 =	sadd.s32 $0x28, s29;
	s14 =	simm.s32 $0x1400;
	[sflag:s15] =	ssyncadd.s32 $0xFFFFFFB0  }
.LBB2_2:
0x8f: {  	[spmem:s3] =	stream.indirect.scatter.add.f32 [tilespmem:s7], [sflag:$0xB], $0x80, s8, s6, $0xb8;
	[tilespmem:$0x1DE80] =	vst v63  }
0x90: {  	_ =	swait.ge [sflag:s16], $0x2800  }
0x91: {  	s22 =	smov.u32 s14;
	s29 =	rddreg [dreg:$0x4]  }
0x92: {  	[sflag:s16] =	ssyncset.done $0x0;
	s22 =	sadd.s32 s22, s29  }
0x93: {  	s23 =	sshrl.u32 s25, $0x3;
	[sflag:s16] =	ssyncadd.s32 $0xFFFFD800;
	s29 =	sadd.s32 $0x1400, s22  }
0x94: {  	[tilespmem:s30], [sflag:$0x1] =	stream.linear.gather [hbm4b:s29+s4], $0x2800, $0x38;
	[tilespmem:$0x1DE80] =	vst v63  }
0x95: {  	s23 =	sadd.s32 s2, s23  }
0x96: {  	[tilespmem:s4], [sflag:$0x5] =	stream.linear.gather [hbm4b:s23+s4], $0x50, $0x38;
	[tilespmem:$0x1DE80] =	vst v63  }
0x97: {  	_ =	swait.ge [sflag:s17], $0x2800  }
0x98: {  	[sflag:s17] =	ssyncset.done $0x0  }
0x99: {  	[sflag:s17] =	ssyncadd.s32 $0xFFFFD800  }
0x9a: {  	_ =	swait.ge [sflag:s18], $0x50  }
0x9b: {  	[sflag:s18] =	ssyncset.done $0x0  }
0x9c: {  	[sflag:s18] =	ssyncadd.s32 $0xFFFFFFB0  }
0x9d: {  	[spmem:s3] =	stream.indirect.scatter.add.f32 [tilespmem:s11], [sflag:$0xC], $0x80, s12, s6, $0xb8;
	[tilespmem:$0x1DE80] =	vst v63  }
0x9e: {  	_ =	swait.ge [sflag:s19], $0x2800  }
0x9f: {  	[sflag:s19] =	ssyncset.done $0x0  }
0xa0: {  	s29 =	sadd.s32 $0x1900, s22;
	[sflag:s19] =	ssyncadd.s32 $0xFFFFD800  }
0xa1: {  	[tilespmem:s31], [sflag:$0x2] =	stream.linear.gather [hbm4b:s29+s4], $0x2800, $0x38;
	[tilespmem:$0x1DE80] =	vst v63  }
0xa2: {  	_ = 	snop  }
0xa3: {  	[tilespmem:s1], [sflag:$0x6] =	stream.linear.gather [hbm4b:s24+s4], $0x50, $0x38;
	[tilespmem:$0x1DE80] =	vst v63  }
0xa4: {  	_ =	swait.ge [sflag:s0], $0x2800  }
0xa5: {  	[sflag:s0] =	ssyncset.done $0x0  }
0xa6: {  	[sflag:s0] =	ssyncadd.s32 $0xFFFFD800  }
0xa7: {  	_ =	swait.ge [sflag:s5], $0x50  }
0xa8: {  	[sflag:s5] =	ssyncset.done $0x0  }
0xa9: {  	[sflag:s5] =	ssyncadd.s32 $0xFFFFFFB0  }
0xaa: {  	[spmem:s3] =	stream.indirect.scatter.add.f32 [tilespmem:s30], [sflag:$0x9], $0x80, s4, s6, $0xb8;
	[tilespmem:$0x1DE80] =	vst v63  }
0xab: {  	_ =	swait.ge [sflag:s20], $0x2800  }
0xac: {  	[sflag:s20] =	ssyncset.done $0x0  }
0xad: {  	s29 =	sadd.s32 $0x1E00, s22;
	[sflag:s20] =	ssyncadd.s32 $0xFFFFD800  }
0xae: {  	[tilespmem:s7], [sflag:$0x3] =	stream.linear.gather [hbm4b:s29+s4], $0x2800, $0x38;
	[tilespmem:$0x1DE80] =	vst v63  }
0xaf: {  	_ = 	snop  }
0xb0: {  	[tilespmem:s8], [sflag:$0x7] =	stream.linear.gather [hbm4b:s28+s4], $0x50, $0x38;
	[tilespmem:$0x1DE80] =	vst v63  }
0xb1: {  	_ =	swait.ge [sflag:s9], $0x2800  }
0xb2: {  	[sflag:s9] =	ssyncset.done $0x0  }
0xb3: {  	[sflag:s9] =	ssyncadd.s32 $0xFFFFD800  }
0xb4: {  	_ =	swait.ge [sflag:s10], $0x50  }
0xb5: {  	[sflag:s10] =	ssyncset.done $0x0  }
0xb6: {  	[sflag:s10] =	ssyncadd.s32 $0xFFFFFFB0  }
0xb7: {  	[spmem:s3] =	stream.indirect.scatter.add.f32 [tilespmem:s31], [sflag:$0xA], $0x80, s1, s6, $0xb8;
	[tilespmem:$0x1DE80] =	vst v63  }
0xb8: {  	_ =	swait.ge [sflag:s21], $0x2800  }
0xb9: {  	[sflag:s21] =	ssyncset.done $0x0  }
0xba: {  	s22 =	sadd.s32 $0x2300, s22;
	[sflag:s21] =	ssyncadd.s32 $0xFFFFD800  }
0xbb: {  	[tilespmem:s11], [sflag:$0x4] =	stream.linear.gather [hbm4b:s22+s4], $0x2800, $0x38;
	[tilespmem:$0x1DE80] =	vst v63  }
0xbc: {  	_ = 	snop  }
0xbd: {  	[tilespmem:s12], [sflag:$0x8] =	stream.linear.gather [hbm4b:s26+s4], $0x50, $0x38;
	[tilespmem:$0x1DE80] =	vst v63  }
0xbe: {  	p0 =	sne.s32 s14, $0x10400;
	_ =	swait.ge [sflag:s13], $0x2800  }
.Ltmp0:
0xbf: {  	[sflag:s13] =	ssyncset.done $0x0;
	(pc) =	sbr.rel @p0 .LBB2_2-.Ltmp0, $4  }
0xc0: {  	[sflag:s13] =	ssyncadd.s32 $0xFFFFD800  }
0xc1: {  	s14 =	sadd.s32 $0x1400, s14;
	_ =	swait.ge [sflag:s15], $0x50  }
0xc2: {  	s25 =	sadd.s32 $0x140, s25;
	s24 =	sadd.s32 $0x28, s24;
	[sflag:s15] =	ssyncset.done $0x0  }
0xc3: {  	s28 =	sadd.s32 $0x28, s28;
	s26 =	sadd.s32 $0x28, s26;
	[sflag:s15] =	ssyncadd.s32 $0xFFFFFFB0  }
0xc4: {  	[spmem:s3] =	stream.indirect.scatter.add.f32 [tilespmem:s7], [sflag:$0xB], $0x80, s8, s6, $0xb8;
	[tilespmem:$0x1DE80] =	vst v63  }
0xc5: {  	_ =	swait.ge [sflag:s16], $0x2800  }
0xc6: {  	[sflag:s16] =	ssyncset.done $0x0  }
0xc7: {  	s14 =	rddreg [dreg:$0x9];
	[sflag:s16] =	ssyncadd.s32 $0xFFFFD800  }
0xc8: {  	[tilespmem:s30], [sflag:$0x1] =	stream.linear.gather [hbm4b:s14+s4], $0x2800, $0x38;
	[tilespmem:$0x1DE80] =	vst v63  }
0xc9: {  	s28 =	rddreg [dreg:$0x13]  }
0xca: {  	[tilespmem:s4], [sflag:$0x5] =	stream.linear.gather [hbm4b:s28+s4], $0x50, $0x38;
	[tilespmem:$0x1DE80] =	vst v63  }
0xcb: {  	_ =	swait.ge [sflag:s17], $0x2800  }
0xcc: {  	[sflag:s17] =	ssyncset.done $0x0  }
0xcd: {  	[sflag:s17] =	ssyncadd.s32 $0xFFFFD800  }
0xce: {  	_ =	swait.ge [sflag:s18], $0x50  }
0xcf: {  	[sflag:s18] =	ssyncset.done $0x0  }
0xd0: {  	[sflag:s18] =	ssyncadd.s32 $0xFFFFFFB0  }
0xd1: {  	[spmem:s3] =	stream.indirect.scatter.add.f32 [tilespmem:s11], [sflag:$0xC], $0x80, s12, s6, $0xb8;
	[tilespmem:$0x1DE80] =	vst v63  }
0xd2: {  	_ =	swait.ge [sflag:s19], $0x2800  }
0xd3: {  	[sflag:s19] =	ssyncset.done $0x0  }
0xd4: {  	s29 =	rddreg [dreg:$0xa];
	[sflag:s19] =	ssyncadd.s32 $0xFFFFD800  }
0xd5: {  	[tilespmem:s31], [sflag:$0x2] =	stream.linear.gather [hbm4b:s29+s4], $0x2800, $0x38;
	[tilespmem:$0x1DE80] =	vst v63  }
0xd6: {  	s22 =	rddreg [dreg:$0x14]  }
0xd7: {  	[tilespmem:s1], [sflag:$0x6] =	stream.linear.gather [hbm4b:s22+s4], $0x50, $0x38;
	[tilespmem:$0x1DE80] =	vst v63  }
0xd8: {  	_ =	swait.ge [sflag:s0], $0x2800  }
0xd9: {  	[sflag:s0] =	ssyncset.done $0x0  }
0xda: {  	[sflag:s0] =	ssyncadd.s32 $0xFFFFD800  }
0xdb: {  	_ =	swait.ge [sflag:s5], $0x50  }
0xdc: {  	[sflag:s5] =	ssyncset.done $0x0  }
0xdd: {  	[sflag:s5] =	ssyncadd.s32 $0xFFFFFFB0  }
0xde: {  	[spmem:s3] =	stream.indirect.scatter.add.f32 [tilespmem:s30], [sflag:$0x9], $0x80, s4, s6, $0xb8;
	[tilespmem:$0x1DE80] =	vst v63  }
0xdf: {  	_ =	swait.ge [sflag:s20], $0x2800  }
0xe0: {  	[sflag:s20] =	ssyncset.done $0x0  }
0xe1: {  	[sflag:s20] =	ssyncadd.s32 $0xFFFFD800  }
0xe2: {  	_ =	swait.ge [sflag:s9], $0x2800  }
0xe3: {  	[sflag:s9] =	ssyncset.done $0x0  }
0xe4: {  	[sflag:s9] =	ssyncadd.s32 $0xFFFFD800  }
0xe5: {  	_ =	swait.ge [sflag:s10], $0x50  }
0xe6: {  	[sflag:s10] =	ssyncset.done $0x0  }
0xe7: {  	[sflag:s10] =	ssyncadd.s32 $0xFFFFFFB0  }
0xe8: {  	[spmem:s3] =	stream.indirect.scatter.add.f32 [tilespmem:s31], [sflag:$0xA], $0x80, s1, s6, $0xb8;
	[tilespmem:$0x1DE80] =	vst v63  }
0xe9: {  	_ =	swait.ge [sflag:s21], $0x2800  }
0xea: {  	[sflag:s21] =	ssyncset.done $0x0  }
0xeb: {  	[sflag:s21] =	ssyncadd.s32 $0xFFFFD800  }
0xec: {  	_ =	swait.ge [sflag:s16], $0x2800  }
0xed: {  	[sflag:s16] =	ssyncset.done $0x0  }
0xee: {  	[sflag:s16] =	ssyncadd.s32 $0xFFFFD800  }
0xef: {  	_ =	swait.ge [sflag:s19], $0x2800  }
0xf0: {  	[sflag:s19] =	ssyncset.done $0x0  }
0xf1: {  	s22 =	simm.s32 $0x200;
	s23 =	rddreg [dreg:$0x15];
	[sflag:s19] =	ssyncadd.s32 $0xFFFFD800  }
0xf2: {  	[tilespmem:s22], [sflag:$0xD] =	stream.linear.gather [hbm4b:s23+s4], $0x28, $0x38;
	[tilespmem:$0x1DE80] =	vst v63  }
0xf3: {  	s23 =	simm.s32 $0xD  }
0xf4: {  	_ =	swait.ge [sflag:s23], $0x28  }
0xf5: {  	[sflag:s23] =	ssyncset.done $0x0  }
0xf6: {  	s24 =	rddreg [dreg:$0xb];
	[sflag:s23] =	ssyncadd.s32 $0xFFFFFFD8  }
0xf7: {  	[tilespmem:s30], [sflag:$0xD] =	stream.linear.gather [hbm4b:s24+s4], $0x1400, $0x38;
	[tilespmem:$0x1DE80] =	vst v63  }
0xf8: {  	_ =	swait.ge [sflag:s23], $0x1400  }
0xf9: {  	[sflag:s23] =	ssyncset.done $0x0  }
0xfa: {  	s25 =	simm.s32 $0x28;
	[sflag:s23] =	ssyncadd.s32 $0xFFFFEC00  }
0xfb: {  	[spmem:s3] =	stream.indirect.scatter.add.f32 [tilespmem:s30], [sflag:$0xD], $0x80, s22, s25, $0xb8;
	[tilespmem:$0x1DE80] =	vst v63  }
0xfc: {  	_ =	swait.ge [sflag:s23], $0x1400  }
0xfd: {  	[sflag:s23] =	ssyncset.done $0x0  }
0xfe: {  	[sflag:s23] =	ssyncadd.s32 $0xFFFFEC00  }
0xff: {  	[bflag:$0x0] =	sbarrier.arrive $0xFFFF  }
0x100: {  	s22 =	rddreg [dreg:$0xe]  }
0x101: {  	s26 =	rddreg [dreg:$0x16]  }
0x102: {  	s24 =	rddreg [dreg:$0x1d]  }
0x103: {  	[hbm:s26], [sflag:s22] =	dma.local [spmem:s24], $0x2780  }
0x104: {  	_ =	swait.ge [sflag:s23], $0x2780  }
0x105: {  	s28 =	rddreg [dreg:$0x1c]  }
0x106: {  	s29 =	rddreg [dreg:$0x17];
	s24 =	sadd.s32 $0x1, s28  }
0x107: {  	p0 =	sne.s32 s24, s29  }
.Ltmp1:
0x108: {  	_ = 	snop;
	(pc) =	sbr.rel @p0 .LBB2_1-.Ltmp1, $3  }
0x109: {  	_ =	sdelay $0x1  }
0x10a: {  	[sflag:s23] =	ssyncset.done $0x0  }
0x10b: {  	[sflag:s23] =	ssyncadd.s32 $0xFFFFD880  }
0x10c: {  	_ =	sfence.sel $0x180000  }
0x10d: {  	[bflag:$0x0] =	sbarrier.arrive $0xFFFF  }
0x10e: {  	_ =	strace $0x9000004A  }
0x10f: {  	s0 =	stileid.u32;
	[bflag:$0x2] =	sbarrier.arrive $0xFFFF  }
0x110: {  	p0 =	sne.s32 s0, $0x0;
	s0 =	rddreg [dreg:$0x3]  }
0x111: {  	s0 =	sadd.s32 @!p0 $0x100000, s0  }
0x112: {  	[sflag:s0] =	ssyncadd.tile.s32 @!p0 $0x1;
	_ =	shalt  }
.Lfunc_end2:
_tile_overlayer_lowered:
.L_overlay_start_2:
0x113: {  	(tag) =	ssettag $0x2  }
0x114: {  	s0 =	rddreg [dreg:$0x0];
	s2 =	stileid.u32  }
0x115: {  	s1 =	rddreg [dreg:$0x1];
	p0 =	sne.s32 s2, $0x0  }
0x116: {  	s3 =	rddreg [dreg:$0x2];
	[bflag:$0x3] =	sbarrier.arrive $0xFFFF;
	s2 =	simm.s32 @!p0 $0x1C0D  }
0x117: {  	[timem:s3], [sflag:s2] =	dma.local @!p0 [hbm:s0], s1  }
0x118: {  	s0 =	simm.s32 @!p0 $0xD  }
0x119: {  	_ =	swait.ge @!p0 [sflag:s0], s1  }
0x11a: {  	s1 =	ssub.s32 @!p0 $0x0, s1;
	[sflag:s0] =	ssyncset.done @!p0 $0x0  }
0x11b: {  	[sflag:s0] =	ssyncadd.s32 @!p0 s1  }
0x11c: {  	[bflag:$0x3] =	sbarrier.arrive $0xFFFF  }
0x11d: {  	_ =	shalt  }

</sc_bundles>
